<compile_context>
chip_gen: v7x
topology: tpu7x:2x2x1
jax: 0.10.2.dev20260603
libtpu: 0.0.44.dev20260713+nightly
codegen_flags: <defaults>
</compile_context>

<pallas_src>
import functools

import jax
import jax.numpy as jnp
from jax import lax
from jax.experimental import pallas as pl
from jax.experimental.pallas import tpu as pltpu
from jax.experimental.pallas import tpu_sc as plsc

N_NODES = 50000
N_EDGES = 800000
R0 = 5.0
N_RAD = 8

FW = 64
NF = 52
HALF = 25088
NS = 16
TROWS = HALF + 16
ZROWS = TROWS // NS

GRP = 128
CH = 256
EPAD = 802816
MB = 1024

_CHUNKS_PER_TEC = EPAD // (NS * CH)


def _rsqrt16(v):
    i = plsc.bitcast(v, jnp.int32)
    y = plsc.bitcast(jnp.int32(0x5F3759DF) - lax.shift_right_logical(i, 1),
                     jnp.float32)
    for _ in range(3):
        y = y * (1.5 - 0.5 * v * y * y)
    return y


def _cospi16(t):
    z = jnp.pi * (t - 0.5)
    z2 = z * z
    s = z * (1.0 + z2 * (-1.0 / 6.0 + z2 * (1.0 / 120.0 + z2 * (
        -1.0 / 5040.0 + z2 * (1.0 / 362880.0)))))
    return -s


def _products(half):
    prods = []
    for F in range(NF * half, NF * half + NF):
        if F < 8:
            prods.append(('r', F, 0))
        elif F < 32:
            k = F - 8
            prods.append(('v', k // 3, k % 3))
        else:
            k = F - 32
            prods.append(('d', k // 9, k % 9))
    return prods


def _make_sc_body(half):
    prods = _products(half)

    def body(graph_hbm, r3_hbm, zer_hbm, out_hbm, gbuf, rbuf, lbuf, fbuf, table):
        c = lax.axis_index("c")
        s = lax.axis_index("s")
        base = c * HALF
        pltpu.sync_copy(zer_hbm, table.at[pl.ds(s * ZROWS, ZROWS)])
        pltpu.sync_copy(zer_hbm.at[pl.ds(0, CH)], fbuf)
        plsc.subcore_barrier()

        lane = lax.iota(jnp.int32, 16)
        lane3 = lane * 3

        def chunk_body(kc, _):
            e0 = (s * _CHUNKS_PER_TEC + kc) * CH
            pltpu.sync_copy(graph_hbm.at[pl.ds(e0, CH)], gbuf)
            pltpu.sync_copy(r3_hbm.at[pl.ds(e0 * 3, CH * 3)], rbuf)
            for jr in range(CH // GRP):
                def sub_body(u, _):
                    o16 = jr * GRP + u * 16
                    g = gbuf[pl.ds(o16, 16)]
                    loc = g - base
                    ok = (loc >= 0) & (loc < HALF)
                    lbuf[jr, pl.ds(u * 16, 16)] = jnp.where(ok, loc, HALF)
                    p = lane3 + o16 * 3
                    x = plsc.load_gather(rbuf, [p])
                    y = plsc.load_gather(rbuf, [p + 1])
                    z = plsc.load_gather(rbuf, [p + 2])
                    sumsq = x * x + y * y + z * z
                    x_sq = sumsq * (1.0 / R0)
                    env = jnp.maximum(1.0 - x_sq, 0.0)
                    xc = jnp.maximum(jnp.minimum(x_sq, 1.0), 1e-12)
                    t = xc * _rsqrt16(xc)
                    cp = _cospi16(t)
                    cheb = [jnp.full((16,), 1.0, jnp.float32), cp]
                    for _n in range(2, N_RAD):
                        cheb.append(2.0 * cp * cheb[-1] - cheb[-2])
                    rad = [env] + [cn * env for cn in cheb[1:]]
                    q = (17.0 / R0) * _rsqrt16(1.0 + (17.0 / R0) ** 2 * sumsq)
                    h = [x * q, y * q, z * q]
                    rr = [None] * 9
                    for a in range(3):
                        for b in range(a, 3):
                            rr[3 * a + b] = h[a] * h[b]
                            rr[3 * b + a] = rr[3 * a + b]
                    le = lane + o16
                    for col, (kind, rc, di) in enumerate(prods):
                        if kind == 'r':
                            val = rad[rc]
                        elif kind == 'v':
                            val = rad[rc] * h[di]
                        else:
                            val = rad[rc] * rr[di]
                        fcol = jnp.full((16,), col, jnp.int32)
                        plsc.store_scatter(fbuf, [le, fcol], val)
                    return 0
                lax.fori_loop(0, GRP // 16, sub_body, 0)
            for jr in range(CH // GRP):
                pltpu.sync_copy(fbuf.at[pl.ds(jr * GRP, GRP)],
                                table.at[lbuf.at[jr]], add=True)
            return 0

        lax.fori_loop(0, _CHUNKS_PER_TEC, chunk_body, 0)
        plsc.subcore_barrier()
        orows = HALF // NS
        pltpu.sync_copy(table.at[pl.ds(s * orows, orows)],
                        out_hbm.at[pl.ds(base + s * orows, orows)])

    return body


@functools.cache
def _sc_embed(half):
    mesh = plsc.VectorSubcoreMesh(
        core_axis_name="c", subcore_axis_name="s", num_cores=2, num_subcores=NS)
    return pl.kernel(
        _make_sc_body(half),
        out_type=jax.ShapeDtypeStruct((2 * HALF, FW), jnp.float32),
        mesh=mesh,
        scratch_types=[
            pltpu.VMEM((CH,), jnp.int32),
            pltpu.VMEM((CH * 3,), jnp.float32),
            pltpu.VMEM((CH // GRP, GRP), jnp.int32),
            pltpu.VMEM((CH, FW), jnp.float32),
            pltpu.VMEM_SHARED((TROWS, FW), jnp.float32),
        ],
        compiler_params=pltpu.CompilerParams(
            use_tc_tiling_on_sc=False, needs_layout_passes=False),
    )


def _mm_body(al_ref, ar_ref, wa_ref, wv_ref, wdl_ref, wdr_ref,
             oa_ref, ov_ref, od_ref):
    def dg(w_ref, x):
        return lax.dot_general(w_ref[...], x, (((0,), (1,)), ((), ())),
                               preferred_element_type=jnp.float32)
    al = al_ref[...]
    ar = ar_ref[...]
    oa_ref[...] = dg(wa_ref, al)
    ov_ref[...] = dg(wv_ref, al)
    od_ref[...] = dg(wdl_ref, al) + dg(wdr_ref, ar)


def _matmul(al, ar, wa, wv, wdl, wdr):
    nb = (2 * HALF) // MB
    wspec = [pl.BlockSpec(w.shape, lambda i: (0, 0)) for w in (wa, wv, wdl, wdr)]
    return pl.pallas_call(
        _mm_body,
        grid=(nb,),
        in_specs=[
            pl.BlockSpec((MB, FW), lambda i: (i, 0)),
            pl.BlockSpec((MB, FW), lambda i: (i, 0)),
        ] + wspec,
        out_specs=[
            pl.BlockSpec((64, MB), lambda i: (0, i)),
            pl.BlockSpec((192, MB), lambda i: (0, i)),
            pl.BlockSpec((576, MB), lambda i: (0, i)),
        ],
        out_shape=[
            jax.ShapeDtypeStruct((64, N_NODES), jnp.float32),
            jax.ShapeDtypeStruct((192, N_NODES), jnp.float32),
            jax.ShapeDtypeStruct((576, N_NODES), jnp.float32),
        ],
    )(al, ar, wa, wv, wdl, wdr)


def _build_weights(W_a, W_v, W_d):
    I3 = jnp.eye(3, dtype=jnp.float32)
    wv = jnp.einsum('cd,iv->civd', W_v, I3).reshape(24, 192)
    wd = jnp.einsum('cd,ia,jb->cijabd', W_d, I3, I3).reshape(72, 576)
    wa64 = jnp.zeros((FW, 64), jnp.float32).at[0:8].set(W_a)
    wv192 = jnp.zeros((FW, 192), jnp.float32).at[8:32].set(wv)
    wdl = jnp.zeros((FW, 576), jnp.float32).at[32:NF].set(wd[0:NF - 32])
    wdr = jnp.zeros((FW, 576), jnp.float32).at[0:NF].set(wd[NF - 32:])
    return wa64, wv192, wdl, wdr


def kernel(graph, r_ij, W_a, W_v, W_d):
    npad = EPAD - N_EDGES
    graph_p = jnp.concatenate(
        [graph.astype(jnp.int32), jnp.full((npad,), 2 * HALF, jnp.int32)])
    r3 = jnp.concatenate(
        [r_ij, jnp.zeros((npad, 3), jnp.float32)]).reshape(-1)
    zer = jnp.zeros((ZROWS, FW), jnp.float32)
    al = _sc_embed(0)(graph_p, r3, zer)
    ar = _sc_embed(1)(graph_p, r3, zer)
    wa64, wv192, wdl, wdr = _build_weights(W_a, W_v, W_d)
    oa, ov, od = _matmul(al, ar, wa64, wv192, wdl, wdr)
    return (oa.T,
            ov.reshape(3, 64, N_NODES).transpose(2, 1, 0),
            od.reshape(3, 3, 64, N_NODES).transpose(3, 2, 0, 1))

# --- scband reference (transcript-rebuilt; emitter-appended) ---
"""Pipeline reference for scband-aceembed-avd-3255585210531 (READ-ONLY COPY).

The authoritative reference and input builder live on the scoring server;
editing this copy changes nothing except your own understanding.
"""

import jax, jax.numpy as jnp
import numpy as np

N_NODES = 50000
N_EDGES = 800000
R0 = 5.0
DIM_A = 64
DIM_V = 64
DIM_D = 64
N_RAD = 8


def radial_encode_edge(r, n, rmax):
    npi = jnp.pi * jnp.arange(0, n, dtype=r.dtype)
    x_sq = (r ** 2).sum(-1) / rmax
    return jnp.cos(npi * jnp.sqrt(x_sq)[..., None]) * jax.nn.relu(1.0 - x_sq)[..., None]


def tens_sigmoid(rank, x):
    # smooth saturating nonlinearity on the tensor magnitude, equivariant for rank>=1
    axes = tuple(range(-rank, 0)) if rank > 0 else (-1,)
    nsq = (x ** 2).sum(axis=axes, keepdims=True)
    return x / jnp.sqrt(1.0 + nsq)


def edges_reduce_src(src, feat):
    return jax.ops.segment_sum(feat, src, num_segments=N_NODES)


def tens_linear(x, W):
    # contract channel axis (axis=1), leaving tensor axes untouched
    return jnp.einsum('nc...,cd->nd...', x, W)


def setup_inputs(seed: int = 0) -> dict:
    key = jax.random.key(seed)
    k1, k2, k3, k4, k5 = jax.random.split(key, 5)
    graph = jax.random.randint(k1, (N_EDGES,), 0, N_NODES)
    r_ij = jax.random.normal(k2, (N_EDGES, 3), dtype=jnp.float32)
    s = 1.0 / np.sqrt(N_RAD)
    W_a = jax.random.normal(k3, (N_RAD, DIM_A), dtype=jnp.float32) * s
    W_v = jax.random.normal(k4, (N_RAD, DIM_V), dtype=jnp.float32) * s
    W_d = jax.random.normal(k5, (N_RAD, DIM_D), dtype=jnp.float32) * s
    return {"graph": graph, "r_ij": r_ij, "W_a": W_a, "W_v": W_v, "W_d": W_d}


def reference(graph, r_ij, W_a, W_v, W_d):
    rad_enc_ij = radial_encode_edge(r_ij, N_RAD, R0)
    r = tens_sigmoid(1, r_ij * (17.0 / R0))
    phi_a_ij = rad_enc_ij
    phi_v_ij = rad_enc_ij[..., None] * r[..., None, :]
    phi_d_ij = rad_enc_ij[..., None, None] * r[..., None, None, :] * r[..., None, :, None]
    A_a_i = edges_reduce_src(graph, phi_a_ij)
    A_v_i = edges_reduce_src(graph, phi_v_ij)
    A_d_i = edges_reduce_src(graph, phi_d_ij)
    B_a_i = tens_linear(A_a_i, W_a)
    B_v_i = tens_linear(A_v_i, W_v)
    B_d_i = tens_linear(A_d_i, W_d)
    return (B_a_i, B_v_i, B_d_i)

if __name__ == "__main__":
    import jax
    _d = setup_inputs()
    print(jax.jit(kernel)(*tuple(_d.values())))

</pallas_src>

<mosaic_0001>
#map = affine_map<(d0, d1) -> (0)>
#map1 = affine_map<(d0, d1) -> (0, 0)>
module attributes {stable_mosaic.version = 14 : i64} {
  func.func @body(%arg0: i32, %arg1: i32, %arg2: memref<802816xi32, #tpu.memory_space<hbm>>, %arg3: memref<2408448xf32, #tpu.memory_space<hbm>>, %arg4: memref<1569x64xf32, #tpu.memory_space<hbm>>, %arg5: memref<50176x64xf32, #tpu.memory_space<hbm>>, %arg6: memref<256xi32, #tpu.memory_space<vmem>>, %arg7: memref<768xf32, #tpu.memory_space<vmem>>, %arg8: memref<2x128xi32, #tpu.memory_space<vmem>>, %arg9: memref<256x64xf32, #tpu.memory_space<vmem>>, %arg10: memref<25104x64xf32, #tpu.memory_space<vmem_shared>>) attributes {dimension_semantics = [#tpu.dimension_semantics<core_parallel>, #tpu.dimension_semantics<subcore_parallel>], iteration_bounds = array<i64: 2, 16>, scalar_prefetch = 0 : i64, scratch_operands = 5 : i64, tpu.core_type = #tpu.core_type<sc_vector_subcore>, window_params = [{transform_indices = #map}, {transform_indices = #map}, {transform_indices = #map1}, {transform_indices = #map1}]} {
    %mul3A = arith.constant 25088 : i32
    %mul3A_0 = arith.muli %arg0, %mul3A : i32
    %mul3A_1 = arith.constant 1569 : i32
    %mul3A_2 = arith.muli %arg1, %mul3A_1 : i32
    "tpu.region"() ({
      %run_scoped3A = tpu.sem_alloc : memref<!tpu.dma_semaphore, #tpu.memory_space<semaphore_mem>>
      %dma_start3A = arith.constant 0 : i32
      %dma_start3A_17 = tpu.memref_slice %arg10[%mul3A_2, %dma_start3A] : memref<25104x64xf32, #tpu.memory_space<vmem_shared>> -> memref<1569x64xf32, #tpu.memory_space<vmem_shared>>
      tpu.enqueue_dma source(%arg4 : memref<1569x64xf32, #tpu.memory_space<hbm>>) target(%dma_start3A_17 : memref<1569x64xf32, #tpu.memory_space<vmem_shared>>) target_semaphore(%run_scoped3A : memref<!tpu.dma_semaphore, #tpu.memory_space<semaphore_mem>>)
      %dma_wait3A = arith.constant 0 : i32
      %dma_wait3A_18 = tpu.memref_slice %arg10[%mul3A_2, %dma_wait3A] : memref<25104x64xf32, #tpu.memory_space<vmem_shared>> -> memref<1569x64xf32, #tpu.memory_space<vmem_shared>>
      tpu.wait_dma2 semaphore(%run_scoped3A : memref<!tpu.dma_semaphore, #tpu.memory_space<semaphore_mem>>) src(%arg4 : memref<1569x64xf32, #tpu.memory_space<hbm>>) dst(%dma_wait3A_18 : memref<1569x64xf32, #tpu.memory_space<vmem_shared>>)
      tpu.yield
    }) : () -> ()
    "tpu.region"() ({
      %run_scoped3A = tpu.sem_alloc : memref<!tpu.dma_semaphore, #tpu.memory_space<semaphore_mem>>
      %dma_start3A = arith.constant 0 : i32
      %dma_start3A_17 = arith.constant 0 : i32
      %dma_start3A_18 = tpu.memref_slice %arg4[%dma_start3A, %dma_start3A_17] : memref<1569x64xf32, #tpu.memory_space<hbm>> -> memref<256x64xf32, #tpu.memory_space<hbm>>
      %dma_start3A_19 = arith.constant 0 : i32
      %dma_start3A_20 = arith.constant 0 : i32
      %dma_start3A_21 = tpu.memref_slice %arg4[%dma_start3A_19, %dma_start3A_20] : memref<1569x64xf32, #tpu.memory_space<hbm>> -> memref<256x64xf32, #tpu.memory_space<hbm>>
      tpu.enqueue_dma source(%dma_start3A_21 : memref<256x64xf32, #tpu.memory_space<hbm>>) target(%arg9 : memref<256x64xf32, #tpu.memory_space<vmem>>) target_semaphore(%run_scoped3A : memref<!tpu.dma_semaphore, #tpu.memory_space<semaphore_mem>>)
      %dma_wait3A = arith.constant 0 : i32
      %dma_wait3A_22 = arith.constant 0 : i32
      %dma_wait3A_23 = tpu.memref_slice %arg4[%dma_wait3A, %dma_wait3A_22] : memref<1569x64xf32, #tpu.memory_space<hbm>> -> memref<256x64xf32, #tpu.memory_space<hbm>>
      %dma_wait3A_24 = arith.constant 0 : i32
      %dma_wait3A_25 = arith.constant 0 : i32
      %dma_wait3A_26 = tpu.memref_slice %arg4[%dma_wait3A_24, %dma_wait3A_25] : memref<1569x64xf32, #tpu.memory_space<hbm>> -> memref<256x64xf32, #tpu.memory_space<hbm>>
      tpu.wait_dma2 semaphore(%run_scoped3A : memref<!tpu.dma_semaphore, #tpu.memory_space<semaphore_mem>>) src(%dma_wait3A_26 : memref<256x64xf32, #tpu.memory_space<hbm>>) dst(%arg9 : memref<256x64xf32, #tpu.memory_space<vmem>>)
      tpu.yield
    }) : () -> ()
    %barrier3A = arith.constant 0 : index
    tpu.barrier barrier_id(%barrier3A)
    %iota3A = tpu.iota {dimensions = array<i32: 0>} : vector<16xi32>
    %mul3A_3 = arith.constant 3 : i32
    %mul3A_4 = vector.broadcast %mul3A_3 : i32 to vector<16xi32>
    %mul3A_5 = arith.muli %iota3A, %mul3A_4 : vector<16xi32>
    %scan3A = arith.constant 0 : i32
    %scan3A_6 = arith.constant 0 : i32
    %scan3A_7 = arith.constant 196 : i32
    %scan3A_8 = arith.addi %scan3A_6, %scan3A_7 : i32
    %scan3A_9 = arith.constant 1 : i32
    %scan3A_10 = scf.for %scan3A_17 = %scan3A_6 to %scan3A_8 step %scan3A_9 iter_args(%scan3A_18 = %scan3A) -> (i32)  : i32 {
      %mul3A_19 = arith.constant 196 : i32
      %mul3A_20 = arith.muli %arg1, %mul3A_19 : i32
      %add3A_21 = arith.addi %mul3A_20, %scan3A_17 : i32
      %mul3A_22 = arith.constant 256 : i32
      %mul3A_23 = arith.muli %add3A_21, %mul3A_22 : i32
      "tpu.region"() ({
        %run_scoped3A_42 = tpu.sem_alloc : memref<!tpu.dma_semaphore, #tpu.memory_space<semaphore_mem>>
        %dma_start3A = tpu.memref_slice %arg2[%mul3A_23] : memref<802816xi32, #tpu.memory_space<hbm>> -> memref<256xi32, #tpu.memory_space<hbm>>
        %dma_start3A_43 = tpu.memref_slice %arg2[%mul3A_23] : memref<802816xi32, #tpu.memory_space<hbm>> -> memref<256xi32, #tpu.memory_space<hbm>>
        tpu.enqueue_dma source(%dma_start3A_43 : memref<256xi32, #tpu.memory_space<hbm>>) target(%arg6 : memref<256xi32, #tpu.memory_space<vmem>>) target_semaphore(%run_scoped3A_42 : memref<!tpu.dma_semaphore, #tpu.memory_space<semaphore_mem>>)
        %dma_wait3A = tpu.memref_slice %arg2[%mul3A_23] : memref<802816xi32, #tpu.memory_space<hbm>> -> memref<256xi32, #tpu.memory_space<hbm>>
        %dma_wait3A_44 = tpu.memref_slice %arg2[%mul3A_23] : memref<802816xi32, #tpu.memory_space<hbm>> -> memref<256xi32, #tpu.memory_space<hbm>>
        tpu.wait_dma2 semaphore(%run_scoped3A_42 : memref<!tpu.dma_semaphore, #tpu.memory_space<semaphore_mem>>) src(%dma_wait3A_44 : memref<256xi32, #tpu.memory_space<hbm>>) dst(%arg6 : memref<256xi32, #tpu.memory_space<vmem>>)
        tpu.yield
      }) : () -> ()
      %mul3A_24 = arith.constant 3 : i32
      %mul3A_25 = arith.muli %mul3A_23, %mul3A_24 : i32
      "tpu.region"() ({
        %run_scoped3A_42 = tpu.sem_alloc : memref<!tpu.dma_semaphore, #tpu.memory_space<semaphore_mem>>
        %dma_start3A = tpu.memref_slice %arg3[%mul3A_25] : memref<2408448xf32, #tpu.memory_space<hbm>> -> memref<768xf32, #tpu.memory_space<hbm>>
        %dma_start3A_43 = tpu.memref_slice %arg3[%mul3A_25] : memref<2408448xf32, #tpu.memory_space<hbm>> -> memref<768xf32, #tpu.memory_space<hbm>>
        tpu.enqueue_dma source(%dma_start3A_43 : memref<768xf32, #tpu.memory_space<hbm>>) target(%arg7 : memref<768xf32, #tpu.memory_space<vmem>>) target_semaphore(%run_scoped3A_42 : memref<!tpu.dma_semaphore, #tpu.memory_space<semaphore_mem>>)
        %dma_wait3A = tpu.memref_slice %arg3[%mul3A_25] : memref<2408448xf32, #tpu.memory_space<hbm>> -> memref<768xf32, #tpu.memory_space<hbm>>
        %dma_wait3A_44 = tpu.memref_slice %arg3[%mul3A_25] : memref<2408448xf32, #tpu.memory_space<hbm>> -> memref<768xf32, #tpu.memory_space<hbm>>
        tpu.wait_dma2 semaphore(%run_scoped3A_42 : memref<!tpu.dma_semaphore, #tpu.memory_space<semaphore_mem>>) src(%dma_wait3A_44 : memref<768xf32, #tpu.memory_space<hbm>>) dst(%arg7 : memref<768xf32, #tpu.memory_space<vmem>>)
        tpu.yield
      }) : () -> ()
      %scan3A_26 = arith.constant 0 : i32
      %scan3A_27 = arith.constant 0 : i32
      %scan3A_28 = arith.constant 8 : i32
      %scan3A_29 = arith.addi %scan3A_27, %scan3A_28 : i32
      %scan3A_30 = arith.constant 1 : i32
      %scan3A_31 = scf.for %scan3A_42 = %scan3A_27 to %scan3A_29 step %scan3A_30 iter_args(%scan3A_43 = %scan3A_26) -> (i32)  : i32 {
        %mul3A_44 = arith.constant 16 : i32
        %mul3A_45 = arith.muli %scan3A_42, %mul3A_44 : i32
        %add3A_46 = arith.constant 0 : i32
        %add3A_47 = arith.addi %add3A_46, %mul3A_45 : i32
        %get3A = arith.index_cast %add3A_47 : i32 to index
        %get3A_48 = tpu.vector_load %arg6[%get3A] {strides = array<i32>} : memref<256xi32, #tpu.memory_space<vmem>>, vector<16xi32>,
        %sub3A = vector.broadcast %mul3A_0 : i32 to vector<16xi32>
        %sub3A_49 = arith.subi %get3A_48, %sub3A : vector<16xi32>
        %ge3A = arith.constant 0 : i32
        %ge3A_50 = vector.broadcast %ge3A : i32 to vector<16xi32>
        %ge3A_51 = arith.cmpi sge, %sub3A_49, %ge3A_50 : vector<16xi32>
        %lt3A = arith.constant 25088 : i32
        %lt3A_52 = vector.broadcast %lt3A : i32 to vector<16xi32>
        %lt3A_53 = arith.cmpi slt, %sub3A_49, %lt3A_52 : vector<16xi32>
        %and3A = arith.andi %ge3A_51, %lt3A_53 : vector<16xi1>
        %jit3A = arith.constant 25088 : i32
        %broadcast_in_dim3A = vector.broadcast %jit3A : i32 to vector<16xi32>
        %select_n3A = arith.select %and3A, %sub3A_49, %broadcast_in_dim3A : vector<16xi1>, vector<16xi32>
        %mul3A_54 = arith.constant 16 : i32
        %mul3A_55 = arith.muli %scan3A_42, %mul3A_54 : i32
        %swap3A = arith.constant 0 : i32
        %swap3A_56 = arith.index_cast %swap3A : i32 to index
        %swap3A_57 = arith.index_cast %mul3A_55 : i32 to index
        %swap3A_58 = tpu.vector_load %arg8[%swap3A_56, %swap3A_57] {strides = array<i32>} : memref<2x128xi32, #tpu.memory_space<vmem>>, vector<16xi32>,
        tpu.vector_store %arg8[%swap3A_56, %swap3A_57], %select_n3A {strides = array<i32>} : memref<2x128xi32, #tpu.memory_space<vmem>>, vector<16xi32>,
        %mul3A_59 = arith.constant 3 : i32
        %mul3A_60 = arith.muli %add3A_47, %mul3A_59 : i32
        %add3A_61 = vector.broadcast %mul3A_60 : i32 to vector<16xi32>
        %add3A_62 = arith.addi %mul3A_5, %add3A_61 : vector<16xi32>
        %gather3A = tpu.vector_load_idx %arg7[%add3A_62] : memref<768xf32, #tpu.memory_space<vmem>>[vector<16xi32>], vector<16xf32>,
        %add3A_63 = arith.constant 1 : i32
        %add3A_64 = vector.broadcast %add3A_63 : i32 to vector<16xi32>
        %add3A_65 = arith.addi %add3A_62, %add3A_64 : vector<16xi32>
        %gather3A_66 = tpu.vector_load_idx %arg7[%add3A_65] : memref<768xf32, #tpu.memory_space<vmem>>[vector<16xi32>], vector<16xf32>,
        %add3A_67 = arith.constant 2 : i32
        %add3A_68 = vector.broadcast %add3A_67 : i32 to vector<16xi32>
        %add3A_69 = arith.addi %add3A_62, %add3A_68 : vector<16xi32>
        %gather3A_70 = tpu.vector_load_idx %arg7[%add3A_69] : memref<768xf32, #tpu.memory_space<vmem>>[vector<16xi32>], vector<16xf32>,
        %mul3A_71 = arith.mulf %gather3A, %gather3A : vector<16xf32>
        %mul3A_72 = arith.mulf %gather3A_66, %gather3A_66 : vector<16xf32>
        %add3A_73 = arith.addf %mul3A_71, %mul3A_72 : vector<16xf32>
        %mul3A_74 = arith.mulf %gather3A_70, %gather3A_70 : vector<16xf32>
        %add3A_75 = arith.addf %add3A_73, %mul3A_74 : vector<16xf32>
        %mul3A_76 = arith.constant 2.000000e-01 : f32
        %mul3A_77 = vector.broadcast %mul3A_76 : f32 to vector<16xf32>
        %mul3A_78 = arith.mulf %add3A_75, %mul3A_77 : vector<16xf32>
        %sub3A_79 = arith.constant 1.000000e+00 : f32
        %sub3A_80 = vector.broadcast %sub3A_79 : f32 to vector<16xf32>
        %sub3A_81 = arith.subf %sub3A_80, %mul3A_78 : vector<16xf32>
        %max3A = arith.constant 0.000000e+00 : f32
        %max3A_82 = vector.broadcast %max3A : f32 to vector<16xf32>
        %max3A_83 = arith.maximumf %sub3A_81, %max3A_82 : vector<16xf32>
        %min3A = arith.constant 1.000000e+00 : f32
        %min3A_84 = vector.broadcast %min3A : f32 to vector<16xf32>
        %min3A_85 = arith.minimumf %mul3A_78, %min3A_84 : vector<16xf32>
        %max3A_86 = arith.constant 9.99999996E-13 : f32
        %max3A_87 = vector.broadcast %max3A_86 : f32 to vector<16xf32>
        %max3A_88 = arith.maximumf %min3A_85, %max3A_87 : vector<16xf32>
        %bitcast3A = vector.bitcast %max3A_88 : vector<16xf32> to vector<16xi32>
        %shift_right_logical3A = arith.constant 1 : i32
        %shift_right_logical3A_89 = vector.broadcast %shift_right_logical3A : i32 to vector<16xi32>
        %shift_right_logical3A_90 = arith.shrui %bitcast3A, %shift_right_logical3A_89 : vector<16xi32>
        %sub3A_91 = arith.constant 1597463007 : i32
        %sub3A_92 = vector.broadcast %sub3A_91 : i32 to vector<16xi32>
        %sub3A_93 = arith.subi %sub3A_92, %shift_right_logical3A_90 : vector<16xi32>
        %bitcast3A_94 = vector.bitcast %sub3A_93 : vector<16xi32> to vector<16xf32>
        %mul3A_95 = arith.constant 5.000000e-01 : f32
        %mul3A_96 = vector.broadcast %mul3A_95 : f32 to vector<16xf32>
        %mul3A_97 = arith.mulf %mul3A_96, %max3A_88 : vector<16xf32>
        %mul3A_98 = arith.mulf %mul3A_97, %bitcast3A_94 : vector<16xf32>
        %mul3A_99 = arith.mulf %mul3A_98, %bitcast3A_94 : vector<16xf32>
        %sub3A_100 = arith.constant 1.500000e+00 : f32
        %sub3A_101 = vector.broadcast %sub3A_100 : f32 to vector<16xf32>
        %sub3A_102 = arith.subf %sub3A_101, %mul3A_99 : vector<16xf32>
        %mul3A_103 = arith.mulf %bitcast3A_94, %sub3A_102 : vector<16xf32>
        %mul3A_104 = arith.constant 5.000000e-01 : f32
        %mul3A_105 = vector.broadcast %mul3A_104 : f32 to vector<16xf32>
        %mul3A_106 = arith.mulf %mul3A_105, %max3A_88 : vector<16xf32>
        %mul3A_107 = arith.mulf %mul3A_106, %mul3A_103 : vector<16xf32>
        %mul3A_108 = arith.mulf %mul3A_107, %mul3A_103 : vector<16xf32>
        %sub3A_109 = arith.constant 1.500000e+00 : f32
        %sub3A_110 = vector.broadcast %sub3A_109 : f32 to vector<16xf32>
        %sub3A_111 = arith.subf %sub3A_110, %mul3A_108 : vector<16xf32>
        %mul3A_112 = arith.mulf %mul3A_103, %sub3A_111 : vector<16xf32>
        %mul3A_113 = arith.constant 5.000000e-01 : f32
        %mul3A_114 = vector.broadcast %mul3A_113 : f32 to vector<16xf32>
        %mul3A_115 = arith.mulf %mul3A_114, %max3A_88 : vector<16xf32>
        %mul3A_116 = arith.mulf %mul3A_115, %mul3A_112 : vector<16xf32>
        %mul3A_117 = arith.mulf %mul3A_116, %mul3A_112 : vector<16xf32>
        %sub3A_118 = arith.constant 1.500000e+00 : f32
        %sub3A_119 = vector.broadcast %sub3A_118 : f32 to vector<16xf32>
        %sub3A_120 = arith.subf %sub3A_119, %mul3A_117 : vector<16xf32>
        %mul3A_121 = arith.mulf %mul3A_112, %sub3A_120 : vector<16xf32>
        %mul3A_122 = arith.mulf %max3A_88, %mul3A_121 : vector<16xf32>
        %sub3A_123 = arith.constant 5.000000e-01 : f32
        %sub3A_124 = vector.broadcast %sub3A_123 : f32 to vector<16xf32>
        %sub3A_125 = arith.subf %mul3A_122, %sub3A_124 : vector<16xf32>
        %mul3A_126 = arith.constant 3.14159274 : f32
        %mul3A_127 = vector.broadcast %mul3A_126 : f32 to vector<16xf32>
        %mul3A_128 = arith.mulf %mul3A_127, %sub3A_125 : vector<16xf32>
        %mul3A_129 = arith.mulf %mul3A_128, %mul3A_128 : vector<16xf32>
        %mul3A_130 = arith.constant 2.75573188E-6 : f32
        %mul3A_131 = vector.broadcast %mul3A_130 : f32 to vector<16xf32>
        %mul3A_132 = arith.mulf %mul3A_129, %mul3A_131 : vector<16xf32>
        %add3A_133 = arith.constant -1.98412701E-4 : f32
        %add3A_134 = vector.broadcast %add3A_133 : f32 to vector<16xf32>
        %add3A_135 = arith.addf %add3A_134, %mul3A_132 : vector<16xf32>
        %mul3A_136 = arith.mulf %mul3A_129, %add3A_135 : vector<16xf32>
        %add3A_137 = arith.constant 0.00833333377 : f32
        %add3A_138 = vector.broadcast %add3A_137 : f32 to vector<16xf32>
        %add3A_139 = arith.addf %add3A_138, %mul3A_136 : vector<16xf32>
        %mul3A_140 = arith.mulf %mul3A_129, %add3A_139 : vector<16xf32>
        %add3A_141 = arith.constant -0.166666672 : f32
        %add3A_142 = vector.broadcast %add3A_141 : f32 to vector<16xf32>
        %add3A_143 = arith.addf %add3A_142, %mul3A_140 : vector<16xf32>
        %mul3A_144 = arith.mulf %mul3A_129, %add3A_143 : vector<16xf32>
        %add3A_145 = arith.constant 1.000000e+00 : f32
        %add3A_146 = vector.broadcast %add3A_145 : f32 to vector<16xf32>
        %add3A_147 = arith.addf %add3A_146, %mul3A_144 : vector<16xf32>
        %mul3A_148 = arith.mulf %mul3A_128, %add3A_147 : vector<16xf32>
        %neg3A = arith.constant 0.000000e+00 : f32
        %neg3A_149 = vector.broadcast %neg3A : f32 to vector<16xf32>
        %neg3A_150 = arith.subf %neg3A_149, %mul3A_148 : vector<16xf32>
        %broadcast_in_dim3A_151 = arith.constant 1.000000e+00 : f32
        %broadcast_in_dim3A_152 = vector.broadcast %broadcast_in_dim3A_151 : f32 to vector<16xf32>
        %mul3A_153 = arith.constant 2.000000e+00 : f32
        %mul3A_154 = vector.broadcast %mul3A_153 : f32 to vector<16xf32>
        %mul3A_155 = arith.mulf %mul3A_154, %neg3A_150 : vector<16xf32>
        %mul3A_156 = arith.mulf %mul3A_155, %neg3A_150 : vector<16xf32>
        %sub3A_157 = arith.subf %mul3A_156, %broadcast_in_dim3A_152 : vector<16xf32>
        %mul3A_158 = arith.constant 2.000000e+00 : f32
        %mul3A_159 = vector.broadcast %mul3A_158 : f32 to vector<16xf32>
        %mul3A_160 = arith.mulf %mul3A_159, %neg3A_150 : vector<16xf32>
        %mul3A_161 = arith.mulf %mul3A_160, %sub3A_157 : vector<16xf32>
        %sub3A_162 = arith.subf %mul3A_161, %neg3A_150 : vector<16xf32>
        %mul3A_163 = arith.constant 2.000000e+00 : f32
        %mul3A_164 = vector.broadcast %mul3A_163 : f32 to vector<16xf32>
        %mul3A_165 = arith.mulf %mul3A_164, %neg3A_150 : vector<16xf32>
        %mul3A_166 = arith.mulf %mul3A_165, %sub3A_162 : vector<16xf32>
        %sub3A_167 = arith.subf %mul3A_166, %sub3A_157 : vector<16xf32>
        %mul3A_168 = arith.constant 2.000000e+00 : f32
        %mul3A_169 = vector.broadcast %mul3A_168 : f32 to vector<16xf32>
        %mul3A_170 = arith.mulf %mul3A_169, %neg3A_150 : vector<16xf32>
        %mul3A_171 = arith.mulf %mul3A_170, %sub3A_167 : vector<16xf32>
        %sub3A_172 = arith.subf %mul3A_171, %sub3A_162 : vector<16xf32>
        %mul3A_173 = arith.constant 2.000000e+00 : f32
        %mul3A_174 = vector.broadcast %mul3A_173 : f32 to vector<16xf32>
        %mul3A_175 = arith.mulf %mul3A_174, %neg3A_150 : vector<16xf32>
        %mul3A_176 = arith.mulf %mul3A_175, %sub3A_172 : vector<16xf32>
        %sub3A_177 = arith.subf %mul3A_176, %sub3A_167 : vector<16xf32>
        %mul3A_178 = arith.constant 2.000000e+00 : f32
        %mul3A_179 = vector.broadcast %mul3A_178 : f32 to vector<16xf32>
        %mul3A_180 = arith.mulf %mul3A_179, %neg3A_150 : vector<16xf32>
        %mul3A_181 = arith.mulf %mul3A_180, %sub3A_177 : vector<16xf32>
        %sub3A_182 = arith.subf %mul3A_181, %sub3A_172 : vector<16xf32>
        %mul3A_183 = arith.mulf %neg3A_150, %max3A_83 : vector<16xf32>
        %mul3A_184 = arith.mulf %sub3A_157, %max3A_83 : vector<16xf32>
        %mul3A_185 = arith.mulf %sub3A_162, %max3A_83 : vector<16xf32>
        %mul3A_186 = arith.mulf %sub3A_167, %max3A_83 : vector<16xf32>
        %mul3A_187 = arith.mulf %sub3A_172, %max3A_83 : vector<16xf32>
        %mul3A_188 = arith.mulf %sub3A_177, %max3A_83 : vector<16xf32>
        %mul3A_189 = arith.mulf %sub3A_182, %max3A_83 : vector<16xf32>
        %mul3A_190 = arith.constant 1.156000e+01 : f32
        %mul3A_191 = vector.broadcast %mul3A_190 : f32 to vector<16xf32>
        %mul3A_192 = arith.mulf %mul3A_191, %add3A_75 : vector<16xf32>
        %add3A_193 = arith.constant 1.000000e+00 : f32
        %add3A_194 = vector.broadcast %add3A_193 : f32 to vector<16xf32>
        %add3A_195 = arith.addf %add3A_194, %mul3A_192 : vector<16xf32>
        %bitcast3A_196 = vector.bitcast %add3A_195 : vector<16xf32> to vector<16xi32>
        %shift_right_logical3A_197 = arith.constant 1 : i32
        %shift_right_logical3A_198 = vector.broadcast %shift_right_logical3A_197 : i32 to vector<16xi32>
        %shift_right_logical3A_199 = arith.shrui %bitcast3A_196, %shift_right_logical3A_198 : vector<16xi32>
        %sub3A_200 = arith.constant 1597463007 : i32
        %sub3A_201 = vector.broadcast %sub3A_200 : i32 to vector<16xi32>
        %sub3A_202 = arith.subi %sub3A_201, %shift_right_logical3A_199 : vector<16xi32>
        %bitcast3A_203 = vector.bitcast %sub3A_202 : vector<16xi32> to vector<16xf32>
        %mul3A_204 = arith.constant 5.000000e-01 : f32
        %mul3A_205 = vector.broadcast %mul3A_204 : f32 to vector<16xf32>
        %mul3A_206 = arith.mulf %mul3A_205, %add3A_195 : vector<16xf32>
        %mul3A_207 = arith.mulf %mul3A_206, %bitcast3A_203 : vector<16xf32>
        %mul3A_208 = arith.mulf %mul3A_207, %bitcast3A_203 : vector<16xf32>
        %sub3A_209 = arith.constant 1.500000e+00 : f32
        %sub3A_210 = vector.broadcast %sub3A_209 : f32 to vector<16xf32>
        %sub3A_211 = arith.subf %sub3A_210, %mul3A_208 : vector<16xf32>
        %mul3A_212 = arith.mulf %bitcast3A_203, %sub3A_211 : vector<16xf32>
        %mul3A_213 = arith.constant 5.000000e-01 : f32
        %mul3A_214 = vector.broadcast %mul3A_213 : f32 to vector<16xf32>
        %mul3A_215 = arith.mulf %mul3A_214, %add3A_195 : vector<16xf32>
        %mul3A_216 = arith.mulf %mul3A_215, %mul3A_212 : vector<16xf32>
        %mul3A_217 = arith.mulf %mul3A_216, %mul3A_212 : vector<16xf32>
        %sub3A_218 = arith.constant 1.500000e+00 : f32
        %sub3A_219 = vector.broadcast %sub3A_218 : f32 to vector<16xf32>
        %sub3A_220 = arith.subf %sub3A_219, %mul3A_217 : vector<16xf32>
        %mul3A_221 = arith.mulf %mul3A_212, %sub3A_220 : vector<16xf32>
        %mul3A_222 = arith.constant 5.000000e-01 : f32
        %mul3A_223 = vector.broadcast %mul3A_222 : f32 to vector<16xf32>
        %mul3A_224 = arith.mulf %mul3A_223, %add3A_195 : vector<16xf32>
        %mul3A_225 = arith.mulf %mul3A_224, %mul3A_221 : vector<16xf32>
        %mul3A_226 = arith.mulf %mul3A_225, %mul3A_221 : vector<16xf32>
        %sub3A_227 = arith.constant 1.500000e+00 : f32
        %sub3A_228 = vector.broadcast %sub3A_227 : f32 to vector<16xf32>
        %sub3A_229 = arith.subf %sub3A_228, %mul3A_226 : vector<16xf32>
        %mul3A_230 = arith.mulf %mul3A_221, %sub3A_229 : vector<16xf32>
        %mul3A_231 = arith.constant 3.400000e+00 : f32
        %mul3A_232 = vector.broadcast %mul3A_231 : f32 to vector<16xf32>
        %mul3A_233 = arith.mulf %mul3A_232, %mul3A_230 : vector<16xf32>
        %mul3A_234 = arith.mulf %gather3A, %mul3A_233 : vector<16xf32>
        %mul3A_235 = arith.mulf %gather3A_66, %mul3A_233 : vector<16xf32>
        %mul3A_236 = arith.mulf %gather3A_70, %mul3A_233 : vector<16xf32>
        %mul3A_237 = arith.mulf %mul3A_234, %mul3A_234 : vector<16xf32>
        %mul3A_238 = arith.mulf %mul3A_234, %mul3A_235 : vector<16xf32>
        %mul3A_239 = arith.mulf %mul3A_234, %mul3A_236 : vector<16xf32>
        %mul3A_240 = arith.mulf %mul3A_235, %mul3A_235 : vector<16xf32>
        %mul3A_241 = arith.mulf %mul3A_235, %mul3A_236 : vector<16xf32>
        %mul3A_242 = arith.mulf %mul3A_236, %mul3A_236 : vector<16xf32>
        %add3A_243 = vector.broadcast %add3A_47 : i32 to vector<16xi32>
        %add3A_244 = arith.addi %iota3A, %add3A_243 : vector<16xi32>
        %broadcast_in_dim3A_245 = arith.constant 0 : i32
        %broadcast_in_dim3A_246 = vector.broadcast %broadcast_in_dim3A_245 : i32 to vector<16xi32>
        tpu.vector_store_idx %arg9[%add3A_244, %broadcast_in_dim3A_246], %max3A_83 : memref<256x64xf32, #tpu.memory_space<vmem>>[vector<16xi32>, vector<16xi32>], vector<16xf32>,
        %broadcast_in_dim3A_247 = arith.constant 1 : i32
        %broadcast_in_dim3A_248 = vector.broadcast %broadcast_in_dim3A_247 : i32 to vector<16xi32>
        tpu.vector_store_idx %arg9[%add3A_244, %broadcast_in_dim3A_248], %mul3A_183 : memref<256x64xf32, #tpu.memory_space<vmem>>[vector<16xi32>, vector<16xi32>], vector<16xf32>,
        %broadcast_in_dim3A_249 = arith.constant 2 : i32
        %broadcast_in_dim3A_250 = vector.broadcast %broadcast_in_dim3A_249 : i32 to vector<16xi32>
        tpu.vector_store_idx %arg9[%add3A_244, %broadcast_in_dim3A_250], %mul3A_184 : memref<256x64xf32, #tpu.memory_space<vmem>>[vector<16xi32>, vector<16xi32>], vector<16xf32>,
        %broadcast_in_dim3A_251 = arith.constant 3 : i32
        %broadcast_in_dim3A_252 = vector.broadcast %broadcast_in_dim3A_251 : i32 to vector<16xi32>
        tpu.vector_store_idx %arg9[%add3A_244, %broadcast_in_dim3A_252], %mul3A_185 : memref<256x64xf32, #tpu.memory_space<vmem>>[vector<16xi32>, vector<16xi32>], vector<16xf32>,
        %broadcast_in_dim3A_253 = arith.constant 4 : i32
        %broadcast_in_dim3A_254 = vector.broadcast %broadcast_in_dim3A_253 : i32 to vector<16xi32>
        tpu.vector_store_idx %arg9[%add3A_244, %broadcast_in_dim3A_254], %mul3A_186 : memref<256x64xf32, #tpu.memory_space<vmem>>[vector<16xi32>, vector<16xi32>], vector<16xf32>,
        %broadcast_in_dim3A_255 = arith.constant 5 : i32
        %broadcast_in_dim3A_256 = vector.broadcast %broadcast_in_dim3A_255 : i32 to vector<16xi32>
        tpu.vector_store_idx %arg9[%add3A_244, %broadcast_in_dim3A_256], %mul3A_187 : memref<256x64xf32, #tpu.memory_space<vmem>>[vector<16xi32>, vector<16xi32>], vector<16xf32>,
        %broadcast_in_dim3A_257 = arith.constant 6 : i32
        %broadcast_in_dim3A_258 = vector.broadcast %broadcast_in_dim3A_257 : i32 to vector<16xi32>
        tpu.vector_store_idx %arg9[%add3A_244, %broadcast_in_dim3A_258], %mul3A_188 : memref<256x64xf32, #tpu.memory_space<vmem>>[vector<16xi32>, vector<16xi32>], vector<16xf32>,
        %broadcast_in_dim3A_259 = arith.constant 7 : i32
        %broadcast_in_dim3A_260 = vector.broadcast %broadcast_in_dim3A_259 : i32 to vector<16xi32>
        tpu.vector_store_idx %arg9[%add3A_244, %broadcast_in_dim3A_260], %mul3A_189 : memref<256x64xf32, #tpu.memory_space<vmem>>[vector<16xi32>, vector<16xi32>], vector<16xf32>,
        %mul3A_261 = arith.mulf %max3A_83, %mul3A_234 : vector<16xf32>
        %broadcast_in_dim3A_262 = arith.constant 8 : i32
        %broadcast_in_dim3A_263 = vector.broadcast %broadcast_in_dim3A_262 : i32 to vector<16xi32>
        tpu.vector_store_idx %arg9[%add3A_244, %broadcast_in_dim3A_263], %mul3A_261 : memref<256x64xf32, #tpu.memory_space<vmem>>[vector<16xi32>, vector<16xi32>], vector<16xf32>,
        %mul3A_264 = arith.mulf %max3A_83, %mul3A_235 : vector<16xf32>
        %broadcast_in_dim3A_265 = arith.constant 9 : i32
        %broadcast_in_dim3A_266 = vector.broadcast %broadcast_in_dim3A_265 : i32 to vector<16xi32>
        tpu.vector_store_idx %arg9[%add3A_244, %broadcast_in_dim3A_266], %mul3A_264 : memref<256x64xf32, #tpu.memory_space<vmem>>[vector<16xi32>, vector<16xi32>], vector<16xf32>,
        %mul3A_267 = arith.mulf %max3A_83, %mul3A_236 : vector<16xf32>
        %broadcast_in_dim3A_268 = arith.constant 10 : i32
        %broadcast_in_dim3A_269 = vector.broadcast %broadcast_in_dim3A_268 : i32 to vector<16xi32>
        tpu.vector_store_idx %arg9[%add3A_244, %broadcast_in_dim3A_269], %mul3A_267 : memref<256x64xf32, #tpu.memory_space<vmem>>[vector<16xi32>, vector<16xi32>], vector<16xf32>,
        %mul3A_270 = arith.mulf %mul3A_183, %mul3A_234 : vector<16xf32>
        %broadcast_in_dim3A_271 = arith.constant 11 : i32
        %broadcast_in_dim3A_272 = vector.broadcast %broadcast_in_dim3A_271 : i32 to vector<16xi32>
        tpu.vector_store_idx %arg9[%add3A_244, %broadcast_in_dim3A_272], %mul3A_270 : memref<256x64xf32, #tpu.memory_space<vmem>>[vector<16xi32>, vector<16xi32>], vector<16xf32>,
        %mul3A_273 = arith.mulf %mul3A_183, %mul3A_235 : vector<16xf32>
        %broadcast_in_dim3A_274 = arith.constant 12 : i32
        %broadcast_in_dim3A_275 = vector.broadcast %broadcast_in_dim3A_274 : i32 to vector<16xi32>
        tpu.vector_store_idx %arg9[%add3A_244, %broadcast_in_dim3A_275], %mul3A_273 : memref<256x64xf32, #tpu.memory_space<vmem>>[vector<16xi32>, vector<16xi32>], vector<16xf32>,
        %mul3A_276 = arith.mulf %mul3A_183, %mul3A_236 : vector<16xf32>
        %broadcast_in_dim3A_277 = arith.constant 13 : i32
        %broadcast_in_dim3A_278 = vector.broadcast %broadcast_in_dim3A_277 : i32 to vector<16xi32>
        tpu.vector_store_idx %arg9[%add3A_244, %broadcast_in_dim3A_278], %mul3A_276 : memref<256x64xf32, #tpu.memory_space<vmem>>[vector<16xi32>, vector<16xi32>], vector<16xf32>,
        %mul3A_279 = arith.mulf %mul3A_184, %mul3A_234 : vector<16xf32>
        %broadcast_in_dim3A_280 = arith.constant 14 : i32
        %broadcast_in_dim3A_281 = vector.broadcast %broadcast_in_dim3A_280 : i32 to vector<16xi32>
        tpu.vector_store_idx %arg9[%add3A_244, %broadcast_in_dim3A_281], %mul3A_279 : memref<256x64xf32, #tpu.memory_space<vmem>>[vector<16xi32>, vector<16xi32>], vector<16xf32>,
        %mul3A_282 = arith.mulf %mul3A_184, %mul3A_235 : vector<16xf32>
        %broadcast_in_dim3A_283 = arith.constant 15 : i32
        %broadcast_in_dim3A_284 = vector.broadcast %broadcast_in_dim3A_283 : i32 to vector<16xi32>
        tpu.vector_store_idx %arg9[%add3A_244, %broadcast_in_dim3A_284], %mul3A_282 : memref<256x64xf32, #tpu.memory_space<vmem>>[vector<16xi32>, vector<16xi32>], vector<16xf32>,
        %mul3A_285 = arith.mulf %mul3A_184, %mul3A_236 : vector<16xf32>
        %broadcast_in_dim3A_286 = arith.constant 16 : i32
        %broadcast_in_dim3A_287 = vector.broadcast %broadcast_in_dim3A_286 : i32 to vector<16xi32>
        tpu.vector_store_idx %arg9[%add3A_244, %broadcast_in_dim3A_287], %mul3A_285 : memref<256x64xf32, #tpu.memory_space<vmem>>[vector<16xi32>, vector<16xi32>], vector<16xf32>,
        %mul3A_288 = arith.mulf %mul3A_185, %mul3A_234 : vector<16xf32>
        %broadcast_in_dim3A_289 = arith.constant 17 : i32
        %broadcast_in_dim3A_290 = vector.broadcast %broadcast_in_dim3A_289 : i32 to vector<16xi32>
        tpu.vector_store_idx %arg9[%add3A_244, %broadcast_in_dim3A_290], %mul3A_288 : memref<256x64xf32, #tpu.memory_space<vmem>>[vector<16xi32>, vector<16xi32>], vector<16xf32>,
        %mul3A_291 = arith.mulf %mul3A_185, %mul3A_235 : vector<16xf32>
        %broadcast_in_dim3A_292 = arith.constant 18 : i32
        %broadcast_in_dim3A_293 = vector.broadcast %broadcast_in_dim3A_292 : i32 to vector<16xi32>
        tpu.vector_store_idx %arg9[%add3A_244, %broadcast_in_dim3A_293], %mul3A_291 : memref<256x64xf32, #tpu.memory_space<vmem>>[vector<16xi32>, vector<16xi32>], vector<16xf32>,
        %mul3A_294 = arith.mulf %mul3A_185, %mul3A_236 : vector<16xf32>
        %broadcast_in_dim3A_295 = arith.constant 19 : i32
        %broadcast_in_dim3A_296 = vector.broadcast %broadcast_in_dim3A_295 : i32 to vector<16xi32>
        tpu.vector_store_idx %arg9[%add3A_244, %broadcast_in_dim3A_296], %mul3A_294 : memref<256x64xf32, #tpu.memory_space<vmem>>[vector<16xi32>, vector<16xi32>], vector<16xf32>,
        %mul3A_297 = arith.mulf %mul3A_186, %mul3A_234 : vector<16xf32>
        %broadcast_in_dim3A_298 = arith.constant 20 : i32
        %broadcast_in_dim3A_299 = vector.broadcast %broadcast_in_dim3A_298 : i32 to vector<16xi32>
        tpu.vector_store_idx %arg9[%add3A_244, %broadcast_in_dim3A_299], %mul3A_297 : memref<256x64xf32, #tpu.memory_space<vmem>>[vector<16xi32>, vector<16xi32>], vector<16xf32>,
        %mul3A_300 = arith.mulf %mul3A_186, %mul3A_235 : vector<16xf32>
        %broadcast_in_dim3A_301 = arith.constant 21 : i32
        %broadcast_in_dim3A_302 = vector.broadcast %broadcast_in_dim3A_301 : i32 to vector<16xi32>
        tpu.vector_store_idx %arg9[%add3A_244, %broadcast_in_dim3A_302], %mul3A_300 : memref<256x64xf32, #tpu.memory_space<vmem>>[vector<16xi32>, vector<16xi32>], vector<16xf32>,
        %mul3A_303 = arith.mulf %mul3A_186, %mul3A_236 : vector<16xf32>
        %broadcast_in_dim3A_304 = arith.constant 22 : i32
        %broadcast_in_dim3A_305 = vector.broadcast %broadcast_in_dim3A_304 : i32 to vector<16xi32>
        tpu.vector_store_idx %arg9[%add3A_244, %broadcast_in_dim3A_305], %mul3A_303 : memref<256x64xf32, #tpu.memory_space<vmem>>[vector<16xi32>, vector<16xi32>], vector<16xf32>,
        %mul3A_306 = arith.mulf %mul3A_187, %mul3A_234 : vector<16xf32>
        %broadcast_in_dim3A_307 = arith.constant 23 : i32
        %broadcast_in_dim3A_308 = vector.broadcast %broadcast_in_dim3A_307 : i32 to vector<16xi32>
        tpu.vector_store_idx %arg9[%add3A_244, %broadcast_in_dim3A_308], %mul3A_306 : memref<256x64xf32, #tpu.memory_space<vmem>>[vector<16xi32>, vector<16xi32>], vector<16xf32>,
        %mul3A_309 = arith.mulf %mul3A_187, %mul3A_235 : vector<16xf32>
        %broadcast_in_dim3A_310 = arith.constant 24 : i32
        %broadcast_in_dim3A_311 = vector.broadcast %broadcast_in_dim3A_310 : i32 to vector<16xi32>
        tpu.vector_store_idx %arg9[%add3A_244, %broadcast_in_dim3A_311], %mul3A_309 : memref<256x64xf32, #tpu.memory_space<vmem>>[vector<16xi32>, vector<16xi32>], vector<16xf32>,
        %mul3A_312 = arith.mulf %mul3A_187, %mul3A_236 : vector<16xf32>
        %broadcast_in_dim3A_313 = arith.constant 25 : i32
        %broadcast_in_dim3A_314 = vector.broadcast %broadcast_in_dim3A_313 : i32 to vector<16xi32>
        tpu.vector_store_idx %arg9[%add3A_244, %broadcast_in_dim3A_314], %mul3A_312 : memref<256x64xf32, #tpu.memory_space<vmem>>[vector<16xi32>, vector<16xi32>], vector<16xf32>,
        %mul3A_315 = arith.mulf %mul3A_188, %mul3A_234 : vector<16xf32>
        %broadcast_in_dim3A_316 = arith.constant 26 : i32
        %broadcast_in_dim3A_317 = vector.broadcast %broadcast_in_dim3A_316 : i32 to vector<16xi32>
        tpu.vector_store_idx %arg9[%add3A_244, %broadcast_in_dim3A_317], %mul3A_315 : memref<256x64xf32, #tpu.memory_space<vmem>>[vector<16xi32>, vector<16xi32>], vector<16xf32>,
        %mul3A_318 = arith.mulf %mul3A_188, %mul3A_235 : vector<16xf32>
        %broadcast_in_dim3A_319 = arith.constant 27 : i32
        %broadcast_in_dim3A_320 = vector.broadcast %broadcast_in_dim3A_319 : i32 to vector<16xi32>
        tpu.vector_store_idx %arg9[%add3A_244, %broadcast_in_dim3A_320], %mul3A_318 : memref<256x64xf32, #tpu.memory_space<vmem>>[vector<16xi32>, vector<16xi32>], vector<16xf32>,
        %mul3A_321 = arith.mulf %mul3A_188, %mul3A_236 : vector<16xf32>
        %broadcast_in_dim3A_322 = arith.constant 28 : i32
        %broadcast_in_dim3A_323 = vector.broadcast %broadcast_in_dim3A_322 : i32 to vector<16xi32>
        tpu.vector_store_idx %arg9[%add3A_244, %broadcast_in_dim3A_323], %mul3A_321 : memref<256x64xf32, #tpu.memory_space<vmem>>[vector<16xi32>, vector<16xi32>], vector<16xf32>,
        %mul3A_324 = arith.mulf %mul3A_189, %mul3A_234 : vector<16xf32>
        %broadcast_in_dim3A_325 = arith.constant 29 : i32
        %broadcast_in_dim3A_326 = vector.broadcast %broadcast_in_dim3A_325 : i32 to vector<16xi32>
        tpu.vector_store_idx %arg9[%add3A_244, %broadcast_in_dim3A_326], %mul3A_324 : memref<256x64xf32, #tpu.memory_space<vmem>>[vector<16xi32>, vector<16xi32>], vector<16xf32>,
        %mul3A_327 = arith.mulf %mul3A_189, %mul3A_235 : vector<16xf32>
        %broadcast_in_dim3A_328 = arith.constant 30 : i32
        %broadcast_in_dim3A_329 = vector.broadcast %broadcast_in_dim3A_328 : i32 to vector<16xi32>
        tpu.vector_store_idx %arg9[%add3A_244, %broadcast_in_dim3A_329], %mul3A_327 : memref<256x64xf32, #tpu.memory_space<vmem>>[vector<16xi32>, vector<16xi32>], vector<16xf32>,
        %mul3A_330 = arith.mulf %mul3A_189, %mul3A_236 : vector<16xf32>
        %broadcast_in_dim3A_331 = arith.constant 31 : i32
        %broadcast_in_dim3A_332 = vector.broadcast %broadcast_in_dim3A_331 : i32 to vector<16xi32>
        tpu.vector_store_idx %arg9[%add3A_244, %broadcast_in_dim3A_332], %mul3A_330 : memref<256x64xf32, #tpu.memory_space<vmem>>[vector<16xi32>, vector<16xi32>], vector<16xf32>,
        %mul3A_333 = arith.mulf %max3A_83, %mul3A_237 : vector<16xf32>
        %broadcast_in_dim3A_334 = arith.constant 32 : i32
        %broadcast_in_dim3A_335 = vector.broadcast %broadcast_in_dim3A_334 : i32 to vector<16xi32>
        tpu.vector_store_idx %arg9[%add3A_244, %broadcast_in_dim3A_335], %mul3A_333 : memref<256x64xf32, #tpu.memory_space<vmem>>[vector<16xi32>, vector<16xi32>], vector<16xf32>,
        %mul3A_336 = arith.mulf %max3A_83, %mul3A_238 : vector<16xf32>
        %broadcast_in_dim3A_337 = arith.constant 33 : i32
        %broadcast_in_dim3A_338 = vector.broadcast %broadcast_in_dim3A_337 : i32 to vector<16xi32>
        tpu.vector_store_idx %arg9[%add3A_244, %broadcast_in_dim3A_338], %mul3A_336 : memref<256x64xf32, #tpu.memory_space<vmem>>[vector<16xi32>, vector<16xi32>], vector<16xf32>,
        %mul3A_339 = arith.mulf %max3A_83, %mul3A_239 : vector<16xf32>
        %broadcast_in_dim3A_340 = arith.constant 34 : i32
        %broadcast_in_dim3A_341 = vector.broadcast %broadcast_in_dim3A_340 : i32 to vector<16xi32>
        tpu.vector_store_idx %arg9[%add3A_244, %broadcast_in_dim3A_341], %mul3A_339 : memref<256x64xf32, #tpu.memory_space<vmem>>[vector<16xi32>, vector<16xi32>], vector<16xf32>,
        %mul3A_342 = arith.mulf %max3A_83, %mul3A_238 : vector<16xf32>
        %broadcast_in_dim3A_343 = arith.constant 35 : i32
        %broadcast_in_dim3A_344 = vector.broadcast %broadcast_in_dim3A_343 : i32 to vector<16xi32>
        tpu.vector_store_idx %arg9[%add3A_244, %broadcast_in_dim3A_344], %mul3A_342 : memref<256x64xf32, #tpu.memory_space<vmem>>[vector<16xi32>, vector<16xi32>], vector<16xf32>,
        %mul3A_345 = arith.mulf %max3A_83, %mul3A_240 : vector<16xf32>
        %broadcast_in_dim3A_346 = arith.constant 36 : i32
        %broadcast_in_dim3A_347 = vector.broadcast %broadcast_in_dim3A_346 : i32 to vector<16xi32>
        tpu.vector_store_idx %arg9[%add3A_244, %broadcast_in_dim3A_347], %mul3A_345 : memref<256x64xf32, #tpu.memory_space<vmem>>[vector<16xi32>, vector<16xi32>], vector<16xf32>,
        %mul3A_348 = arith.mulf %max3A_83, %mul3A_241 : vector<16xf32>
        %broadcast_in_dim3A_349 = arith.constant 37 : i32
        %broadcast_in_dim3A_350 = vector.broadcast %broadcast_in_dim3A_349 : i32 to vector<16xi32>
        tpu.vector_store_idx %arg9[%add3A_244, %broadcast_in_dim3A_350], %mul3A_348 : memref<256x64xf32, #tpu.memory_space<vmem>>[vector<16xi32>, vector<16xi32>], vector<16xf32>,
        %mul3A_351 = arith.mulf %max3A_83, %mul3A_239 : vector<16xf32>
        %broadcast_in_dim3A_352 = arith.constant 38 : i32
        %broadcast_in_dim3A_353 = vector.broadcast %broadcast_in_dim3A_352 : i32 to vector<16xi32>
        tpu.vector_store_idx %arg9[%add3A_244, %broadcast_in_dim3A_353], %mul3A_351 : memref<256x64xf32, #tpu.memory_space<vmem>>[vector<16xi32>, vector<16xi32>], vector<16xf32>,
        %mul3A_354 = arith.mulf %max3A_83, %mul3A_241 : vector<16xf32>
        %broadcast_in_dim3A_355 = arith.constant 39 : i32
        %broadcast_in_dim3A_356 = vector.broadcast %broadcast_in_dim3A_355 : i32 to vector<16xi32>
        tpu.vector_store_idx %arg9[%add3A_244, %broadcast_in_dim3A_356], %mul3A_354 : memref<256x64xf32, #tpu.memory_space<vmem>>[vector<16xi32>, vector<16xi32>], vector<16xf32>,
        %mul3A_357 = arith.mulf %max3A_83, %mul3A_242 : vector<16xf32>
        %broadcast_in_dim3A_358 = arith.constant 40 : i32
        %broadcast_in_dim3A_359 = vector.broadcast %broadcast_in_dim3A_358 : i32 to vector<16xi32>
        tpu.vector_store_idx %arg9[%add3A_244, %broadcast_in_dim3A_359], %mul3A_357 : memref<256x64xf32, #tpu.memory_space<vmem>>[vector<16xi32>, vector<16xi32>], vector<16xf32>,
        %mul3A_360 = arith.mulf %mul3A_183, %mul3A_237 : vector<16xf32>
        %broadcast_in_dim3A_361 = arith.constant 41 : i32
        %broadcast_in_dim3A_362 = vector.broadcast %broadcast_in_dim3A_361 : i32 to vector<16xi32>
        tpu.vector_store_idx %arg9[%add3A_244, %broadcast_in_dim3A_362], %mul3A_360 : memref<256x64xf32, #tpu.memory_space<vmem>>[vector<16xi32>, vector<16xi32>], vector<16xf32>,
        %mul3A_363 = arith.mulf %mul3A_183, %mul3A_238 : vector<16xf32>
        %broadcast_in_dim3A_364 = arith.constant 42 : i32
        %broadcast_in_dim3A_365 = vector.broadcast %broadcast_in_dim3A_364 : i32 to vector<16xi32>
        tpu.vector_store_idx %arg9[%add3A_244, %broadcast_in_dim3A_365], %mul3A_363 : memref<256x64xf32, #tpu.memory_space<vmem>>[vector<16xi32>, vector<16xi32>], vector<16xf32>,
        %mul3A_366 = arith.mulf %mul3A_183, %mul3A_239 : vector<16xf32>
        %broadcast_in_dim3A_367 = arith.constant 43 : i32
        %broadcast_in_dim3A_368 = vector.broadcast %broadcast_in_dim3A_367 : i32 to vector<16xi32>
        tpu.vector_store_idx %arg9[%add3A_244, %broadcast_in_dim3A_368], %mul3A_366 : memref<256x64xf32, #tpu.memory_space<vmem>>[vector<16xi32>, vector<16xi32>], vector<16xf32>,
        %mul3A_369 = arith.mulf %mul3A_183, %mul3A_238 : vector<16xf32>
        %broadcast_in_dim3A_370 = arith.constant 44 : i32
        %broadcast_in_dim3A_371 = vector.broadcast %broadcast_in_dim3A_370 : i32 to vector<16xi32>
        tpu.vector_store_idx %arg9[%add3A_244, %broadcast_in_dim3A_371], %mul3A_369 : memref<256x64xf32, #tpu.memory_space<vmem>>[vector<16xi32>, vector<16xi32>], vector<16xf32>,
        %mul3A_372 = arith.mulf %mul3A_183, %mul3A_240 : vector<16xf32>
        %broadcast_in_dim3A_373 = arith.constant 45 : i32
        %broadcast_in_dim3A_374 = vector.broadcast %broadcast_in_dim3A_373 : i32 to vector<16xi32>
        tpu.vector_store_idx %arg9[%add3A_244, %broadcast_in_dim3A_374], %mul3A_372 : memref<256x64xf32, #tpu.memory_space<vmem>>[vector<16xi32>, vector<16xi32>], vector<16xf32>,
        %mul3A_375 = arith.mulf %mul3A_183, %mul3A_241 : vector<16xf32>
        %broadcast_in_dim3A_376 = arith.constant 46 : i32
        %broadcast_in_dim3A_377 = vector.broadcast %broadcast_in_dim3A_376 : i32 to vector<16xi32>
        tpu.vector_store_idx %arg9[%add3A_244, %broadcast_in_dim3A_377], %mul3A_375 : memref<256x64xf32, #tpu.memory_space<vmem>>[vector<16xi32>, vector<16xi32>], vector<16xf32>,
        %mul3A_378 = arith.mulf %mul3A_183, %mul3A_239 : vector<16xf32>
        %broadcast_in_dim3A_379 = arith.constant 47 : i32
        %broadcast_in_dim3A_380 = vector.broadcast %broadcast_in_dim3A_379 : i32 to vector<16xi32>
        tpu.vector_store_idx %arg9[%add3A_244, %broadcast_in_dim3A_380], %mul3A_378 : memref<256x64xf32, #tpu.memory_space<vmem>>[vector<16xi32>, vector<16xi32>], vector<16xf32>,
        %mul3A_381 = arith.mulf %mul3A_183, %mul3A_241 : vector<16xf32>
        %broadcast_in_dim3A_382 = arith.constant 48 : i32
        %broadcast_in_dim3A_383 = vector.broadcast %broadcast_in_dim3A_382 : i32 to vector<16xi32>
        tpu.vector_store_idx %arg9[%add3A_244, %broadcast_in_dim3A_383], %mul3A_381 : memref<256x64xf32, #tpu.memory_space<vmem>>[vector<16xi32>, vector<16xi32>], vector<16xf32>,
        %mul3A_384 = arith.mulf %mul3A_183, %mul3A_242 : vector<16xf32>
        %broadcast_in_dim3A_385 = arith.constant 49 : i32
        %broadcast_in_dim3A_386 = vector.broadcast %broadcast_in_dim3A_385 : i32 to vector<16xi32>
        tpu.vector_store_idx %arg9[%add3A_244, %broadcast_in_dim3A_386], %mul3A_384 : memref<256x64xf32, #tpu.memory_space<vmem>>[vector<16xi32>, vector<16xi32>], vector<16xf32>,
        %mul3A_387 = arith.mulf %mul3A_184, %mul3A_237 : vector<16xf32>
        %broadcast_in_dim3A_388 = arith.constant 50 : i32
        %broadcast_in_dim3A_389 = vector.broadcast %broadcast_in_dim3A_388 : i32 to vector<16xi32>
        tpu.vector_store_idx %arg9[%add3A_244, %broadcast_in_dim3A_389], %mul3A_387 : memref<256x64xf32, #tpu.memory_space<vmem>>[vector<16xi32>, vector<16xi32>], vector<16xf32>,
        %mul3A_390 = arith.mulf %mul3A_184, %mul3A_238 : vector<16xf32>
        %broadcast_in_dim3A_391 = arith.constant 51 : i32
        %broadcast_in_dim3A_392 = vector.broadcast %broadcast_in_dim3A_391 : i32 to vector<16xi32>
        tpu.vector_store_idx %arg9[%add3A_244, %broadcast_in_dim3A_392], %mul3A_390 : memref<256x64xf32, #tpu.memory_space<vmem>>[vector<16xi32>, vector<16xi32>], vector<16xf32>,
        %scan3A_393 = arith.constant 0 : i32
        scf.yield %scan3A_393 : i32
      }
      %scan3A_32 = arith.constant 8 : i32
      %scan3A_33 = arith.constant 0 : i32
      %scan3A_34 = arith.constant 0 : i32
      %scan3A_35 = arith.constant 8 : i32
      %scan3A_36 = arith.addi %scan3A_34, %scan3A_35 : i32
      %scan3A_37 = arith.constant 1 : i32
      %scan3A_38 = scf.for %scan3A_42 = %scan3A_34 to %scan3A_36 step %scan3A_37 iter_args(%scan3A_43 = %scan3A_33) -> (i32)  : i32 {
        %mul3A_44 = arith.constant 16 : i32
        %mul3A_45 = arith.muli %scan3A_42, %mul3A_44 : i32
        %add3A_46 = arith.constant 128 : i32
        %add3A_47 = arith.addi %add3A_46, %mul3A_45 : i32
        %get3A = arith.index_cast %add3A_47 : i32 to index
        %get3A_48 = tpu.vector_load %arg6[%get3A] {strides = array<i32>} : memref<256xi32, #tpu.memory_space<vmem>>, vector<16xi32>,
        %sub3A = vector.broadcast %mul3A_0 : i32 to vector<16xi32>
        %sub3A_49 = arith.subi %get3A_48, %sub3A : vector<16xi32>
        %ge3A = arith.constant 0 : i32
        %ge3A_50 = vector.broadcast %ge3A : i32 to vector<16xi32>
        %ge3A_51 = arith.cmpi sge, %sub3A_49, %ge3A_50 : vector<16xi32>
        %lt3A = arith.constant 25088 : i32
        %lt3A_52 = vector.broadcast %lt3A : i32 to vector<16xi32>
        %lt3A_53 = arith.cmpi slt, %sub3A_49, %lt3A_52 : vector<16xi32>
        %and3A = arith.andi %ge3A_51, %lt3A_53 : vector<16xi1>
        %jit3A = arith.constant 25088 : i32
        %broadcast_in_dim3A = vector.broadcast %jit3A : i32 to vector<16xi32>
        %select_n3A = arith.select %and3A, %sub3A_49, %broadcast_in_dim3A : vector<16xi1>, vector<16xi32>
        %mul3A_54 = arith.constant 16 : i32
        %mul3A_55 = arith.muli %scan3A_42, %mul3A_54 : i32
        %swap3A = arith.constant 1 : i32
        %swap3A_56 = arith.index_cast %swap3A : i32 to index
        %swap3A_57 = arith.index_cast %mul3A_55 : i32 to index
        %swap3A_58 = tpu.vector_load %arg8[%swap3A_56, %swap3A_57] {strides = array<i32>} : memref<2x128xi32, #tpu.memory_space<vmem>>, vector<16xi32>,
        tpu.vector_store %arg8[%swap3A_56, %swap3A_57], %select_n3A {strides = array<i32>} : memref<2x128xi32, #tpu.memory_space<vmem>>, vector<16xi32>,
        %mul3A_59 = arith.constant 3 : i32
        %mul3A_60 = arith.muli %add3A_47, %mul3A_59 : i32
        %add3A_61 = vector.broadcast %mul3A_60 : i32 to vector<16xi32>
        %add3A_62 = arith.addi %mul3A_5, %add3A_61 : vector<16xi32>
        %gather3A = tpu.vector_load_idx %arg7[%add3A_62] : memref<768xf32, #tpu.memory_space<vmem>>[vector<16xi32>], vector<16xf32>,
        %add3A_63 = arith.constant 1 : i32
        %add3A_64 = vector.broadcast %add3A_63 : i32 to vector<16xi32>
        %add3A_65 = arith.addi %add3A_62, %add3A_64 : vector<16xi32>
        %gather3A_66 = tpu.vector_load_idx %arg7[%add3A_65] : memref<768xf32, #tpu.memory_space<vmem>>[vector<16xi32>], vector<16xf32>,
        %add3A_67 = arith.constant 2 : i32
        %add3A_68 = vector.broadcast %add3A_67 : i32 to vector<16xi32>
        %add3A_69 = arith.addi %add3A_62, %add3A_68 : vector<16xi32>
        %gather3A_70 = tpu.vector_load_idx %arg7[%add3A_69] : memref<768xf32, #tpu.memory_space<vmem>>[vector<16xi32>], vector<16xf32>,
        %mul3A_71 = arith.mulf %gather3A, %gather3A : vector<16xf32>
        %mul3A_72 = arith.mulf %gather3A_66, %gather3A_66 : vector<16xf32>
        %add3A_73 = arith.addf %mul3A_71, %mul3A_72 : vector<16xf32>
        %mul3A_74 = arith.mulf %gather3A_70, %gather3A_70 : vector<16xf32>
        %add3A_75 = arith.addf %add3A_73, %mul3A_74 : vector<16xf32>
        %mul3A_76 = arith.constant 2.000000e-01 : f32
        %mul3A_77 = vector.broadcast %mul3A_76 : f32 to vector<16xf32>
        %mul3A_78 = arith.mulf %add3A_75, %mul3A_77 : vector<16xf32>
        %sub3A_79 = arith.constant 1.000000e+00 : f32
        %sub3A_80 = vector.broadcast %sub3A_79 : f32 to vector<16xf32>
        %sub3A_81 = arith.subf %sub3A_80, %mul3A_78 : vector<16xf32>
        %max3A = arith.constant 0.000000e+00 : f32
        %max3A_82 = vector.broadcast %max3A : f32 to vector<16xf32>
        %max3A_83 = arith.maximumf %sub3A_81, %max3A_82 : vector<16xf32>
        %min3A = arith.constant 1.000000e+00 : f32
        %min3A_84 = vector.broadcast %min3A : f32 to vector<16xf32>
        %min3A_85 = arith.minimumf %mul3A_78, %min3A_84 : vector<16xf32>
        %max3A_86 = arith.constant 9.99999996E-13 : f32
        %max3A_87 = vector.broadcast %max3A_86 : f32 to vector<16xf32>
        %max3A_88 = arith.maximumf %min3A_85, %max3A_87 : vector<16xf32>
        %bitcast3A = vector.bitcast %max3A_88 : vector<16xf32> to vector<16xi32>
        %shift_right_logical3A = arith.constant 1 : i32
        %shift_right_logical3A_89 = vector.broadcast %shift_right_logical3A : i32 to vector<16xi32>
        %shift_right_logical3A_90 = arith.shrui %bitcast3A, %shift_right_logical3A_89 : vector<16xi32>
        %sub3A_91 = arith.constant 1597463007 : i32
        %sub3A_92 = vector.broadcast %sub3A_91 : i32 to vector<16xi32>
        %sub3A_93 = arith.subi %sub3A_92, %shift_right_logical3A_90 : vector<16xi32>
        %bitcast3A_94 = vector.bitcast %sub3A_93 : vector<16xi32> to vector<16xf32>
        %mul3A_95 = arith.constant 5.000000e-01 : f32
        %mul3A_96 = vector.broadcast %mul3A_95 : f32 to vector<16xf32>
        %mul3A_97 = arith.mulf %mul3A_96, %max3A_88 : vector<16xf32>
        %mul3A_98 = arith.mulf %mul3A_97, %bitcast3A_94 : vector<16xf32>
        %mul3A_99 = arith.mulf %mul3A_98, %bitcast3A_94 : vector<16xf32>
        %sub3A_100 = arith.constant 1.500000e+00 : f32
        %sub3A_101 = vector.broadcast %sub3A_100 : f32 to vector<16xf32>
        %sub3A_102 = arith.subf %sub3A_101, %mul3A_99 : vector<16xf32>
        %mul3A_103 = arith.mulf %bitcast3A_94, %sub3A_102 : vector<16xf32>
        %mul3A_104 = arith.constant 5.000000e-01 : f32
        %mul3A_105 = vector.broadcast %mul3A_104 : f32 to vector<16xf32>
        %mul3A_106 = arith.mulf %mul3A_105, %max3A_88 : vector<16xf32>
        %mul3A_107 = arith.mulf %mul3A_106, %mul3A_103 : vector<16xf32>
        %mul3A_108 = arith.mulf %mul3A_107, %mul3A_103 : vector<16xf32>
        %sub3A_109 = arith.constant 1.500000e+00 : f32
        %sub3A_110 = vector.broadcast %sub3A_109 : f32 to vector<16xf32>
        %sub3A_111 = arith.subf %sub3A_110, %mul3A_108 : vector<16xf32>
        %mul3A_112 = arith.mulf %mul3A_103, %sub3A_111 : vector<16xf32>
        %mul3A_113 = arith.constant 5.000000e-01 : f32
        %mul3A_114 = vector.broadcast %mul3A_113 : f32 to vector<16xf32>
        %mul3A_115 = arith.mulf %mul3A_114, %max3A_88 : vector<16xf32>
        %mul3A_116 = arith.mulf %mul3A_115, %mul3A_112 : vector<16xf32>
        %mul3A_117 = arith.mulf %mul3A_116, %mul3A_112 : vector<16xf32>
        %sub3A_118 = arith.constant 1.500000e+00 : f32
        %sub3A_119 = vector.broadcast %sub3A_118 : f32 to vector<16xf32>
        %sub3A_120 = arith.subf %sub3A_119, %mul3A_117 : vector<16xf32>
        %mul3A_121 = arith.mulf %mul3A_112, %sub3A_120 : vector<16xf32>
        %mul3A_122 = arith.mulf %max3A_88, %mul3A_121 : vector<16xf32>
        %sub3A_123 = arith.constant 5.000000e-01 : f32
        %sub3A_124 = vector.broadcast %sub3A_123 : f32 to vector<16xf32>
        %sub3A_125 = arith.subf %mul3A_122, %sub3A_124 : vector<16xf32>
        %mul3A_126 = arith.constant 3.14159274 : f32
        %mul3A_127 = vector.broadcast %mul3A_126 : f32 to vector<16xf32>
        %mul3A_128 = arith.mulf %mul3A_127, %sub3A_125 : vector<16xf32>
        %mul3A_129 = arith.mulf %mul3A_128, %mul3A_128 : vector<16xf32>
        %mul3A_130 = arith.constant 2.75573188E-6 : f32
        %mul3A_131 = vector.broadcast %mul3A_130 : f32 to vector<16xf32>
        %mul3A_132 = arith.mulf %mul3A_129, %mul3A_131 : vector<16xf32>
        %add3A_133 = arith.constant -1.98412701E-4 : f32
        %add3A_134 = vector.broadcast %add3A_133 : f32 to vector<16xf32>
        %add3A_135 = arith.addf %add3A_134, %mul3A_132 : vector<16xf32>
        %mul3A_136 = arith.mulf %mul3A_129, %add3A_135 : vector<16xf32>
        %add3A_137 = arith.constant 0.00833333377 : f32
        %add3A_138 = vector.broadcast %add3A_137 : f32 to vector<16xf32>
        %add3A_139 = arith.addf %add3A_138, %mul3A_136 : vector<16xf32>
        %mul3A_140 = arith.mulf %mul3A_129, %add3A_139 : vector<16xf32>
        %add3A_141 = arith.constant -0.166666672 : f32
        %add3A_142 = vector.broadcast %add3A_141 : f32 to vector<16xf32>
        %add3A_143 = arith.addf %add3A_142, %mul3A_140 : vector<16xf32>
        %mul3A_144 = arith.mulf %mul3A_129, %add3A_143 : vector<16xf32>
        %add3A_145 = arith.constant 1.000000e+00 : f32
        %add3A_146 = vector.broadcast %add3A_145 : f32 to vector<16xf32>
        %add3A_147 = arith.addf %add3A_146, %mul3A_144 : vector<16xf32>
        %mul3A_148 = arith.mulf %mul3A_128, %add3A_147 : vector<16xf32>
        %neg3A = arith.constant 0.000000e+00 : f32
        %neg3A_149 = vector.broadcast %neg3A : f32 to vector<16xf32>
        %neg3A_150 = arith.subf %neg3A_149, %mul3A_148 : vector<16xf32>
        %broadcast_in_dim3A_151 = arith.constant 1.000000e+00 : f32
        %broadcast_in_dim3A_152 = vector.broadcast %broadcast_in_dim3A_151 : f32 to vector<16xf32>
        %mul3A_153 = arith.constant 2.000000e+00 : f32
        %mul3A_154 = vector.broadcast %mul3A_153 : f32 to vector<16xf32>
        %mul3A_155 = arith.mulf %mul3A_154, %neg3A_150 : vector<16xf32>
        %mul3A_156 = arith.mulf %mul3A_155, %neg3A_150 : vector<16xf32>
        %sub3A_157 = arith.subf %mul3A_156, %broadcast_in_dim3A_152 : vector<16xf32>
        %mul3A_158 = arith.constant 2.000000e+00 : f32
        %mul3A_159 = vector.broadcast %mul3A_158 : f32 to vector<16xf32>
        %mul3A_160 = arith.mulf %mul3A_159, %neg3A_150 : vector<16xf32>
        %mul3A_161 = arith.mulf %mul3A_160, %sub3A_157 : vector<16xf32>
        %sub3A_162 = arith.subf %mul3A_161, %neg3A_150 : vector<16xf32>
        %mul3A_163 = arith.constant 2.000000e+00 : f32
        %mul3A_164 = vector.broadcast %mul3A_163 : f32 to vector<16xf32>
        %mul3A_165 = arith.mulf %mul3A_164, %neg3A_150 : vector<16xf32>
        %mul3A_166 = arith.mulf %mul3A_165, %sub3A_162 : vector<16xf32>
        %sub3A_167 = arith.subf %mul3A_166, %sub3A_157 : vector<16xf32>
        %mul3A_168 = arith.constant 2.000000e+00 : f32
        %mul3A_169 = vector.broadcast %mul3A_168 : f32 to vector<16xf32>
        %mul3A_170 = arith.mulf %mul3A_169, %neg3A_150 : vector<16xf32>
        %mul3A_171 = arith.mulf %mul3A_170, %sub3A_167 : vector<16xf32>
        %sub3A_172 = arith.subf %mul3A_171, %sub3A_162 : vector<16xf32>
        %mul3A_173 = arith.constant 2.000000e+00 : f32
        %mul3A_174 = vector.broadcast %mul3A_173 : f32 to vector<16xf32>
        %mul3A_175 = arith.mulf %mul3A_174, %neg3A_150 : vector<16xf32>
        %mul3A_176 = arith.mulf %mul3A_175, %sub3A_172 : vector<16xf32>
        %sub3A_177 = arith.subf %mul3A_176, %sub3A_167 : vector<16xf32>
        %mul3A_178 = arith.constant 2.000000e+00 : f32
        %mul3A_179 = vector.broadcast %mul3A_178 : f32 to vector<16xf32>
        %mul3A_180 = arith.mulf %mul3A_179, %neg3A_150 : vector<16xf32>
        %mul3A_181 = arith.mulf %mul3A_180, %sub3A_177 : vector<16xf32>
        %sub3A_182 = arith.subf %mul3A_181, %sub3A_172 : vector<16xf32>
        %mul3A_183 = arith.mulf %neg3A_150, %max3A_83 : vector<16xf32>
        %mul3A_184 = arith.mulf %sub3A_157, %max3A_83 : vector<16xf32>
        %mul3A_185 = arith.mulf %sub3A_162, %max3A_83 : vector<16xf32>
        %mul3A_186 = arith.mulf %sub3A_167, %max3A_83 : vector<16xf32>
        %mul3A_187 = arith.mulf %sub3A_172, %max3A_83 : vector<16xf32>
        %mul3A_188 = arith.mulf %sub3A_177, %max3A_83 : vector<16xf32>
        %mul3A_189 = arith.mulf %sub3A_182, %max3A_83 : vector<16xf32>
        %mul3A_190 = arith.constant 1.156000e+01 : f32
        %mul3A_191 = vector.broadcast %mul3A_190 : f32 to vector<16xf32>
        %mul3A_192 = arith.mulf %mul3A_191, %add3A_75 : vector<16xf32>
        %add3A_193 = arith.constant 1.000000e+00 : f32
        %add3A_194 = vector.broadcast %add3A_193 : f32 to vector<16xf32>
        %add3A_195 = arith.addf %add3A_194, %mul3A_192 : vector<16xf32>
        %bitcast3A_196 = vector.bitcast %add3A_195 : vector<16xf32> to vector<16xi32>
        %shift_right_logical3A_197 = arith.constant 1 : i32
        %shift_right_logical3A_198 = vector.broadcast %shift_right_logical3A_197 : i32 to vector<16xi32>
        %shift_right_logical3A_199 = arith.shrui %bitcast3A_196, %shift_right_logical3A_198 : vector<16xi32>
        %sub3A_200 = arith.constant 1597463007 : i32
        %sub3A_201 = vector.broadcast %sub3A_200 : i32 to vector<16xi32>
        %sub3A_202 = arith.subi %sub3A_201, %shift_right_logical3A_199 : vector<16xi32>
        %bitcast3A_203 = vector.bitcast %sub3A_202 : vector<16xi32> to vector<16xf32>
        %mul3A_204 = arith.constant 5.000000e-01 : f32
        %mul3A_205 = vector.broadcast %mul3A_204 : f32 to vector<16xf32>
        %mul3A_206 = arith.mulf %mul3A_205, %add3A_195 : vector<16xf32>
        %mul3A_207 = arith.mulf %mul3A_206, %bitcast3A_203 : vector<16xf32>
        %mul3A_208 = arith.mulf %mul3A_207, %bitcast3A_203 : vector<16xf32>
        %sub3A_209 = arith.constant 1.500000e+00 : f32
        %sub3A_210 = vector.broadcast %sub3A_209 : f32 to vector<16xf32>
        %sub3A_211 = arith.subf %sub3A_210, %mul3A_208 : vector<16xf32>
        %mul3A_212 = arith.mulf %bitcast3A_203, %sub3A_211 : vector<16xf32>
        %mul3A_213 = arith.constant 5.000000e-01 : f32
        %mul3A_214 = vector.broadcast %mul3A_213 : f32 to vector<16xf32>
        %mul3A_215 = arith.mulf %mul3A_214, %add3A_195 : vector<16xf32>
        %mul3A_216 = arith.mulf %mul3A_215, %mul3A_212 : vector<16xf32>
        %mul3A_217 = arith.mulf %mul3A_216, %mul3A_212 : vector<16xf32>
        %sub3A_218 = arith.constant 1.500000e+00 : f32
        %sub3A_219 = vector.broadcast %sub3A_218 : f32 to vector<16xf32>
        %sub3A_220 = arith.subf %sub3A_219, %mul3A_217 : vector<16xf32>
        %mul3A_221 = arith.mulf %mul3A_212, %sub3A_220 : vector<16xf32>
        %mul3A_222 = arith.constant 5.000000e-01 : f32
        %mul3A_223 = vector.broadcast %mul3A_222 : f32 to vector<16xf32>
        %mul3A_224 = arith.mulf %mul3A_223, %add3A_195 : vector<16xf32>
        %mul3A_225 = arith.mulf %mul3A_224, %mul3A_221 : vector<16xf32>
        %mul3A_226 = arith.mulf %mul3A_225, %mul3A_221 : vector<16xf32>
        %sub3A_227 = arith.constant 1.500000e+00 : f32
        %sub3A_228 = vector.broadcast %sub3A_227 : f32 to vector<16xf32>
        %sub3A_229 = arith.subf %sub3A_228, %mul3A_226 : vector<16xf32>
        %mul3A_230 = arith.mulf %mul3A_221, %sub3A_229 : vector<16xf32>
        %mul3A_231 = arith.constant 3.400000e+00 : f32
        %mul3A_232 = vector.broadcast %mul3A_231 : f32 to vector<16xf32>
        %mul3A_233 = arith.mulf %mul3A_232, %mul3A_230 : vector<16xf32>
        %mul3A_234 = arith.mulf %gather3A, %mul3A_233 : vector<16xf32>
        %mul3A_235 = arith.mulf %gather3A_66, %mul3A_233 : vector<16xf32>
        %mul3A_236 = arith.mulf %gather3A_70, %mul3A_233 : vector<16xf32>
        %mul3A_237 = arith.mulf %mul3A_234, %mul3A_234 : vector<16xf32>
        %mul3A_238 = arith.mulf %mul3A_234, %mul3A_235 : vector<16xf32>
        %mul3A_239 = arith.mulf %mul3A_234, %mul3A_236 : vector<16xf32>
        %mul3A_240 = arith.mulf %mul3A_235, %mul3A_235 : vector<16xf32>
        %mul3A_241 = arith.mulf %mul3A_235, %mul3A_236 : vector<16xf32>
        %mul3A_242 = arith.mulf %mul3A_236, %mul3A_236 : vector<16xf32>
        %add3A_243 = vector.broadcast %add3A_47 : i32 to vector<16xi32>
        %add3A_244 = arith.addi %iota3A, %add3A_243 : vector<16xi32>
        %broadcast_in_dim3A_245 = arith.constant 0 : i32
        %broadcast_in_dim3A_246 = vector.broadcast %broadcast_in_dim3A_245 : i32 to vector<16xi32>
        tpu.vector_store_idx %arg9[%add3A_244, %broadcast_in_dim3A_246], %max3A_83 : memref<256x64xf32, #tpu.memory_space<vmem>>[vector<16xi32>, vector<16xi32>], vector<16xf32>,
        %broadcast_in_dim3A_247 = arith.constant 1 : i32
        %broadcast_in_dim3A_248 = vector.broadcast %broadcast_in_dim3A_247 : i32 to vector<16xi32>
        tpu.vector_store_idx %arg9[%add3A_244, %broadcast_in_dim3A_248], %mul3A_183 : memref<256x64xf32, #tpu.memory_space<vmem>>[vector<16xi32>, vector<16xi32>], vector<16xf32>,
        %broadcast_in_dim3A_249 = arith.constant 2 : i32
        %broadcast_in_dim3A_250 = vector.broadcast %broadcast_in_dim3A_249 : i32 to vector<16xi32>
        tpu.vector_store_idx %arg9[%add3A_244, %broadcast_in_dim3A_250], %mul3A_184 : memref<256x64xf32, #tpu.memory_space<vmem>>[vector<16xi32>, vector<16xi32>], vector<16xf32>,
        %broadcast_in_dim3A_251 = arith.constant 3 : i32
        %broadcast_in_dim3A_252 = vector.broadcast %broadcast_in_dim3A_251 : i32 to vector<16xi32>
        tpu.vector_store_idx %arg9[%add3A_244, %broadcast_in_dim3A_252], %mul3A_185 : memref<256x64xf32, #tpu.memory_space<vmem>>[vector<16xi32>, vector<16xi32>], vector<16xf32>,
        %broadcast_in_dim3A_253 = arith.constant 4 : i32
        %broadcast_in_dim3A_254 = vector.broadcast %broadcast_in_dim3A_253 : i32 to vector<16xi32>
        tpu.vector_store_idx %arg9[%add3A_244, %broadcast_in_dim3A_254], %mul3A_186 : memref<256x64xf32, #tpu.memory_space<vmem>>[vector<16xi32>, vector<16xi32>], vector<16xf32>,
        %broadcast_in_dim3A_255 = arith.constant 5 : i32
        %broadcast_in_dim3A_256 = vector.broadcast %broadcast_in_dim3A_255 : i32 to vector<16xi32>
        tpu.vector_store_idx %arg9[%add3A_244, %broadcast_in_dim3A_256], %mul3A_187 : memref<256x64xf32, #tpu.memory_space<vmem>>[vector<16xi32>, vector<16xi32>], vector<16xf32>,
        %broadcast_in_dim3A_257 = arith.constant 6 : i32
        %broadcast_in_dim3A_258 = vector.broadcast %broadcast_in_dim3A_257 : i32 to vector<16xi32>
        tpu.vector_store_idx %arg9[%add3A_244, %broadcast_in_dim3A_258], %mul3A_188 : memref<256x64xf32, #tpu.memory_space<vmem>>[vector<16xi32>, vector<16xi32>], vector<16xf32>,
        %broadcast_in_dim3A_259 = arith.constant 7 : i32
        %broadcast_in_dim3A_260 = vector.broadcast %broadcast_in_dim3A_259 : i32 to vector<16xi32>
        tpu.vector_store_idx %arg9[%add3A_244, %broadcast_in_dim3A_260], %mul3A_189 : memref<256x64xf32, #tpu.memory_space<vmem>>[vector<16xi32>, vector<16xi32>], vector<16xf32>,
        %mul3A_261 = arith.mulf %max3A_83, %mul3A_234 : vector<16xf32>
        %broadcast_in_dim3A_262 = arith.constant 8 : i32
        %broadcast_in_dim3A_263 = vector.broadcast %broadcast_in_dim3A_262 : i32 to vector<16xi32>
        tpu.vector_store_idx %arg9[%add3A_244, %broadcast_in_dim3A_263], %mul3A_261 : memref<256x64xf32, #tpu.memory_space<vmem>>[vector<16xi32>, vector<16xi32>], vector<16xf32>,
        %mul3A_264 = arith.mulf %max3A_83, %mul3A_235 : vector<16xf32>
        %broadcast_in_dim3A_265 = arith.constant 9 : i32
        %broadcast_in_dim3A_266 = vector.broadcast %broadcast_in_dim3A_265 : i32 to vector<16xi32>
        tpu.vector_store_idx %arg9[%add3A_244, %broadcast_in_dim3A_266], %mul3A_264 : memref<256x64xf32, #tpu.memory_space<vmem>>[vector<16xi32>, vector<16xi32>], vector<16xf32>,
        %mul3A_267 = arith.mulf %max3A_83, %mul3A_236 : vector<16xf32>
        %broadcast_in_dim3A_268 = arith.constant 10 : i32
        %broadcast_in_dim3A_269 = vector.broadcast %broadcast_in_dim3A_268 : i32 to vector<16xi32>
        tpu.vector_store_idx %arg9[%add3A_244, %broadcast_in_dim3A_269], %mul3A_267 : memref<256x64xf32, #tpu.memory_space<vmem>>[vector<16xi32>, vector<16xi32>], vector<16xf32>,
        %mul3A_270 = arith.mulf %mul3A_183, %mul3A_234 : vector<16xf32>
        %broadcast_in_dim3A_271 = arith.constant 11 : i32
        %broadcast_in_dim3A_272 = vector.broadcast %broadcast_in_dim3A_271 : i32 to vector<16xi32>
        tpu.vector_store_idx %arg9[%add3A_244, %broadcast_in_dim3A_272], %mul3A_270 : memref<256x64xf32, #tpu.memory_space<vmem>>[vector<16xi32>, vector<16xi32>], vector<16xf32>,
        %mul3A_273 = arith.mulf %mul3A_183, %mul3A_235 : vector<16xf32>
        %broadcast_in_dim3A_274 = arith.constant 12 : i32
        %broadcast_in_dim3A_275 = vector.broadcast %broadcast_in_dim3A_274 : i32 to vector<16xi32>
        tpu.vector_store_idx %arg9[%add3A_244, %broadcast_in_dim3A_275], %mul3A_273 : memref<256x64xf32, #tpu.memory_space<vmem>>[vector<16xi32>, vector<16xi32>], vector<16xf32>,
        %mul3A_276 = arith.mulf %mul3A_183, %mul3A_236 : vector<16xf32>
        %broadcast_in_dim3A_277 = arith.constant 13 : i32
        %broadcast_in_dim3A_278 = vector.broadcast %broadcast_in_dim3A_277 : i32 to vector<16xi32>
        tpu.vector_store_idx %arg9[%add3A_244, %broadcast_in_dim3A_278], %mul3A_276 : memref<256x64xf32, #tpu.memory_space<vmem>>[vector<16xi32>, vector<16xi32>], vector<16xf32>,
        %mul3A_279 = arith.mulf %mul3A_184, %mul3A_234 : vector<16xf32>
        %broadcast_in_dim3A_280 = arith.constant 14 : i32
        %broadcast_in_dim3A_281 = vector.broadcast %broadcast_in_dim3A_280 : i32 to vector<16xi32>
        tpu.vector_store_idx %arg9[%add3A_244, %broadcast_in_dim3A_281], %mul3A_279 : memref<256x64xf32, #tpu.memory_space<vmem>>[vector<16xi32>, vector<16xi32>], vector<16xf32>,
        %mul3A_282 = arith.mulf %mul3A_184, %mul3A_235 : vector<16xf32>
        %broadcast_in_dim3A_283 = arith.constant 15 : i32
        %broadcast_in_dim3A_284 = vector.broadcast %broadcast_in_dim3A_283 : i32 to vector<16xi32>
        tpu.vector_store_idx %arg9[%add3A_244, %broadcast_in_dim3A_284], %mul3A_282 : memref<256x64xf32, #tpu.memory_space<vmem>>[vector<16xi32>, vector<16xi32>], vector<16xf32>,
        %mul3A_285 = arith.mulf %mul3A_184, %mul3A_236 : vector<16xf32>
        %broadcast_in_dim3A_286 = arith.constant 16 : i32
        %broadcast_in_dim3A_287 = vector.broadcast %broadcast_in_dim3A_286 : i32 to vector<16xi32>
        tpu.vector_store_idx %arg9[%add3A_244, %broadcast_in_dim3A_287], %mul3A_285 : memref<256x64xf32, #tpu.memory_space<vmem>>[vector<16xi32>, vector<16xi32>], vector<16xf32>,
        %mul3A_288 = arith.mulf %mul3A_185, %mul3A_234 : vector<16xf32>
        %broadcast_in_dim3A_289 = arith.constant 17 : i32
        %broadcast_in_dim3A_290 = vector.broadcast %broadcast_in_dim3A_289 : i32 to vector<16xi32>
        tpu.vector_store_idx %arg9[%add3A_244, %broadcast_in_dim3A_290], %mul3A_288 : memref<256x64xf32, #tpu.memory_space<vmem>>[vector<16xi32>, vector<16xi32>], vector<16xf32>,
        %mul3A_291 = arith.mulf %mul3A_185, %mul3A_235 : vector<16xf32>
        %broadcast_in_dim3A_292 = arith.constant 18 : i32
        %broadcast_in_dim3A_293 = vector.broadcast %broadcast_in_dim3A_292 : i32 to vector<16xi32>
        tpu.vector_store_idx %arg9[%add3A_244, %broadcast_in_dim3A_293], %mul3A_291 : memref<256x64xf32, #tpu.memory_space<vmem>>[vector<16xi32>, vector<16xi32>], vector<16xf32>,
        %mul3A_294 = arith.mulf %mul3A_185, %mul3A_236 : vector<16xf32>
        %broadcast_in_dim3A_295 = arith.constant 19 : i32
        %broadcast_in_dim3A_296 = vector.broadcast %broadcast_in_dim3A_295 : i32 to vector<16xi32>
        tpu.vector_store_idx %arg9[%add3A_244, %broadcast_in_dim3A_296], %mul3A_294 : memref<256x64xf32, #tpu.memory_space<vmem>>[vector<16xi32>, vector<16xi32>], vector<16xf32>,
        %mul3A_297 = arith.mulf %mul3A_186, %mul3A_234 : vector<16xf32>
        %broadcast_in_dim3A_298 = arith.constant 20 : i32
        %broadcast_in_dim3A_299 = vector.broadcast %broadcast_in_dim3A_298 : i32 to vector<16xi32>
        tpu.vector_store_idx %arg9[%add3A_244, %broadcast_in_dim3A_299], %mul3A_297 : memref<256x64xf32, #tpu.memory_space<vmem>>[vector<16xi32>, vector<16xi32>], vector<16xf32>,
        %mul3A_300 = arith.mulf %mul3A_186, %mul3A_235 : vector<16xf32>
        %broadcast_in_dim3A_301 = arith.constant 21 : i32
        %broadcast_in_dim3A_302 = vector.broadcast %broadcast_in_dim3A_301 : i32 to vector<16xi32>
        tpu.vector_store_idx %arg9[%add3A_244, %broadcast_in_dim3A_302], %mul3A_300 : memref<256x64xf32, #tpu.memory_space<vmem>>[vector<16xi32>, vector<16xi32>], vector<16xf32>,
        %mul3A_303 = arith.mulf %mul3A_186, %mul3A_236 : vector<16xf32>
        %broadcast_in_dim3A_304 = arith.constant 22 : i32
        %broadcast_in_dim3A_305 = vector.broadcast %broadcast_in_dim3A_304 : i32 to vector<16xi32>
        tpu.vector_store_idx %arg9[%add3A_244, %broadcast_in_dim3A_305], %mul3A_303 : memref<256x64xf32, #tpu.memory_space<vmem>>[vector<16xi32>, vector<16xi32>], vector<16xf32>,
        %mul3A_306 = arith.mulf %mul3A_187, %mul3A_234 : vector<16xf32>
        %broadcast_in_dim3A_307 = arith.constant 23 : i32
        %broadcast_in_dim3A_308 = vector.broadcast %broadcast_in_dim3A_307 : i32 to vector<16xi32>
        tpu.vector_store_idx %arg9[%add3A_244, %broadcast_in_dim3A_308], %mul3A_306 : memref<256x64xf32, #tpu.memory_space<vmem>>[vector<16xi32>, vector<16xi32>], vector<16xf32>,
        %mul3A_309 = arith.mulf %mul3A_187, %mul3A_235 : vector<16xf32>
        %broadcast_in_dim3A_310 = arith.constant 24 : i32
        %broadcast_in_dim3A_311 = vector.broadcast %broadcast_in_dim3A_310 : i32 to vector<16xi32>
        tpu.vector_store_idx %arg9[%add3A_244, %broadcast_in_dim3A_311], %mul3A_309 : memref<256x64xf32, #tpu.memory_space<vmem>>[vector<16xi32>, vector<16xi32>], vector<16xf32>,
        %mul3A_312 = arith.mulf %mul3A_187, %mul3A_236 : vector<16xf32>
        %broadcast_in_dim3A_313 = arith.constant 25 : i32
        %broadcast_in_dim3A_314 = vector.broadcast %broadcast_in_dim3A_313 : i32 to vector<16xi32>
        tpu.vector_store_idx %arg9[%add3A_244, %broadcast_in_dim3A_314], %mul3A_312 : memref<256x64xf32, #tpu.memory_space<vmem>>[vector<16xi32>, vector<16xi32>], vector<16xf32>,
        %mul3A_315 = arith.mulf %mul3A_188, %mul3A_234 : vector<16xf32>
        %broadcast_in_dim3A_316 = arith.constant 26 : i32
        %broadcast_in_dim3A_317 = vector.broadcast %broadcast_in_dim3A_316 : i32 to vector<16xi32>
        tpu.vector_store_idx %arg9[%add3A_244, %broadcast_in_dim3A_317], %mul3A_315 : memref<256x64xf32, #tpu.memory_space<vmem>>[vector<16xi32>, vector<16xi32>], vector<16xf32>,
        %mul3A_318 = arith.mulf %mul3A_188, %mul3A_235 : vector<16xf32>
        %broadcast_in_dim3A_319 = arith.constant 27 : i32
        %broadcast_in_dim3A_320 = vector.broadcast %broadcast_in_dim3A_319 : i32 to vector<16xi32>
        tpu.vector_store_idx %arg9[%add3A_244, %broadcast_in_dim3A_320], %mul3A_318 : memref<256x64xf32, #tpu.memory_space<vmem>>[vector<16xi32>, vector<16xi32>], vector<16xf32>,
        %mul3A_321 = arith.mulf %mul3A_188, %mul3A_236 : vector<16xf32>
        %broadcast_in_dim3A_322 = arith.constant 28 : i32
        %broadcast_in_dim3A_323 = vector.broadcast %broadcast_in_dim3A_322 : i32 to vector<16xi32>
        tpu.vector_store_idx %arg9[%add3A_244, %broadcast_in_dim3A_323], %mul3A_321 : memref<256x64xf32, #tpu.memory_space<vmem>>[vector<16xi32>, vector<16xi32>], vector<16xf32>,
        %mul3A_324 = arith.mulf %mul3A_189, %mul3A_234 : vector<16xf32>
        %broadcast_in_dim3A_325 = arith.constant 29 : i32
        %broadcast_in_dim3A_326 = vector.broadcast %broadcast_in_dim3A_325 : i32 to vector<16xi32>
        tpu.vector_store_idx %arg9[%add3A_244, %broadcast_in_dim3A_326], %mul3A_324 : memref<256x64xf32, #tpu.memory_space<vmem>>[vector<16xi32>, vector<16xi32>], vector<16xf32>,
        %mul3A_327 = arith.mulf %mul3A_189, %mul3A_235 : vector<16xf32>
        %broadcast_in_dim3A_328 = arith.constant 30 : i32
        %broadcast_in_dim3A_329 = vector.broadcast %broadcast_in_dim3A_328 : i32 to vector<16xi32>
        tpu.vector_store_idx %arg9[%add3A_244, %broadcast_in_dim3A_329], %mul3A_327 : memref<256x64xf32, #tpu.memory_space<vmem>>[vector<16xi32>, vector<16xi32>], vector<16xf32>,
        %mul3A_330 = arith.mulf %mul3A_189, %mul3A_236 : vector<16xf32>
        %broadcast_in_dim3A_331 = arith.constant 31 : i32
        %broadcast_in_dim3A_332 = vector.broadcast %broadcast_in_dim3A_331 : i32 to vector<16xi32>
        tpu.vector_store_idx %arg9[%add3A_244, %broadcast_in_dim3A_332], %mul3A_330 : memref<256x64xf32, #tpu.memory_space<vmem>>[vector<16xi32>, vector<16xi32>], vector<16xf32>,
        %mul3A_333 = arith.mulf %max3A_83, %mul3A_237 : vector<16xf32>
        %broadcast_in_dim3A_334 = arith.constant 32 : i32
        %broadcast_in_dim3A_335 = vector.broadcast %broadcast_in_dim3A_334 : i32 to vector<16xi32>
        tpu.vector_store_idx %arg9[%add3A_244, %broadcast_in_dim3A_335], %mul3A_333 : memref<256x64xf32, #tpu.memory_space<vmem>>[vector<16xi32>, vector<16xi32>], vector<16xf32>,
        %mul3A_336 = arith.mulf %max3A_83, %mul3A_238 : vector<16xf32>
        %broadcast_in_dim3A_337 = arith.constant 33 : i32
        %broadcast_in_dim3A_338 = vector.broadcast %broadcast_in_dim3A_337 : i32 to vector<16xi32>
        tpu.vector_store_idx %arg9[%add3A_244, %broadcast_in_dim3A_338], %mul3A_336 : memref<256x64xf32, #tpu.memory_space<vmem>>[vector<16xi32>, vector<16xi32>], vector<16xf32>,
        %mul3A_339 = arith.mulf %max3A_83, %mul3A_239 : vector<16xf32>
        %broadcast_in_dim3A_340 = arith.constant 34 : i32
        %broadcast_in_dim3A_341 = vector.broadcast %broadcast_in_dim3A_340 : i32 to vector<16xi32>
        tpu.vector_store_idx %arg9[%add3A_244, %broadcast_in_dim3A_341], %mul3A_339 : memref<256x64xf32, #tpu.memory_space<vmem>>[vector<16xi32>, vector<16xi32>], vector<16xf32>,
        %mul3A_342 = arith.mulf %max3A_83, %mul3A_238 : vector<16xf32>
        %broadcast_in_dim3A_343 = arith.constant 35 : i32
        %broadcast_in_dim3A_344 = vector.broadcast %broadcast_in_dim3A_343 : i32 to vector<16xi32>
        tpu.vector_store_idx %arg9[%add3A_244, %broadcast_in_dim3A_344], %mul3A_342 : memref<256x64xf32, #tpu.memory_space<vmem>>[vector<16xi32>, vector<16xi32>], vector<16xf32>,
        %mul3A_345 = arith.mulf %max3A_83, %mul3A_240 : vector<16xf32>
        %broadcast_in_dim3A_346 = arith.constant 36 : i32
        %broadcast_in_dim3A_347 = vector.broadcast %broadcast_in_dim3A_346 : i32 to vector<16xi32>
        tpu.vector_store_idx %arg9[%add3A_244, %broadcast_in_dim3A_347], %mul3A_345 : memref<256x64xf32, #tpu.memory_space<vmem>>[vector<16xi32>, vector<16xi32>], vector<16xf32>,
        %mul3A_348 = arith.mulf %max3A_83, %mul3A_241 : vector<16xf32>
        %broadcast_in_dim3A_349 = arith.constant 37 : i32
        %broadcast_in_dim3A_350 = vector.broadcast %broadcast_in_dim3A_349 : i32 to vector<16xi32>
        tpu.vector_store_idx %arg9[%add3A_244, %broadcast_in_dim3A_350], %mul3A_348 : memref<256x64xf32, #tpu.memory_space<vmem>>[vector<16xi32>, vector<16xi32>], vector<16xf32>,
        %mul3A_351 = arith.mulf %max3A_83, %mul3A_239 : vector<16xf32>
        %broadcast_in_dim3A_352 = arith.constant 38 : i32
        %broadcast_in_dim3A_353 = vector.broadcast %broadcast_in_dim3A_352 : i32 to vector<16xi32>
        tpu.vector_store_idx %arg9[%add3A_244, %broadcast_in_dim3A_353], %mul3A_351 : memref<256x64xf32, #tpu.memory_space<vmem>>[vector<16xi32>, vector<16xi32>], vector<16xf32>,
        %mul3A_354 = arith.mulf %max3A_83, %mul3A_241 : vector<16xf32>
        %broadcast_in_dim3A_355 = arith.constant 39 : i32
        %broadcast_in_dim3A_356 = vector.broadcast %broadcast_in_dim3A_355 : i32 to vector<16xi32>
        tpu.vector_store_idx %arg9[%add3A_244, %broadcast_in_dim3A_356], %mul3A_354 : memref<256x64xf32, #tpu.memory_space<vmem>>[vector<16xi32>, vector<16xi32>], vector<16xf32>,
        %mul3A_357 = arith.mulf %max3A_83, %mul3A_242 : vector<16xf32>
        %broadcast_in_dim3A_358 = arith.constant 40 : i32
        %broadcast_in_dim3A_359 = vector.broadcast %broadcast_in_dim3A_358 : i32 to vector<16xi32>
        tpu.vector_store_idx %arg9[%add3A_244, %broadcast_in_dim3A_359], %mul3A_357 : memref<256x64xf32, #tpu.memory_space<vmem>>[vector<16xi32>, vector<16xi32>], vector<16xf32>,
        %mul3A_360 = arith.mulf %mul3A_183, %mul3A_237 : vector<16xf32>
        %broadcast_in_dim3A_361 = arith.constant 41 : i32
        %broadcast_in_dim3A_362 = vector.broadcast %broadcast_in_dim3A_361 : i32 to vector<16xi32>
        tpu.vector_store_idx %arg9[%add3A_244, %broadcast_in_dim3A_362], %mul3A_360 : memref<256x64xf32, #tpu.memory_space<vmem>>[vector<16xi32>, vector<16xi32>], vector<16xf32>,
        %mul3A_363 = arith.mulf %mul3A_183, %mul3A_238 : vector<16xf32>
        %broadcast_in_dim3A_364 = arith.constant 42 : i32
        %broadcast_in_dim3A_365 = vector.broadcast %broadcast_in_dim3A_364 : i32 to vector<16xi32>
        tpu.vector_store_idx %arg9[%add3A_244, %broadcast_in_dim3A_365], %mul3A_363 : memref<256x64xf32, #tpu.memory_space<vmem>>[vector<16xi32>, vector<16xi32>], vector<16xf32>,
        %mul3A_366 = arith.mulf %mul3A_183, %mul3A_239 : vector<16xf32>
        %broadcast_in_dim3A_367 = arith.constant 43 : i32
        %broadcast_in_dim3A_368 = vector.broadcast %broadcast_in_dim3A_367 : i32 to vector<16xi32>
        tpu.vector_store_idx %arg9[%add3A_244, %broadcast_in_dim3A_368], %mul3A_366 : memref<256x64xf32, #tpu.memory_space<vmem>>[vector<16xi32>, vector<16xi32>], vector<16xf32>,
        %mul3A_369 = arith.mulf %mul3A_183, %mul3A_238 : vector<16xf32>
        %broadcast_in_dim3A_370 = arith.constant 44 : i32
        %broadcast_in_dim3A_371 = vector.broadcast %broadcast_in_dim3A_370 : i32 to vector<16xi32>
        tpu.vector_store_idx %arg9[%add3A_244, %broadcast_in_dim3A_371], %mul3A_369 : memref<256x64xf32, #tpu.memory_space<vmem>>[vector<16xi32>, vector<16xi32>], vector<16xf32>,
        %mul3A_372 = arith.mulf %mul3A_183, %mul3A_240 : vector<16xf32>
        %broadcast_in_dim3A_373 = arith.constant 45 : i32
        %broadcast_in_dim3A_374 = vector.broadcast %broadcast_in_dim3A_373 : i32 to vector<16xi32>
        tpu.vector_store_idx %arg9[%add3A_244, %broadcast_in_dim3A_374], %mul3A_372 : memref<256x64xf32, #tpu.memory_space<vmem>>[vector<16xi32>, vector<16xi32>], vector<16xf32>,
        %mul3A_375 = arith.mulf %mul3A_183, %mul3A_241 : vector<16xf32>
        %broadcast_in_dim3A_376 = arith.constant 46 : i32
        %broadcast_in_dim3A_377 = vector.broadcast %broadcast_in_dim3A_376 : i32 to vector<16xi32>
        tpu.vector_store_idx %arg9[%add3A_244, %broadcast_in_dim3A_377], %mul3A_375 : memref<256x64xf32, #tpu.memory_space<vmem>>[vector<16xi32>, vector<16xi32>], vector<16xf32>,
        %mul3A_378 = arith.mulf %mul3A_183, %mul3A_239 : vector<16xf32>
        %broadcast_in_dim3A_379 = arith.constant 47 : i32
        %broadcast_in_dim3A_380 = vector.broadcast %broadcast_in_dim3A_379 : i32 to vector<16xi32>
        tpu.vector_store_idx %arg9[%add3A_244, %broadcast_in_dim3A_380], %mul3A_378 : memref<256x64xf32, #tpu.memory_space<vmem>>[vector<16xi32>, vector<16xi32>], vector<16xf32>,
        %mul3A_381 = arith.mulf %mul3A_183, %mul3A_241 : vector<16xf32>
        %broadcast_in_dim3A_382 = arith.constant 48 : i32
        %broadcast_in_dim3A_383 = vector.broadcast %broadcast_in_dim3A_382 : i32 to vector<16xi32>
        tpu.vector_store_idx %arg9[%add3A_244, %broadcast_in_dim3A_383], %mul3A_381 : memref<256x64xf32, #tpu.memory_space<vmem>>[vector<16xi32>, vector<16xi32>], vector<16xf32>,
        %mul3A_384 = arith.mulf %mul3A_183, %mul3A_242 : vector<16xf32>
        %broadcast_in_dim3A_385 = arith.constant 49 : i32
        %broadcast_in_dim3A_386 = vector.broadcast %broadcast_in_dim3A_385 : i32 to vector<16xi32>
        tpu.vector_store_idx %arg9[%add3A_244, %broadcast_in_dim3A_386], %mul3A_384 : memref<256x64xf32, #tpu.memory_space<vmem>>[vector<16xi32>, vector<16xi32>], vector<16xf32>,
        %mul3A_387 = arith.mulf %mul3A_184, %mul3A_237 : vector<16xf32>
        %broadcast_in_dim3A_388 = arith.constant 50 : i32
        %broadcast_in_dim3A_389 = vector.broadcast %broadcast_in_dim3A_388 : i32 to vector<16xi32>
        tpu.vector_store_idx %arg9[%add3A_244, %broadcast_in_dim3A_389], %mul3A_387 : memref<256x64xf32, #tpu.memory_space<vmem>>[vector<16xi32>, vector<16xi32>], vector<16xf32>,
        %mul3A_390 = arith.mulf %mul3A_184, %mul3A_238 : vector<16xf32>
        %broadcast_in_dim3A_391 = arith.constant 51 : i32
        %broadcast_in_dim3A_392 = vector.broadcast %broadcast_in_dim3A_391 : i32 to vector<16xi32>
        tpu.vector_store_idx %arg9[%add3A_244, %broadcast_in_dim3A_392], %mul3A_390 : memref<256x64xf32, #tpu.memory_space<vmem>>[vector<16xi32>, vector<16xi32>], vector<16xf32>,
        %scan3A_393 = arith.constant 0 : i32
        scf.yield %scan3A_393 : i32
      }
      %scan3A_39 = arith.constant 8 : i32
      %run_scoped3A = arith.constant 0 : i32
      "tpu.region"() ({
        %run_scoped3A_42 = tpu.sem_alloc : memref<!tpu.dma_semaphore, #tpu.memory_space<semaphore_mem>>
        %dma_start3A = arith.constant 0 : i32
        %dma_start3A_43 = arith.constant 0 : i32
        %dma_start3A_44 = tpu.memref_slice %arg9[%dma_start3A, %dma_start3A_43] : memref<256x64xf32, #tpu.memory_space<vmem>> -> memref<128x64xf32, #tpu.memory_space<vmem>>
        %dma_start3A_45 = arith.constant 0 : i32
        %dma_start3A_46 = tpu.memref_slice %arg8[%run_scoped3A, %dma_start3A_45] : memref<2x128xi32, #tpu.memory_space<vmem>> -> memref<1x128xi32, #tpu.memory_space<vmem>>
        %dma_start3A_47 = tpu.memref_squeeze %dma_start3A_46 : memref<1x128xi32, #tpu.memory_space<vmem>> -> memref<128xi32, #tpu.memory_space<vmem>>
        %dma_start3A_48 = arith.constant 0 : i32
        %dma_start3A_49 = arith.constant 0 : i32
        %dma_start3A_50 = tpu.memref_slice %arg10[%dma_start3A_48, %dma_start3A_49] : memref<25104x64xf32, #tpu.memory_space<vmem_shared>> -> memref<25104x64xf32, #tpu.memory_space<vmem_shared>>
        tpu.enqueue_indirect_dma source(%dma_start3A_44 : memref<128x64xf32, #tpu.memory_space<vmem>>) target(%dma_start3A_50 : memref<25104x64xf32, #tpu.memory_space<vmem_shared>>) offsets(%dma_start3A_47 : memref<128xi32, #tpu.memory_space<vmem>>) semaphore(%run_scoped3A_42 : memref<!tpu.dma_semaphore, #tpu.memory_space<semaphore_mem>>) {add = true}
        %dma_wait3A = arith.constant 0 : i32
        %dma_wait3A_51 = arith.constant 0 : i32
        %dma_wait3A_52 = tpu.memref_slice %arg9[%dma_wait3A, %dma_wait3A_51] : memref<256x64xf32, #tpu.memory_space<vmem>> -> memref<128x64xf32, #tpu.memory_space<vmem>>
        %dma_wait3A_53 = arith.constant 0 : i32
        %dma_wait3A_54 = tpu.memref_slice %arg8[%run_scoped3A, %dma_wait3A_53] : memref<2x128xi32, #tpu.memory_space<vmem>> -> memref<1x128xi32, #tpu.memory_space<vmem>>
        %dma_wait3A_55 = tpu.memref_squeeze %dma_wait3A_54 : memref<1x128xi32, #tpu.memory_space<vmem>> -> memref<128xi32, #tpu.memory_space<vmem>>
        %dma_wait3A_56 = arith.constant 0 : i32
        %dma_wait3A_57 = arith.constant 0 : i32
        %dma_wait3A_58 = tpu.memref_slice %arg10[%dma_wait3A_56, %dma_wait3A_57] : memref<25104x64xf32, #tpu.memory_space<vmem_shared>> -> memref<25104x64xf32, #tpu.memory_space<vmem_shared>>
        tpu.wait_indirect_dma semaphore(%run_scoped3A_42 : memref<!tpu.dma_semaphore, #tpu.memory_space<semaphore_mem>>) src(%dma_wait3A_52 : memref<128x64xf32, #tpu.memory_space<vmem>>) dst(%dma_wait3A_58 : memref<25104x64xf32, #tpu.memory_space<vmem_shared>>)
        tpu.yield
      }) : () -> ()
      %run_scoped3A_40 = arith.constant 1 : i32
      "tpu.region"() ({
        %run_scoped3A_42 = tpu.sem_alloc : memref<!tpu.dma_semaphore, #tpu.memory_space<semaphore_mem>>
        %dma_start3A = arith.constant 128 : i32
        %dma_start3A_43 = arith.constant 0 : i32
        %dma_start3A_44 = tpu.memref_slice %arg9[%dma_start3A, %dma_start3A_43] : memref<256x64xf32, #tpu.memory_space<vmem>> -> memref<128x64xf32, #tpu.memory_space<vmem>>
        %dma_start3A_45 = arith.constant 0 : i32
        %dma_start3A_46 = tpu.memref_slice %arg8[%run_scoped3A_40, %dma_start3A_45] : memref<2x128xi32, #tpu.memory_space<vmem>> -> memref<1x128xi32, #tpu.memory_space<vmem>>
        %dma_start3A_47 = tpu.memref_squeeze %dma_start3A_46 : memref<1x128xi32, #tpu.memory_space<vmem>> -> memref<128xi32, #tpu.memory_space<vmem>>
        %dma_start3A_48 = arith.constant 0 : i32
        %dma_start3A_49 = arith.constant 0 : i32
        %dma_start3A_50 = tpu.memref_slice %arg10[%dma_start3A_48, %dma_start3A_49] : memref<25104x64xf32, #tpu.memory_space<vmem_shared>> -> memref<25104x64xf32, #tpu.memory_space<vmem_shared>>
        tpu.enqueue_indirect_dma source(%dma_start3A_44 : memref<128x64xf32, #tpu.memory_space<vmem>>) target(%dma_start3A_50 : memref<25104x64xf32, #tpu.memory_space<vmem_shared>>) offsets(%dma_start3A_47 : memref<128xi32, #tpu.memory_space<vmem>>) semaphore(%run_scoped3A_42 : memref<!tpu.dma_semaphore, #tpu.memory_space<semaphore_mem>>) {add = true}
        %dma_wait3A = arith.constant 128 : i32
        %dma_wait3A_51 = arith.constant 0 : i32
        %dma_wait3A_52 = tpu.memref_slice %arg9[%dma_wait3A, %dma_wait3A_51] : memref<256x64xf32, #tpu.memory_space<vmem>> -> memref<128x64xf32, #tpu.memory_space<vmem>>
        %dma_wait3A_53 = arith.constant 0 : i32
        %dma_wait3A_54 = tpu.memref_slice %arg8[%run_scoped3A_40, %dma_wait3A_53] : memref<2x128xi32, #tpu.memory_space<vmem>> -> memref<1x128xi32, #tpu.memory_space<vmem>>
        %dma_wait3A_55 = tpu.memref_squeeze %dma_wait3A_54 : memref<1x128xi32, #tpu.memory_space<vmem>> -> memref<128xi32, #tpu.memory_space<vmem>>
        %dma_wait3A_56 = arith.constant 0 : i32
        %dma_wait3A_57 = arith.constant 0 : i32
        %dma_wait3A_58 = tpu.memref_slice %arg10[%dma_wait3A_56, %dma_wait3A_57] : memref<25104x64xf32, #tpu.memory_space<vmem_shared>> -> memref<25104x64xf32, #tpu.memory_space<vmem_shared>>
        tpu.wait_indirect_dma semaphore(%run_scoped3A_42 : memref<!tpu.dma_semaphore, #tpu.memory_space<semaphore_mem>>) src(%dma_wait3A_52 : memref<128x64xf32, #tpu.memory_space<vmem>>) dst(%dma_wait3A_58 : memref<25104x64xf32, #tpu.memory_space<vmem_shared>>)
        tpu.yield
      }) : () -> ()
      %scan3A_41 = arith.constant 0 : i32
      scf.yield %scan3A_41 : i32
    }
    %scan3A_11 = arith.constant 196 : i32
    %barrier3A_12 = arith.constant 0 : index
    tpu.barrier barrier_id(%barrier3A_12)
    %mul3A_13 = arith.constant 1568 : i32
    %mul3A_14 = arith.muli %arg1, %mul3A_13 : i32
    %mul3A_15 = arith.constant 1568 : i32
    %mul3A_16 = arith.muli %arg1, %mul3A_15 : i32
    %add3A = arith.addi %mul3A_0, %mul3A_16 : i32
    "tpu.region"() ({
      %run_scoped3A = tpu.sem_alloc : memref<!tpu.dma_semaphore, #tpu.memory_space<semaphore_mem>>
      %dma_start3A = arith.constant 0 : i32
      %dma_start3A_17 = tpu.memref_slice %arg5[%add3A, %dma_start3A] : memref<50176x64xf32, #tpu.memory_space<hbm>> -> memref<1568x64xf32, #tpu.memory_space<hbm>>
      %dma_start3A_18 = arith.constant 0 : i32
      %dma_start3A_19 = tpu.memref_slice %arg10[%mul3A_14, %dma_start3A_18] : memref<25104x64xf32, #tpu.memory_space<vmem_shared>> -> memref<1568x64xf32, #tpu.memory_space<vmem_shared>>
      tpu.enqueue_dma source(%dma_start3A_19 : memref<1568x64xf32, #tpu.memory_space<vmem_shared>>) target(%dma_start3A_17 : memref<1568x64xf32, #tpu.memory_space<hbm>>) target_semaphore(%run_scoped3A : memref<!tpu.dma_semaphore, #tpu.memory_space<semaphore_mem>>)
      %dma_wait3A = arith.constant 0 : i32
      %dma_wait3A_20 = tpu.memref_slice %arg5[%add3A, %dma_wait3A] : memref<50176x64xf32, #tpu.memory_space<hbm>> -> memref<1568x64xf32, #tpu.memory_space<hbm>>
      %dma_wait3A_21 = arith.constant 0 : i32
      %dma_wait3A_22 = tpu.memref_slice %arg10[%mul3A_14, %dma_wait3A_21] : memref<25104x64xf32, #tpu.memory_space<vmem_shared>> -> memref<1568x64xf32, #tpu.memory_space<vmem_shared>>
      tpu.wait_dma2 semaphore(%run_scoped3A : memref<!tpu.dma_semaphore, #tpu.memory_space<semaphore_mem>>) src(%dma_wait3A_22 : memref<1568x64xf32, #tpu.memory_space<vmem_shared>>) dst(%dma_wait3A_20 : memref<1568x64xf32, #tpu.memory_space<hbm>>)
      tpu.yield
    }) : () -> ()
    return
  }
}

#map = affine_map<(d0, d1) -> (0)>
#map1 = affine_map<(d0, d1) -> (0, 0)>
module attributes {stable_mosaic.version = 14 : i64} {
  func.func @body(%arg0: i32, %arg1: i32, %arg2: memref<802816xi32, #tpu.memory_space<hbm>>, %arg3: memref<2408448xf32, #tpu.memory_space<hbm>>, %arg4: memref<1569x64xf32, #tpu.memory_space<hbm>>, %arg5: memref<50176x64xf32, #tpu.memory_space<hbm>>, %arg6: memref<256xi32, #tpu.memory_space<vmem>>, %arg7: memref<768xf32, #tpu.memory_space<vmem>>, %arg8: memref<2x128xi32, #tpu.memory_space<vmem>>, %arg9: memref<256x64xf32, #tpu.memory_space<vmem>>, %arg10: memref<25104x64xf32, #tpu.memory_space<vmem_shared>>) attributes {dimension_semantics = [#tpu.dimension_semantics<core_parallel>, #tpu.dimension_semantics<subcore_parallel>], iteration_bounds = array<i64: 2, 16>, scalar_prefetch = 0 : i64, scratch_operands = 5 : i64, tpu.core_type = #tpu.core_type<sc_vector_subcore>, window_params = [{transform_indices = #map}, {transform_indices = #map}, {transform_indices = #map1}, {transform_indices = #map1}]} {
    %mul3A = arith.constant 25088 : i32
    %mul3A_0 = arith.muli %arg0, %mul3A : i32
    %mul3A_1 = arith.constant 1569 : i32
    %mul3A_2 = arith.muli %arg1, %mul3A_1 : i32
    "tpu.region"() ({
      %run_scoped3A = tpu.sem_alloc : memref<!tpu.dma_semaphore, #tpu.memory_space<semaphore_mem>>
      %dma_start3A = arith.constant 0 : i32
      %dma_start3A_17 = tpu.memref_slice %arg10[%mul3A_2, %dma_start3A] : memref<25104x64xf32, #tpu.memory_space<vmem_shared>> -> memref<1569x64xf32, #tpu.memory_space<vmem_shared>>
      tpu.enqueue_dma source(%arg4 : memref<1569x64xf32, #tpu.memory_space<hbm>>) target(%dma_start3A_17 : memref<1569x64xf32, #tpu.memory_space<vmem_shared>>) target_semaphore(%run_scoped3A : memref<!tpu.dma_semaphore, #tpu.memory_space<semaphore_mem>>)
      %dma_wait3A = arith.constant 0 : i32
      %dma_wait3A_18 = tpu.memref_slice %arg10[%mul3A_2, %dma_wait3A] : memref<25104x64xf32, #tpu.memory_space<vmem_shared>> -> memref<1569x64xf32, #tpu.memory_space<vmem_shared>>
      tpu.wait_dma2 semaphore(%run_scoped3A : memref<!tpu.dma_semaphore, #tpu.memory_space<semaphore_mem>>) src(%arg4 : memref<1569x64xf32, #tpu.memory_space<hbm>>) dst(%dma_wait3A_18 : memref<1569x64xf32, #tpu.memory_space<vmem_shared>>)
      tpu.yield
    }) : () -> ()
    "tpu.region"() ({
      %run_scoped3A = tpu.sem_alloc : memref<!tpu.dma_semaphore, #tpu.memory_space<semaphore_mem>>
      %dma_start3A = arith.constant 0 : i32
      %dma_start3A_17 = arith.constant 0 : i32
      %dma_start3A_18 = tpu.memref_slice %arg4[%dma_start3A, %dma_start3A_17] : memref<1569x64xf32, #tpu.memory_space<hbm>> -> memref<256x64xf32, #tpu.memory_space<hbm>>
      %dma_start3A_19 = arith.constant 0 : i32
      %dma_start3A_20 = arith.constant 0 : i32
      %dma_start3A_21 = tpu.memref_slice %arg4[%dma_start3A_19, %dma_start3A_20] : memref<1569x64xf32, #tpu.memory_space<hbm>> -> memref<256x64xf32, #tpu.memory_space<hbm>>
      tpu.enqueue_dma source(%dma_start3A_21 : memref<256x64xf32, #tpu.memory_space<hbm>>) target(%arg9 : memref<256x64xf32, #tpu.memory_space<vmem>>) target_semaphore(%run_scoped3A : memref<!tpu.dma_semaphore, #tpu.memory_space<semaphore_mem>>)
      %dma_wait3A = arith.constant 0 : i32
      %dma_wait3A_22 = arith.constant 0 : i32
      %dma_wait3A_23 = tpu.memref_slice %arg4[%dma_wait3A, %dma_wait3A_22] : memref<1569x64xf32, #tpu.memory_space<hbm>> -> memref<256x64xf32, #tpu.memory_space<hbm>>
      %dma_wait3A_24 = arith.constant 0 : i32
      %dma_wait3A_25 = arith.constant 0 : i32
      %dma_wait3A_26 = tpu.memref_slice %arg4[%dma_wait3A_24, %dma_wait3A_25] : memref<1569x64xf32, #tpu.memory_space<hbm>> -> memref<256x64xf32, #tpu.memory_space<hbm>>
      tpu.wait_dma2 semaphore(%run_scoped3A : memref<!tpu.dma_semaphore, #tpu.memory_space<semaphore_mem>>) src(%dma_wait3A_26 : memref<256x64xf32, #tpu.memory_space<hbm>>) dst(%arg9 : memref<256x64xf32, #tpu.memory_space<vmem>>)
      tpu.yield
    }) : () -> ()
    %barrier3A = arith.constant 0 : index
    tpu.barrier barrier_id(%barrier3A)
    %iota3A = tpu.iota {dimensions = array<i32: 0>} : vector<16xi32>
    %mul3A_3 = arith.constant 3 : i32
    %mul3A_4 = vector.broadcast %mul3A_3 : i32 to vector<16xi32>
    %mul3A_5 = arith.muli %iota3A, %mul3A_4 : vector<16xi32>
    %scan3A = arith.constant 0 : i32
    %scan3A_6 = arith.constant 0 : i32
    %scan3A_7 = arith.constant 196 : i32
    %scan3A_8 = arith.addi %scan3A_6, %scan3A_7 : i32
    %scan3A_9 = arith.constant 1 : i32
    %scan3A_10 = scf.for %scan3A_17 = %scan3A_6 to %scan3A_8 step %scan3A_9 iter_args(%scan3A_18 = %scan3A) -> (i32)  : i32 {
      %mul3A_19 = arith.constant 196 : i32
      %mul3A_20 = arith.muli %arg1, %mul3A_19 : i32
      %add3A_21 = arith.addi %mul3A_20, %scan3A_17 : i32
      %mul3A_22 = arith.constant 256 : i32
      %mul3A_23 = arith.muli %add3A_21, %mul3A_22 : i32
      "tpu.region"() ({
        %run_scoped3A_42 = tpu.sem_alloc : memref<!tpu.dma_semaphore, #tpu.memory_space<semaphore_mem>>
        %dma_start3A = tpu.memref_slice %arg2[%mul3A_23] : memref<802816xi32, #tpu.memory_space<hbm>> -> memref<256xi32, #tpu.memory_space<hbm>>
        %dma_start3A_43 = tpu.memref_slice %arg2[%mul3A_23] : memref<802816xi32, #tpu.memory_space<hbm>> -> memref<256xi32, #tpu.memory_space<hbm>>
        tpu.enqueue_dma source(%dma_start3A_43 : memref<256xi32, #tpu.memory_space<hbm>>) target(%arg6 : memref<256xi32, #tpu.memory_space<vmem>>) target_semaphore(%run_scoped3A_42 : memref<!tpu.dma_semaphore, #tpu.memory_space<semaphore_mem>>)
        %dma_wait3A = tpu.memref_slice %arg2[%mul3A_23] : memref<802816xi32, #tpu.memory_space<hbm>> -> memref<256xi32, #tpu.memory_space<hbm>>
        %dma_wait3A_44 = tpu.memref_slice %arg2[%mul3A_23] : memref<802816xi32, #tpu.memory_space<hbm>> -> memref<256xi32, #tpu.memory_space<hbm>>
        tpu.wait_dma2 semaphore(%run_scoped3A_42 : memref<!tpu.dma_semaphore, #tpu.memory_space<semaphore_mem>>) src(%dma_wait3A_44 : memref<256xi32, #tpu.memory_space<hbm>>) dst(%arg6 : memref<256xi32, #tpu.memory_space<vmem>>)
        tpu.yield
      }) : () -> ()
      %mul3A_24 = arith.constant 3 : i32
      %mul3A_25 = arith.muli %mul3A_23, %mul3A_24 : i32
      "tpu.region"() ({
        %run_scoped3A_42 = tpu.sem_alloc : memref<!tpu.dma_semaphore, #tpu.memory_space<semaphore_mem>>
        %dma_start3A = tpu.memref_slice %arg3[%mul3A_25] : memref<2408448xf32, #tpu.memory_space<hbm>> -> memref<768xf32, #tpu.memory_space<hbm>>
        %dma_start3A_43 = tpu.memref_slice %arg3[%mul3A_25] : memref<2408448xf32, #tpu.memory_space<hbm>> -> memref<768xf32, #tpu.memory_space<hbm>>
        tpu.enqueue_dma source(%dma_start3A_43 : memref<768xf32, #tpu.memory_space<hbm>>) target(%arg7 : memref<768xf32, #tpu.memory_space<vmem>>) target_semaphore(%run_scoped3A_42 : memref<!tpu.dma_semaphore, #tpu.memory_space<semaphore_mem>>)
        %dma_wait3A = tpu.memref_slice %arg3[%mul3A_25] : memref<2408448xf32, #tpu.memory_space<hbm>> -> memref<768xf32, #tpu.memory_space<hbm>>
        %dma_wait3A_44 = tpu.memref_slice %arg3[%mul3A_25] : memref<2408448xf32, #tpu.memory_space<hbm>> -> memref<768xf32, #tpu.memory_space<hbm>>
        tpu.wait_dma2 semaphore(%run_scoped3A_42 : memref<!tpu.dma_semaphore, #tpu.memory_space<semaphore_mem>>) src(%dma_wait3A_44 : memref<768xf32, #tpu.memory_space<hbm>>) dst(%arg7 : memref<768xf32, #tpu.memory_space<vmem>>)
        tpu.yield
      }) : () -> ()
      %scan3A_26 = arith.constant 0 : i32
      %scan3A_27 = arith.constant 0 : i32
      %scan3A_28 = arith.constant 8 : i32
      %scan3A_29 = arith.addi %scan3A_27, %scan3A_28 : i32
      %scan3A_30 = arith.constant 1 : i32
      %scan3A_31 = scf.for %scan3A_42 = %scan3A_27 to %scan3A_29 step %scan3A_30 iter_args(%scan3A_43 = %scan3A_26) -> (i32)  : i32 {
        %mul3A_44 = arith.constant 16 : i32
        %mul3A_45 = arith.muli %scan3A_42, %mul3A_44 : i32
        %add3A_46 = arith.constant 0 : i32
        %add3A_47 = arith.addi %add3A_46, %mul3A_45 : i32
        %get3A = arith.index_cast %add3A_47 : i32 to index
        %get3A_48 = tpu.vector_load %arg6[%get3A] {strides = array<i32>} : memref<256xi32, #tpu.memory_space<vmem>>, vector<16xi32>,
        %sub3A = vector.broadcast %mul3A_0 : i32 to vector<16xi32>
        %sub3A_49 = arith.subi %get3A_48, %sub3A : vector<16xi32>
        %ge3A = arith.constant 0 : i32
        %ge3A_50 = vector.broadcast %ge3A : i32 to vector<16xi32>
        %ge3A_51 = arith.cmpi sge, %sub3A_49, %ge3A_50 : vector<16xi32>
        %lt3A = arith.constant 25088 : i32
        %lt3A_52 = vector.broadcast %lt3A : i32 to vector<16xi32>
        %lt3A_53 = arith.cmpi slt, %sub3A_49, %lt3A_52 : vector<16xi32>
        %and3A = arith.andi %ge3A_51, %lt3A_53 : vector<16xi1>
        %jit3A = arith.constant 25088 : i32
        %broadcast_in_dim3A = vector.broadcast %jit3A : i32 to vector<16xi32>
        %select_n3A = arith.select %and3A, %sub3A_49, %broadcast_in_dim3A : vector<16xi1>, vector<16xi32>
        %mul3A_54 = arith.constant 16 : i32
        %mul3A_55 = arith.muli %scan3A_42, %mul3A_54 : i32
        %swap3A = arith.constant 0 : i32
        %swap3A_56 = arith.index_cast %swap3A : i32 to index
        %swap3A_57 = arith.index_cast %mul3A_55 : i32 to index
        %swap3A_58 = tpu.vector_load %arg8[%swap3A_56, %swap3A_57] {strides = array<i32>} : memref<2x128xi32, #tpu.memory_space<vmem>>, vector<16xi32>,
        tpu.vector_store %arg8[%swap3A_56, %swap3A_57], %select_n3A {strides = array<i32>} : memref<2x128xi32, #tpu.memory_space<vmem>>, vector<16xi32>,
        %mul3A_59 = arith.constant 3 : i32
        %mul3A_60 = arith.muli %add3A_47, %mul3A_59 : i32
        %add3A_61 = vector.broadcast %mul3A_60 : i32 to vector<16xi32>
        %add3A_62 = arith.addi %mul3A_5, %add3A_61 : vector<16xi32>
        %gather3A = tpu.vector_load_idx %arg7[%add3A_62] : memref<768xf32, #tpu.memory_space<vmem>>[vector<16xi32>], vector<16xf32>,
        %add3A_63 = arith.constant 1 : i32
        %add3A_64 = vector.broadcast %add3A_63 : i32 to vector<16xi32>
        %add3A_65 = arith.addi %add3A_62, %add3A_64 : vector<16xi32>
        %gather3A_66 = tpu.vector_load_idx %arg7[%add3A_65] : memref<768xf32, #tpu.memory_space<vmem>>[vector<16xi32>], vector<16xf32>,
        %add3A_67 = arith.constant 2 : i32
        %add3A_68 = vector.broadcast %add3A_67 : i32 to vector<16xi32>
        %add3A_69 = arith.addi %add3A_62, %add3A_68 : vector<16xi32>
        %gather3A_70 = tpu.vector_load_idx %arg7[%add3A_69] : memref<768xf32, #tpu.memory_space<vmem>>[vector<16xi32>], vector<16xf32>,
        %mul3A_71 = arith.mulf %gather3A, %gather3A : vector<16xf32>
        %mul3A_72 = arith.mulf %gather3A_66, %gather3A_66 : vector<16xf32>
        %add3A_73 = arith.addf %mul3A_71, %mul3A_72 : vector<16xf32>
        %mul3A_74 = arith.mulf %gather3A_70, %gather3A_70 : vector<16xf32>
        %add3A_75 = arith.addf %add3A_73, %mul3A_74 : vector<16xf32>
        %mul3A_76 = arith.constant 2.000000e-01 : f32
        %mul3A_77 = vector.broadcast %mul3A_76 : f32 to vector<16xf32>
        %mul3A_78 = arith.mulf %add3A_75, %mul3A_77 : vector<16xf32>
        %sub3A_79 = arith.constant 1.000000e+00 : f32
        %sub3A_80 = vector.broadcast %sub3A_79 : f32 to vector<16xf32>
        %sub3A_81 = arith.subf %sub3A_80, %mul3A_78 : vector<16xf32>
        %max3A = arith.constant 0.000000e+00 : f32
        %max3A_82 = vector.broadcast %max3A : f32 to vector<16xf32>
        %max3A_83 = arith.maximumf %sub3A_81, %max3A_82 : vector<16xf32>
        %min3A = arith.constant 1.000000e+00 : f32
        %min3A_84 = vector.broadcast %min3A : f32 to vector<16xf32>
        %min3A_85 = arith.minimumf %mul3A_78, %min3A_84 : vector<16xf32>
        %max3A_86 = arith.constant 9.99999996E-13 : f32
        %max3A_87 = vector.broadcast %max3A_86 : f32 to vector<16xf32>
        %max3A_88 = arith.maximumf %min3A_85, %max3A_87 : vector<16xf32>
        %bitcast3A = vector.bitcast %max3A_88 : vector<16xf32> to vector<16xi32>
        %shift_right_logical3A = arith.constant 1 : i32
        %shift_right_logical3A_89 = vector.broadcast %shift_right_logical3A : i32 to vector<16xi32>
        %shift_right_logical3A_90 = arith.shrui %bitcast3A, %shift_right_logical3A_89 : vector<16xi32>
        %sub3A_91 = arith.constant 1597463007 : i32
        %sub3A_92 = vector.broadcast %sub3A_91 : i32 to vector<16xi32>
        %sub3A_93 = arith.subi %sub3A_92, %shift_right_logical3A_90 : vector<16xi32>
        %bitcast3A_94 = vector.bitcast %sub3A_93 : vector<16xi32> to vector<16xf32>
        %mul3A_95 = arith.constant 5.000000e-01 : f32
        %mul3A_96 = vector.broadcast %mul3A_95 : f32 to vector<16xf32>
        %mul3A_97 = arith.mulf %mul3A_96, %max3A_88 : vector<16xf32>
        %mul3A_98 = arith.mulf %mul3A_97, %bitcast3A_94 : vector<16xf32>
        %mul3A_99 = arith.mulf %mul3A_98, %bitcast3A_94 : vector<16xf32>
        %sub3A_100 = arith.constant 1.500000e+00 : f32
        %sub3A_101 = vector.broadcast %sub3A_100 : f32 to vector<16xf32>
        %sub3A_102 = arith.subf %sub3A_101, %mul3A_99 : vector<16xf32>
        %mul3A_103 = arith.mulf %bitcast3A_94, %sub3A_102 : vector<16xf32>
        %mul3A_104 = arith.constant 5.000000e-01 : f32
        %mul3A_105 = vector.broadcast %mul3A_104 : f32 to vector<16xf32>
        %mul3A_106 = arith.mulf %mul3A_105, %max3A_88 : vector<16xf32>
        %mul3A_107 = arith.mulf %mul3A_106, %mul3A_103 : vector<16xf32>
        %mul3A_108 = arith.mulf %mul3A_107, %mul3A_103 : vector<16xf32>
        %sub3A_109 = arith.constant 1.500000e+00 : f32
        %sub3A_110 = vector.broadcast %sub3A_109 : f32 to vector<16xf32>
        %sub3A_111 = arith.subf %sub3A_110, %mul3A_108 : vector<16xf32>
        %mul3A_112 = arith.mulf %mul3A_103, %sub3A_111 : vector<16xf32>
        %mul3A_113 = arith.constant 5.000000e-01 : f32
        %mul3A_114 = vector.broadcast %mul3A_113 : f32 to vector<16xf32>
        %mul3A_115 = arith.mulf %mul3A_114, %max3A_88 : vector<16xf32>
        %mul3A_116 = arith.mulf %mul3A_115, %mul3A_112 : vector<16xf32>
        %mul3A_117 = arith.mulf %mul3A_116, %mul3A_112 : vector<16xf32>
        %sub3A_118 = arith.constant 1.500000e+00 : f32
        %sub3A_119 = vector.broadcast %sub3A_118 : f32 to vector<16xf32>
        %sub3A_120 = arith.subf %sub3A_119, %mul3A_117 : vector<16xf32>
        %mul3A_121 = arith.mulf %mul3A_112, %sub3A_120 : vector<16xf32>
        %mul3A_122 = arith.mulf %max3A_88, %mul3A_121 : vector<16xf32>
        %sub3A_123 = arith.constant 5.000000e-01 : f32
        %sub3A_124 = vector.broadcast %sub3A_123 : f32 to vector<16xf32>
        %sub3A_125 = arith.subf %mul3A_122, %sub3A_124 : vector<16xf32>
        %mul3A_126 = arith.constant 3.14159274 : f32
        %mul3A_127 = vector.broadcast %mul3A_126 : f32 to vector<16xf32>
        %mul3A_128 = arith.mulf %mul3A_127, %sub3A_125 : vector<16xf32>
        %mul3A_129 = arith.mulf %mul3A_128, %mul3A_128 : vector<16xf32>
        %mul3A_130 = arith.constant 2.75573188E-6 : f32
        %mul3A_131 = vector.broadcast %mul3A_130 : f32 to vector<16xf32>
        %mul3A_132 = arith.mulf %mul3A_129, %mul3A_131 : vector<16xf32>
        %add3A_133 = arith.constant -1.98412701E-4 : f32
        %add3A_134 = vector.broadcast %add3A_133 : f32 to vector<16xf32>
        %add3A_135 = arith.addf %add3A_134, %mul3A_132 : vector<16xf32>
        %mul3A_136 = arith.mulf %mul3A_129, %add3A_135 : vector<16xf32>
        %add3A_137 = arith.constant 0.00833333377 : f32
        %add3A_138 = vector.broadcast %add3A_137 : f32 to vector<16xf32>
        %add3A_139 = arith.addf %add3A_138, %mul3A_136 : vector<16xf32>
        %mul3A_140 = arith.mulf %mul3A_129, %add3A_139 : vector<16xf32>
        %add3A_141 = arith.constant -0.166666672 : f32
        %add3A_142 = vector.broadcast %add3A_141 : f32 to vector<16xf32>
        %add3A_143 = arith.addf %add3A_142, %mul3A_140 : vector<16xf32>
        %mul3A_144 = arith.mulf %mul3A_129, %add3A_143 : vector<16xf32>
        %add3A_145 = arith.constant 1.000000e+00 : f32
        %add3A_146 = vector.broadcast %add3A_145 : f32 to vector<16xf32>
        %add3A_147 = arith.addf %add3A_146, %mul3A_144 : vector<16xf32>
        %mul3A_148 = arith.mulf %mul3A_128, %add3A_147 : vector<16xf32>
        %neg3A = arith.constant 0.000000e+00 : f32
        %neg3A_149 = vector.broadcast %neg3A : f32 to vector<16xf32>
        %neg3A_150 = arith.subf %neg3A_149, %mul3A_148 : vector<16xf32>
        %broadcast_in_dim3A_151 = arith.constant 1.000000e+00 : f32
        %broadcast_in_dim3A_152 = vector.broadcast %broadcast_in_dim3A_151 : f32 to vector<16xf32>
        %mul3A_153 = arith.constant 2.000000e+00 : f32
        %mul3A_154 = vector.broadcast %mul3A_153 : f32 to vector<16xf32>
        %mul3A_155 = arith.mulf %mul3A_154, %neg3A_150 : vector<16xf32>
        %mul3A_156 = arith.mulf %mul3A_155, %neg3A_150 : vector<16xf32>
        %sub3A_157 = arith.subf %mul3A_156, %broadcast_in_dim3A_152 : vector<16xf32>
        %mul3A_158 = arith.constant 2.000000e+00 : f32
        %mul3A_159 = vector.broadcast %mul3A_158 : f32 to vector<16xf32>
        %mul3A_160 = arith.mulf %mul3A_159, %neg3A_150 : vector<16xf32>
        %mul3A_161 = arith.mulf %mul3A_160, %sub3A_157 : vector<16xf32>
        %sub3A_162 = arith.subf %mul3A_161, %neg3A_150 : vector<16xf32>
        %mul3A_163 = arith.constant 2.000000e+00 : f32
        %mul3A_164 = vector.broadcast %mul3A_163 : f32 to vector<16xf32>
        %mul3A_165 = arith.mulf %mul3A_164, %neg3A_150 : vector<16xf32>
        %mul3A_166 = arith.mulf %mul3A_165, %sub3A_162 : vector<16xf32>
        %sub3A_167 = arith.subf %mul3A_166, %sub3A_157 : vector<16xf32>
        %mul3A_168 = arith.constant 2.000000e+00 : f32
        %mul3A_169 = vector.broadcast %mul3A_168 : f32 to vector<16xf32>
        %mul3A_170 = arith.mulf %mul3A_169, %neg3A_150 : vector<16xf32>
        %mul3A_171 = arith.mulf %mul3A_170, %sub3A_167 : vector<16xf32>
        %sub3A_172 = arith.subf %mul3A_171, %sub3A_162 : vector<16xf32>
        %mul3A_173 = arith.constant 2.000000e+00 : f32
        %mul3A_174 = vector.broadcast %mul3A_173 : f32 to vector<16xf32>
        %mul3A_175 = arith.mulf %mul3A_174, %neg3A_150 : vector<16xf32>
        %mul3A_176 = arith.mulf %mul3A_175, %sub3A_172 : vector<16xf32>
        %sub3A_177 = arith.subf %mul3A_176, %sub3A_167 : vector<16xf32>
        %mul3A_178 = arith.constant 2.000000e+00 : f32
        %mul3A_179 = vector.broadcast %mul3A_178 : f32 to vector<16xf32>
        %mul3A_180 = arith.mulf %mul3A_179, %neg3A_150 : vector<16xf32>
        %mul3A_181 = arith.mulf %mul3A_180, %sub3A_177 : vector<16xf32>
        %sub3A_182 = arith.subf %mul3A_181, %sub3A_172 : vector<16xf32>
        %mul3A_183 = arith.mulf %neg3A_150, %max3A_83 : vector<16xf32>
        %mul3A_184 = arith.mulf %sub3A_157, %max3A_83 : vector<16xf32>
        %mul3A_185 = arith.mulf %sub3A_162, %max3A_83 : vector<16xf32>
        %mul3A_186 = arith.mulf %sub3A_167, %max3A_83 : vector<16xf32>
        %mul3A_187 = arith.mulf %sub3A_172, %max3A_83 : vector<16xf32>
        %mul3A_188 = arith.mulf %sub3A_177, %max3A_83 : vector<16xf32>
        %mul3A_189 = arith.mulf %sub3A_182, %max3A_83 : vector<16xf32>
        %mul3A_190 = arith.constant 1.156000e+01 : f32
        %mul3A_191 = vector.broadcast %mul3A_190 : f32 to vector<16xf32>
        %mul3A_192 = arith.mulf %mul3A_191, %add3A_75 : vector<16xf32>
        %add3A_193 = arith.constant 1.000000e+00 : f32
        %add3A_194 = vector.broadcast %add3A_193 : f32 to vector<16xf32>
        %add3A_195 = arith.addf %add3A_194, %mul3A_192 : vector<16xf32>
        %bitcast3A_196 = vector.bitcast %add3A_195 : vector<16xf32> to vector<16xi32>
        %shift_right_logical3A_197 = arith.constant 1 : i32
        %shift_right_logical3A_198 = vector.broadcast %shift_right_logical3A_197 : i32 to vector<16xi32>
        %shift_right_logical3A_199 = arith.shrui %bitcast3A_196, %shift_right_logical3A_198 : vector<16xi32>
        %sub3A_200 = arith.constant 1597463007 : i32
        %sub3A_201 = vector.broadcast %sub3A_200 : i32 to vector<16xi32>
        %sub3A_202 = arith.subi %sub3A_201, %shift_right_logical3A_199 : vector<16xi32>
        %bitcast3A_203 = vector.bitcast %sub3A_202 : vector<16xi32> to vector<16xf32>
        %mul3A_204 = arith.constant 5.000000e-01 : f32
        %mul3A_205 = vector.broadcast %mul3A_204 : f32 to vector<16xf32>
        %mul3A_206 = arith.mulf %mul3A_205, %add3A_195 : vector<16xf32>
        %mul3A_207 = arith.mulf %mul3A_206, %bitcast3A_203 : vector<16xf32>
        %mul3A_208 = arith.mulf %mul3A_207, %bitcast3A_203 : vector<16xf32>
        %sub3A_209 = arith.constant 1.500000e+00 : f32
        %sub3A_210 = vector.broadcast %sub3A_209 : f32 to vector<16xf32>
        %sub3A_211 = arith.subf %sub3A_210, %mul3A_208 : vector<16xf32>
        %mul3A_212 = arith.mulf %bitcast3A_203, %sub3A_211 : vector<16xf32>
        %mul3A_213 = arith.constant 5.000000e-01 : f32
        %mul3A_214 = vector.broadcast %mul3A_213 : f32 to vector<16xf32>
        %mul3A_215 = arith.mulf %mul3A_214, %add3A_195 : vector<16xf32>
        %mul3A_216 = arith.mulf %mul3A_215, %mul3A_212 : vector<16xf32>
        %mul3A_217 = arith.mulf %mul3A_216, %mul3A_212 : vector<16xf32>
        %sub3A_218 = arith.constant 1.500000e+00 : f32
        %sub3A_219 = vector.broadcast %sub3A_218 : f32 to vector<16xf32>
        %sub3A_220 = arith.subf %sub3A_219, %mul3A_217 : vector<16xf32>
        %mul3A_221 = arith.mulf %mul3A_212, %sub3A_220 : vector<16xf32>
        %mul3A_222 = arith.constant 5.000000e-01 : f32
        %mul3A_223 = vector.broadcast %mul3A_222 : f32 to vector<16xf32>
        %mul3A_224 = arith.mulf %mul3A_223, %add3A_195 : vector<16xf32>
        %mul3A_225 = arith.mulf %mul3A_224, %mul3A_221 : vector<16xf32>
        %mul3A_226 = arith.mulf %mul3A_225, %mul3A_221 : vector<16xf32>
        %sub3A_227 = arith.constant 1.500000e+00 : f32
        %sub3A_228 = vector.broadcast %sub3A_227 : f32 to vector<16xf32>
        %sub3A_229 = arith.subf %sub3A_228, %mul3A_226 : vector<16xf32>
        %mul3A_230 = arith.mulf %mul3A_221, %sub3A_229 : vector<16xf32>
        %mul3A_231 = arith.constant 3.400000e+00 : f32
        %mul3A_232 = vector.broadcast %mul3A_231 : f32 to vector<16xf32>
        %mul3A_233 = arith.mulf %mul3A_232, %mul3A_230 : vector<16xf32>
        %mul3A_234 = arith.mulf %gather3A, %mul3A_233 : vector<16xf32>
        %mul3A_235 = arith.mulf %gather3A_66, %mul3A_233 : vector<16xf32>
        %mul3A_236 = arith.mulf %gather3A_70, %mul3A_233 : vector<16xf32>
        %mul3A_237 = arith.mulf %mul3A_234, %mul3A_234 : vector<16xf32>
        %mul3A_238 = arith.mulf %mul3A_234, %mul3A_235 : vector<16xf32>
        %mul3A_239 = arith.mulf %mul3A_234, %mul3A_236 : vector<16xf32>
        %mul3A_240 = arith.mulf %mul3A_235, %mul3A_235 : vector<16xf32>
        %mul3A_241 = arith.mulf %mul3A_235, %mul3A_236 : vector<16xf32>
        %mul3A_242 = arith.mulf %mul3A_236, %mul3A_236 : vector<16xf32>
        %add3A_243 = vector.broadcast %add3A_47 : i32 to vector<16xi32>
        %add3A_244 = arith.addi %iota3A, %add3A_243 : vector<16xi32>
        %mul3A_245 = arith.mulf %mul3A_184, %mul3A_239 : vector<16xf32>
        %broadcast_in_dim3A_246 = arith.constant 0 : i32
        %broadcast_in_dim3A_247 = vector.broadcast %broadcast_in_dim3A_246 : i32 to vector<16xi32>
        tpu.vector_store_idx %arg9[%add3A_244, %broadcast_in_dim3A_247], %mul3A_245 : memref<256x64xf32, #tpu.memory_space<vmem>>[vector<16xi32>, vector<16xi32>], vector<16xf32>,
        %mul3A_248 = arith.mulf %mul3A_184, %mul3A_238 : vector<16xf32>
        %broadcast_in_dim3A_249 = arith.constant 1 : i32
        %broadcast_in_dim3A_250 = vector.broadcast %broadcast_in_dim3A_249 : i32 to vector<16xi32>
        tpu.vector_store_idx %arg9[%add3A_244, %broadcast_in_dim3A_250], %mul3A_248 : memref<256x64xf32, #tpu.memory_space<vmem>>[vector<16xi32>, vector<16xi32>], vector<16xf32>,
        %mul3A_251 = arith.mulf %mul3A_184, %mul3A_240 : vector<16xf32>
        %broadcast_in_dim3A_252 = arith.constant 2 : i32
        %broadcast_in_dim3A_253 = vector.broadcast %broadcast_in_dim3A_252 : i32 to vector<16xi32>
        tpu.vector_store_idx %arg9[%add3A_244, %broadcast_in_dim3A_253], %mul3A_251 : memref<256x64xf32, #tpu.memory_space<vmem>>[vector<16xi32>, vector<16xi32>], vector<16xf32>,
        %mul3A_254 = arith.mulf %mul3A_184, %mul3A_241 : vector<16xf32>
        %broadcast_in_dim3A_255 = arith.constant 3 : i32
        %broadcast_in_dim3A_256 = vector.broadcast %broadcast_in_dim3A_255 : i32 to vector<16xi32>
        tpu.vector_store_idx %arg9[%add3A_244, %broadcast_in_dim3A_256], %mul3A_254 : memref<256x64xf32, #tpu.memory_space<vmem>>[vector<16xi32>, vector<16xi32>], vector<16xf32>,
        %mul3A_257 = arith.mulf %mul3A_184, %mul3A_239 : vector<16xf32>
        %broadcast_in_dim3A_258 = arith.constant 4 : i32
        %broadcast_in_dim3A_259 = vector.broadcast %broadcast_in_dim3A_258 : i32 to vector<16xi32>
        tpu.vector_store_idx %arg9[%add3A_244, %broadcast_in_dim3A_259], %mul3A_257 : memref<256x64xf32, #tpu.memory_space<vmem>>[vector<16xi32>, vector<16xi32>], vector<16xf32>,
        %mul3A_260 = arith.mulf %mul3A_184, %mul3A_241 : vector<16xf32>
        %broadcast_in_dim3A_261 = arith.constant 5 : i32
        %broadcast_in_dim3A_262 = vector.broadcast %broadcast_in_dim3A_261 : i32 to vector<16xi32>
        tpu.vector_store_idx %arg9[%add3A_244, %broadcast_in_dim3A_262], %mul3A_260 : memref<256x64xf32, #tpu.memory_space<vmem>>[vector<16xi32>, vector<16xi32>], vector<16xf32>,
        %mul3A_263 = arith.mulf %mul3A_184, %mul3A_242 : vector<16xf32>
        %broadcast_in_dim3A_264 = arith.constant 6 : i32
        %broadcast_in_dim3A_265 = vector.broadcast %broadcast_in_dim3A_264 : i32 to vector<16xi32>
        tpu.vector_store_idx %arg9[%add3A_244, %broadcast_in_dim3A_265], %mul3A_263 : memref<256x64xf32, #tpu.memory_space<vmem>>[vector<16xi32>, vector<16xi32>], vector<16xf32>,
        %mul3A_266 = arith.mulf %mul3A_185, %mul3A_237 : vector<16xf32>
        %broadcast_in_dim3A_267 = arith.constant 7 : i32
        %broadcast_in_dim3A_268 = vector.broadcast %broadcast_in_dim3A_267 : i32 to vector<16xi32>
        tpu.vector_store_idx %arg9[%add3A_244, %broadcast_in_dim3A_268], %mul3A_266 : memref<256x64xf32, #tpu.memory_space<vmem>>[vector<16xi32>, vector<16xi32>], vector<16xf32>,
        %mul3A_269 = arith.mulf %mul3A_185, %mul3A_238 : vector<16xf32>
        %broadcast_in_dim3A_270 = arith.constant 8 : i32
        %broadcast_in_dim3A_271 = vector.broadcast %broadcast_in_dim3A_270 : i32 to vector<16xi32>
        tpu.vector_store_idx %arg9[%add3A_244, %broadcast_in_dim3A_271], %mul3A_269 : memref<256x64xf32, #tpu.memory_space<vmem>>[vector<16xi32>, vector<16xi32>], vector<16xf32>,
        %mul3A_272 = arith.mulf %mul3A_185, %mul3A_239 : vector<16xf32>
        %broadcast_in_dim3A_273 = arith.constant 9 : i32
        %broadcast_in_dim3A_274 = vector.broadcast %broadcast_in_dim3A_273 : i32 to vector<16xi32>
        tpu.vector_store_idx %arg9[%add3A_244, %broadcast_in_dim3A_274], %mul3A_272 : memref<256x64xf32, #tpu.memory_space<vmem>>[vector<16xi32>, vector<16xi32>], vector<16xf32>,
        %mul3A_275 = arith.mulf %mul3A_185, %mul3A_238 : vector<16xf32>
        %broadcast_in_dim3A_276 = arith.constant 10 : i32
        %broadcast_in_dim3A_277 = vector.broadcast %broadcast_in_dim3A_276 : i32 to vector<16xi32>
        tpu.vector_store_idx %arg9[%add3A_244, %broadcast_in_dim3A_277], %mul3A_275 : memref<256x64xf32, #tpu.memory_space<vmem>>[vector<16xi32>, vector<16xi32>], vector<16xf32>,
        %mul3A_278 = arith.mulf %mul3A_185, %mul3A_240 : vector<16xf32>
        %broadcast_in_dim3A_279 = arith.constant 11 : i32
        %broadcast_in_dim3A_280 = vector.broadcast %broadcast_in_dim3A_279 : i32 to vector<16xi32>
        tpu.vector_store_idx %arg9[%add3A_244, %broadcast_in_dim3A_280], %mul3A_278 : memref<256x64xf32, #tpu.memory_space<vmem>>[vector<16xi32>, vector<16xi32>], vector<16xf32>,
        %mul3A_281 = arith.mulf %mul3A_185, %mul3A_241 : vector<16xf32>
        %broadcast_in_dim3A_282 = arith.constant 12 : i32
        %broadcast_in_dim3A_283 = vector.broadcast %broadcast_in_dim3A_282 : i32 to vector<16xi32>
        tpu.vector_store_idx %arg9[%add3A_244, %broadcast_in_dim3A_283], %mul3A_281 : memref<256x64xf32, #tpu.memory_space<vmem>>[vector<16xi32>, vector<16xi32>], vector<16xf32>,
        %mul3A_284 = arith.mulf %mul3A_185, %mul3A_239 : vector<16xf32>
        %broadcast_in_dim3A_285 = arith.constant 13 : i32
        %broadcast_in_dim3A_286 = vector.broadcast %broadcast_in_dim3A_285 : i32 to vector<16xi32>
        tpu.vector_store_idx %arg9[%add3A_244, %broadcast_in_dim3A_286], %mul3A_284 : memref<256x64xf32, #tpu.memory_space<vmem>>[vector<16xi32>, vector<16xi32>], vector<16xf32>,
        %mul3A_287 = arith.mulf %mul3A_185, %mul3A_241 : vector<16xf32>
        %broadcast_in_dim3A_288 = arith.constant 14 : i32
        %broadcast_in_dim3A_289 = vector.broadcast %broadcast_in_dim3A_288 : i32 to vector<16xi32>
        tpu.vector_store_idx %arg9[%add3A_244, %broadcast_in_dim3A_289], %mul3A_287 : memref<256x64xf32, #tpu.memory_space<vmem>>[vector<16xi32>, vector<16xi32>], vector<16xf32>,
        %mul3A_290 = arith.mulf %mul3A_185, %mul3A_242 : vector<16xf32>
        %broadcast_in_dim3A_291 = arith.constant 15 : i32
        %broadcast_in_dim3A_292 = vector.broadcast %broadcast_in_dim3A_291 : i32 to vector<16xi32>
        tpu.vector_store_idx %arg9[%add3A_244, %broadcast_in_dim3A_292], %mul3A_290 : memref<256x64xf32, #tpu.memory_space<vmem>>[vector<16xi32>, vector<16xi32>], vector<16xf32>,
        %mul3A_293 = arith.mulf %mul3A_186, %mul3A_237 : vector<16xf32>
        %broadcast_in_dim3A_294 = arith.constant 16 : i32
        %broadcast_in_dim3A_295 = vector.broadcast %broadcast_in_dim3A_294 : i32 to vector<16xi32>
        tpu.vector_store_idx %arg9[%add3A_244, %broadcast_in_dim3A_295], %mul3A_293 : memref<256x64xf32, #tpu.memory_space<vmem>>[vector<16xi32>, vector<16xi32>], vector<16xf32>,
        %mul3A_296 = arith.mulf %mul3A_186, %mul3A_238 : vector<16xf32>
        %broadcast_in_dim3A_297 = arith.constant 17 : i32
        %broadcast_in_dim3A_298 = vector.broadcast %broadcast_in_dim3A_297 : i32 to vector<16xi32>
        tpu.vector_store_idx %arg9[%add3A_244, %broadcast_in_dim3A_298], %mul3A_296 : memref<256x64xf32, #tpu.memory_space<vmem>>[vector<16xi32>, vector<16xi32>], vector<16xf32>,
        %mul3A_299 = arith.mulf %mul3A_186, %mul3A_239 : vector<16xf32>
        %broadcast_in_dim3A_300 = arith.constant 18 : i32
        %broadcast_in_dim3A_301 = vector.broadcast %broadcast_in_dim3A_300 : i32 to vector<16xi32>
        tpu.vector_store_idx %arg9[%add3A_244, %broadcast_in_dim3A_301], %mul3A_299 : memref<256x64xf32, #tpu.memory_space<vmem>>[vector<16xi32>, vector<16xi32>], vector<16xf32>,
        %mul3A_302 = arith.mulf %mul3A_186, %mul3A_238 : vector<16xf32>
        %broadcast_in_dim3A_303 = arith.constant 19 : i32
        %broadcast_in_dim3A_304 = vector.broadcast %broadcast_in_dim3A_303 : i32 to vector<16xi32>
        tpu.vector_store_idx %arg9[%add3A_244, %broadcast_in_dim3A_304], %mul3A_302 : memref<256x64xf32, #tpu.memory_space<vmem>>[vector<16xi32>, vector<16xi32>], vector<16xf32>,
        %mul3A_305 = arith.mulf %mul3A_186, %mul3A_240 : vector<16xf32>
        %broadcast_in_dim3A_306 = arith.constant 20 : i32
        %broadcast_in_dim3A_307 = vector.broadcast %broadcast_in_dim3A_306 : i32 to vector<16xi32>
        tpu.vector_store_idx %arg9[%add3A_244, %broadcast_in_dim3A_307], %mul3A_305 : memref<256x64xf32, #tpu.memory_space<vmem>>[vector<16xi32>, vector<16xi32>], vector<16xf32>,
        %mul3A_308 = arith.mulf %mul3A_186, %mul3A_241 : vector<16xf32>
        %broadcast_in_dim3A_309 = arith.constant 21 : i32
        %broadcast_in_dim3A_310 = vector.broadcast %broadcast_in_dim3A_309 : i32 to vector<16xi32>
        tpu.vector_store_idx %arg9[%add3A_244, %broadcast_in_dim3A_310], %mul3A_308 : memref<256x64xf32, #tpu.memory_space<vmem>>[vector<16xi32>, vector<16xi32>], vector<16xf32>,
        %mul3A_311 = arith.mulf %mul3A_186, %mul3A_239 : vector<16xf32>
        %broadcast_in_dim3A_312 = arith.constant 22 : i32
        %broadcast_in_dim3A_313 = vector.broadcast %broadcast_in_dim3A_312 : i32 to vector<16xi32>
        tpu.vector_store_idx %arg9[%add3A_244, %broadcast_in_dim3A_313], %mul3A_311 : memref<256x64xf32, #tpu.memory_space<vmem>>[vector<16xi32>, vector<16xi32>], vector<16xf32>,
        %mul3A_314 = arith.mulf %mul3A_186, %mul3A_241 : vector<16xf32>
        %broadcast_in_dim3A_315 = arith.constant 23 : i32
        %broadcast_in_dim3A_316 = vector.broadcast %broadcast_in_dim3A_315 : i32 to vector<16xi32>
        tpu.vector_store_idx %arg9[%add3A_244, %broadcast_in_dim3A_316], %mul3A_314 : memref<256x64xf32, #tpu.memory_space<vmem>>[vector<16xi32>, vector<16xi32>], vector<16xf32>,
        %mul3A_317 = arith.mulf %mul3A_186, %mul3A_242 : vector<16xf32>
        %broadcast_in_dim3A_318 = arith.constant 24 : i32
        %broadcast_in_dim3A_319 = vector.broadcast %broadcast_in_dim3A_318 : i32 to vector<16xi32>
        tpu.vector_store_idx %arg9[%add3A_244, %broadcast_in_dim3A_319], %mul3A_317 : memref<256x64xf32, #tpu.memory_space<vmem>>[vector<16xi32>, vector<16xi32>], vector<16xf32>,
        %mul3A_320 = arith.mulf %mul3A_187, %mul3A_237 : vector<16xf32>
        %broadcast_in_dim3A_321 = arith.constant 25 : i32
        %broadcast_in_dim3A_322 = vector.broadcast %broadcast_in_dim3A_321 : i32 to vector<16xi32>
        tpu.vector_store_idx %arg9[%add3A_244, %broadcast_in_dim3A_322], %mul3A_320 : memref<256x64xf32, #tpu.memory_space<vmem>>[vector<16xi32>, vector<16xi32>], vector<16xf32>,
        %mul3A_323 = arith.mulf %mul3A_187, %mul3A_238 : vector<16xf32>
        %broadcast_in_dim3A_324 = arith.constant 26 : i32
        %broadcast_in_dim3A_325 = vector.broadcast %broadcast_in_dim3A_324 : i32 to vector<16xi32>
        tpu.vector_store_idx %arg9[%add3A_244, %broadcast_in_dim3A_325], %mul3A_323 : memref<256x64xf32, #tpu.memory_space<vmem>>[vector<16xi32>, vector<16xi32>], vector<16xf32>,
        %mul3A_326 = arith.mulf %mul3A_187, %mul3A_239 : vector<16xf32>
        %broadcast_in_dim3A_327 = arith.constant 27 : i32
        %broadcast_in_dim3A_328 = vector.broadcast %broadcast_in_dim3A_327 : i32 to vector<16xi32>
        tpu.vector_store_idx %arg9[%add3A_244, %broadcast_in_dim3A_328], %mul3A_326 : memref<256x64xf32, #tpu.memory_space<vmem>>[vector<16xi32>, vector<16xi32>], vector<16xf32>,
        %mul3A_329 = arith.mulf %mul3A_187, %mul3A_238 : vector<16xf32>
        %broadcast_in_dim3A_330 = arith.constant 28 : i32
        %broadcast_in_dim3A_331 = vector.broadcast %broadcast_in_dim3A_330 : i32 to vector<16xi32>
        tpu.vector_store_idx %arg9[%add3A_244, %broadcast_in_dim3A_331], %mul3A_329 : memref<256x64xf32, #tpu.memory_space<vmem>>[vector<16xi32>, vector<16xi32>], vector<16xf32>,
        %mul3A_332 = arith.mulf %mul3A_187, %mul3A_240 : vector<16xf32>
        %broadcast_in_dim3A_333 = arith.constant 29 : i32
        %broadcast_in_dim3A_334 = vector.broadcast %broadcast_in_dim3A_333 : i32 to vector<16xi32>
        tpu.vector_store_idx %arg9[%add3A_244, %broadcast_in_dim3A_334], %mul3A_332 : memref<256x64xf32, #tpu.memory_space<vmem>>[vector<16xi32>, vector<16xi32>], vector<16xf32>,
        %mul3A_335 = arith.mulf %mul3A_187, %mul3A_241 : vector<16xf32>
        %broadcast_in_dim3A_336 = arith.constant 30 : i32
        %broadcast_in_dim3A_337 = vector.broadcast %broadcast_in_dim3A_336 : i32 to vector<16xi32>
        tpu.vector_store_idx %arg9[%add3A_244, %broadcast_in_dim3A_337], %mul3A_335 : memref<256x64xf32, #tpu.memory_space<vmem>>[vector<16xi32>, vector<16xi32>], vector<16xf32>,
        %mul3A_338 = arith.mulf %mul3A_187, %mul3A_239 : vector<16xf32>
        %broadcast_in_dim3A_339 = arith.constant 31 : i32
        %broadcast_in_dim3A_340 = vector.broadcast %broadcast_in_dim3A_339 : i32 to vector<16xi32>
        tpu.vector_store_idx %arg9[%add3A_244, %broadcast_in_dim3A_340], %mul3A_338 : memref<256x64xf32, #tpu.memory_space<vmem>>[vector<16xi32>, vector<16xi32>], vector<16xf32>,
        %mul3A_341 = arith.mulf %mul3A_187, %mul3A_241 : vector<16xf32>
        %broadcast_in_dim3A_342 = arith.constant 32 : i32
        %broadcast_in_dim3A_343 = vector.broadcast %broadcast_in_dim3A_342 : i32 to vector<16xi32>
        tpu.vector_store_idx %arg9[%add3A_244, %broadcast_in_dim3A_343], %mul3A_341 : memref<256x64xf32, #tpu.memory_space<vmem>>[vector<16xi32>, vector<16xi32>], vector<16xf32>,
        %mul3A_344 = arith.mulf %mul3A_187, %mul3A_242 : vector<16xf32>
        %broadcast_in_dim3A_345 = arith.constant 33 : i32
        %broadcast_in_dim3A_346 = vector.broadcast %broadcast_in_dim3A_345 : i32 to vector<16xi32>
        tpu.vector_store_idx %arg9[%add3A_244, %broadcast_in_dim3A_346], %mul3A_344 : memref<256x64xf32, #tpu.memory_space<vmem>>[vector<16xi32>, vector<16xi32>], vector<16xf32>,
        %mul3A_347 = arith.mulf %mul3A_188, %mul3A_237 : vector<16xf32>
        %broadcast_in_dim3A_348 = arith.constant 34 : i32
        %broadcast_in_dim3A_349 = vector.broadcast %broadcast_in_dim3A_348 : i32 to vector<16xi32>
        tpu.vector_store_idx %arg9[%add3A_244, %broadcast_in_dim3A_349], %mul3A_347 : memref<256x64xf32, #tpu.memory_space<vmem>>[vector<16xi32>, vector<16xi32>], vector<16xf32>,
        %mul3A_350 = arith.mulf %mul3A_188, %mul3A_238 : vector<16xf32>
        %broadcast_in_dim3A_351 = arith.constant 35 : i32
        %broadcast_in_dim3A_352 = vector.broadcast %broadcast_in_dim3A_351 : i32 to vector<16xi32>
        tpu.vector_store_idx %arg9[%add3A_244, %broadcast_in_dim3A_352], %mul3A_350 : memref<256x64xf32, #tpu.memory_space<vmem>>[vector<16xi32>, vector<16xi32>], vector<16xf32>,
        %mul3A_353 = arith.mulf %mul3A_188, %mul3A_239 : vector<16xf32>
        %broadcast_in_dim3A_354 = arith.constant 36 : i32
        %broadcast_in_dim3A_355 = vector.broadcast %broadcast_in_dim3A_354 : i32 to vector<16xi32>
        tpu.vector_store_idx %arg9[%add3A_244, %broadcast_in_dim3A_355], %mul3A_353 : memref<256x64xf32, #tpu.memory_space<vmem>>[vector<16xi32>, vector<16xi32>], vector<16xf32>,
        %mul3A_356 = arith.mulf %mul3A_188, %mul3A_238 : vector<16xf32>
        %broadcast_in_dim3A_357 = arith.constant 37 : i32
        %broadcast_in_dim3A_358 = vector.broadcast %broadcast_in_dim3A_357 : i32 to vector<16xi32>
        tpu.vector_store_idx %arg9[%add3A_244, %broadcast_in_dim3A_358], %mul3A_356 : memref<256x64xf32, #tpu.memory_space<vmem>>[vector<16xi32>, vector<16xi32>], vector<16xf32>,
        %mul3A_359 = arith.mulf %mul3A_188, %mul3A_240 : vector<16xf32>
        %broadcast_in_dim3A_360 = arith.constant 38 : i32
        %broadcast_in_dim3A_361 = vector.broadcast %broadcast_in_dim3A_360 : i32 to vector<16xi32>
        tpu.vector_store_idx %arg9[%add3A_244, %broadcast_in_dim3A_361], %mul3A_359 : memref<256x64xf32, #tpu.memory_space<vmem>>[vector<16xi32>, vector<16xi32>], vector<16xf32>,
        %mul3A_362 = arith.mulf %mul3A_188, %mul3A_241 : vector<16xf32>
        %broadcast_in_dim3A_363 = arith.constant 39 : i32
        %broadcast_in_dim3A_364 = vector.broadcast %broadcast_in_dim3A_363 : i32 to vector<16xi32>
        tpu.vector_store_idx %arg9[%add3A_244, %broadcast_in_dim3A_364], %mul3A_362 : memref<256x64xf32, #tpu.memory_space<vmem>>[vector<16xi32>, vector<16xi32>], vector<16xf32>,
        %mul3A_365 = arith.mulf %mul3A_188, %mul3A_239 : vector<16xf32>
        %broadcast_in_dim3A_366 = arith.constant 40 : i32
        %broadcast_in_dim3A_367 = vector.broadcast %broadcast_in_dim3A_366 : i32 to vector<16xi32>
        tpu.vector_store_idx %arg9[%add3A_244, %broadcast_in_dim3A_367], %mul3A_365 : memref<256x64xf32, #tpu.memory_space<vmem>>[vector<16xi32>, vector<16xi32>], vector<16xf32>,
        %mul3A_368 = arith.mulf %mul3A_188, %mul3A_241 : vector<16xf32>
        %broadcast_in_dim3A_369 = arith.constant 41 : i32
        %broadcast_in_dim3A_370 = vector.broadcast %broadcast_in_dim3A_369 : i32 to vector<16xi32>
        tpu.vector_store_idx %arg9[%add3A_244, %broadcast_in_dim3A_370], %mul3A_368 : memref<256x64xf32, #tpu.memory_space<vmem>>[vector<16xi32>, vector<16xi32>], vector<16xf32>,
        %mul3A_371 = arith.mulf %mul3A_188, %mul3A_242 : vector<16xf32>
        %broadcast_in_dim3A_372 = arith.constant 42 : i32
        %broadcast_in_dim3A_373 = vector.broadcast %broadcast_in_dim3A_372 : i32 to vector<16xi32>
        tpu.vector_store_idx %arg9[%add3A_244, %broadcast_in_dim3A_373], %mul3A_371 : memref<256x64xf32, #tpu.memory_space<vmem>>[vector<16xi32>, vector<16xi32>], vector<16xf32>,
        %mul3A_374 = arith.mulf %mul3A_189, %mul3A_237 : vector<16xf32>
        %broadcast_in_dim3A_375 = arith.constant 43 : i32
        %broadcast_in_dim3A_376 = vector.broadcast %broadcast_in_dim3A_375 : i32 to vector<16xi32>
        tpu.vector_store_idx %arg9[%add3A_244, %broadcast_in_dim3A_376], %mul3A_374 : memref<256x64xf32, #tpu.memory_space<vmem>>[vector<16xi32>, vector<16xi32>], vector<16xf32>,
        %mul3A_377 = arith.mulf %mul3A_189, %mul3A_238 : vector<16xf32>
        %broadcast_in_dim3A_378 = arith.constant 44 : i32
        %broadcast_in_dim3A_379 = vector.broadcast %broadcast_in_dim3A_378 : i32 to vector<16xi32>
        tpu.vector_store_idx %arg9[%add3A_244, %broadcast_in_dim3A_379], %mul3A_377 : memref<256x64xf32, #tpu.memory_space<vmem>>[vector<16xi32>, vector<16xi32>], vector<16xf32>,
        %mul3A_380 = arith.mulf %mul3A_189, %mul3A_239 : vector<16xf32>
        %broadcast_in_dim3A_381 = arith.constant 45 : i32
        %broadcast_in_dim3A_382 = vector.broadcast %broadcast_in_dim3A_381 : i32 to vector<16xi32>
        tpu.vector_store_idx %arg9[%add3A_244, %broadcast_in_dim3A_382], %mul3A_380 : memref<256x64xf32, #tpu.memory_space<vmem>>[vector<16xi32>, vector<16xi32>], vector<16xf32>,
        %mul3A_383 = arith.mulf %mul3A_189, %mul3A_238 : vector<16xf32>
        %broadcast_in_dim3A_384 = arith.constant 46 : i32
        %broadcast_in_dim3A_385 = vector.broadcast %broadcast_in_dim3A_384 : i32 to vector<16xi32>
        tpu.vector_store_idx %arg9[%add3A_244, %broadcast_in_dim3A_385], %mul3A_383 : memref<256x64xf32, #tpu.memory_space<vmem>>[vector<16xi32>, vector<16xi32>], vector<16xf32>,
        %mul3A_386 = arith.mulf %mul3A_189, %mul3A_240 : vector<16xf32>
        %broadcast_in_dim3A_387 = arith.constant 47 : i32
        %broadcast_in_dim3A_388 = vector.broadcast %broadcast_in_dim3A_387 : i32 to vector<16xi32>
        tpu.vector_store_idx %arg9[%add3A_244, %broadcast_in_dim3A_388], %mul3A_386 : memref<256x64xf32, #tpu.memory_space<vmem>>[vector<16xi32>, vector<16xi32>], vector<16xf32>,
        %mul3A_389 = arith.mulf %mul3A_189, %mul3A_241 : vector<16xf32>
        %broadcast_in_dim3A_390 = arith.constant 48 : i32
        %broadcast_in_dim3A_391 = vector.broadcast %broadcast_in_dim3A_390 : i32 to vector<16xi32>
        tpu.vector_store_idx %arg9[%add3A_244, %broadcast_in_dim3A_391], %mul3A_389 : memref<256x64xf32, #tpu.memory_space<vmem>>[vector<16xi32>, vector<16xi32>], vector<16xf32>,
        %mul3A_392 = arith.mulf %mul3A_189, %mul3A_239 : vector<16xf32>
        %broadcast_in_dim3A_393 = arith.constant 49 : i32
        %broadcast_in_dim3A_394 = vector.broadcast %broadcast_in_dim3A_393 : i32 to vector<16xi32>
        tpu.vector_store_idx %arg9[%add3A_244, %broadcast_in_dim3A_394], %mul3A_392 : memref<256x64xf32, #tpu.memory_space<vmem>>[vector<16xi32>, vector<16xi32>], vector<16xf32>,
        %mul3A_395 = arith.mulf %mul3A_189, %mul3A_241 : vector<16xf32>
        %broadcast_in_dim3A_396 = arith.constant 50 : i32
        %broadcast_in_dim3A_397 = vector.broadcast %broadcast_in_dim3A_396 : i32 to vector<16xi32>
        tpu.vector_store_idx %arg9[%add3A_244, %broadcast_in_dim3A_397], %mul3A_395 : memref<256x64xf32, #tpu.memory_space<vmem>>[vector<16xi32>, vector<16xi32>], vector<16xf32>,
        %mul3A_398 = arith.mulf %mul3A_189, %mul3A_242 : vector<16xf32>
        %broadcast_in_dim3A_399 = arith.constant 51 : i32
        %broadcast_in_dim3A_400 = vector.broadcast %broadcast_in_dim3A_399 : i32 to vector<16xi32>
        tpu.vector_store_idx %arg9[%add3A_244, %broadcast_in_dim3A_400], %mul3A_398 : memref<256x64xf32, #tpu.memory_space<vmem>>[vector<16xi32>, vector<16xi32>], vector<16xf32>,
        %scan3A_401 = arith.constant 0 : i32
        scf.yield %scan3A_401 : i32
      }
      %scan3A_32 = arith.constant 8 : i32
      %scan3A_33 = arith.constant 0 : i32
      %scan3A_34 = arith.constant 0 : i32
      %scan3A_35 = arith.constant 8 : i32
      %scan3A_36 = arith.addi %scan3A_34, %scan3A_35 : i32
      %scan3A_37 = arith.constant 1 : i32
      %scan3A_38 = scf.for %scan3A_42 = %scan3A_34 to %scan3A_36 step %scan3A_37 iter_args(%scan3A_43 = %scan3A_33) -> (i32)  : i32 {
        %mul3A_44 = arith.constant 16 : i32
        %mul3A_45 = arith.muli %scan3A_42, %mul3A_44 : i32
        %add3A_46 = arith.constant 128 : i32
        %add3A_47 = arith.addi %add3A_46, %mul3A_45 : i32
        %get3A = arith.index_cast %add3A_47 : i32 to index
        %get3A_48 = tpu.vector_load %arg6[%get3A] {strides = array<i32>} : memref<256xi32, #tpu.memory_space<vmem>>, vector<16xi32>,
        %sub3A = vector.broadcast %mul3A_0 : i32 to vector<16xi32>
        %sub3A_49 = arith.subi %get3A_48, %sub3A : vector<16xi32>
        %ge3A = arith.constant 0 : i32
        %ge3A_50 = vector.broadcast %ge3A : i32 to vector<16xi32>
        %ge3A_51 = arith.cmpi sge, %sub3A_49, %ge3A_50 : vector<16xi32>
        %lt3A = arith.constant 25088 : i32
        %lt3A_52 = vector.broadcast %lt3A : i32 to vector<16xi32>
        %lt3A_53 = arith.cmpi slt, %sub3A_49, %lt3A_52 : vector<16xi32>
        %and3A = arith.andi %ge3A_51, %lt3A_53 : vector<16xi1>
        %jit3A = arith.constant 25088 : i32
        %broadcast_in_dim3A = vector.broadcast %jit3A : i32 to vector<16xi32>
        %select_n3A = arith.select %and3A, %sub3A_49, %broadcast_in_dim3A : vector<16xi1>, vector<16xi32>
        %mul3A_54 = arith.constant 16 : i32
        %mul3A_55 = arith.muli %scan3A_42, %mul3A_54 : i32
        %swap3A = arith.constant 1 : i32
        %swap3A_56 = arith.index_cast %swap3A : i32 to index
        %swap3A_57 = arith.index_cast %mul3A_55 : i32 to index
        %swap3A_58 = tpu.vector_load %arg8[%swap3A_56, %swap3A_57] {strides = array<i32>} : memref<2x128xi32, #tpu.memory_space<vmem>>, vector<16xi32>,
        tpu.vector_store %arg8[%swap3A_56, %swap3A_57], %select_n3A {strides = array<i32>} : memref<2x128xi32, #tpu.memory_space<vmem>>, vector<16xi32>,
        %mul3A_59 = arith.constant 3 : i32
        %mul3A_60 = arith.muli %add3A_47, %mul3A_59 : i32
        %add3A_61 = vector.broadcast %mul3A_60 : i32 to vector<16xi32>
        %add3A_62 = arith.addi %mul3A_5, %add3A_61 : vector<16xi32>
        %gather3A = tpu.vector_load_idx %arg7[%add3A_62] : memref<768xf32, #tpu.memory_space<vmem>>[vector<16xi32>], vector<16xf32>,
        %add3A_63 = arith.constant 1 : i32
        %add3A_64 = vector.broadcast %add3A_63 : i32 to vector<16xi32>
        %add3A_65 = arith.addi %add3A_62, %add3A_64 : vector<16xi32>
        %gather3A_66 = tpu.vector_load_idx %arg7[%add3A_65] : memref<768xf32, #tpu.memory_space<vmem>>[vector<16xi32>], vector<16xf32>,
        %add3A_67 = arith.constant 2 : i32
        %add3A_68 = vector.broadcast %add3A_67 : i32 to vector<16xi32>
        %add3A_69 = arith.addi %add3A_62, %add3A_68 : vector<16xi32>
        %gather3A_70 = tpu.vector_load_idx %arg7[%add3A_69] : memref<768xf32, #tpu.memory_space<vmem>>[vector<16xi32>], vector<16xf32>,
        %mul3A_71 = arith.mulf %gather3A, %gather3A : vector<16xf32>
        %mul3A_72 = arith.mulf %gather3A_66, %gather3A_66 : vector<16xf32>
        %add3A_73 = arith.addf %mul3A_71, %mul3A_72 : vector<16xf32>
        %mul3A_74 = arith.mulf %gather3A_70, %gather3A_70 : vector<16xf32>
        %add3A_75 = arith.addf %add3A_73, %mul3A_74 : vector<16xf32>
        %mul3A_76 = arith.constant 2.000000e-01 : f32
        %mul3A_77 = vector.broadcast %mul3A_76 : f32 to vector<16xf32>
        %mul3A_78 = arith.mulf %add3A_75, %mul3A_77 : vector<16xf32>
        %sub3A_79 = arith.constant 1.000000e+00 : f32
        %sub3A_80 = vector.broadcast %sub3A_79 : f32 to vector<16xf32>
        %sub3A_81 = arith.subf %sub3A_80, %mul3A_78 : vector<16xf32>
        %max3A = arith.constant 0.000000e+00 : f32
        %max3A_82 = vector.broadcast %max3A : f32 to vector<16xf32>
        %max3A_83 = arith.maximumf %sub3A_81, %max3A_82 : vector<16xf32>
        %min3A = arith.constant 1.000000e+00 : f32
        %min3A_84 = vector.broadcast %min3A : f32 to vector<16xf32>
        %min3A_85 = arith.minimumf %mul3A_78, %min3A_84 : vector<16xf32>
        %max3A_86 = arith.constant 9.99999996E-13 : f32
        %max3A_87 = vector.broadcast %max3A_86 : f32 to vector<16xf32>
        %max3A_88 = arith.maximumf %min3A_85, %max3A_87 : vector<16xf32>
        %bitcast3A = vector.bitcast %max3A_88 : vector<16xf32> to vector<16xi32>
        %shift_right_logical3A = arith.constant 1 : i32
        %shift_right_logical3A_89 = vector.broadcast %shift_right_logical3A : i32 to vector<16xi32>
        %shift_right_logical3A_90 = arith.shrui %bitcast3A, %shift_right_logical3A_89 : vector<16xi32>
        %sub3A_91 = arith.constant 1597463007 : i32
        %sub3A_92 = vector.broadcast %sub3A_91 : i32 to vector<16xi32>
        %sub3A_93 = arith.subi %sub3A_92, %shift_right_logical3A_90 : vector<16xi32>
        %bitcast3A_94 = vector.bitcast %sub3A_93 : vector<16xi32> to vector<16xf32>
        %mul3A_95 = arith.constant 5.000000e-01 : f32
        %mul3A_96 = vector.broadcast %mul3A_95 : f32 to vector<16xf32>
        %mul3A_97 = arith.mulf %mul3A_96, %max3A_88 : vector<16xf32>
        %mul3A_98 = arith.mulf %mul3A_97, %bitcast3A_94 : vector<16xf32>
        %mul3A_99 = arith.mulf %mul3A_98, %bitcast3A_94 : vector<16xf32>
        %sub3A_100 = arith.constant 1.500000e+00 : f32
        %sub3A_101 = vector.broadcast %sub3A_100 : f32 to vector<16xf32>
        %sub3A_102 = arith.subf %sub3A_101, %mul3A_99 : vector<16xf32>
        %mul3A_103 = arith.mulf %bitcast3A_94, %sub3A_102 : vector<16xf32>
        %mul3A_104 = arith.constant 5.000000e-01 : f32
        %mul3A_105 = vector.broadcast %mul3A_104 : f32 to vector<16xf32>
        %mul3A_106 = arith.mulf %mul3A_105, %max3A_88 : vector<16xf32>
        %mul3A_107 = arith.mulf %mul3A_106, %mul3A_103 : vector<16xf32>
        %mul3A_108 = arith.mulf %mul3A_107, %mul3A_103 : vector<16xf32>
        %sub3A_109 = arith.constant 1.500000e+00 : f32
        %sub3A_110 = vector.broadcast %sub3A_109 : f32 to vector<16xf32>
        %sub3A_111 = arith.subf %sub3A_110, %mul3A_108 : vector<16xf32>
        %mul3A_112 = arith.mulf %mul3A_103, %sub3A_111 : vector<16xf32>
        %mul3A_113 = arith.constant 5.000000e-01 : f32
        %mul3A_114 = vector.broadcast %mul3A_113 : f32 to vector<16xf32>
        %mul3A_115 = arith.mulf %mul3A_114, %max3A_88 : vector<16xf32>
        %mul3A_116 = arith.mulf %mul3A_115, %mul3A_112 : vector<16xf32>
        %mul3A_117 = arith.mulf %mul3A_116, %mul3A_112 : vector<16xf32>
        %sub3A_118 = arith.constant 1.500000e+00 : f32
        %sub3A_119 = vector.broadcast %sub3A_118 : f32 to vector<16xf32>
        %sub3A_120 = arith.subf %sub3A_119, %mul3A_117 : vector<16xf32>
        %mul3A_121 = arith.mulf %mul3A_112, %sub3A_120 : vector<16xf32>
        %mul3A_122 = arith.mulf %max3A_88, %mul3A_121 : vector<16xf32>
        %sub3A_123 = arith.constant 5.000000e-01 : f32
        %sub3A_124 = vector.broadcast %sub3A_123 : f32 to vector<16xf32>
        %sub3A_125 = arith.subf %mul3A_122, %sub3A_124 : vector<16xf32>
        %mul3A_126 = arith.constant 3.14159274 : f32
        %mul3A_127 = vector.broadcast %mul3A_126 : f32 to vector<16xf32>
        %mul3A_128 = arith.mulf %mul3A_127, %sub3A_125 : vector<16xf32>
        %mul3A_129 = arith.mulf %mul3A_128, %mul3A_128 : vector<16xf32>
        %mul3A_130 = arith.constant 2.75573188E-6 : f32
        %mul3A_131 = vector.broadcast %mul3A_130 : f32 to vector<16xf32>
        %mul3A_132 = arith.mulf %mul3A_129, %mul3A_131 : vector<16xf32>
        %add3A_133 = arith.constant -1.98412701E-4 : f32
        %add3A_134 = vector.broadcast %add3A_133 : f32 to vector<16xf32>
        %add3A_135 = arith.addf %add3A_134, %mul3A_132 : vector<16xf32>
        %mul3A_136 = arith.mulf %mul3A_129, %add3A_135 : vector<16xf32>
        %add3A_137 = arith.constant 0.00833333377 : f32
        %add3A_138 = vector.broadcast %add3A_137 : f32 to vector<16xf32>
        %add3A_139 = arith.addf %add3A_138, %mul3A_136 : vector<16xf32>
        %mul3A_140 = arith.mulf %mul3A_129, %add3A_139 : vector<16xf32>
        %add3A_141 = arith.constant -0.166666672 : f32
        %add3A_142 = vector.broadcast %add3A_141 : f32 to vector<16xf32>
        %add3A_143 = arith.addf %add3A_142, %mul3A_140 : vector<16xf32>
        %mul3A_144 = arith.mulf %mul3A_129, %add3A_143 : vector<16xf32>
        %add3A_145 = arith.constant 1.000000e+00 : f32
        %add3A_146 = vector.broadcast %add3A_145 : f32 to vector<16xf32>
        %add3A_147 = arith.addf %add3A_146, %mul3A_144 : vector<16xf32>
        %mul3A_148 = arith.mulf %mul3A_128, %add3A_147 : vector<16xf32>
        %neg3A = arith.constant 0.000000e+00 : f32
        %neg3A_149 = vector.broadcast %neg3A : f32 to vector<16xf32>
        %neg3A_150 = arith.subf %neg3A_149, %mul3A_148 : vector<16xf32>
        %broadcast_in_dim3A_151 = arith.constant 1.000000e+00 : f32
        %broadcast_in_dim3A_152 = vector.broadcast %broadcast_in_dim3A_151 : f32 to vector<16xf32>
        %mul3A_153 = arith.constant 2.000000e+00 : f32
        %mul3A_154 = vector.broadcast %mul3A_153 : f32 to vector<16xf32>
        %mul3A_155 = arith.mulf %mul3A_154, %neg3A_150 : vector<16xf32>
        %mul3A_156 = arith.mulf %mul3A_155, %neg3A_150 : vector<16xf32>
        %sub3A_157 = arith.subf %mul3A_156, %broadcast_in_dim3A_152 : vector<16xf32>
        %mul3A_158 = arith.constant 2.000000e+00 : f32
        %mul3A_159 = vector.broadcast %mul3A_158 : f32 to vector<16xf32>
        %mul3A_160 = arith.mulf %mul3A_159, %neg3A_150 : vector<16xf32>
        %mul3A_161 = arith.mulf %mul3A_160, %sub3A_157 : vector<16xf32>
        %sub3A_162 = arith.subf %mul3A_161, %neg3A_150 : vector<16xf32>
        %mul3A_163 = arith.constant 2.000000e+00 : f32
        %mul3A_164 = vector.broadcast %mul3A_163 : f32 to vector<16xf32>
        %mul3A_165 = arith.mulf %mul3A_164, %neg3A_150 : vector<16xf32>
        %mul3A_166 = arith.mulf %mul3A_165, %sub3A_162 : vector<16xf32>
        %sub3A_167 = arith.subf %mul3A_166, %sub3A_157 : vector<16xf32>
        %mul3A_168 = arith.constant 2.000000e+00 : f32
        %mul3A_169 = vector.broadcast %mul3A_168 : f32 to vector<16xf32>
        %mul3A_170 = arith.mulf %mul3A_169, %neg3A_150 : vector<16xf32>
        %mul3A_171 = arith.mulf %mul3A_170, %sub3A_167 : vector<16xf32>
        %sub3A_172 = arith.subf %mul3A_171, %sub3A_162 : vector<16xf32>
        %mul3A_173 = arith.constant 2.000000e+00 : f32
        %mul3A_174 = vector.broadcast %mul3A_173 : f32 to vector<16xf32>
        %mul3A_175 = arith.mulf %mul3A_174, %neg3A_150 : vector<16xf32>
        %mul3A_176 = arith.mulf %mul3A_175, %sub3A_172 : vector<16xf32>
        %sub3A_177 = arith.subf %mul3A_176, %sub3A_167 : vector<16xf32>
        %mul3A_178 = arith.constant 2.000000e+00 : f32
        %mul3A_179 = vector.broadcast %mul3A_178 : f32 to vector<16xf32>
        %mul3A_180 = arith.mulf %mul3A_179, %neg3A_150 : vector<16xf32>
        %mul3A_181 = arith.mulf %mul3A_180, %sub3A_177 : vector<16xf32>
        %sub3A_182 = arith.subf %mul3A_181, %sub3A_172 : vector<16xf32>
        %mul3A_183 = arith.mulf %neg3A_150, %max3A_83 : vector<16xf32>
        %mul3A_184 = arith.mulf %sub3A_157, %max3A_83 : vector<16xf32>
        %mul3A_185 = arith.mulf %sub3A_162, %max3A_83 : vector<16xf32>
        %mul3A_186 = arith.mulf %sub3A_167, %max3A_83 : vector<16xf32>
        %mul3A_187 = arith.mulf %sub3A_172, %max3A_83 : vector<16xf32>
        %mul3A_188 = arith.mulf %sub3A_177, %max3A_83 : vector<16xf32>
        %mul3A_189 = arith.mulf %sub3A_182, %max3A_83 : vector<16xf32>
        %mul3A_190 = arith.constant 1.156000e+01 : f32
        %mul3A_191 = vector.broadcast %mul3A_190 : f32 to vector<16xf32>
        %mul3A_192 = arith.mulf %mul3A_191, %add3A_75 : vector<16xf32>
        %add3A_193 = arith.constant 1.000000e+00 : f32
        %add3A_194 = vector.broadcast %add3A_193 : f32 to vector<16xf32>
        %add3A_195 = arith.addf %add3A_194, %mul3A_192 : vector<16xf32>
        %bitcast3A_196 = vector.bitcast %add3A_195 : vector<16xf32> to vector<16xi32>
        %shift_right_logical3A_197 = arith.constant 1 : i32
        %shift_right_logical3A_198 = vector.broadcast %shift_right_logical3A_197 : i32 to vector<16xi32>
        %shift_right_logical3A_199 = arith.shrui %bitcast3A_196, %shift_right_logical3A_198 : vector<16xi32>
        %sub3A_200 = arith.constant 1597463007 : i32
        %sub3A_201 = vector.broadcast %sub3A_200 : i32 to vector<16xi32>
        %sub3A_202 = arith.subi %sub3A_201, %shift_right_logical3A_199 : vector<16xi32>
        %bitcast3A_203 = vector.bitcast %sub3A_202 : vector<16xi32> to vector<16xf32>
        %mul3A_204 = arith.constant 5.000000e-01 : f32
        %mul3A_205 = vector.broadcast %mul3A_204 : f32 to vector<16xf32>
        %mul3A_206 = arith.mulf %mul3A_205, %add3A_195 : vector<16xf32>
        %mul3A_207 = arith.mulf %mul3A_206, %bitcast3A_203 : vector<16xf32>
        %mul3A_208 = arith.mulf %mul3A_207, %bitcast3A_203 : vector<16xf32>
        %sub3A_209 = arith.constant 1.500000e+00 : f32
        %sub3A_210 = vector.broadcast %sub3A_209 : f32 to vector<16xf32>
        %sub3A_211 = arith.subf %sub3A_210, %mul3A_208 : vector<16xf32>
        %mul3A_212 = arith.mulf %bitcast3A_203, %sub3A_211 : vector<16xf32>
        %mul3A_213 = arith.constant 5.000000e-01 : f32
        %mul3A_214 = vector.broadcast %mul3A_213 : f32 to vector<16xf32>
        %mul3A_215 = arith.mulf %mul3A_214, %add3A_195 : vector<16xf32>
        %mul3A_216 = arith.mulf %mul3A_215, %mul3A_212 : vector<16xf32>
        %mul3A_217 = arith.mulf %mul3A_216, %mul3A_212 : vector<16xf32>
        %sub3A_218 = arith.constant 1.500000e+00 : f32
        %sub3A_219 = vector.broadcast %sub3A_218 : f32 to vector<16xf32>
        %sub3A_220 = arith.subf %sub3A_219, %mul3A_217 : vector<16xf32>
        %mul3A_221 = arith.mulf %mul3A_212, %sub3A_220 : vector<16xf32>
        %mul3A_222 = arith.constant 5.000000e-01 : f32
        %mul3A_223 = vector.broadcast %mul3A_222 : f32 to vector<16xf32>
        %mul3A_224 = arith.mulf %mul3A_223, %add3A_195 : vector<16xf32>
        %mul3A_225 = arith.mulf %mul3A_224, %mul3A_221 : vector<16xf32>
        %mul3A_226 = arith.mulf %mul3A_225, %mul3A_221 : vector<16xf32>
        %sub3A_227 = arith.constant 1.500000e+00 : f32
        %sub3A_228 = vector.broadcast %sub3A_227 : f32 to vector<16xf32>
        %sub3A_229 = arith.subf %sub3A_228, %mul3A_226 : vector<16xf32>
        %mul3A_230 = arith.mulf %mul3A_221, %sub3A_229 : vector<16xf32>
        %mul3A_231 = arith.constant 3.400000e+00 : f32
        %mul3A_232 = vector.broadcast %mul3A_231 : f32 to vector<16xf32>
        %mul3A_233 = arith.mulf %mul3A_232, %mul3A_230 : vector<16xf32>
        %mul3A_234 = arith.mulf %gather3A, %mul3A_233 : vector<16xf32>
        %mul3A_235 = arith.mulf %gather3A_66, %mul3A_233 : vector<16xf32>
        %mul3A_236 = arith.mulf %gather3A_70, %mul3A_233 : vector<16xf32>
        %mul3A_237 = arith.mulf %mul3A_234, %mul3A_234 : vector<16xf32>
        %mul3A_238 = arith.mulf %mul3A_234, %mul3A_235 : vector<16xf32>
        %mul3A_239 = arith.mulf %mul3A_234, %mul3A_236 : vector<16xf32>
        %mul3A_240 = arith.mulf %mul3A_235, %mul3A_235 : vector<16xf32>
        %mul3A_241 = arith.mulf %mul3A_235, %mul3A_236 : vector<16xf32>
        %mul3A_242 = arith.mulf %mul3A_236, %mul3A_236 : vector<16xf32>
        %add3A_243 = vector.broadcast %add3A_47 : i32 to vector<16xi32>
        %add3A_244 = arith.addi %iota3A, %add3A_243 : vector<16xi32>
        %mul3A_245 = arith.mulf %mul3A_184, %mul3A_239 : vector<16xf32>
        %broadcast_in_dim3A_246 = arith.constant 0 : i32
        %broadcast_in_dim3A_247 = vector.broadcast %broadcast_in_dim3A_246 : i32 to vector<16xi32>
        tpu.vector_store_idx %arg9[%add3A_244, %broadcast_in_dim3A_247], %mul3A_245 : memref<256x64xf32, #tpu.memory_space<vmem>>[vector<16xi32>, vector<16xi32>], vector<16xf32>,
        %mul3A_248 = arith.mulf %mul3A_184, %mul3A_238 : vector<16xf32>
        %broadcast_in_dim3A_249 = arith.constant 1 : i32
        %broadcast_in_dim3A_250 = vector.broadcast %broadcast_in_dim3A_249 : i32 to vector<16xi32>
        tpu.vector_store_idx %arg9[%add3A_244, %broadcast_in_dim3A_250], %mul3A_248 : memref<256x64xf32, #tpu.memory_space<vmem>>[vector<16xi32>, vector<16xi32>], vector<16xf32>,
        %mul3A_251 = arith.mulf %mul3A_184, %mul3A_240 : vector<16xf32>
        %broadcast_in_dim3A_252 = arith.constant 2 : i32
        %broadcast_in_dim3A_253 = vector.broadcast %broadcast_in_dim3A_252 : i32 to vector<16xi32>
        tpu.vector_store_idx %arg9[%add3A_244, %broadcast_in_dim3A_253], %mul3A_251 : memref<256x64xf32, #tpu.memory_space<vmem>>[vector<16xi32>, vector<16xi32>], vector<16xf32>,
        %mul3A_254 = arith.mulf %mul3A_184, %mul3A_241 : vector<16xf32>
        %broadcast_in_dim3A_255 = arith.constant 3 : i32
        %broadcast_in_dim3A_256 = vector.broadcast %broadcast_in_dim3A_255 : i32 to vector<16xi32>
        tpu.vector_store_idx %arg9[%add3A_244, %broadcast_in_dim3A_256], %mul3A_254 : memref<256x64xf32, #tpu.memory_space<vmem>>[vector<16xi32>, vector<16xi32>], vector<16xf32>,
        %mul3A_257 = arith.mulf %mul3A_184, %mul3A_239 : vector<16xf32>
        %broadcast_in_dim3A_258 = arith.constant 4 : i32
        %broadcast_in_dim3A_259 = vector.broadcast %broadcast_in_dim3A_258 : i32 to vector<16xi32>
        tpu.vector_store_idx %arg9[%add3A_244, %broadcast_in_dim3A_259], %mul3A_257 : memref<256x64xf32, #tpu.memory_space<vmem>>[vector<16xi32>, vector<16xi32>], vector<16xf32>,
        %mul3A_260 = arith.mulf %mul3A_184, %mul3A_241 : vector<16xf32>
        %broadcast_in_dim3A_261 = arith.constant 5 : i32
        %broadcast_in_dim3A_262 = vector.broadcast %broadcast_in_dim3A_261 : i32 to vector<16xi32>
        tpu.vector_store_idx %arg9[%add3A_244, %broadcast_in_dim3A_262], %mul3A_260 : memref<256x64xf32, #tpu.memory_space<vmem>>[vector<16xi32>, vector<16xi32>], vector<16xf32>,
        %mul3A_263 = arith.mulf %mul3A_184, %mul3A_242 : vector<16xf32>
        %broadcast_in_dim3A_264 = arith.constant 6 : i32
        %broadcast_in_dim3A_265 = vector.broadcast %broadcast_in_dim3A_264 : i32 to vector<16xi32>
        tpu.vector_store_idx %arg9[%add3A_244, %broadcast_in_dim3A_265], %mul3A_263 : memref<256x64xf32, #tpu.memory_space<vmem>>[vector<16xi32>, vector<16xi32>], vector<16xf32>,
        %mul3A_266 = arith.mulf %mul3A_185, %mul3A_237 : vector<16xf32>
        %broadcast_in_dim3A_267 = arith.constant 7 : i32
        %broadcast_in_dim3A_268 = vector.broadcast %broadcast_in_dim3A_267 : i32 to vector<16xi32>
        tpu.vector_store_idx %arg9[%add3A_244, %broadcast_in_dim3A_268], %mul3A_266 : memref<256x64xf32, #tpu.memory_space<vmem>>[vector<16xi32>, vector<16xi32>], vector<16xf32>,
        %mul3A_269 = arith.mulf %mul3A_185, %mul3A_238 : vector<16xf32>
        %broadcast_in_dim3A_270 = arith.constant 8 : i32
        %broadcast_in_dim3A_271 = vector.broadcast %broadcast_in_dim3A_270 : i32 to vector<16xi32>
        tpu.vector_store_idx %arg9[%add3A_244, %broadcast_in_dim3A_271], %mul3A_269 : memref<256x64xf32, #tpu.memory_space<vmem>>[vector<16xi32>, vector<16xi32>], vector<16xf32>,
        %mul3A_272 = arith.mulf %mul3A_185, %mul3A_239 : vector<16xf32>
        %broadcast_in_dim3A_273 = arith.constant 9 : i32
        %broadcast_in_dim3A_274 = vector.broadcast %broadcast_in_dim3A_273 : i32 to vector<16xi32>
        tpu.vector_store_idx %arg9[%add3A_244, %broadcast_in_dim3A_274], %mul3A_272 : memref<256x64xf32, #tpu.memory_space<vmem>>[vector<16xi32>, vector<16xi32>], vector<16xf32>,
        %mul3A_275 = arith.mulf %mul3A_185, %mul3A_238 : vector<16xf32>
        %broadcast_in_dim3A_276 = arith.constant 10 : i32
        %broadcast_in_dim3A_277 = vector.broadcast %broadcast_in_dim3A_276 : i32 to vector<16xi32>
        tpu.vector_store_idx %arg9[%add3A_244, %broadcast_in_dim3A_277], %mul3A_275 : memref<256x64xf32, #tpu.memory_space<vmem>>[vector<16xi32>, vector<16xi32>], vector<16xf32>,
        %mul3A_278 = arith.mulf %mul3A_185, %mul3A_240 : vector<16xf32>
        %broadcast_in_dim3A_279 = arith.constant 11 : i32
        %broadcast_in_dim3A_280 = vector.broadcast %broadcast_in_dim3A_279 : i32 to vector<16xi32>
        tpu.vector_store_idx %arg9[%add3A_244, %broadcast_in_dim3A_280], %mul3A_278 : memref<256x64xf32, #tpu.memory_space<vmem>>[vector<16xi32>, vector<16xi32>], vector<16xf32>,
        %mul3A_281 = arith.mulf %mul3A_185, %mul3A_241 : vector<16xf32>
        %broadcast_in_dim3A_282 = arith.constant 12 : i32
        %broadcast_in_dim3A_283 = vector.broadcast %broadcast_in_dim3A_282 : i32 to vector<16xi32>
        tpu.vector_store_idx %arg9[%add3A_244, %broadcast_in_dim3A_283], %mul3A_281 : memref<256x64xf32, #tpu.memory_space<vmem>>[vector<16xi32>, vector<16xi32>], vector<16xf32>,
        %mul3A_284 = arith.mulf %mul3A_185, %mul3A_239 : vector<16xf32>
        %broadcast_in_dim3A_285 = arith.constant 13 : i32
        %broadcast_in_dim3A_286 = vector.broadcast %broadcast_in_dim3A_285 : i32 to vector<16xi32>
        tpu.vector_store_idx %arg9[%add3A_244, %broadcast_in_dim3A_286], %mul3A_284 : memref<256x64xf32, #tpu.memory_space<vmem>>[vector<16xi32>, vector<16xi32>], vector<16xf32>,
        %mul3A_287 = arith.mulf %mul3A_185, %mul3A_241 : vector<16xf32>
        %broadcast_in_dim3A_288 = arith.constant 14 : i32
        %broadcast_in_dim3A_289 = vector.broadcast %broadcast_in_dim3A_288 : i32 to vector<16xi32>
        tpu.vector_store_idx %arg9[%add3A_244, %broadcast_in_dim3A_289], %mul3A_287 : memref<256x64xf32, #tpu.memory_space<vmem>>[vector<16xi32>, vector<16xi32>], vector<16xf32>,
        %mul3A_290 = arith.mulf %mul3A_185, %mul3A_242 : vector<16xf32>
        %broadcast_in_dim3A_291 = arith.constant 15 : i32
        %broadcast_in_dim3A_292 = vector.broadcast %broadcast_in_dim3A_291 : i32 to vector<16xi32>
        tpu.vector_store_idx %arg9[%add3A_244, %broadcast_in_dim3A_292], %mul3A_290 : memref<256x64xf32, #tpu.memory_space<vmem>>[vector<16xi32>, vector<16xi32>], vector<16xf32>,
        %mul3A_293 = arith.mulf %mul3A_186, %mul3A_237 : vector<16xf32>
        %broadcast_in_dim3A_294 = arith.constant 16 : i32
        %broadcast_in_dim3A_295 = vector.broadcast %broadcast_in_dim3A_294 : i32 to vector<16xi32>
        tpu.vector_store_idx %arg9[%add3A_244, %broadcast_in_dim3A_295], %mul3A_293 : memref<256x64xf32, #tpu.memory_space<vmem>>[vector<16xi32>, vector<16xi32>], vector<16xf32>,
        %mul3A_296 = arith.mulf %mul3A_186, %mul3A_238 : vector<16xf32>
        %broadcast_in_dim3A_297 = arith.constant 17 : i32
        %broadcast_in_dim3A_298 = vector.broadcast %broadcast_in_dim3A_297 : i32 to vector<16xi32>
        tpu.vector_store_idx %arg9[%add3A_244, %broadcast_in_dim3A_298], %mul3A_296 : memref<256x64xf32, #tpu.memory_space<vmem>>[vector<16xi32>, vector<16xi32>], vector<16xf32>,
        %mul3A_299 = arith.mulf %mul3A_186, %mul3A_239 : vector<16xf32>
        %broadcast_in_dim3A_300 = arith.constant 18 : i32
        %broadcast_in_dim3A_301 = vector.broadcast %broadcast_in_dim3A_300 : i32 to vector<16xi32>
        tpu.vector_store_idx %arg9[%add3A_244, %broadcast_in_dim3A_301], %mul3A_299 : memref<256x64xf32, #tpu.memory_space<vmem>>[vector<16xi32>, vector<16xi32>], vector<16xf32>,
        %mul3A_302 = arith.mulf %mul3A_186, %mul3A_238 : vector<16xf32>
        %broadcast_in_dim3A_303 = arith.constant 19 : i32
        %broadcast_in_dim3A_304 = vector.broadcast %broadcast_in_dim3A_303 : i32 to vector<16xi32>
        tpu.vector_store_idx %arg9[%add3A_244, %broadcast_in_dim3A_304], %mul3A_302 : memref<256x64xf32, #tpu.memory_space<vmem>>[vector<16xi32>, vector<16xi32>], vector<16xf32>,
        %mul3A_305 = arith.mulf %mul3A_186, %mul3A_240 : vector<16xf32>
        %broadcast_in_dim3A_306 = arith.constant 20 : i32
        %broadcast_in_dim3A_307 = vector.broadcast %broadcast_in_dim3A_306 : i32 to vector<16xi32>
        tpu.vector_store_idx %arg9[%add3A_244, %broadcast_in_dim3A_307], %mul3A_305 : memref<256x64xf32, #tpu.memory_space<vmem>>[vector<16xi32>, vector<16xi32>], vector<16xf32>,
        %mul3A_308 = arith.mulf %mul3A_186, %mul3A_241 : vector<16xf32>
        %broadcast_in_dim3A_309 = arith.constant 21 : i32
        %broadcast_in_dim3A_310 = vector.broadcast %broadcast_in_dim3A_309 : i32 to vector<16xi32>
        tpu.vector_store_idx %arg9[%add3A_244, %broadcast_in_dim3A_310], %mul3A_308 : memref<256x64xf32, #tpu.memory_space<vmem>>[vector<16xi32>, vector<16xi32>], vector<16xf32>,
        %mul3A_311 = arith.mulf %mul3A_186, %mul3A_239 : vector<16xf32>
        %broadcast_in_dim3A_312 = arith.constant 22 : i32
        %broadcast_in_dim3A_313 = vector.broadcast %broadcast_in_dim3A_312 : i32 to vector<16xi32>
        tpu.vector_store_idx %arg9[%add3A_244, %broadcast_in_dim3A_313], %mul3A_311 : memref<256x64xf32, #tpu.memory_space<vmem>>[vector<16xi32>, vector<16xi32>], vector<16xf32>,
        %mul3A_314 = arith.mulf %mul3A_186, %mul3A_241 : vector<16xf32>
        %broadcast_in_dim3A_315 = arith.constant 23 : i32
        %broadcast_in_dim3A_316 = vector.broadcast %broadcast_in_dim3A_315 : i32 to vector<16xi32>
        tpu.vector_store_idx %arg9[%add3A_244, %broadcast_in_dim3A_316], %mul3A_314 : memref<256x64xf32, #tpu.memory_space<vmem>>[vector<16xi32>, vector<16xi32>], vector<16xf32>,
        %mul3A_317 = arith.mulf %mul3A_186, %mul3A_242 : vector<16xf32>
        %broadcast_in_dim3A_318 = arith.constant 24 : i32
        %broadcast_in_dim3A_319 = vector.broadcast %broadcast_in_dim3A_318 : i32 to vector<16xi32>
        tpu.vector_store_idx %arg9[%add3A_244, %broadcast_in_dim3A_319], %mul3A_317 : memref<256x64xf32, #tpu.memory_space<vmem>>[vector<16xi32>, vector<16xi32>], vector<16xf32>,
        %mul3A_320 = arith.mulf %mul3A_187, %mul3A_237 : vector<16xf32>
        %broadcast_in_dim3A_321 = arith.constant 25 : i32
        %broadcast_in_dim3A_322 = vector.broadcast %broadcast_in_dim3A_321 : i32 to vector<16xi32>
        tpu.vector_store_idx %arg9[%add3A_244, %broadcast_in_dim3A_322], %mul3A_320 : memref<256x64xf32, #tpu.memory_space<vmem>>[vector<16xi32>, vector<16xi32>], vector<16xf32>,
        %mul3A_323 = arith.mulf %mul3A_187, %mul3A_238 : vector<16xf32>
        %broadcast_in_dim3A_324 = arith.constant 26 : i32
        %broadcast_in_dim3A_325 = vector.broadcast %broadcast_in_dim3A_324 : i32 to vector<16xi32>
        tpu.vector_store_idx %arg9[%add3A_244, %broadcast_in_dim3A_325], %mul3A_323 : memref<256x64xf32, #tpu.memory_space<vmem>>[vector<16xi32>, vector<16xi32>], vector<16xf32>,
        %mul3A_326 = arith.mulf %mul3A_187, %mul3A_239 : vector<16xf32>
        %broadcast_in_dim3A_327 = arith.constant 27 : i32
        %broadcast_in_dim3A_328 = vector.broadcast %broadcast_in_dim3A_327 : i32 to vector<16xi32>
        tpu.vector_store_idx %arg9[%add3A_244, %broadcast_in_dim3A_328], %mul3A_326 : memref<256x64xf32, #tpu.memory_space<vmem>>[vector<16xi32>, vector<16xi32>], vector<16xf32>,
        %mul3A_329 = arith.mulf %mul3A_187, %mul3A_238 : vector<16xf32>
        %broadcast_in_dim3A_330 = arith.constant 28 : i32
        %broadcast_in_dim3A_331 = vector.broadcast %broadcast_in_dim3A_330 : i32 to vector<16xi32>
        tpu.vector_store_idx %arg9[%add3A_244, %broadcast_in_dim3A_331], %mul3A_329 : memref<256x64xf32, #tpu.memory_space<vmem>>[vector<16xi32>, vector<16xi32>], vector<16xf32>,
        %mul3A_332 = arith.mulf %mul3A_187, %mul3A_240 : vector<16xf32>
        %broadcast_in_dim3A_333 = arith.constant 29 : i32
        %broadcast_in_dim3A_334 = vector.broadcast %broadcast_in_dim3A_333 : i32 to vector<16xi32>
        tpu.vector_store_idx %arg9[%add3A_244, %broadcast_in_dim3A_334], %mul3A_332 : memref<256x64xf32, #tpu.memory_space<vmem>>[vector<16xi32>, vector<16xi32>], vector<16xf32>,
        %mul3A_335 = arith.mulf %mul3A_187, %mul3A_241 : vector<16xf32>
        %broadcast_in_dim3A_336 = arith.constant 30 : i32
        %broadcast_in_dim3A_337 = vector.broadcast %broadcast_in_dim3A_336 : i32 to vector<16xi32>
        tpu.vector_store_idx %arg9[%add3A_244, %broadcast_in_dim3A_337], %mul3A_335 : memref<256x64xf32, #tpu.memory_space<vmem>>[vector<16xi32>, vector<16xi32>], vector<16xf32>,
        %mul3A_338 = arith.mulf %mul3A_187, %mul3A_239 : vector<16xf32>
        %broadcast_in_dim3A_339 = arith.constant 31 : i32
        %broadcast_in_dim3A_340 = vector.broadcast %broadcast_in_dim3A_339 : i32 to vector<16xi32>
        tpu.vector_store_idx %arg9[%add3A_244, %broadcast_in_dim3A_340], %mul3A_338 : memref<256x64xf32, #tpu.memory_space<vmem>>[vector<16xi32>, vector<16xi32>], vector<16xf32>,
        %mul3A_341 = arith.mulf %mul3A_187, %mul3A_241 : vector<16xf32>
        %broadcast_in_dim3A_342 = arith.constant 32 : i32
        %broadcast_in_dim3A_343 = vector.broadcast %broadcast_in_dim3A_342 : i32 to vector<16xi32>
        tpu.vector_store_idx %arg9[%add3A_244, %broadcast_in_dim3A_343], %mul3A_341 : memref<256x64xf32, #tpu.memory_space<vmem>>[vector<16xi32>, vector<16xi32>], vector<16xf32>,
        %mul3A_344 = arith.mulf %mul3A_187, %mul3A_242 : vector<16xf32>
        %broadcast_in_dim3A_345 = arith.constant 33 : i32
        %broadcast_in_dim3A_346 = vector.broadcast %broadcast_in_dim3A_345 : i32 to vector<16xi32>
        tpu.vector_store_idx %arg9[%add3A_244, %broadcast_in_dim3A_346], %mul3A_344 : memref<256x64xf32, #tpu.memory_space<vmem>>[vector<16xi32>, vector<16xi32>], vector<16xf32>,
        %mul3A_347 = arith.mulf %mul3A_188, %mul3A_237 : vector<16xf32>
        %broadcast_in_dim3A_348 = arith.constant 34 : i32
        %broadcast_in_dim3A_349 = vector.broadcast %broadcast_in_dim3A_348 : i32 to vector<16xi32>
        tpu.vector_store_idx %arg9[%add3A_244, %broadcast_in_dim3A_349], %mul3A_347 : memref<256x64xf32, #tpu.memory_space<vmem>>[vector<16xi32>, vector<16xi32>], vector<16xf32>,
        %mul3A_350 = arith.mulf %mul3A_188, %mul3A_238 : vector<16xf32>
        %broadcast_in_dim3A_351 = arith.constant 35 : i32
        %broadcast_in_dim3A_352 = vector.broadcast %broadcast_in_dim3A_351 : i32 to vector<16xi32>
        tpu.vector_store_idx %arg9[%add3A_244, %broadcast_in_dim3A_352], %mul3A_350 : memref<256x64xf32, #tpu.memory_space<vmem>>[vector<16xi32>, vector<16xi32>], vector<16xf32>,
        %mul3A_353 = arith.mulf %mul3A_188, %mul3A_239 : vector<16xf32>
        %broadcast_in_dim3A_354 = arith.constant 36 : i32
        %broadcast_in_dim3A_355 = vector.broadcast %broadcast_in_dim3A_354 : i32 to vector<16xi32>
        tpu.vector_store_idx %arg9[%add3A_244, %broadcast_in_dim3A_355], %mul3A_353 : memref<256x64xf32, #tpu.memory_space<vmem>>[vector<16xi32>, vector<16xi32>], vector<16xf32>,
        %mul3A_356 = arith.mulf %mul3A_188, %mul3A_238 : vector<16xf32>
        %broadcast_in_dim3A_357 = arith.constant 37 : i32
        %broadcast_in_dim3A_358 = vector.broadcast %broadcast_in_dim3A_357 : i32 to vector<16xi32>
        tpu.vector_store_idx %arg9[%add3A_244, %broadcast_in_dim3A_358], %mul3A_356 : memref<256x64xf32, #tpu.memory_space<vmem>>[vector<16xi32>, vector<16xi32>], vector<16xf32>,
        %mul3A_359 = arith.mulf %mul3A_188, %mul3A_240 : vector<16xf32>
        %broadcast_in_dim3A_360 = arith.constant 38 : i32
        %broadcast_in_dim3A_361 = vector.broadcast %broadcast_in_dim3A_360 : i32 to vector<16xi32>
        tpu.vector_store_idx %arg9[%add3A_244, %broadcast_in_dim3A_361], %mul3A_359 : memref<256x64xf32, #tpu.memory_space<vmem>>[vector<16xi32>, vector<16xi32>], vector<16xf32>,
        %mul3A_362 = arith.mulf %mul3A_188, %mul3A_241 : vector<16xf32>
        %broadcast_in_dim3A_363 = arith.constant 39 : i32
        %broadcast_in_dim3A_364 = vector.broadcast %broadcast_in_dim3A_363 : i32 to vector<16xi32>
        tpu.vector_store_idx %arg9[%add3A_244, %broadcast_in_dim3A_364], %mul3A_362 : memref<256x64xf32, #tpu.memory_space<vmem>>[vector<16xi32>, vector<16xi32>], vector<16xf32>,
        %mul3A_365 = arith.mulf %mul3A_188, %mul3A_239 : vector<16xf32>
        %broadcast_in_dim3A_366 = arith.constant 40 : i32
        %broadcast_in_dim3A_367 = vector.broadcast %broadcast_in_dim3A_366 : i32 to vector<16xi32>
        tpu.vector_store_idx %arg9[%add3A_244, %broadcast_in_dim3A_367], %mul3A_365 : memref<256x64xf32, #tpu.memory_space<vmem>>[vector<16xi32>, vector<16xi32>], vector<16xf32>,
        %mul3A_368 = arith.mulf %mul3A_188, %mul3A_241 : vector<16xf32>
        %broadcast_in_dim3A_369 = arith.constant 41 : i32
        %broadcast_in_dim3A_370 = vector.broadcast %broadcast_in_dim3A_369 : i32 to vector<16xi32>
        tpu.vector_store_idx %arg9[%add3A_244, %broadcast_in_dim3A_370], %mul3A_368 : memref<256x64xf32, #tpu.memory_space<vmem>>[vector<16xi32>, vector<16xi32>], vector<16xf32>,
        %mul3A_371 = arith.mulf %mul3A_188, %mul3A_242 : vector<16xf32>
        %broadcast_in_dim3A_372 = arith.constant 42 : i32
        %broadcast_in_dim3A_373 = vector.broadcast %broadcast_in_dim3A_372 : i32 to vector<16xi32>
        tpu.vector_store_idx %arg9[%add3A_244, %broadcast_in_dim3A_373], %mul3A_371 : memref<256x64xf32, #tpu.memory_space<vmem>>[vector<16xi32>, vector<16xi32>], vector<16xf32>,
        %mul3A_374 = arith.mulf %mul3A_189, %mul3A_237 : vector<16xf32>
        %broadcast_in_dim3A_375 = arith.constant 43 : i32
        %broadcast_in_dim3A_376 = vector.broadcast %broadcast_in_dim3A_375 : i32 to vector<16xi32>
        tpu.vector_store_idx %arg9[%add3A_244, %broadcast_in_dim3A_376], %mul3A_374 : memref<256x64xf32, #tpu.memory_space<vmem>>[vector<16xi32>, vector<16xi32>], vector<16xf32>,
        %mul3A_377 = arith.mulf %mul3A_189, %mul3A_238 : vector<16xf32>
        %broadcast_in_dim3A_378 = arith.constant 44 : i32
        %broadcast_in_dim3A_379 = vector.broadcast %broadcast_in_dim3A_378 : i32 to vector<16xi32>
        tpu.vector_store_idx %arg9[%add3A_244, %broadcast_in_dim3A_379], %mul3A_377 : memref<256x64xf32, #tpu.memory_space<vmem>>[vector<16xi32>, vector<16xi32>], vector<16xf32>,
        %mul3A_380 = arith.mulf %mul3A_189, %mul3A_239 : vector<16xf32>
        %broadcast_in_dim3A_381 = arith.constant 45 : i32
        %broadcast_in_dim3A_382 = vector.broadcast %broadcast_in_dim3A_381 : i32 to vector<16xi32>
        tpu.vector_store_idx %arg9[%add3A_244, %broadcast_in_dim3A_382], %mul3A_380 : memref<256x64xf32, #tpu.memory_space<vmem>>[vector<16xi32>, vector<16xi32>], vector<16xf32>,
        %mul3A_383 = arith.mulf %mul3A_189, %mul3A_238 : vector<16xf32>
        %broadcast_in_dim3A_384 = arith.constant 46 : i32
        %broadcast_in_dim3A_385 = vector.broadcast %broadcast_in_dim3A_384 : i32 to vector<16xi32>
        tpu.vector_store_idx %arg9[%add3A_244, %broadcast_in_dim3A_385], %mul3A_383 : memref<256x64xf32, #tpu.memory_space<vmem>>[vector<16xi32>, vector<16xi32>], vector<16xf32>,
        %mul3A_386 = arith.mulf %mul3A_189, %mul3A_240 : vector<16xf32>
        %broadcast_in_dim3A_387 = arith.constant 47 : i32
        %broadcast_in_dim3A_388 = vector.broadcast %broadcast_in_dim3A_387 : i32 to vector<16xi32>
        tpu.vector_store_idx %arg9[%add3A_244, %broadcast_in_dim3A_388], %mul3A_386 : memref<256x64xf32, #tpu.memory_space<vmem>>[vector<16xi32>, vector<16xi32>], vector<16xf32>,
        %mul3A_389 = arith.mulf %mul3A_189, %mul3A_241 : vector<16xf32>
        %broadcast_in_dim3A_390 = arith.constant 48 : i32
        %broadcast_in_dim3A_391 = vector.broadcast %broadcast_in_dim3A_390 : i32 to vector<16xi32>
        tpu.vector_store_idx %arg9[%add3A_244, %broadcast_in_dim3A_391], %mul3A_389 : memref<256x64xf32, #tpu.memory_space<vmem>>[vector<16xi32>, vector<16xi32>], vector<16xf32>,
        %mul3A_392 = arith.mulf %mul3A_189, %mul3A_239 : vector<16xf32>
        %broadcast_in_dim3A_393 = arith.constant 49 : i32
        %broadcast_in_dim3A_394 = vector.broadcast %broadcast_in_dim3A_393 : i32 to vector<16xi32>
        tpu.vector_store_idx %arg9[%add3A_244, %broadcast_in_dim3A_394], %mul3A_392 : memref<256x64xf32, #tpu.memory_space<vmem>>[vector<16xi32>, vector<16xi32>], vector<16xf32>,
        %mul3A_395 = arith.mulf %mul3A_189, %mul3A_241 : vector<16xf32>
        %broadcast_in_dim3A_396 = arith.constant 50 : i32
        %broadcast_in_dim3A_397 = vector.broadcast %broadcast_in_dim3A_396 : i32 to vector<16xi32>
        tpu.vector_store_idx %arg9[%add3A_244, %broadcast_in_dim3A_397], %mul3A_395 : memref<256x64xf32, #tpu.memory_space<vmem>>[vector<16xi32>, vector<16xi32>], vector<16xf32>,
        %mul3A_398 = arith.mulf %mul3A_189, %mul3A_242 : vector<16xf32>
        %broadcast_in_dim3A_399 = arith.constant 51 : i32
        %broadcast_in_dim3A_400 = vector.broadcast %broadcast_in_dim3A_399 : i32 to vector<16xi32>
        tpu.vector_store_idx %arg9[%add3A_244, %broadcast_in_dim3A_400], %mul3A_398 : memref<256x64xf32, #tpu.memory_space<vmem>>[vector<16xi32>, vector<16xi32>], vector<16xf32>,
        %scan3A_401 = arith.constant 0 : i32
        scf.yield %scan3A_401 : i32
      }
      %scan3A_39 = arith.constant 8 : i32
      %run_scoped3A = arith.constant 0 : i32
      "tpu.region"() ({
        %run_scoped3A_42 = tpu.sem_alloc : memref<!tpu.dma_semaphore, #tpu.memory_space<semaphore_mem>>
        %dma_start3A = arith.constant 0 : i32
        %dma_start3A_43 = arith.constant 0 : i32
        %dma_start3A_44 = tpu.memref_slice %arg9[%dma_start3A, %dma_start3A_43] : memref<256x64xf32, #tpu.memory_space<vmem>> -> memref<128x64xf32, #tpu.memory_space<vmem>>
        %dma_start3A_45 = arith.constant 0 : i32
        %dma_start3A_46 = tpu.memref_slice %arg8[%run_scoped3A, %dma_start3A_45] : memref<2x128xi32, #tpu.memory_space<vmem>> -> memref<1x128xi32, #tpu.memory_space<vmem>>
        %dma_start3A_47 = tpu.memref_squeeze %dma_start3A_46 : memref<1x128xi32, #tpu.memory_space<vmem>> -> memref<128xi32, #tpu.memory_space<vmem>>
        %dma_start3A_48 = arith.constant 0 : i32
        %dma_start3A_49 = arith.constant 0 : i32
        %dma_start3A_50 = tpu.memref_slice %arg10[%dma_start3A_48, %dma_start3A_49] : memref<25104x64xf32, #tpu.memory_space<vmem_shared>> -> memref<25104x64xf32, #tpu.memory_space<vmem_shared>>
        tpu.enqueue_indirect_dma source(%dma_start3A_44 : memref<128x64xf32, #tpu.memory_space<vmem>>) target(%dma_start3A_50 : memref<25104x64xf32, #tpu.memory_space<vmem_shared>>) offsets(%dma_start3A_47 : memref<128xi32, #tpu.memory_space<vmem>>) semaphore(%run_scoped3A_42 : memref<!tpu.dma_semaphore, #tpu.memory_space<semaphore_mem>>) {add = true}
        %dma_wait3A = arith.constant 0 : i32
        %dma_wait3A_51 = arith.constant 0 : i32
        %dma_wait3A_52 = tpu.memref_slice %arg9[%dma_wait3A, %dma_wait3A_51] : memref<256x64xf32, #tpu.memory_space<vmem>> -> memref<128x64xf32, #tpu.memory_space<vmem>>
        %dma_wait3A_53 = arith.constant 0 : i32
        %dma_wait3A_54 = tpu.memref_slice %arg8[%run_scoped3A, %dma_wait3A_53] : memref<2x128xi32, #tpu.memory_space<vmem>> -> memref<1x128xi32, #tpu.memory_space<vmem>>
        %dma_wait3A_55 = tpu.memref_squeeze %dma_wait3A_54 : memref<1x128xi32, #tpu.memory_space<vmem>> -> memref<128xi32, #tpu.memory_space<vmem>>
        %dma_wait3A_56 = arith.constant 0 : i32
        %dma_wait3A_57 = arith.constant 0 : i32
        %dma_wait3A_58 = tpu.memref_slice %arg10[%dma_wait3A_56, %dma_wait3A_57] : memref<25104x64xf32, #tpu.memory_space<vmem_shared>> -> memref<25104x64xf32, #tpu.memory_space<vmem_shared>>
        tpu.wait_indirect_dma semaphore(%run_scoped3A_42 : memref<!tpu.dma_semaphore, #tpu.memory_space<semaphore_mem>>) src(%dma_wait3A_52 : memref<128x64xf32, #tpu.memory_space<vmem>>) dst(%dma_wait3A_58 : memref<25104x64xf32, #tpu.memory_space<vmem_shared>>)
        tpu.yield
      }) : () -> ()
      %run_scoped3A_40 = arith.constant 1 : i32
      "tpu.region"() ({
        %run_scoped3A_42 = tpu.sem_alloc : memref<!tpu.dma_semaphore, #tpu.memory_space<semaphore_mem>>
        %dma_start3A = arith.constant 128 : i32
        %dma_start3A_43 = arith.constant 0 : i32
        %dma_start3A_44 = tpu.memref_slice %arg9[%dma_start3A, %dma_start3A_43] : memref<256x64xf32, #tpu.memory_space<vmem>> -> memref<128x64xf32, #tpu.memory_space<vmem>>
        %dma_start3A_45 = arith.constant 0 : i32
        %dma_start3A_46 = tpu.memref_slice %arg8[%run_scoped3A_40, %dma_start3A_45] : memref<2x128xi32, #tpu.memory_space<vmem>> -> memref<1x128xi32, #tpu.memory_space<vmem>>
        %dma_start3A_47 = tpu.memref_squeeze %dma_start3A_46 : memref<1x128xi32, #tpu.memory_space<vmem>> -> memref<128xi32, #tpu.memory_space<vmem>>
        %dma_start3A_48 = arith.constant 0 : i32
        %dma_start3A_49 = arith.constant 0 : i32
        %dma_start3A_50 = tpu.memref_slice %arg10[%dma_start3A_48, %dma_start3A_49] : memref<25104x64xf32, #tpu.memory_space<vmem_shared>> -> memref<25104x64xf32, #tpu.memory_space<vmem_shared>>
        tpu.enqueue_indirect_dma source(%dma_start3A_44 : memref<128x64xf32, #tpu.memory_space<vmem>>) target(%dma_start3A_50 : memref<25104x64xf32, #tpu.memory_space<vmem_shared>>) offsets(%dma_start3A_47 : memref<128xi32, #tpu.memory_space<vmem>>) semaphore(%run_scoped3A_42 : memref<!tpu.dma_semaphore, #tpu.memory_space<semaphore_mem>>) {add = true}
        %dma_wait3A = arith.constant 128 : i32
        %dma_wait3A_51 = arith.constant 0 : i32
        %dma_wait3A_52 = tpu.memref_slice %arg9[%dma_wait3A, %dma_wait3A_51] : memref<256x64xf32, #tpu.memory_space<vmem>> -> memref<128x64xf32, #tpu.memory_space<vmem>>
        %dma_wait3A_53 = arith.constant 0 : i32
        %dma_wait3A_54 = tpu.memref_slice %arg8[%run_scoped3A_40, %dma_wait3A_53] : memref<2x128xi32, #tpu.memory_space<vmem>> -> memref<1x128xi32, #tpu.memory_space<vmem>>
        %dma_wait3A_55 = tpu.memref_squeeze %dma_wait3A_54 : memref<1x128xi32, #tpu.memory_space<vmem>> -> memref<128xi32, #tpu.memory_space<vmem>>
        %dma_wait3A_56 = arith.constant 0 : i32
        %dma_wait3A_57 = arith.constant 0 : i32
        %dma_wait3A_58 = tpu.memref_slice %arg10[%dma_wait3A_56, %dma_wait3A_57] : memref<25104x64xf32, #tpu.memory_space<vmem_shared>> -> memref<25104x64xf32, #tpu.memory_space<vmem_shared>>
        tpu.wait_indirect_dma semaphore(%run_scoped3A_42 : memref<!tpu.dma_semaphore, #tpu.memory_space<semaphore_mem>>) src(%dma_wait3A_52 : memref<128x64xf32, #tpu.memory_space<vmem>>) dst(%dma_wait3A_58 : memref<25104x64xf32, #tpu.memory_space<vmem_shared>>)
        tpu.yield
      }) : () -> ()
      %scan3A_41 = arith.constant 0 : i32
      scf.yield %scan3A_41 : i32
    }
    %scan3A_11 = arith.constant 196 : i32
    %barrier3A_12 = arith.constant 0 : index
    tpu.barrier barrier_id(%barrier3A_12)
    %mul3A_13 = arith.constant 1568 : i32
    %mul3A_14 = arith.muli %arg1, %mul3A_13 : i32
    %mul3A_15 = arith.constant 1568 : i32
    %mul3A_16 = arith.muli %arg1, %mul3A_15 : i32
    %add3A = arith.addi %mul3A_0, %mul3A_16 : i32
    "tpu.region"() ({
      %run_scoped3A = tpu.sem_alloc : memref<!tpu.dma_semaphore, #tpu.memory_space<semaphore_mem>>
      %dma_start3A = arith.constant 0 : i32
      %dma_start3A_17 = tpu.memref_slice %arg5[%add3A, %dma_start3A] : memref<50176x64xf32, #tpu.memory_space<hbm>> -> memref<1568x64xf32, #tpu.memory_space<hbm>>
      %dma_start3A_18 = arith.constant 0 : i32
      %dma_start3A_19 = tpu.memref_slice %arg10[%mul3A_14, %dma_start3A_18] : memref<25104x64xf32, #tpu.memory_space<vmem_shared>> -> memref<1568x64xf32, #tpu.memory_space<vmem_shared>>
      tpu.enqueue_dma source(%dma_start3A_19 : memref<1568x64xf32, #tpu.memory_space<vmem_shared>>) target(%dma_start3A_17 : memref<1568x64xf32, #tpu.memory_space<hbm>>) target_semaphore(%run_scoped3A : memref<!tpu.dma_semaphore, #tpu.memory_space<semaphore_mem>>)
      %dma_wait3A = arith.constant 0 : i32
      %dma_wait3A_20 = tpu.memref_slice %arg5[%add3A, %dma_wait3A] : memref<50176x64xf32, #tpu.memory_space<hbm>> -> memref<1568x64xf32, #tpu.memory_space<hbm>>
      %dma_wait3A_21 = arith.constant 0 : i32
      %dma_wait3A_22 = tpu.memref_slice %arg10[%mul3A_14, %dma_wait3A_21] : memref<25104x64xf32, #tpu.memory_space<vmem_shared>> -> memref<1568x64xf32, #tpu.memory_space<vmem_shared>>
      tpu.wait_dma2 semaphore(%run_scoped3A : memref<!tpu.dma_semaphore, #tpu.memory_space<semaphore_mem>>) src(%dma_wait3A_22 : memref<1568x64xf32, #tpu.memory_space<vmem_shared>>) dst(%dma_wait3A_20 : memref<1568x64xf32, #tpu.memory_space<hbm>>)
      tpu.yield
    }) : () -> ()
    return
  }
}

module attributes {stable_mosaic.version = 14 : i64} {
  func.func @_mm_body(%arg0: i32, %arg1: memref<1024x64xf32, #tpu.memory_space<vmem>>, %arg2: memref<1024x64xf32, #tpu.memory_space<vmem>>, %arg3: memref<64x64xf32, #tpu.memory_space<vmem>>, %arg4: memref<64x192xf32, #tpu.memory_space<vmem>>, %arg5: memref<64x576xf32, #tpu.memory_space<vmem>>, %arg6: memref<64x576xf32, #tpu.memory_space<vmem>>, %arg7: memref<64x1024xf32, #tpu.memory_space<vmem>>, %arg8: memref<192x1024xf32, #tpu.memory_space<vmem>>, %arg9: memref<576x1024xf32, #tpu.memory_space<vmem>>) attributes {dimension_semantics = [#tpu.dimension_semantics<arbitrary>], iteration_bounds = array<i64: 49>, scalar_prefetch = 0 : i64, scratch_operands = 0 : i64, tpu.core_type = #tpu.core_type<tc>, window_params = [{transform_indices = @transform_0, window_bounds = array<i64: 1024, 64>}, {transform_indices = @transform_1, window_bounds = array<i64: 1024, 64>}, {pipeline_mode = #tpu.pipeline_mode<synchronous>, transform_indices = @transform_2, window_bounds = array<i64: 64, 64>}, {pipeline_mode = #tpu.pipeline_mode<synchronous>, transform_indices = @transform_3, window_bounds = array<i64: 64, 192>}, {pipeline_mode = #tpu.pipeline_mode<synchronous>, transform_indices = @transform_4, window_bounds = array<i64: 64, 576>}, {pipeline_mode = #tpu.pipeline_mode<synchronous>, transform_indices = @transform_5, window_bounds = array<i64: 64, 576>}, {transform_indices = @transform_6, window_bounds = array<i64: 64, 1024>}, {transform_indices = @transform_7, window_bounds = array<i64: 192, 1024>}, {transform_indices = @transform_8, window_bounds = array<i64: 576, 1024>}]} {
    %get3A = arith.constant 0 : index
    %get3A_0 = arith.constant 0 : index
    %get3A_1 = vector.load %arg1[%get3A, %get3A_0] : memref<1024x64xf32, #tpu.memory_space<vmem>>, vector<1024x64xf32>
    %get3A_2 = arith.constant 0 : index
    %get3A_3 = arith.constant 0 : index
    %get3A_4 = vector.load %arg2[%get3A_2, %get3A_3] : memref<1024x64xf32, #tpu.memory_space<vmem>>, vector<1024x64xf32>
    %get3A_5 = arith.constant 0 : index
    %get3A_6 = arith.constant 0 : index
    %get3A_7 = vector.load %arg3[%get3A_5, %get3A_6] : memref<64x64xf32, #tpu.memory_space<vmem>>, vector<64x64xf32>
    %dot_general3A = arith.constant dense<0.000000e+00> : vector<64x1024xf32>
    %dot_general3A_8 = tpu.matmul %get3A_7, %get3A_1, %dot_general3A {dimension_numbers = #tpu.dot_dimension_numbers<[0], [1], [1], [0], [0, 1, 1, 0], [], []>, transpose_lhs_hint = false} : vector<64x64xf32>, vector<1024x64xf32>, vector<64x1024xf32> -> vector<64x1024xf32>
    %swap3A = arith.constant 0 : index
    %swap3A_9 = arith.constant 0 : index
    %swap3A_10 = vector.load %arg7[%swap3A, %swap3A_9] : memref<64x1024xf32, #tpu.memory_space<vmem>>, vector<64x1024xf32>
    tpu.vector_store %arg7[%swap3A, %swap3A_9], %dot_general3A_8 {strides = array<i32>} : memref<64x1024xf32, #tpu.memory_space<vmem>>, vector<64x1024xf32>,
    %get3A_11 = arith.constant 0 : index
    %get3A_12 = arith.constant 0 : index
    %get3A_13 = vector.load %arg4[%get3A_11, %get3A_12] : memref<64x192xf32, #tpu.memory_space<vmem>>, vector<64x192xf32>
    %dot_general3A_14 = arith.constant dense<0.000000e+00> : vector<192x1024xf32>
    %dot_general3A_15 = tpu.matmul %get3A_13, %get3A_1, %dot_general3A_14 {dimension_numbers = #tpu.dot_dimension_numbers<[0], [1], [1], [0], [0, 1, 1, 0], [], []>, transpose_lhs_hint = false} : vector<64x192xf32>, vector<1024x64xf32>, vector<192x1024xf32> -> vector<192x1024xf32>
    %swap3A_16 = arith.constant 0 : index
    %swap3A_17 = arith.constant 0 : index
    %swap3A_18 = vector.load %arg8[%swap3A_16, %swap3A_17] : memref<192x1024xf32, #tpu.memory_space<vmem>>, vector<192x1024xf32>
    tpu.vector_store %arg8[%swap3A_16, %swap3A_17], %dot_general3A_15 {strides = array<i32>} : memref<192x1024xf32, #tpu.memory_space<vmem>>, vector<192x1024xf32>,
    %get3A_19 = arith.constant 0 : index
    %get3A_20 = arith.constant 0 : index
    %get3A_21 = vector.load %arg5[%get3A_19, %get3A_20] : memref<64x576xf32, #tpu.memory_space<vmem>>, vector<64x576xf32>
    %dot_general3A_22 = arith.constant dense<0.000000e+00> : vector<576x1024xf32>
    %dot_general3A_23 = tpu.matmul %get3A_21, %get3A_1, %dot_general3A_22 {dimension_numbers = #tpu.dot_dimension_numbers<[0], [1], [1], [0], [0, 1, 1, 0], [], []>, transpose_lhs_hint = false} : vector<64x576xf32>, vector<1024x64xf32>, vector<576x1024xf32> -> vector<576x1024xf32>
    %get3A_24 = arith.constant 0 : index
    %get3A_25 = arith.constant 0 : index
    %get3A_26 = vector.load %arg6[%get3A_24, %get3A_25] : memref<64x576xf32, #tpu.memory_space<vmem>>, vector<64x576xf32>
    %dot_general3A_27 = arith.constant dense<0.000000e+00> : vector<576x1024xf32>
    %dot_general3A_28 = tpu.matmul %get3A_26, %get3A_4, %dot_general3A_27 {dimension_numbers = #tpu.dot_dimension_numbers<[0], [1], [1], [0], [0, 1, 1, 0], [], []>, transpose_lhs_hint = false} : vector<64x576xf32>, vector<1024x64xf32>, vector<576x1024xf32> -> vector<576x1024xf32>
    %add3A = arith.addf %dot_general3A_23, %dot_general3A_28 : vector<576x1024xf32>
    %swap3A_29 = arith.constant 0 : index
    %swap3A_30 = arith.constant 0 : index
    %swap3A_31 = vector.load %arg9[%swap3A_29, %swap3A_30] : memref<576x1024xf32, #tpu.memory_space<vmem>>, vector<576x1024xf32>
    tpu.vector_store %arg9[%swap3A_29, %swap3A_30], %add3A {strides = array<i32>} : memref<576x1024xf32, #tpu.memory_space<vmem>>, vector<576x1024xf32>,
    return
  }
  func.func @transform_0(%arg0: i32) -> (i32, i32) {
    %c0_i32 = arith.constant 0 : i32
    %c0_i32_0 = arith.constant 0 : i32
    return %arg0, %c0_i32 : i32, i32
  }
  func.func @transform_1(%arg0: i32) -> (i32, i32) {
    %c0_i32 = arith.constant 0 : i32
    %c0_i32_0 = arith.constant 0 : i32
    return %arg0, %c0_i32 : i32, i32
  }
  func.func @transform_2(%arg0: i32) -> (i32, i32) {
    %c0_i32 = arith.constant 0 : i32
    %c0_i32_0 = arith.constant 0 : i32
    %c0_i32_1 = arith.constant 0 : i32
    return %c0_i32, %c0_i32_0 : i32, i32
  }
  func.func @transform_3(%arg0: i32) -> (i32, i32) {
    %c0_i32 = arith.constant 0 : i32
    %c0_i32_0 = arith.constant 0 : i32
    %c0_i32_1 = arith.constant 0 : i32
    return %c0_i32, %c0_i32_0 : i32, i32
  }
  func.func @transform_4(%arg0: i32) -> (i32, i32) {
    %c0_i32 = arith.constant 0 : i32
    %c0_i32_0 = arith.constant 0 : i32
    %c0_i32_1 = arith.constant 0 : i32
    return %c0_i32, %c0_i32_0 : i32, i32
  }
  func.func @transform_5(%arg0: i32) -> (i32, i32) {
    %c0_i32 = arith.constant 0 : i32
    %c0_i32_0 = arith.constant 0 : i32
    %c0_i32_1 = arith.constant 0 : i32
    return %c0_i32, %c0_i32_0 : i32, i32
  }
  func.func @transform_6(%arg0: i32) -> (i32, i32) {
    %c0_i32 = arith.constant 0 : i32
    %c0_i32_0 = arith.constant 0 : i32
    return %c0_i32, %arg0 : i32, i32
  }
  func.func @transform_7(%arg0: i32) -> (i32, i32) {
    %c0_i32 = arith.constant 0 : i32
    %c0_i32_0 = arith.constant 0 : i32
    return %c0_i32, %arg0 : i32, i32
  }
  func.func @transform_8(%arg0: i32) -> (i32, i32) {
    %c0_i32 = arith.constant 0 : i32
    %c0_i32_0 = arith.constant 0 : i32
    return %c0_i32, %arg0 : i32, i32
  }
}

</mosaic_0001>

<sc_bundles>
// kernel: kernel.5.cloned.1.call-start
scs
__scs_entry_jumppad:
0x0: {  	(pc) =	sbr.rel $0x88, $3  }
0x1: {  	(tag) =	ssettag $0x0;
	lr =	simm.s32 $0x1  }
0x2: {  	[smem:$0x3F9C] =	sst lr;
	_ =	strace $0xD0000000  }
0x3: {  	_ = 	snop  }
0x4: {  	_ = 	snop  }
0x5: {  	_ = 	snop  }
0x6: {  	_ = 	snop  }
0x7: {  	_ = 	snop  }
__scs_overlays_trampoline_lowered:
0x8: {  	[smem:$0x3FAB] =	sst s0  }
0x9: {  	[smem:$0x3FAC] =	sst s1  }
0xa: {  	[smem:$0x3FAD] =	sst s2  }
0xb: {  	[smem:$0x3FAE] =	sst s3  }
0xc: {  	[smem:$0x3FAF] =	sst s4  }
0xd: {  	[smem:$0x3FB0] =	sst s5  }
0xe: {  	[smem:$0x3FB1] =	sst s6  }
0xf: {  	[smem:$0x3FB2] =	sst s7  }
0x10: {  	[smem:$0x3FB3] =	sst s8  }
0x11: {  	[smem:$0x3FB4] =	sst s9;
	s0 =	simm.s32 @!p0 $0x0  }
0x12: {  	s1 =	sld [smem:$0x3F9A];
	s0 =	simm.s32 @p0 $0x1  }
0x13: {  	[smem:$0x3FB5] =	sst s0;
	s0 =	simm.s32 @!p1 $0x0  }
0x14: {  	s2 =	sld [smem:$0x3F99];
	s0 =	simm.s32 @p1 $0x1  }
0x15: {  	[smem:$0x3FB6] =	sst s0;
	s0 =	simm.s32 @!p2 $0x0  }
0x16: {  	s3 =	sld [smem:$0x3FDB];
	s0 =	simm.s32 @p2 $0x1  }
0x17: {  	s4 =	simm.s32 $0x1BF5;
	[smem:$0x3FB8] =	sst s0  }
0x18: {  	s0 =	sld [smem:$0x3F9B];
	_ =	swait.ge [sflag:s4], $0x0  }
0x19: {  	s7 =	sld [smem:$0x3F9C]  }
0x1a: {  	s8 =	sadd.s32 $0xFFFFE003, lr  }
0x1b: {  	s9 =	sadd.s32 $0xFFFFFEF7, lr;
	s5 =	simm.s32 $0xFFFFFFFF;
	p2 =	slt.u32 s8, $0xFFFFF086  }
0x1c: {  	p1 =	slt.u32 s9, $0xF7A;
	s5 =	simm.s32 @!p2 $0x0  }
0x1d: {  	s5 =	simm.s32 @p1 $0x1;
	p0 =	seq.s32 s7, s2  }
0x1e: {  	s7 =	smul.u32 @!p0 $0xF7A, s2;
	p2 =	seq.s32 @!p0 s5, $0x0  }
0x1f: {  	s9 =	smul.u32 $0xF7A, s1;
	s8 =	simm.s32 @!p0 $0x1BF5;
	p2 =	por !p2, p0  }
0x20: {  	[sflag:s8] =	ssyncset.s32 @!p0 $0xFFFFF086;
	s6 =	sadd.s32 @!p0 s3, s7;
	s7 =	simm.s32 @!p0 $0x108  }
0x21: {  	s3 =	sadd.s32 s3, s9;
	s6 =	sadd.s32 @!p0 $0x88, s6;
	s7 =	simm.s32 @p2 $0x1082  }
0x22: {  	[simem:s7], [sflag:s8] =	dma.local @!p0 [hbm:s6], $0xF7A  }
0x23: {  	s9 =	sor.u32 $0xD0000000, s2;
	s6 =	simm.s32 $0x108;
	_ =	swait.ge @!p0 [sflag:s8], $0x0  }
0x24: {  	s3 =	sadd.s32 $0x88, s3;
	s6 =	simm.s32 @!p1 $0x1082;
	[sflag:s4] =	ssyncset.s32 $0xFFFFF086  }
0x25: {  	[simem:s6], [sflag:s4] =	dma.local [hbm:s3], $0xF7A  }
0x26: {  	[smem:$0x3F9C] =	sst s1;
	(tag) =	ssettag s2;
	_ =	strace s9  }
0x27: {  	s1 =	sld [smem:$0x3FAC]  }
0x28: {  	s2 =	sld [smem:$0x3FAD]  }
0x29: {  	s4 =	sld [smem:$0x3FAF]  }
0x2a: {  	p0 =	seq.s32 s5, $0x0;
	s5 =	sld [smem:$0x3FB0]  }
0x2b: {  	s6 =	sld [smem:$0x3FB1]  }
0x2c: {  	s7 =	sld [smem:$0x3FB2]  }
0x2d: {  	s3 =	simm.s32 $0x108;
	s8 =	sld [smem:$0x3FB3]  }
0x2e: {  	s3 =	simm.s32 @!p0 $0x1082;
	s9 =	sld [smem:$0x3FB4]  }
0x2f: {  	lr =	sadd.s32 s0, s3;
	s0 =	sld [smem:$0x3FAB]  }
0x30: {  	s3 =	sld [smem:$0x3FAE]  }
0x31: {  	[smem:$0x3FB7] =	sst s10  }
0x32: {  	s10 =	sld [smem:$0x3FB5];
	_ =	sdelay $0x3  }
0x33: {  	p0 =	seq.s32 s10, $0x1;
	s10 =	sld [smem:$0x3FB7];
	_ =	sdelay $0x3  }
0x34: {  	[smem:$0x3FB7] =	sst s10  }
0x35: {  	s10 =	sld [smem:$0x3FB6];
	_ =	sdelay $0x3  }
0x36: {  	p1 =	seq.s32 s10, $0x1;
	s10 =	sld [smem:$0x3FB7];
	_ =	sdelay $0x3  }
0x37: {  	[smem:$0x3FB7] =	sst s10  }
0x38: {  	s10 =	sld [smem:$0x3FB8]  }
0x39: {  	_ = 	snop;
	(pc) =	sbr.ind lr, $3  }
0x3a: {  	_ = 	snop  }
0x3b: {  	_ = 	snop  }
0x3c: {  	p2 =	seq.s32 s10, $0x1;
	s10 =	sld [smem:$0x3FB7]  }
0x3d: {  	_ =	shalt  }
0x3e: {  	_ =	shalt  }
0x3f: {  	_ =	shalt  }
0x40: {  	_ =	shalt  }
0x41: {  	_ =	shalt  }
0x42: {  	_ =	shalt  }
0x43: {  	_ =	shalt  }
0x44: {  	_ =	shalt  }
0x45: {  	_ =	shalt  }
0x46: {  	_ =	shalt  }
0x47: {  	_ =	shalt  }
0x48: {  	_ =	shalt  }
0x49: {  	_ =	shalt  }
0x4a: {  	_ =	shalt  }
0x4b: {  	_ =	shalt  }
0x4c: {  	_ =	shalt  }
0x4d: {  	_ =	shalt  }
0x4e: {  	_ =	shalt  }
0x4f: {  	_ =	shalt  }
0x50: {  	_ =	shalt  }
0x51: {  	_ =	shalt  }
0x52: {  	_ =	shalt  }
0x53: {  	_ =	shalt  }
0x54: {  	_ =	shalt  }
0x55: {  	_ =	shalt  }
0x56: {  	_ =	shalt  }
0x57: {  	_ =	shalt  }
0x58: {  	_ =	shalt  }
0x59: {  	_ =	shalt  }
0x5a: {  	_ =	shalt  }
0x5b: {  	_ =	shalt  }
0x5c: {  	_ =	shalt  }
0x5d: {  	_ =	shalt  }
0x5e: {  	_ =	shalt  }
0x5f: {  	_ =	shalt  }
0x60: {  	_ =	shalt  }
0x61: {  	_ =	shalt  }
0x62: {  	_ =	shalt  }
0x63: {  	_ =	shalt  }
0x64: {  	_ =	shalt  }
0x65: {  	_ =	shalt  }
0x66: {  	_ =	shalt  }
0x67: {  	_ =	shalt  }
0x68: {  	_ =	shalt  }
0x69: {  	_ =	shalt  }
0x6a: {  	_ =	shalt  }
0x6b: {  	_ =	shalt  }
0x6c: {  	_ =	shalt  }
0x6d: {  	_ =	shalt  }
0x6e: {  	_ =	shalt  }
0x6f: {  	_ =	shalt  }
0x70: {  	_ =	shalt  }
0x71: {  	_ =	shalt  }
0x72: {  	_ =	shalt  }
0x73: {  	_ =	shalt  }
0x74: {  	_ =	shalt  }
0x75: {  	_ =	shalt  }
0x76: {  	_ =	shalt  }
0x77: {  	_ =	shalt  }
0x78: {  	_ =	shalt  }
0x79: {  	_ =	shalt  }
0x7a: {  	_ =	shalt  }
0x7b: {  	_ =	shalt  }
0x7c: {  	_ =	shalt  }
0x7d: {  	_ =	shalt  }
0x7e: {  	_ =	shalt  }
0x7f: {  	_ =	shalt  }
0x80: {  	_ =	shalt  }
0x81: {  	_ =	shalt  }
0x82: {  	_ =	shalt  }
0x83: {  	_ =	shalt  }
0x84: {  	_ =	shalt  }
0x85: {  	_ =	shalt  }
0x86: {  	_ =	shalt  }
0x87: {  	_ =	shalt  }
.Lfunc_end0:
.L_simem_size_0:
called_computation_lowered:
.L_overlay_start_0:
0x88: {  	s2 =	sld [smem:$0x3FD9]  }
0x89: {  	s3 =	sld [smem:$0x3FFE];
	_ =	sdelay $0x1  }
0x8a: {  	s1 =	srdreg.scid  }
0x8b: {  	s0 =	sand.u32 $0x1, s1  }
0x8c: {  	s15 =	sshll.u32 s0, $0xA;
	s2 =	sadd.s32 s3, s2  }
0x8d: {  	s2 =	sadd.s32 s2, s15  }
0x8e: {  	[smem:$0x3FC3] =	sst s2  }
0x8f: {  	_ = 	snop  }
0x90: {  	s2 =	sld [smem:$0x3FD0];
	_ =	sdelay $0x2  }
0x91: {  	s4 =	simm.s32 $0xB;
	s16 =	simm.s32 $0x10  }
0x92: {  	[smem:s16], [sflag:s4] =	dma.local [hbm:s2], $0x1  }
0x93: {  	_ =	swait.eq [sflag:s4], $0x1  }
0x94: {  	[sflag:s4] =	ssyncset.done $0x0  }
0x95: {  	s17 =	sld [smem:$0x10];
	[sflag:s4] =	ssyncadd.s32 $0xFFFFFFFF  }
0x96: {  	s18 =	sld [smem:$0x11];
	(tm) =	ssettm $0x1  }
0x97: {  	s19 =	sld [smem:$0x3FFB];
	_ =	sdelay $0x3  }
0x98: {  	_ =	strace s19  }
0x99: {  	s2 =	sld [smem:$0x3FFC];
	_ =	sdelay $0x3  }
0x9a: {  	_ =	strace s2  }
0x9b: {  	s2 =	sld [smem:$0x3FFD];
	_ =	sdelay $0x3  }
0x9c: {  	_ =	strace s2  }
0x9d: {  	_ =	strace $0x8FFFFFFF  }
0x9e: {  	s20 =	sld [smem:$0x3FDB];
	_ =	sdelay $0x1  }
0x9f: {  	s5 =	simm.s32 $_scs_section_size  }
0xa0: {  	s6 =	simm.s32 $_size__tile_overlayer_lowered;
	s7 =	simm.s32 $_tile_overlayer_lowered  }
0xa1: {  	s8 =	simm.s32 $0x1BFF;
	s21 =	sshll.u32 s7, $0x1;
	s5 =	sadd.s32 s5, s20  }
0xa2: {  	s22 =	simm.s32 $0x0;
	s6 =	sshll.u32 s6, $0x1;
	s7 =	sadd.s32 s21, s5  }
0xa3: {  	[timem:s22], [sflag:s8] =	dma.local [hbm:s7], s6  }
0xa4: {  	_ =	swait.ge [sflag:s8], s6  }
0xa5: {  	s6 =	ssub.s32 $0x0, s6;
	[sflag:s8] =	ssyncset.done $0x0  }
0xa6: {  	[sflag:s8] =	ssyncadd.s32 s6;
	_ =	sdelay $0x1  }
0xa7: {  	s23 =	simm.s32 $0x1B8B  }
0xa8: {  	_ =	swait.ge [sflag:s23], $0x1  }
0xa9: {  	[sflag:s23] =	ssyncset.done $0x0  }
0xaa: {  	[sflag:s23] =	ssyncadd.s32 $0xFFFFFFFF  }
0xab: {  	s6 =	sld [smem:$0x0]  }
0xac: {  	s7 =	sand.u32 $0xFFFFFFFE, s1  }
0xad: {  	p0 =	sne.s32 s1, s7  }
0xae: {  	s7 =	sshll.u32 @p0 s7, $0xE  }
0xaf: {  	s7 =	sadd.s32 @p0 $0x11B8D, s7;
	s8 =	sshll.u32 @p0 s6, $0x11  }
0xb0: {  	s7 =	sor.u32 @p0 s8, s7  }
0xb1: {  	[sflag:s7] =	ssyncadd.remote.s32 @p0 $0x1;
	_ =	sdelay $0x1  }
0xb2: {  	s7 =	simm.s32 @p0 $0x1B8D  }
0xb3: {  	_ =	swait.eq @p0 [sflag:s7], $0x1  }
0xb4: {  	[sflag:s7] =	ssyncadd.s32 @p0 $0xFFFFFFFF  }
0xb5: {  	s8 =	sshll.u32 @!p0 s1, $0xE  }
0xb6: {  	s8 =	sor.u32 @!p0 $0x4000, s8;
	s7 =	simm.s32 @!p0 $0x1B8D  }
0xb7: {  	s6 =	sshll.u32 @!p0 s6, $0x11;
	s8 =	sadd.s32 @!p0 $0x11B8D, s8;
	_ =	swait.eq @!p0 [sflag:s7], $0x1  }
0xb8: {  	s6 =	sor.u32 @!p0 s6, s8;
	[sflag:s7] =	ssyncadd.s32 @!p0 $0xFFFFFFFF  }
0xb9: {  	s25 =	simm.s32 $0x1B8E;
	s24 =	sld [smem:$0x3FFE];
	[sflag:s6] =	ssyncadd.remote.s32 @!p0 $0x1  }
0xba: {  	s26 =	simm.s32 $execute0_lowered;
	[smem:$0x3FD2] =	sst s25  }
0xbb: {  	s7 =	sshll.u32 s26, $0x1;
	_ =	strace $0x80000049;
	[dreg:$0x1] =	wrdreg $0xFFFFFFFF  }
0xbc: {  	s28 =	simm.s32 $_size_execute0_lowered;
	s5 =	sadd.s32 s5, s7;
	[dreg:$0x0] =	wrdreg $0x0  }
0xbd: {  	s7 =	sshll.u32 s28, $0x1;
	[dreg:$0x2] =	wrdreg s5  }
0xbe: {  	[dreg:$0x3] =	wrdreg s7  }
0xbf: {  	[dreg:$0x4] =	wrdreg $0xC0  }
0xc0: {  	_ =	task [dreg:s22], $0x5FFFF  }
0xc1: {  	[dreg:$0x1] =	wrdreg $0xFFFFFFFF  }
0xc2: {  	[dreg:$0x0] =	wrdreg $0x60  }
0xc3: {  	[dreg:$0x2] =	wrdreg s24  }
0xc4: {  	[dreg:$0x3] =	wrdreg s17  }
0xc5: {  	[dreg:$0x4] =	wrdreg s18  }
0xc6: {  	[dreg:$0x5] =	wrdreg $0x45000  }
0xc7: {  	[dreg:$0x6] =	wrdreg $0x9  }
0xc8: {  	_ =	task.clear_ibuf [dreg:s22], $0x7FFFF;
	_ =	strace $0x90000049  }
0xc9: {  	s29 =	simm.s32 $0x9;
	_ =	strace $0x8000004B  }
0xca: {  	_ =	swait.ge [sflag:s29], $0x1  }
0xcb: {  	[sflag:s29] =	ssyncadd.s32 $0xFFFFFFFF  }
0xcc: {  	_ =	strace $0x9000004B  }
0xcd: {  	_ =	sfence  }
0xce: {  	s30 =	sld [smem:$0x0];
	_ =	sdelay $0x2  }
0xcf: {  	s31 =	sshll.u32 s1, $0xD;
	s1 =	sshrl.u32 s1, $0x2  }
0xd0: {  	s4 =	sand.u32 $0x4000, s31;
	s1 =	sadd.s32 s1, s30  }
0xd1: {  	s0 =	sor.u32 s4, s0;
	s1 =	sshll.u32 s1, $0x11  }
0xd2: {  	s0 =	sor.u32 s1, s0  }
0xd3: {  	s0 =	sadd.s32 $0x8F2B, s0  }
0xd4: {  	[sflag:s0] =	ssyncadd.remote.s32 $0x1  }
0xd5: {  	_ =	sfence.sel $0xFFFF  }
0xd6: {  	[dreg:$0x0] =	wrdreg $0xFFFFFFFF;
	(pc) =	sbr.abs _section_cstart, $3  }
0xd7: {  	[dreg:$0x1] =	wrdreg $0xFFFFFFFF  }
0xd8: {  	_ =	task.clear_ibuf [dreg:s22], $0x2FFFF;
	_ =	strace $0x9FFFFFFF  }
0xd9: {  	(tm) =	ssettm $0x7FFFFFFF  }
tec
execute0_lowered:
.L_overlay_start_1:
0x0: {  	(tag) =	ssettag $0x1  }
0x1: {  	s6 =	rddreg [dreg:$0x0]  }
0x2: {  	s1 =	rddreg [dreg:$0x1]  }
0x3: {  	s9 =	rddreg [dreg:$0x2]  }
0x4: {  	s2 =	rddreg [dreg:$0x3]  }
0x5: {  	s0 =	rddreg [dreg:$0x4]  }
0x6: {  	s4 =	simm.s32 $0x0;
	s3 =	srdreg.scid;
	s15 =	simm.s32 $0x80  }
0x7: {  	s16 =	simm.s32 $0x400;
	s17 =	simm.s32 $0x480;
	s18 =	simm.s32 $0x2500  }
0x8: {  	s20 =	simm.s32 $0x0;
	[smem:$0x7FF] =	sst s4;
	s5 =	sand.u32 $0x1, s3  }
0x9: {  	s3 =	stileid.u32;
	s12 =	smul.u32 $0x6200, s5;
	_ =	strace $0x8000004A  }
0xa: {  	s7 =	ssub.s32 $0x2, s5;
	s8 =	smul.u32 $0x62100, s3;
	s5 =	sadd.s32 $0x1200, s6  }
0xb: {  	s11 =	smul.u32 $0x620, s3;
	s6 =	sadd.s32 $0x19A00, s6;
	s10 =	sshrl.u32 s7, $0x1  }
0xc: {  	v7 =	vlaneseq.u32;
	v1 =	vimm.s32 $0x52741630;
	s30 =	sshll.u32 s3, $0x6;
	s13 =	smul.u32 $0x62000, s3;
	s10 =	ssub.s32 s7, s10  }
0xd: {  	v2 =	vimm.s32 $0x63052741;
	v0 =	vmul.u32 $0x3, v7;
	v3 =	vunpack.c.l.s4.s8 v1;
	s29 =	sshrl.u32 s8, $0x2;
	s11 =	sadd.s32 s11, s12;
	s7 =	sor.u32 $0x1C01, s30  }
0xe: {  	v4 =	vunpack.c.l.s4.s8 v2;
	v2 =	vimm.s32 $0x74163052;
	s8 =	smul.u32 $0xC4, s3;
	s31 =	sshrl.u32 s13, $0x2;
	v1 =	vmov s12;
	s12 =	simm.s32 $0x1  }
0xf: {  	v6 =	vunpack.c.l.s4.s8 v2;
	s13 =	simm.s32 $0x500;
	s14 =	sadd.s32 s29, s2;
	s11 =	sshll.u32 s11, $0x3  }
0x10: {  	v7 =	vmul.u32 $0x40, v7;
	v2 =	vunpack.c.0.s8.s32 v3;
	v3 =	vadd.s32 $0x1, v0;
	s19 =	sadd.s32 s31, s2;
	s10 =	smax.u32 s10, $0x1;
	s9 =	sadd.s32 s9, s11  }
0x11: {  	v4 =	vunpack.c.0.s8.s32 v4;
	v5 =	vadd.s32 $0x2, v0;
	v6 =	vunpack.c.0.s8.s32 v6;
	s11 =	sshrl.u32 s14, $0x3;
	s14 =	simm.s32 $0x100;
	s19 =	sshrl.u32 s19, $0x3  }
.LBB2_1:
0x12: {  	[spmem:s11], [sflag:s7] =	dma.local [hbm:s6], $0x3108  }
0x13: {  	_ =	swait.ge [sflag:s12], $0x3108  }
0x14: {  	[sflag:s12] =	ssyncset.done $0x0  }
0x15: {  	[sflag:s12] =	ssyncadd.s32 $0xFFFFCEF8  }
0x16: {  	[tilespmem:s13], [sflag:$0x1] =	stream.linear.gather [hbm4b:s6+s4], $0x4000, $0x38;
	[tilespmem:$0x1CD40] =	vst v63  }
0x17: {  	_ =	swait.ge [sflag:s12], $0x4000  }
0x18: {  	[sflag:s12] =	ssyncset.done $0x0  }
0x19: {  	[sflag:s12] =	ssyncadd.s32 $0xFFFFC000  }
0x1a: {  	s21 =	simm.s32 $0x0;
	[bflag:$0x0] =	sbarrier.arrive $0xFFFF  }
.LBB2_2:
0x1b: {  	s23 =	sadd.s32 s8, s21  }
0x1c: {  	s22 =	sshll.u32 s23, $0x5  }
0x1d: {  	s24 =	sadd.s32 s5, s22;
	s22 =	simm.s32 $0x0  }
0x1e: {  	[tilespmem:s22], [sflag:$0x1] =	stream.linear.gather [hbm4b:s24+s22], $0x100, $0x38;
	[tilespmem:$0x1CD40] =	vst v63  }
0x1f: {  	s23 =	smul.u32 $0x60, s23;
	_ =	swait.ge [sflag:s12], $0x100  }
0x20: {  	[sflag:s12] =	ssyncset.done $0x0  }
0x21: {  	s23 =	sadd.s32 s1, s23;
	[sflag:s12] =	ssyncadd.s32 $0xFFFFFF00  }
0x22: {  	[tilespmem:s14], [sflag:$0x1] =	stream.linear.gather [hbm4b:s23+s22], $0x300, $0x38;
	[tilespmem:$0x1CD40] =	vst v63  }
0x23: {  	_ =	swait.ge [sflag:s12], $0x300  }
0x24: {  	[sflag:s12] =	ssyncset.done $0x0  }
0x25: {  	[sflag:s12] =	ssyncadd.s32 $0xFFFFFD00  }
0x26: {  	v8 =	vld [tilespmem:s22+$0x0]  }
0x27: {  	v9 =	vadd.s32 s22, v0  }
0x28: {  	v10 =	vadd.s32 s22, v3;
	v9 =	vand.u32 $0x3F8, v9  }
0x29: {  	v10 =	vand.u32 $0x3F8, v10;
	v9 =	vor.u32 v2, v9  }
0x2a: {  	v11 =	vadd.s32 s22, v5;
	v10 =	vor.u32 v4, v10  }
0x2b: {  	v11 =	vand.u32 $0x3F8, v11;
	v8 =	vsub.s32 v8, v1  }
0x2c: {  	v11 =	vor.u32 v6, v11;
	s23 =	simm.s32 $0x400;
	v8 =	vmin.u32 v8, $0x6200  }
0x2d: {  	[tilespmem:s23+$0x0] =	vst v8  }
0x2e: {  	v12 =	vld.idx.msk [tilespmem:v9+s14+$0x0], $0xffff  }
0x2f: {  	v13 =	vld.idx.msk [tilespmem:v10+s14+$0x0], $0xffff;
	_ =	sdelay $0x1  }
0x30: {  	v14 =	vld.idx.msk [tilespmem:v11+s14+$0x0], $0xffff;
	_ =	sdelay $0x2  }
0x31: {  	v8 =	vmul.f32 v12, v12;
	v9 =	vmul.f32 v13, v13;
	_ =	sdelay $0x1  }
0x32: {  	v10 =	vmul.f32 v14, v14;
	v8 =	vadd.f32 v9, v8;
	_ =	sdelay $0x1  }
0x33: {  	v8 =	vadd.f32 v10, v8;
	_ =	sdelay $0x1  }
0x34: {  	v9 =	vmul.f32 $2.000000030e-01, v8;
	_ =	sdelay $0x1  }
0x35: {  	v10 =	vmin.f32 v9, $1.000000000e+00  }
0x36: {  	v10 =	vmax.f32 v10, $9.999999960e-13  }
0x37: {  	v11 =	vshrl.u32 v10, $0x1;
	v15 =	vmul.f32 $5.000000000e-01, v10  }
0x38: {  	v11 =	vsub.s32 $0x5F3759DF, v11  }
0x39: {  	v16 =	vmul.f32 v11, v15;
	_ =	sdelay $0x1  }
0x3a: {  	v16 =	vmul.f32 v11, v16;
	_ =	sdelay $0x1  }
0x3b: {  	v16 =	vsub.f32 $1.500000000e+00, v16;
	_ =	sdelay $0x1  }
0x3c: {  	v11 =	vmul.f32 v11, v16;
	_ =	sdelay $0x1  }
0x3d: {  	v16 =	vmul.f32 v11, v15;
	_ =	sdelay $0x1  }
0x3e: {  	v16 =	vmul.f32 v16, v11;
	_ =	sdelay $0x1  }
0x3f: {  	v16 =	vsub.f32 $1.500000000e+00, v16;
	_ =	sdelay $0x1  }
0x40: {  	v11 =	vmul.f32 v16, v11;
	_ =	sdelay $0x1  }
0x41: {  	v15 =	vmul.f32 v11, v15;
	_ =	sdelay $0x1  }
0x42: {  	v15 =	vmul.f32 v15, v11;
	_ =	sdelay $0x1  }
0x43: {  	v15 =	vsub.f32 $1.500000000e+00, v15;
	_ =	sdelay $0x1  }
0x44: {  	v11 =	vmul.f32 v15, v11;
	_ =	sdelay $0x1  }
0x45: {  	v10 =	vmul.f32 v11, v10;
	_ =	sdelay $0x1  }
0x46: {  	v10 =	vadd.f32 $-5.000000000e-01, v10;
	_ =	sdelay $0x1  }
0x47: {  	v10 =	vmul.f32 $3.141592740e+00, v10;
	_ =	sdelay $0x1  }
0x48: {  	v11 =	vmul.f32 v10, v10;
	_ =	sdelay $0x1  }
0x49: {  	v15 =	vmul.f32 $2.755731880e-06, v11;
	_ =	sdelay $0x1  }
0x4a: {  	v15 =	vadd.f32 $-1.984127010e-04, v15;
	_ =	sdelay $0x1  }
0x4b: {  	v15 =	vmul.f32 v15, v11;
	_ =	sdelay $0x1  }
0x4c: {  	v15 =	vadd.f32 $8.333333770e-03, v15;
	_ =	sdelay $0x1  }
0x4d: {  	v15 =	vmul.f32 v15, v11;
	_ =	sdelay $0x1  }
0x4e: {  	v15 =	vadd.f32 $-1.666666720e-01, v15;
	_ =	sdelay $0x1  }
0x4f: {  	v11 =	vmul.f32 v15, v11  }
0x50: {  	v8 =	vmul.f32 $1.156000040e+01, v8  }
0x51: {  	v11 =	vadd.f32 $1.000000000e+00, v11  }
0x52: {  	v8 =	vadd.f32 $1.000000000e+00, v8  }
0x53: {  	v10 =	vmul.f32 v11, v10  }
0x54: {  	v11 =	vshrl.u32 v8, $0x1;
	v8 =	vmul.f32 $5.000000000e-01, v8  }
0x55: {  	v11 =	vsub.s32 $0x5F3759DF, v11;
	v10 =	vsub.f32 $0.0e+00, v10  }
0x56: {  	v15 =	vmul.f32 v11, v8  }
0x57: {  	v63 =	vadd.f32 v10, v10  }
0x58: {  	v15 =	vmul.f32 v11, v15  }
0x59: {  	v17 =	vmul.f32 v63, v10  }
0x5a: {  	v15 =	vsub.f32 $1.500000000e+00, v15  }
0x5b: {  	v17 =	vadd.f32 $-1.000000000e+00, v17  }
0x5c: {  	v11 =	vmul.f32 v11, v15  }
0x5d: {  	v15 =	vmul.f32 v17, v63  }
0x5e: {  	v18 =	vmul.f32 v11, v8  }
0x5f: {  	v15 =	vsub.f32 v15, v10  }
0x60: {  	v18 =	vmul.f32 v18, v11  }
0x61: {  	v19 =	vmul.f32 v15, v63  }
0x62: {  	v18 =	vsub.f32 $1.500000000e+00, v18  }
0x63: {  	v19 =	vsub.f32 v19, v17  }
0x64: {  	v18 =	vmul.f32 v18, v11  }
0x65: {  	v11 =	vmov s22;
	v20 =	vmul.f32 v19, v63  }
0x66: {  	v21 =	vmul.f32 v18, v8;
	v8 =	vshll.u32 v11, $0x6  }
0x67: {  	v8 =	vor.u32 v7, v8;
	v20 =	vsub.f32 v20, v15  }
0x68: {  	v9 =	vsub.f32 $1.000000000e+00, v9;
	v11 =	vmul.f32 v21, v18;
	v28 =	vor.u32 $0x1, v8  }
0x69: {  	v22 =	vor.u32 $0x2, v8;
	v23 =	vmul.f32 v20, v63  }
0x6a: {  	v25 =	vor.u32 $0x3, v8;
	v24 =	vsub.f32 $1.500000000e+00, v11;
	v11 =	vmax.f32 v9, $0.0e+00  }
0x6b: {  	v26 =	vor.u32 $0x4, v8;
	v10 =	vmul.f32 v10, v11;
	v23 =	vsub.f32 v23, v19  }
0x6c: {  	v29 =	vor.u32 $0x5, v8;
	v9 =	vmul.f32 v17, v11;
	v18 =	vmul.f32 v24, v18;
	[tilespmem:v8+s13+$0x0] =	vst.idx.msk $0xffff, v11  }
0x6d: {  	v30 =	vor.u32 $0x6, v8;
	v15 =	vmul.f32 v15, v11;
	[tilespmem:v28+s13+$0x0] =	vst.idx.msk $0xffff, v10;
	v16 =	vmul.f32 v23, v63  }
0x6e: {  	v31 =	vor.u32 $0x7, v8;
	v19 =	vmul.f32 v19, v11;
	v18 =	vmul.f32 $3.400000100e+00, v18;
	[tilespmem:v22+s13+$0x0] =	vst.idx.msk $0xffff, v9  }
0x6f: {  	v32 =	vor.u32 $0x8, v8;
	v24 =	vmul.f32 v20, v11;
	[tilespmem:v25+s13+$0x0] =	vst.idx.msk $0xffff, v15;
	v16 =	vsub.f32 v16, v20  }
0x70: {  	v33 =	vor.u32 $0x9, v8;
	v20 =	vmul.f32 v23, v11;
	v12 =	vmul.f32 v18, v12;
	[tilespmem:v26+s13+$0x0] =	vst.idx.msk $0xffff, v19  }
0x71: {  	v34 =	vor.u32 $0xA, v8;
	v13 =	vmul.f32 v18, v13;
	[tilespmem:v29+s13+$0x0] =	vst.idx.msk $0xffff, v24;
	v16 =	vmul.f32 v16, v11  }
0x72: {  	v36 =	vor.u32 $0xB, v8;
	v14 =	vmul.f32 v18, v14;
	[tilespmem:v30+s13+$0x0] =	vst.idx.msk $0xffff, v20;
	v35 =	vmul.f32 v12, v11  }
0x73: {  	v27 =	vor.u32 $0xC, v8;
	v37 =	vmul.f32 v13, v11;
	[tilespmem:v31+s13+$0x0] =	vst.idx.msk $0xffff, v16  }
0x74: {  	v28 =	vor.u32 $0xD, v8;
	v38 =	vmul.f32 v14, v11;
	[tilespmem:v32+s13+$0x0] =	vst.idx.msk $0xffff, v35  }
0x75: {  	v40 =	vor.u32 $0xE, v8;
	v39 =	vmul.f32 v10, v12;
	[tilespmem:v33+s13+$0x0] =	vst.idx.msk $0xffff, v37  }
0x76: {  	v42 =	vor.u32 $0xF, v8;
	v41 =	vmul.f32 v10, v13;
	[tilespmem:v34+s13+$0x0] =	vst.idx.msk $0xffff, v38  }
0x77: {  	v44 =	vor.u32 $0x10, v8;
	v43 =	vmul.f32 v10, v14;
	[tilespmem:v36+s13+$0x0] =	vst.idx.msk $0xffff, v39  }
0x78: {  	v46 =	vor.u32 $0x11, v8;
	v45 =	vmul.f32 v9, v12;
	[tilespmem:v27+s13+$0x0] =	vst.idx.msk $0xffff, v41  }
0x79: {  	v48 =	vor.u32 $0x12, v8;
	v47 =	vmul.f32 v9, v13;
	[tilespmem:v28+s13+$0x0] =	vst.idx.msk $0xffff, v43  }
0x7a: {  	v50 =	vor.u32 $0x13, v8;
	v49 =	vmul.f32 v9, v14;
	[tilespmem:v40+s13+$0x0] =	vst.idx.msk $0xffff, v45  }
0x7b: {  	v52 =	vor.u32 $0x14, v8;
	v51 =	vmul.f32 v15, v12;
	[tilespmem:v42+s13+$0x0] =	vst.idx.msk $0xffff, v47  }
0x7c: {  	v54 =	vor.u32 $0x15, v8;
	v53 =	vmul.f32 v15, v13;
	[tilespmem:v44+s13+$0x0] =	vst.idx.msk $0xffff, v49  }
0x7d: {  	v55 =	vor.u32 $0x16, v8;
	v15 =	vmul.f32 v15, v14;
	[tilespmem:v46+s13+$0x0] =	vst.idx.msk $0xffff, v51  }
0x7e: {  	v57 =	vor.u32 $0x17, v8;
	v56 =	vmul.f32 v19, v12;
	[tilespmem:v48+s13+$0x0] =	vst.idx.msk $0xffff, v53  }
0x7f: {  	v59 =	vor.u32 $0x18, v8;
	v58 =	vmul.f32 v19, v13;
	[tilespmem:v50+s13+$0x0] =	vst.idx.msk $0xffff, v15  }
0x80: {  	v60 =	vor.u32 $0x19, v8;
	v15 =	vmul.f32 v19, v14;
	[tilespmem:v52+s13+$0x0] =	vst.idx.msk $0xffff, v56  }
0x81: {  	v62 =	vor.u32 $0x1A, v8;
	v61 =	vmul.f32 v24, v12;
	[tilespmem:v54+s13+$0x0] =	vst.idx.msk $0xffff, v58  }
0x82: {  	v63 =	vmul.f32 v24, v13;
	v28 =	vor.u32 $0x1B, v8;
	[tilespmem:v55+s13+$0x0] =	vst.idx.msk $0xffff, v15  }
0x83: {  	v29 =	vor.u32 $0x1C, v8;
	v15 =	vmul.f32 v24, v14;
	[tilespmem:v57+s13+$0x0] =	vst.idx.msk $0xffff, v61  }
0x84: {  	v30 =	vmul.f32 v20, v12;
	v31 =	vor.u32 $0x1D, v8;
	[tilespmem:v59+s13+$0x0] =	vst.idx.msk $0xffff, v63  }
0x85: {  	v32 =	vmul.f32 v20, v13;
	v33 =	vor.u32 $0x1E, v8;
	[tilespmem:v60+s13+$0x0] =	vst.idx.msk $0xffff, v15  }
0x86: {  	v34 =	vor.u32 $0x1F, v8;
	v15 =	vmul.f32 v20, v14;
	[tilespmem:v62+s13+$0x0] =	vst.idx.msk $0xffff, v30  }
0x87: {  	v35 =	vmul.f32 v16, v12;
	v36 =	vor.u32 $0x20, v8;
	[tilespmem:v28+s13+$0x0] =	vst.idx.msk $0xffff, v32  }
0x88: {  	v37 =	vmul.f32 v12, v12;
	v38 =	vmul.f32 v16, v13;
	v39 =	vor.u32 $0x21, v8;
	[tilespmem:v29+s13+$0x0] =	vst.idx.msk $0xffff, v15  }
0x89: {  	v16 =	vmul.f32 v16, v14;
	v40 =	vor.u32 $0x22, v8;
	v15 =	vmul.f32 v13, v12;
	[tilespmem:v31+s13+$0x0] =	vst.idx.msk $0xffff, v35  }
0x8a: {  	v41 =	vmul.f32 v37, v11;
	v42 =	vor.u32 $0x23, v8;
	v12 =	vmul.f32 v14, v12;
	[tilespmem:v33+s13+$0x0] =	vst.idx.msk $0xffff, v38  }
0x8b: {  	v44 =	vor.u32 $0x24, v8;
	v43 =	vmul.f32 v15, v11;
	[tilespmem:v34+s13+$0x0] =	vst.idx.msk $0xffff, v16  }
0x8c: {  	v45 =	vmul.f32 v13, v13;
	v47 =	vor.u32 $0x25, v8;
	v46 =	vmul.f32 v12, v11;
	[tilespmem:v36+s13+$0x0] =	vst.idx.msk $0xffff, v41  }
0x8d: {  	v48 =	vor.u32 $0x26, v8;
	v13 =	vmul.f32 v14, v13;
	[tilespmem:v39+s13+$0x0] =	vst.idx.msk $0xffff, v43  }
0x8e: {  	v49 =	vmul.f32 v45, v11;
	v50 =	vor.u32 $0x27, v8;
	[tilespmem:v40+s13+$0x0] =	vst.idx.msk $0xffff, v46  }
0x8f: {  	v52 =	vor.u32 $0x28, v8;
	v51 =	vmul.f32 v13, v11;
	[tilespmem:v42+s13+$0x0] =	vst.idx.msk $0xffff, v43  }
0x90: {  	v53 =	vor.u32 $0x29, v8;
	v14 =	vmul.f32 v14, v14;
	[tilespmem:v44+s13+$0x0] =	vst.idx.msk $0xffff, v49  }
0x91: {  	v54 =	vor.u32 $0x2A, v8;
	[tilespmem:v47+s13+$0x0] =	vst.idx.msk $0xffff, v51  }
0x92: {  	v55 =	vor.u32 $0x2B, v8;
	v11 =	vmul.f32 v14, v11;
	[tilespmem:v48+s13+$0x0] =	vst.idx.msk $0xffff, v46  }
0x93: {  	v56 =	vmul.f32 v10, v37;
	v57 =	vor.u32 $0x2C, v8;
	[tilespmem:v50+s13+$0x0] =	vst.idx.msk $0xffff, v51  }
0x94: {  	v59 =	vor.u32 $0x2D, v8;
	v58 =	vmul.f32 v10, v15;
	[tilespmem:v52+s13+$0x0] =	vst.idx.msk $0xffff, v11  }
0x95: {  	v11 =	vmul.f32 v10, v12;
	v12 =	vor.u32 $0x2E, v8;
	[tilespmem:v53+s13+$0x0] =	vst.idx.msk $0xffff, v56  }
0x96: {  	[tilespmem:v54+s13+$0x0] =	vst.idx.msk $0xffff, v58  }
0x97: {  	v60 =	vor.u32 $0x2F, v8;
	v16 =	vmul.f32 v10, v45;
	[tilespmem:v55+s13+$0x0] =	vst.idx.msk $0xffff, v11  }
0x98: {  	v61 =	vor.u32 $0x30, v8;
	v13 =	vmul.f32 v10, v13;
	[tilespmem:v57+s13+$0x0] =	vst.idx.msk $0xffff, v58  }
0x99: {  	v62 =	vor.u32 $0x31, v8;
	[tilespmem:v59+s13+$0x0] =	vst.idx.msk $0xffff, v16  }
0x9a: {  	[tilespmem:v12+s13+$0x0] =	vst.idx.msk $0xffff, v13;
	v12 =	vor.u32 $0x32, v8  }
0x9b: {  	v63 =	vmul.f32 v10, v14;
	v10 =	vor.u32 $0x33, v8  }
0x9c: {  	[tilespmem:v60+s13+$0x0] =	vst.idx.msk $0xffff, v11  }
0x9d: {  	v14 =	vmul.f32 v9, v37;
	[tilespmem:v61+s13+$0x0] =	vst.idx.msk $0xffff, v13  }
0x9e: {  	s25 =	simm.s32 $0x0;
	s24 =	simm.s32 $0x10;
	v8 =	vmul.f32 v9, v15;
	[tilespmem:v62+s13+$0x0] =	vst.idx.msk $0xffff, v63  }
.LBB2_3:
0x9f: {  	[tilespmem:v12+s13+$0x0] =	vst.idx.msk $0xffff, v14;
	s22 =	sadd.s32 $0x30, s22;
	s25 =	sadd.s32 $0x10, s25;
	s23 =	sadd.s32 $0x10, s23  }
0xa0: {  	p0 =	sne.s32 s24, $0x70;
	s26 =	smov.u32 s24;
	s24 =	sadd.s32 $0x10, s24;
	[tilespmem:v10+s13+$0x0] =	vst.idx.msk $0xffff, v8  }
0xa1: {  	v8 =	vld [tilespmem:s25+$0x0]  }
0xa2: {  	v9 =	vadd.s32 s22, v0;
	v10 =	vadd.s32 s22, v3  }
0xa3: {  	v9 =	vand.u32 $0x3F8, v9;
	v10 =	vand.u32 $0x3F8, v10  }
0xa4: {  	v11 =	vadd.s32 s22, v5;
	v9 =	vor.u32 v2, v9;
	v10 =	vor.u32 v4, v10  }
0xa5: {  	v11 =	vand.u32 $0x3F8, v11  }
0xa6: {  	v11 =	vor.u32 v6, v11;
	v8 =	vsub.s32 v8, v1  }
0xa7: {  	v8 =	vmin.u32 v8, $0x6200  }
0xa8: {  	[tilespmem:s23+$0x0] =	vst v8  }
0xa9: {  	v14 =	vld.idx.msk [tilespmem:v9+s14+$0x0], $0xffff  }
0xaa: {  	v12 =	vld.idx.msk [tilespmem:v10+s14+$0x0], $0xffff  }
0xab: {  	v13 =	vld.idx.msk [tilespmem:v11+s14+$0x0], $0xffff;
	_ =	sdelay $0x3  }
0xac: {  	v8 =	vmul.f32 v14, v14  }
0xad: {  	v9 =	vmul.f32 v12, v12  }
0xae: {  	v10 =	vmul.f32 v13, v13  }
0xaf: {  	v8 =	vadd.f32 v9, v8;
	_ =	sdelay $0x1  }
0xb0: {  	v8 =	vadd.f32 v10, v8;
	_ =	sdelay $0x1  }
0xb1: {  	v9 =	vmul.f32 $2.000000030e-01, v8;
	v8 =	vmul.f32 $1.156000040e+01, v8;
	_ =	sdelay $0x1  }
0xb2: {  	v10 =	vsub.f32 $1.000000000e+00, v9;
	v9 =	vmin.f32 v9, $1.000000000e+00;
	v8 =	vadd.f32 $1.000000000e+00, v8  }
0xb3: {  	v9 =	vmax.f32 v9, $9.999999960e-13  }
0xb4: {  	v11 =	vshrl.u32 v9, $0x1;
	v15 =	vmul.f32 $5.000000000e-01, v9;
	v16 =	vshrl.u32 v8, $0x1  }
0xb5: {  	v8 =	vmul.f32 $5.000000000e-01, v8;
	v11 =	vsub.s32 $0x5F3759DF, v11;
	v16 =	vsub.s32 $0x5F3759DF, v16  }
0xb6: {  	v17 =	vmul.f32 v11, v15  }
0xb7: {  	v18 =	vmul.f32 v16, v8  }
0xb8: {  	v17 =	vmul.f32 v11, v17  }
0xb9: {  	v18 =	vmul.f32 v16, v18  }
0xba: {  	v17 =	vsub.f32 $1.500000000e+00, v17  }
0xbb: {  	v18 =	vsub.f32 $1.500000000e+00, v18  }
0xbc: {  	v11 =	vmul.f32 v11, v17  }
0xbd: {  	v16 =	vmul.f32 v16, v18  }
0xbe: {  	v17 =	vmul.f32 v11, v15  }
0xbf: {  	v18 =	vmul.f32 v16, v8  }
0xc0: {  	v17 =	vmul.f32 v17, v11  }
0xc1: {  	v18 =	vmul.f32 v18, v16  }
0xc2: {  	v17 =	vsub.f32 $1.500000000e+00, v17  }
0xc3: {  	v18 =	vsub.f32 $1.500000000e+00, v18  }
0xc4: {  	v11 =	vmul.f32 v17, v11  }
0xc5: {  	v16 =	vmul.f32 v18, v16  }
0xc6: {  	v15 =	vmul.f32 v11, v15  }
0xc7: {  	v8 =	vmul.f32 v16, v8  }
0xc8: {  	v15 =	vmul.f32 v15, v11  }
0xc9: {  	v8 =	vmul.f32 v8, v16  }
0xca: {  	v15 =	vsub.f32 $1.500000000e+00, v15  }
0xcb: {  	v8 =	vsub.f32 $1.500000000e+00, v8  }
0xcc: {  	v11 =	vmul.f32 v15, v11  }
0xcd: {  	v8 =	vmul.f32 v8, v16  }
0xce: {  	v9 =	vmul.f32 v11, v9  }
0xcf: {  	v15 =	vmul.f32 $3.400000100e+00, v8  }
0xd0: {  	v8 =	vadd.f32 $-5.000000000e-01, v9;
	_ =	sdelay $0x1  }
0xd1: {  	v8 =	vmul.f32 $3.141592740e+00, v8;
	_ =	sdelay $0x1  }
0xd2: {  	v9 =	vmul.f32 v8, v8;
	_ =	sdelay $0x1  }
0xd3: {  	v11 =	vmul.f32 $2.755731880e-06, v9;
	_ =	sdelay $0x1  }
0xd4: {  	v11 =	vadd.f32 $-1.984127010e-04, v11;
	_ =	sdelay $0x1  }
0xd5: {  	v11 =	vmul.f32 v11, v9;
	_ =	sdelay $0x1  }
0xd6: {  	v11 =	vadd.f32 $8.333333770e-03, v11;
	_ =	sdelay $0x1  }
0xd7: {  	v11 =	vmul.f32 v11, v9;
	_ =	sdelay $0x1  }
0xd8: {  	v11 =	vadd.f32 $-1.666666720e-01, v11;
	_ =	sdelay $0x1  }
0xd9: {  	v9 =	vmul.f32 v11, v9;
	_ =	sdelay $0x1  }
0xda: {  	v9 =	vadd.f32 $1.000000000e+00, v9;
	_ =	sdelay $0x1  }
0xdb: {  	v8 =	vmul.f32 v9, v8;
	_ =	sdelay $0x1  }
0xdc: {  	v11 =	vsub.f32 $0.0e+00, v8  }
0xdd: {  	v10 =	vmax.f32 v10, $0.0e+00  }
0xde: {  	v16 =	vadd.f32 v11, v11;
	v8 =	vmul.f32 v11, v10;
	_ =	sdelay $0x1  }
0xdf: {  	v9 =	vmul.f32 v16, v11;
	_ =	sdelay $0x1  }
0xe0: {  	v17 =	vadd.f32 $-1.000000000e+00, v9;
	_ =	sdelay $0x1  }
0xe1: {  	v18 =	vmul.f32 v17, v16;
	v9 =	vmul.f32 v17, v10;
	_ =	sdelay $0x1  }
0xe2: {  	v18 =	vsub.f32 v18, v11;
	_ =	sdelay $0x1  }
0xe3: {  	v11 =	vmul.f32 v18, v16;
	v19 =	vmul.f32 v18, v10;
	_ =	sdelay $0x1  }
0xe4: {  	v17 =	vsub.f32 v11, v17  }
0xe5: {  	v11 =	vmov s26  }
0xe6: {  	v11 =	vshll.u32 v11, $0x6;
	v20 =	vmul.f32 v17, v16;
	v21 =	vmul.f32 v17, v10  }
0xe7: {  	v11 =	vor.u32 v7, v11  }
0xe8: {  	v18 =	vsub.f32 v20, v18;
	v20 =	vor.u32 $0x1, v11  }
0xe9: {  	v22 =	vor.u32 $0x2, v11  }
0xea: {  	v25 =	vor.u32 $0x3, v11;
	v23 =	vmul.f32 v18, v16;
	v24 =	vmul.f32 v18, v10  }
0xeb: {  	v26 =	vor.u32 $0x4, v11  }
0xec: {  	v17 =	vsub.f32 v23, v17;
	v23 =	vor.u32 $0x5, v11;
	[tilespmem:v11+s13+$0x0] =	vst.idx.msk $0xffff, v10  }
0xed: {  	[tilespmem:v20+s13+$0x0] =	vst.idx.msk $0xffff, v8;
	v20 =	vor.u32 $0x6, v11  }
0xee: {  	v16 =	vmul.f32 v17, v16;
	v17 =	vmul.f32 v17, v10;
	[tilespmem:v22+s13+$0x0] =	vst.idx.msk $0xffff, v9;
	v22 =	vor.u32 $0x7, v11  }
0xef: {  	[tilespmem:v25+s13+$0x0] =	vst.idx.msk $0xffff, v19;
	v25 =	vor.u32 $0x8, v11  }
0xf0: {  	v14 =	vmul.f32 v15, v14;
	v16 =	vsub.f32 v16, v18;
	v18 =	vor.u32 $0x9, v11;
	[tilespmem:v26+s13+$0x0] =	vst.idx.msk $0xffff, v21  }
0xf1: {  	v13 =	vmul.f32 v15, v13;
	v26 =	vmul.f32 v15, v12;
	v15 =	vor.u32 $0xA, v11;
	[tilespmem:v23+s13+$0x0] =	vst.idx.msk $0xffff, v24  }
0xf2: {  	v16 =	vmul.f32 v16, v10;
	v23 =	vor.u32 $0xB, v11;
	[tilespmem:v20+s13+$0x0] =	vst.idx.msk $0xffff, v17;
	v20 =	vmul.f32 v14, v10  }
0xf3: {  	v28 =	vor.u32 $0xC, v11;
	v12 =	vmul.f32 v13, v14;
	v27 =	vmul.f32 v26, v10  }
0xf4: {  	v29 =	vor.u32 $0xD, v11;
	[tilespmem:v22+s13+$0x0] =	vst.idx.msk $0xffff, v16;
	v22 =	vmul.f32 v13, v10  }
0xf5: {  	[tilespmem:v25+s13+$0x0] =	vst.idx.msk $0xffff, v20;
	v20 =	vmul.f32 v8, v14;
	v25 =	vor.u32 $0xE, v11  }
0xf6: {  	[tilespmem:v18+s13+$0x0] =	vst.idx.msk $0xffff, v27;
	v18 =	vmul.f32 v8, v26;
	v27 =	vor.u32 $0xF, v11  }
0xf7: {  	[tilespmem:v15+s13+$0x0] =	vst.idx.msk $0xffff, v22;
	v15 =	vmul.f32 v8, v13;
	v22 =	vor.u32 $0x10, v11  }
0xf8: {  	[tilespmem:v23+s13+$0x0] =	vst.idx.msk $0xffff, v20;
	v20 =	vmul.f32 v9, v14;
	v23 =	vor.u32 $0x11, v11  }
0xf9: {  	[tilespmem:v28+s13+$0x0] =	vst.idx.msk $0xffff, v18;
	v18 =	vmul.f32 v9, v26;
	v28 =	vor.u32 $0x12, v11  }
0xfa: {  	[tilespmem:v29+s13+$0x0] =	vst.idx.msk $0xffff, v15;
	v15 =	vmul.f32 v9, v13;
	v29 =	vor.u32 $0x13, v11  }
0xfb: {  	[tilespmem:v25+s13+$0x0] =	vst.idx.msk $0xffff, v20;
	v20 =	vmul.f32 v19, v14;
	v25 =	vor.u32 $0x14, v11  }
0xfc: {  	[tilespmem:v27+s13+$0x0] =	vst.idx.msk $0xffff, v18;
	v18 =	vmul.f32 v19, v26;
	v27 =	vor.u32 $0x15, v11  }
0xfd: {  	[tilespmem:v22+s13+$0x0] =	vst.idx.msk $0xffff, v15;
	v15 =	vmul.f32 v19, v13;
	v19 =	vor.u32 $0x16, v11  }
0xfe: {  	v22 =	vor.u32 $0x17, v11;
	[tilespmem:v23+s13+$0x0] =	vst.idx.msk $0xffff, v20;
	v20 =	vmul.f32 v21, v14  }
0xff: {  	v23 =	vor.u32 $0x18, v11;
	[tilespmem:v28+s13+$0x0] =	vst.idx.msk $0xffff, v18;
	v18 =	vmul.f32 v21, v26  }
0x100: {  	[tilespmem:v29+s13+$0x0] =	vst.idx.msk $0xffff, v15;
	v15 =	vmul.f32 v21, v13;
	v21 =	vor.u32 $0x19, v11  }
0x101: {  	[tilespmem:v25+s13+$0x0] =	vst.idx.msk $0xffff, v20;
	v20 =	vmul.f32 v24, v14;
	v25 =	vor.u32 $0x1A, v11  }
0x102: {  	[tilespmem:v27+s13+$0x0] =	vst.idx.msk $0xffff, v18;
	v18 =	vmul.f32 v24, v26;
	v27 =	vor.u32 $0x1B, v11  }
0x103: {  	[tilespmem:v19+s13+$0x0] =	vst.idx.msk $0xffff, v15;
	v15 =	vmul.f32 v24, v13;
	v19 =	vor.u32 $0x1C, v11  }
0x104: {  	[tilespmem:v22+s13+$0x0] =	vst.idx.msk $0xffff, v20;
	v20 =	vmul.f32 v17, v14;
	v22 =	vor.u32 $0x1D, v11  }
0x105: {  	[tilespmem:v23+s13+$0x0] =	vst.idx.msk $0xffff, v18;
	v18 =	vmul.f32 v17, v26;
	v23 =	vor.u32 $0x1E, v11  }
0x106: {  	[tilespmem:v21+s13+$0x0] =	vst.idx.msk $0xffff, v15;
	v15 =	vmul.f32 v17, v13;
	v17 =	vor.u32 $0x1F, v11  }
0x107: {  	v21 =	vor.u32 $0x20, v11;
	[tilespmem:v25+s13+$0x0] =	vst.idx.msk $0xffff, v20;
	v20 =	vmul.f32 v16, v14  }
0x108: {  	v24 =	vmul.f32 v14, v14;
	v25 =	vor.u32 $0x21, v11;
	[tilespmem:v27+s13+$0x0] =	vst.idx.msk $0xffff, v18;
	v18 =	vmul.f32 v16, v26  }
0x109: {  	v27 =	vmul.f32 v26, v14;
	[tilespmem:v19+s13+$0x0] =	vst.idx.msk $0xffff, v15;
	v15 =	vmul.f32 v16, v13;
	v16 =	vor.u32 $0x22, v11  }
0x10a: {  	v14 =	vmul.f32 v9, v24;
	v19 =	vmul.f32 v24, v10;
	[tilespmem:v22+s13+$0x0] =	vst.idx.msk $0xffff, v20;
	v20 =	vor.u32 $0x23, v11  }
0x10b: {  	v22 =	vor.u32 $0x24, v11;
	[tilespmem:v23+s13+$0x0] =	vst.idx.msk $0xffff, v18;
	v18 =	vmul.f32 v27, v10  }
0x10c: {  	v23 =	vmul.f32 v26, v26;
	[tilespmem:v17+s13+$0x0] =	vst.idx.msk $0xffff, v15;
	v15 =	vmul.f32 v12, v10;
	v17 =	vor.u32 $0x25, v11  }
0x10d: {  	v26 =	vmul.f32 v13, v26;
	[tilespmem:v21+s13+$0x0] =	vst.idx.msk $0xffff, v19;
	v19 =	vor.u32 $0x26, v11  }
0x10e: {  	v21 =	vmul.f32 v23, v10;
	[tilespmem:v25+s13+$0x0] =	vst.idx.msk $0xffff, v18;
	v25 =	vor.u32 $0x27, v11  }
0x10f: {  	v28 =	vor.u32 $0x28, v11;
	[tilespmem:v16+s13+$0x0] =	vst.idx.msk $0xffff, v15;
	v16 =	vmul.f32 v26, v10  }
0x110: {  	v13 =	vmul.f32 v13, v13;
	[tilespmem:v20+s13+$0x0] =	vst.idx.msk $0xffff, v18;
	v18 =	vor.u32 $0x29, v11  }
0x111: {  	v20 =	vor.u32 $0x2A, v11;
	[tilespmem:v22+s13+$0x0] =	vst.idx.msk $0xffff, v21  }
0x112: {  	v10 =	vmul.f32 v13, v10;
	[tilespmem:v17+s13+$0x0] =	vst.idx.msk $0xffff, v16;
	v17 =	vor.u32 $0x2B, v11  }
0x113: {  	[tilespmem:v19+s13+$0x0] =	vst.idx.msk $0xffff, v15;
	v15 =	vmul.f32 v8, v24;
	v19 =	vor.u32 $0x2C, v11  }
0x114: {  	v21 =	vor.u32 $0x2D, v11;
	[tilespmem:v25+s13+$0x0] =	vst.idx.msk $0xffff, v16;
	v16 =	vmul.f32 v8, v27  }
0x115: {  	v22 =	vmul.f32 v8, v12;
	v24 =	vor.u32 $0x2E, v11;
	[tilespmem:v28+s13+$0x0] =	vst.idx.msk $0xffff, v10  }
0x116: {  	[tilespmem:v18+s13+$0x0] =	vst.idx.msk $0xffff, v15;
	v15 =	vor.u32 $0x2F, v11  }
0x117: {  	v10 =	vmul.f32 v8, v23;
	v18 =	vor.u32 $0x30, v11;
	[tilespmem:v20+s13+$0x0] =	vst.idx.msk $0xffff, v16  }
0x118: {  	v20 =	vor.u32 $0x31, v11;
	[tilespmem:v17+s13+$0x0] =	vst.idx.msk $0xffff, v22;
	v17 =	vmul.f32 v8, v26  }
0x119: {  	v12 =	vor.u32 $0x32, v11;
	[tilespmem:v19+s13+$0x0] =	vst.idx.msk $0xffff, v16  }
.Ltmp0:
0x11a: {  	[tilespmem:v21+s13+$0x0] =	vst.idx.msk $0xffff, v10;
	v10 =	vor.u32 $0x33, v11;
	(pc) =	sbr.rel @p0 .LBB2_3-.Ltmp0, $4  }
0x11b: {  	v11 =	vmul.f32 v8, v13;
	[tilespmem:v24+s13+$0x0] =	vst.idx.msk $0xffff, v17  }
0x11c: {  	[tilespmem:v15+s13+$0x0] =	vst.idx.msk $0xffff, v22  }
0x11d: {  	v8 =	vmul.f32 v9, v27;
	[tilespmem:v18+s13+$0x0] =	vst.idx.msk $0xffff, v17  }
0x11e: {  	[tilespmem:v20+s13+$0x0] =	vst.idx.msk $0xffff, v11  }
0x11f: {  	_ =	sdelay $0x3  }
0x120: {  	[tilespmem:v12+s13+$0x0] =	vst.idx.msk $0xffff, v14  }
0x121: {  	s22 =	simm.s32 $0x80;
	[tilespmem:v10+s13+$0x0] =	vst.idx.msk $0xffff, v8  }
0x122: {  	s23 =	simm.s32 $0x180;
	v8 =	vld [tilespmem:s22+$0x0]  }
0x123: {  	v9 =	vadd.s32 s23, v0  }
0x124: {  	v10 =	vadd.s32 s23, v3;
	v9 =	vand.u32 $0x7FFFFFF8, v9  }
0x125: {  	v10 =	vand.u32 $0x7FFFFFF8, v10;
	v9 =	vor.u32 v2, v9  }
0x126: {  	v11 =	vadd.s32 s23, v5;
	v10 =	vor.u32 v4, v10  }
0x127: {  	v11 =	vand.u32 $0x7FFFFFF8, v11;
	v8 =	vsub.s32 v8, v1  }
0x128: {  	s24 =	simm.s32 $0x480;
	v11 =	vor.u32 v6, v11;
	v8 =	vmin.u32 v8, $0x6200  }
0x129: {  	[tilespmem:s24+$0x0] =	vst v8  }
0x12a: {  	v12 =	vld.idx.msk [tilespmem:v9+s14+$0x0], $0xffff  }
0x12b: {  	v13 =	vld.idx.msk [tilespmem:v10+s14+$0x0], $0xffff;
	_ =	sdelay $0x1  }
0x12c: {  	v14 =	vld.idx.msk [tilespmem:v11+s14+$0x0], $0xffff;
	_ =	sdelay $0x2  }
0x12d: {  	v8 =	vmul.f32 v12, v12;
	v9 =	vmul.f32 v13, v13;
	_ =	sdelay $0x1  }
0x12e: {  	v10 =	vmul.f32 v14, v14;
	v8 =	vadd.f32 v9, v8;
	_ =	sdelay $0x1  }
0x12f: {  	v8 =	vadd.f32 v10, v8;
	_ =	sdelay $0x1  }
0x130: {  	v9 =	vmul.f32 $2.000000030e-01, v8;
	_ =	sdelay $0x1  }
0x131: {  	v10 =	vmin.f32 v9, $1.000000000e+00  }
0x132: {  	v10 =	vmax.f32 v10, $9.999999960e-13  }
0x133: {  	v11 =	vshrl.u32 v10, $0x1;
	v15 =	vmul.f32 $5.000000000e-01, v10  }
0x134: {  	v11 =	vsub.s32 $0x5F3759DF, v11  }
0x135: {  	v16 =	vmul.f32 v11, v15;
	_ =	sdelay $0x1  }
0x136: {  	v16 =	vmul.f32 v11, v16;
	_ =	sdelay $0x1  }
0x137: {  	v16 =	vsub.f32 $1.500000000e+00, v16;
	_ =	sdelay $0x1  }
0x138: {  	v11 =	vmul.f32 v11, v16;
	_ =	sdelay $0x1  }
0x139: {  	v16 =	vmul.f32 v11, v15;
	_ =	sdelay $0x1  }
0x13a: {  	v16 =	vmul.f32 v16, v11;
	_ =	sdelay $0x1  }
0x13b: {  	v16 =	vsub.f32 $1.500000000e+00, v16;
	_ =	sdelay $0x1  }
0x13c: {  	v11 =	vmul.f32 v16, v11;
	_ =	sdelay $0x1  }
0x13d: {  	v15 =	vmul.f32 v11, v15;
	_ =	sdelay $0x1  }
0x13e: {  	v15 =	vmul.f32 v15, v11;
	_ =	sdelay $0x1  }
0x13f: {  	v15 =	vsub.f32 $1.500000000e+00, v15;
	_ =	sdelay $0x1  }
0x140: {  	v11 =	vmul.f32 v15, v11;
	_ =	sdelay $0x1  }
0x141: {  	v10 =	vmul.f32 v11, v10;
	_ =	sdelay $0x1  }
0x142: {  	v10 =	vadd.f32 $-5.000000000e-01, v10;
	_ =	sdelay $0x1  }
0x143: {  	v10 =	vmul.f32 $3.141592740e+00, v10;
	_ =	sdelay $0x1  }
0x144: {  	v11 =	vmul.f32 v10, v10;
	_ =	sdelay $0x1  }
0x145: {  	v15 =	vmul.f32 $2.755731880e-06, v11;
	_ =	sdelay $0x1  }
0x146: {  	v15 =	vadd.f32 $-1.984127010e-04, v15;
	_ =	sdelay $0x1  }
0x147: {  	v15 =	vmul.f32 v15, v11;
	_ =	sdelay $0x1  }
0x148: {  	v15 =	vadd.f32 $8.333333770e-03, v15;
	_ =	sdelay $0x1  }
0x149: {  	v15 =	vmul.f32 v15, v11;
	_ =	sdelay $0x1  }
0x14a: {  	v15 =	vadd.f32 $-1.666666720e-01, v15;
	_ =	sdelay $0x1  }
0x14b: {  	v11 =	vmul.f32 v15, v11  }
0x14c: {  	v8 =	vmul.f32 $1.156000040e+01, v8  }
0x14d: {  	v11 =	vadd.f32 $1.000000000e+00, v11  }
0x14e: {  	v8 =	vadd.f32 $1.000000000e+00, v8  }
0x14f: {  	v10 =	vmul.f32 v11, v10  }
0x150: {  	v11 =	vshrl.u32 v8, $0x1;
	v8 =	vmul.f32 $5.000000000e-01, v8  }
0x151: {  	v11 =	vsub.s32 $0x5F3759DF, v11;
	v10 =	vsub.f32 $0.0e+00, v10  }
0x152: {  	v15 =	vmul.f32 v11, v8  }
0x153: {  	v63 =	vadd.f32 v10, v10  }
0x154: {  	v15 =	vmul.f32 v11, v15  }
0x155: {  	v17 =	vmul.f32 v63, v10  }
0x156: {  	v15 =	vsub.f32 $1.500000000e+00, v15  }
0x157: {  	v17 =	vadd.f32 $-1.000000000e+00, v17  }
0x158: {  	v11 =	vmul.f32 v11, v15  }
0x159: {  	v15 =	vmul.f32 v17, v63  }
0x15a: {  	v18 =	vmul.f32 v11, v8  }
0x15b: {  	v15 =	vsub.f32 v15, v10  }
0x15c: {  	v18 =	vmul.f32 v18, v11  }
0x15d: {  	v19 =	vmul.f32 v15, v63  }
0x15e: {  	v18 =	vsub.f32 $1.500000000e+00, v18  }
0x15f: {  	v19 =	vsub.f32 v19, v17  }
0x160: {  	v18 =	vmul.f32 v18, v11  }
0x161: {  	v11 =	vmov s22;
	v20 =	vmul.f32 v19, v63  }
0x162: {  	v21 =	vmul.f32 v18, v8;
	v8 =	vshll.u32 v11, $0x6  }
0x163: {  	v8 =	vor.u32 v7, v8;
	v20 =	vsub.f32 v20, v15  }
0x164: {  	v9 =	vsub.f32 $1.000000000e+00, v9;
	v11 =	vmul.f32 v21, v18;
	v28 =	vor.u32 $0x1, v8  }
0x165: {  	v22 =	vor.u32 $0x2, v8;
	v23 =	vmul.f32 v20, v63  }
0x166: {  	v25 =	vor.u32 $0x3, v8;
	v24 =	vsub.f32 $1.500000000e+00, v11;
	v11 =	vmax.f32 v9, $0.0e+00  }
0x167: {  	v26 =	vor.u32 $0x4, v8;
	v10 =	vmul.f32 v10, v11;
	v23 =	vsub.f32 v23, v19  }
0x168: {  	v29 =	vor.u32 $0x5, v8;
	v9 =	vmul.f32 v17, v11;
	v18 =	vmul.f32 v24, v18;
	[tilespmem:v8+s13+$0x0] =	vst.idx.msk $0xffff, v11  }
0x169: {  	v30 =	vor.u32 $0x6, v8;
	v15 =	vmul.f32 v15, v11;
	[tilespmem:v28+s13+$0x0] =	vst.idx.msk $0xffff, v10;
	v16 =	vmul.f32 v23, v63  }
0x16a: {  	v31 =	vor.u32 $0x7, v8;
	v19 =	vmul.f32 v19, v11;
	v18 =	vmul.f32 $3.400000100e+00, v18;
	[tilespmem:v22+s13+$0x0] =	vst.idx.msk $0xffff, v9  }
0x16b: {  	v32 =	vor.u32 $0x8, v8;
	v24 =	vmul.f32 v20, v11;
	[tilespmem:v25+s13+$0x0] =	vst.idx.msk $0xffff, v15;
	v16 =	vsub.f32 v16, v20  }
0x16c: {  	v33 =	vor.u32 $0x9, v8;
	v20 =	vmul.f32 v23, v11;
	v12 =	vmul.f32 v18, v12;
	[tilespmem:v26+s13+$0x0] =	vst.idx.msk $0xffff, v19  }
0x16d: {  	v34 =	vor.u32 $0xA, v8;
	v13 =	vmul.f32 v18, v13;
	[tilespmem:v29+s13+$0x0] =	vst.idx.msk $0xffff, v24;
	v16 =	vmul.f32 v16, v11  }
0x16e: {  	v36 =	vor.u32 $0xB, v8;
	v14 =	vmul.f32 v18, v14;
	[tilespmem:v30+s13+$0x0] =	vst.idx.msk $0xffff, v20;
	v35 =	vmul.f32 v12, v11  }
0x16f: {  	v27 =	vor.u32 $0xC, v8;
	v37 =	vmul.f32 v13, v11;
	[tilespmem:v31+s13+$0x0] =	vst.idx.msk $0xffff, v16  }
0x170: {  	v28 =	vor.u32 $0xD, v8;
	v38 =	vmul.f32 v14, v11;
	[tilespmem:v32+s13+$0x0] =	vst.idx.msk $0xffff, v35  }
0x171: {  	v40 =	vor.u32 $0xE, v8;
	v39 =	vmul.f32 v10, v12;
	[tilespmem:v33+s13+$0x0] =	vst.idx.msk $0xffff, v37  }
0x172: {  	v42 =	vor.u32 $0xF, v8;
	v41 =	vmul.f32 v10, v13;
	[tilespmem:v34+s13+$0x0] =	vst.idx.msk $0xffff, v38  }
0x173: {  	v44 =	vor.u32 $0x10, v8;
	v43 =	vmul.f32 v10, v14;
	[tilespmem:v36+s13+$0x0] =	vst.idx.msk $0xffff, v39  }
0x174: {  	v46 =	vor.u32 $0x11, v8;
	v45 =	vmul.f32 v9, v12;
	[tilespmem:v27+s13+$0x0] =	vst.idx.msk $0xffff, v41  }
0x175: {  	v48 =	vor.u32 $0x12, v8;
	v47 =	vmul.f32 v9, v13;
	[tilespmem:v28+s13+$0x0] =	vst.idx.msk $0xffff, v43  }
0x176: {  	v50 =	vor.u32 $0x13, v8;
	v49 =	vmul.f32 v9, v14;
	[tilespmem:v40+s13+$0x0] =	vst.idx.msk $0xffff, v45  }
0x177: {  	v52 =	vor.u32 $0x14, v8;
	v51 =	vmul.f32 v15, v12;
	[tilespmem:v42+s13+$0x0] =	vst.idx.msk $0xffff, v47  }
0x178: {  	v54 =	vor.u32 $0x15, v8;
	v53 =	vmul.f32 v15, v13;
	[tilespmem:v44+s13+$0x0] =	vst.idx.msk $0xffff, v49  }
0x179: {  	v55 =	vor.u32 $0x16, v8;
	v15 =	vmul.f32 v15, v14;
	[tilespmem:v46+s13+$0x0] =	vst.idx.msk $0xffff, v51  }
0x17a: {  	v57 =	vor.u32 $0x17, v8;
	v56 =	vmul.f32 v19, v12;
	[tilespmem:v48+s13+$0x0] =	vst.idx.msk $0xffff, v53  }
0x17b: {  	v59 =	vor.u32 $0x18, v8;
	v58 =	vmul.f32 v19, v13;
	[tilespmem:v50+s13+$0x0] =	vst.idx.msk $0xffff, v15  }
0x17c: {  	v60 =	vor.u32 $0x19, v8;
	v15 =	vmul.f32 v19, v14;
	[tilespmem:v52+s13+$0x0] =	vst.idx.msk $0xffff, v56  }
0x17d: {  	v62 =	vor.u32 $0x1A, v8;
	v61 =	vmul.f32 v24, v12;
	[tilespmem:v54+s13+$0x0] =	vst.idx.msk $0xffff, v58  }
0x17e: {  	v63 =	vmul.f32 v24, v13;
	v28 =	vor.u32 $0x1B, v8;
	[tilespmem:v55+s13+$0x0] =	vst.idx.msk $0xffff, v15  }
0x17f: {  	v29 =	vor.u32 $0x1C, v8;
	v15 =	vmul.f32 v24, v14;
	[tilespmem:v57+s13+$0x0] =	vst.idx.msk $0xffff, v61  }
0x180: {  	v30 =	vmul.f32 v20, v12;
	v31 =	vor.u32 $0x1D, v8;
	[tilespmem:v59+s13+$0x0] =	vst.idx.msk $0xffff, v63  }
0x181: {  	v32 =	vmul.f32 v20, v13;
	v33 =	vor.u32 $0x1E, v8;
	[tilespmem:v60+s13+$0x0] =	vst.idx.msk $0xffff, v15  }
0x182: {  	v34 =	vor.u32 $0x1F, v8;
	v15 =	vmul.f32 v20, v14;
	[tilespmem:v62+s13+$0x0] =	vst.idx.msk $0xffff, v30  }
0x183: {  	v35 =	vmul.f32 v16, v12;
	v36 =	vor.u32 $0x20, v8;
	[tilespmem:v28+s13+$0x0] =	vst.idx.msk $0xffff, v32  }
0x184: {  	v37 =	vmul.f32 v12, v12;
	v38 =	vmul.f32 v16, v13;
	v39 =	vor.u32 $0x21, v8;
	[tilespmem:v29+s13+$0x0] =	vst.idx.msk $0xffff, v15  }
0x185: {  	v16 =	vmul.f32 v16, v14;
	v40 =	vor.u32 $0x22, v8;
	v15 =	vmul.f32 v13, v12;
	[tilespmem:v31+s13+$0x0] =	vst.idx.msk $0xffff, v35  }
0x186: {  	v41 =	vmul.f32 v37, v11;
	v42 =	vor.u32 $0x23, v8;
	v12 =	vmul.f32 v14, v12;
	[tilespmem:v33+s13+$0x0] =	vst.idx.msk $0xffff, v38  }
0x187: {  	v44 =	vor.u32 $0x24, v8;
	v43 =	vmul.f32 v15, v11;
	[tilespmem:v34+s13+$0x0] =	vst.idx.msk $0xffff, v16  }
0x188: {  	v45 =	vmul.f32 v13, v13;
	v47 =	vor.u32 $0x25, v8;
	v46 =	vmul.f32 v12, v11;
	[tilespmem:v36+s13+$0x0] =	vst.idx.msk $0xffff, v41  }
0x189: {  	v48 =	vor.u32 $0x26, v8;
	v13 =	vmul.f32 v14, v13;
	[tilespmem:v39+s13+$0x0] =	vst.idx.msk $0xffff, v43  }
0x18a: {  	v49 =	vmul.f32 v45, v11;
	v50 =	vor.u32 $0x27, v8;
	[tilespmem:v40+s13+$0x0] =	vst.idx.msk $0xffff, v46  }
0x18b: {  	v52 =	vor.u32 $0x28, v8;
	v51 =	vmul.f32 v13, v11;
	[tilespmem:v42+s13+$0x0] =	vst.idx.msk $0xffff, v43  }
0x18c: {  	v53 =	vor.u32 $0x29, v8;
	v14 =	vmul.f32 v14, v14;
	[tilespmem:v44+s13+$0x0] =	vst.idx.msk $0xffff, v49  }
0x18d: {  	v54 =	vor.u32 $0x2A, v8;
	[tilespmem:v47+s13+$0x0] =	vst.idx.msk $0xffff, v51  }
0x18e: {  	v55 =	vor.u32 $0x2B, v8;
	v11 =	vmul.f32 v14, v11;
	[tilespmem:v48+s13+$0x0] =	vst.idx.msk $0xffff, v46  }
0x18f: {  	v56 =	vmul.f32 v10, v37;
	v57 =	vor.u32 $0x2C, v8;
	[tilespmem:v50+s13+$0x0] =	vst.idx.msk $0xffff, v51  }
0x190: {  	v59 =	vor.u32 $0x2D, v8;
	v58 =	vmul.f32 v10, v15;
	[tilespmem:v52+s13+$0x0] =	vst.idx.msk $0xffff, v11  }
0x191: {  	v11 =	vmul.f32 v10, v12;
	v12 =	vor.u32 $0x2E, v8;
	[tilespmem:v53+s13+$0x0] =	vst.idx.msk $0xffff, v56  }
0x192: {  	[tilespmem:v54+s13+$0x0] =	vst.idx.msk $0xffff, v58  }
0x193: {  	v60 =	vor.u32 $0x2F, v8;
	v16 =	vmul.f32 v10, v45;
	[tilespmem:v55+s13+$0x0] =	vst.idx.msk $0xffff, v11  }
0x194: {  	v61 =	vor.u32 $0x30, v8;
	v13 =	vmul.f32 v10, v13;
	[tilespmem:v57+s13+$0x0] =	vst.idx.msk $0xffff, v58  }
0x195: {  	v62 =	vor.u32 $0x31, v8;
	[tilespmem:v59+s13+$0x0] =	vst.idx.msk $0xffff, v16  }
0x196: {  	[tilespmem:v12+s13+$0x0] =	vst.idx.msk $0xffff, v13;
	v12 =	vor.u32 $0x32, v8  }
0x197: {  	v63 =	vmul.f32 v10, v14;
	v10 =	vor.u32 $0x33, v8  }
0x198: {  	[tilespmem:v60+s13+$0x0] =	vst.idx.msk $0xffff, v11  }
0x199: {  	v14 =	vmul.f32 v9, v37;
	[tilespmem:v61+s13+$0x0] =	vst.idx.msk $0xffff, v13  }
0x19a: {  	s25 =	simm.s32 $0x90;
	v8 =	vmul.f32 v9, v15;
	[tilespmem:v62+s13+$0x0] =	vst.idx.msk $0xffff, v63  }
.LBB2_5:
0x19b: {  	[tilespmem:v12+s13+$0x0] =	vst.idx.msk $0xffff, v14;
	s23 =	sadd.s32 $0x30, s23;
	s22 =	sadd.s32 $0x10, s22;
	s24 =	sadd.s32 $0x10, s24  }
0x19c: {  	p0 =	sne.s32 s25, $0xF0;
	s26 =	smov.u32 s25;
	s25 =	sadd.s32 $0x10, s25;
	[tilespmem:v10+s13+$0x0] =	vst.idx.msk $0xffff, v8  }
0x19d: {  	v8 =	vld [tilespmem:s22+$0x0]  }
0x19e: {  	v9 =	vadd.s32 s23, v0;
	v10 =	vadd.s32 s23, v3  }
0x19f: {  	v9 =	vand.u32 $0x7FFFFFF8, v9;
	v10 =	vand.u32 $0x7FFFFFF8, v10  }
0x1a0: {  	v11 =	vadd.s32 s23, v5;
	v9 =	vor.u32 v2, v9;
	v10 =	vor.u32 v4, v10  }
0x1a1: {  	v11 =	vand.u32 $0x7FFFFFF8, v11  }
0x1a2: {  	v11 =	vor.u32 v6, v11;
	v8 =	vsub.s32 v8, v1  }
0x1a3: {  	v8 =	vmin.u32 v8, $0x6200  }
0x1a4: {  	[tilespmem:s24+$0x0] =	vst v8  }
0x1a5: {  	v14 =	vld.idx.msk [tilespmem:v9+s14+$0x0], $0xffff  }
0x1a6: {  	v12 =	vld.idx.msk [tilespmem:v10+s14+$0x0], $0xffff  }
0x1a7: {  	v13 =	vld.idx.msk [tilespmem:v11+s14+$0x0], $0xffff;
	_ =	sdelay $0x3  }
0x1a8: {  	v8 =	vmul.f32 v14, v14  }
0x1a9: {  	v9 =	vmul.f32 v12, v12  }
0x1aa: {  	v10 =	vmul.f32 v13, v13  }
0x1ab: {  	v8 =	vadd.f32 v9, v8;
	_ =	sdelay $0x1  }
0x1ac: {  	v8 =	vadd.f32 v10, v8;
	_ =	sdelay $0x1  }
0x1ad: {  	v9 =	vmul.f32 $2.000000030e-01, v8;
	v8 =	vmul.f32 $1.156000040e+01, v8;
	_ =	sdelay $0x1  }
0x1ae: {  	v10 =	vsub.f32 $1.000000000e+00, v9;
	v9 =	vmin.f32 v9, $1.000000000e+00;
	v8 =	vadd.f32 $1.000000000e+00, v8  }
0x1af: {  	v9 =	vmax.f32 v9, $9.999999960e-13  }
0x1b0: {  	v11 =	vshrl.u32 v9, $0x1;
	v15 =	vmul.f32 $5.000000000e-01, v9;
	v16 =	vshrl.u32 v8, $0x1  }
0x1b1: {  	v8 =	vmul.f32 $5.000000000e-01, v8;
	v11 =	vsub.s32 $0x5F3759DF, v11;
	v16 =	vsub.s32 $0x5F3759DF, v16  }
0x1b2: {  	v17 =	vmul.f32 v11, v15  }
0x1b3: {  	v18 =	vmul.f32 v16, v8  }
0x1b4: {  	v17 =	vmul.f32 v11, v17  }
0x1b5: {  	v18 =	vmul.f32 v16, v18  }
0x1b6: {  	v17 =	vsub.f32 $1.500000000e+00, v17  }
0x1b7: {  	v18 =	vsub.f32 $1.500000000e+00, v18  }
0x1b8: {  	v11 =	vmul.f32 v11, v17  }
0x1b9: {  	v16 =	vmul.f32 v16, v18  }
0x1ba: {  	v17 =	vmul.f32 v11, v15  }
0x1bb: {  	v18 =	vmul.f32 v16, v8  }
0x1bc: {  	v17 =	vmul.f32 v17, v11  }
0x1bd: {  	v18 =	vmul.f32 v18, v16  }
0x1be: {  	v17 =	vsub.f32 $1.500000000e+00, v17  }
0x1bf: {  	v18 =	vsub.f32 $1.500000000e+00, v18  }
0x1c0: {  	v11 =	vmul.f32 v17, v11  }
0x1c1: {  	v16 =	vmul.f32 v18, v16  }
0x1c2: {  	v15 =	vmul.f32 v11, v15  }
0x1c3: {  	v8 =	vmul.f32 v16, v8  }
0x1c4: {  	v15 =	vmul.f32 v15, v11  }
0x1c5: {  	v8 =	vmul.f32 v8, v16  }
0x1c6: {  	v15 =	vsub.f32 $1.500000000e+00, v15  }
0x1c7: {  	v8 =	vsub.f32 $1.500000000e+00, v8  }
0x1c8: {  	v11 =	vmul.f32 v15, v11  }
0x1c9: {  	v8 =	vmul.f32 v8, v16  }
0x1ca: {  	v9 =	vmul.f32 v11, v9  }
0x1cb: {  	v15 =	vmul.f32 $3.400000100e+00, v8  }
0x1cc: {  	v8 =	vadd.f32 $-5.000000000e-01, v9;
	_ =	sdelay $0x1  }
0x1cd: {  	v8 =	vmul.f32 $3.141592740e+00, v8;
	_ =	sdelay $0x1  }
0x1ce: {  	v9 =	vmul.f32 v8, v8;
	_ =	sdelay $0x1  }
0x1cf: {  	v11 =	vmul.f32 $2.755731880e-06, v9;
	_ =	sdelay $0x1  }
0x1d0: {  	v11 =	vadd.f32 $-1.984127010e-04, v11;
	_ =	sdelay $0x1  }
0x1d1: {  	v11 =	vmul.f32 v11, v9;
	_ =	sdelay $0x1  }
0x1d2: {  	v11 =	vadd.f32 $8.333333770e-03, v11;
	_ =	sdelay $0x1  }
0x1d3: {  	v11 =	vmul.f32 v11, v9;
	_ =	sdelay $0x1  }
0x1d4: {  	v11 =	vadd.f32 $-1.666666720e-01, v11;
	_ =	sdelay $0x1  }
0x1d5: {  	v9 =	vmul.f32 v11, v9;
	_ =	sdelay $0x1  }
0x1d6: {  	v9 =	vadd.f32 $1.000000000e+00, v9;
	_ =	sdelay $0x1  }
0x1d7: {  	v8 =	vmul.f32 v9, v8;
	_ =	sdelay $0x1  }
0x1d8: {  	v11 =	vsub.f32 $0.0e+00, v8  }
0x1d9: {  	v10 =	vmax.f32 v10, $0.0e+00  }
0x1da: {  	v16 =	vadd.f32 v11, v11;
	v8 =	vmul.f32 v11, v10;
	_ =	sdelay $0x1  }
0x1db: {  	v9 =	vmul.f32 v16, v11;
	_ =	sdelay $0x1  }
0x1dc: {  	v17 =	vadd.f32 $-1.000000000e+00, v9;
	_ =	sdelay $0x1  }
0x1dd: {  	v18 =	vmul.f32 v17, v16;
	v9 =	vmul.f32 v17, v10;
	_ =	sdelay $0x1  }
0x1de: {  	v18 =	vsub.f32 v18, v11;
	_ =	sdelay $0x1  }
0x1df: {  	v11 =	vmul.f32 v18, v16;
	v19 =	vmul.f32 v18, v10;
	_ =	sdelay $0x1  }
0x1e0: {  	v17 =	vsub.f32 v11, v17  }
0x1e1: {  	v11 =	vmov s26  }
0x1e2: {  	v11 =	vshll.u32 v11, $0x6;
	v20 =	vmul.f32 v17, v16;
	v21 =	vmul.f32 v17, v10  }
0x1e3: {  	v11 =	vor.u32 v7, v11  }
0x1e4: {  	v18 =	vsub.f32 v20, v18;
	v20 =	vor.u32 $0x1, v11  }
0x1e5: {  	v22 =	vor.u32 $0x2, v11  }
0x1e6: {  	v25 =	vor.u32 $0x3, v11;
	v23 =	vmul.f32 v18, v16;
	v24 =	vmul.f32 v18, v10  }
0x1e7: {  	v26 =	vor.u32 $0x4, v11  }
0x1e8: {  	v17 =	vsub.f32 v23, v17;
	v23 =	vor.u32 $0x5, v11;
	[tilespmem:v11+s13+$0x0] =	vst.idx.msk $0xffff, v10  }
0x1e9: {  	[tilespmem:v20+s13+$0x0] =	vst.idx.msk $0xffff, v8;
	v20 =	vor.u32 $0x6, v11  }
0x1ea: {  	v16 =	vmul.f32 v17, v16;
	v17 =	vmul.f32 v17, v10;
	[tilespmem:v22+s13+$0x0] =	vst.idx.msk $0xffff, v9;
	v22 =	vor.u32 $0x7, v11  }
0x1eb: {  	[tilespmem:v25+s13+$0x0] =	vst.idx.msk $0xffff, v19;
	v25 =	vor.u32 $0x8, v11  }
0x1ec: {  	v14 =	vmul.f32 v15, v14;
	v16 =	vsub.f32 v16, v18;
	v18 =	vor.u32 $0x9, v11;
	[tilespmem:v26+s13+$0x0] =	vst.idx.msk $0xffff, v21  }
0x1ed: {  	v13 =	vmul.f32 v15, v13;
	v26 =	vmul.f32 v15, v12;
	v15 =	vor.u32 $0xA, v11;
	[tilespmem:v23+s13+$0x0] =	vst.idx.msk $0xffff, v24  }
0x1ee: {  	v16 =	vmul.f32 v16, v10;
	v23 =	vor.u32 $0xB, v11;
	[tilespmem:v20+s13+$0x0] =	vst.idx.msk $0xffff, v17;
	v20 =	vmul.f32 v14, v10  }
0x1ef: {  	v28 =	vor.u32 $0xC, v11;
	v12 =	vmul.f32 v13, v14;
	v27 =	vmul.f32 v26, v10  }
0x1f0: {  	v29 =	vor.u32 $0xD, v11;
	[tilespmem:v22+s13+$0x0] =	vst.idx.msk $0xffff, v16;
	v22 =	vmul.f32 v13, v10  }
0x1f1: {  	[tilespmem:v25+s13+$0x0] =	vst.idx.msk $0xffff, v20;
	v20 =	vmul.f32 v8, v14;
	v25 =	vor.u32 $0xE, v11  }
0x1f2: {  	[tilespmem:v18+s13+$0x0] =	vst.idx.msk $0xffff, v27;
	v18 =	vmul.f32 v8, v26;
	v27 =	vor.u32 $0xF, v11  }
0x1f3: {  	[tilespmem:v15+s13+$0x0] =	vst.idx.msk $0xffff, v22;
	v15 =	vmul.f32 v8, v13;
	v22 =	vor.u32 $0x10, v11  }
0x1f4: {  	[tilespmem:v23+s13+$0x0] =	vst.idx.msk $0xffff, v20;
	v20 =	vmul.f32 v9, v14;
	v23 =	vor.u32 $0x11, v11  }
0x1f5: {  	[tilespmem:v28+s13+$0x0] =	vst.idx.msk $0xffff, v18;
	v18 =	vmul.f32 v9, v26;
	v28 =	vor.u32 $0x12, v11  }
0x1f6: {  	[tilespmem:v29+s13+$0x0] =	vst.idx.msk $0xffff, v15;
	v15 =	vmul.f32 v9, v13;
	v29 =	vor.u32 $0x13, v11  }
0x1f7: {  	[tilespmem:v25+s13+$0x0] =	vst.idx.msk $0xffff, v20;
	v20 =	vmul.f32 v19, v14;
	v25 =	vor.u32 $0x14, v11  }
0x1f8: {  	[tilespmem:v27+s13+$0x0] =	vst.idx.msk $0xffff, v18;
	v18 =	vmul.f32 v19, v26;
	v27 =	vor.u32 $0x15, v11  }
0x1f9: {  	[tilespmem:v22+s13+$0x0] =	vst.idx.msk $0xffff, v15;
	v15 =	vmul.f32 v19, v13;
	v19 =	vor.u32 $0x16, v11  }
0x1fa: {  	v22 =	vor.u32 $0x17, v11;
	[tilespmem:v23+s13+$0x0] =	vst.idx.msk $0xffff, v20;
	v20 =	vmul.f32 v21, v14  }
0x1fb: {  	v23 =	vor.u32 $0x18, v11;
	[tilespmem:v28+s13+$0x0] =	vst.idx.msk $0xffff, v18;
	v18 =	vmul.f32 v21, v26  }
0x1fc: {  	[tilespmem:v29+s13+$0x0] =	vst.idx.msk $0xffff, v15;
	v15 =	vmul.f32 v21, v13;
	v21 =	vor.u32 $0x19, v11  }
0x1fd: {  	[tilespmem:v25+s13+$0x0] =	vst.idx.msk $0xffff, v20;
	v20 =	vmul.f32 v24, v14;
	v25 =	vor.u32 $0x1A, v11  }
0x1fe: {  	[tilespmem:v27+s13+$0x0] =	vst.idx.msk $0xffff, v18;
	v18 =	vmul.f32 v24, v26;
	v27 =	vor.u32 $0x1B, v11  }
0x1ff: {  	[tilespmem:v19+s13+$0x0] =	vst.idx.msk $0xffff, v15;
	v15 =	vmul.f32 v24, v13;
	v19 =	vor.u32 $0x1C, v11  }
0x200: {  	[tilespmem:v22+s13+$0x0] =	vst.idx.msk $0xffff, v20;
	v20 =	vmul.f32 v17, v14;
	v22 =	vor.u32 $0x1D, v11  }
0x201: {  	[tilespmem:v23+s13+$0x0] =	vst.idx.msk $0xffff, v18;
	v18 =	vmul.f32 v17, v26;
	v23 =	vor.u32 $0x1E, v11  }
0x202: {  	[tilespmem:v21+s13+$0x0] =	vst.idx.msk $0xffff, v15;
	v15 =	vmul.f32 v17, v13;
	v17 =	vor.u32 $0x1F, v11  }
0x203: {  	v21 =	vor.u32 $0x20, v11;
	[tilespmem:v25+s13+$0x0] =	vst.idx.msk $0xffff, v20;
	v20 =	vmul.f32 v16, v14  }
0x204: {  	v24 =	vmul.f32 v14, v14;
	v25 =	vor.u32 $0x21, v11;
	[tilespmem:v27+s13+$0x0] =	vst.idx.msk $0xffff, v18;
	v18 =	vmul.f32 v16, v26  }
0x205: {  	v27 =	vmul.f32 v26, v14;
	[tilespmem:v19+s13+$0x0] =	vst.idx.msk $0xffff, v15;
	v15 =	vmul.f32 v16, v13;
	v16 =	vor.u32 $0x22, v11  }
0x206: {  	v14 =	vmul.f32 v9, v24;
	v19 =	vmul.f32 v24, v10;
	[tilespmem:v22+s13+$0x0] =	vst.idx.msk $0xffff, v20;
	v20 =	vor.u32 $0x23, v11  }
0x207: {  	v22 =	vor.u32 $0x24, v11;
	[tilespmem:v23+s13+$0x0] =	vst.idx.msk $0xffff, v18;
	v18 =	vmul.f32 v27, v10  }
0x208: {  	v23 =	vmul.f32 v26, v26;
	[tilespmem:v17+s13+$0x0] =	vst.idx.msk $0xffff, v15;
	v15 =	vmul.f32 v12, v10;
	v17 =	vor.u32 $0x25, v11  }
0x209: {  	v26 =	vmul.f32 v13, v26;
	[tilespmem:v21+s13+$0x0] =	vst.idx.msk $0xffff, v19;
	v19 =	vor.u32 $0x26, v11  }
0x20a: {  	v21 =	vmul.f32 v23, v10;
	[tilespmem:v25+s13+$0x0] =	vst.idx.msk $0xffff, v18;
	v25 =	vor.u32 $0x27, v11  }
0x20b: {  	v28 =	vor.u32 $0x28, v11;
	[tilespmem:v16+s13+$0x0] =	vst.idx.msk $0xffff, v15;
	v16 =	vmul.f32 v26, v10  }
0x20c: {  	v13 =	vmul.f32 v13, v13;
	[tilespmem:v20+s13+$0x0] =	vst.idx.msk $0xffff, v18;
	v18 =	vor.u32 $0x29, v11  }
0x20d: {  	v20 =	vor.u32 $0x2A, v11;
	[tilespmem:v22+s13+$0x0] =	vst.idx.msk $0xffff, v21  }
0x20e: {  	v10 =	vmul.f32 v13, v10;
	[tilespmem:v17+s13+$0x0] =	vst.idx.msk $0xffff, v16;
	v17 =	vor.u32 $0x2B, v11  }
0x20f: {  	[tilespmem:v19+s13+$0x0] =	vst.idx.msk $0xffff, v15;
	v15 =	vmul.f32 v8, v24;
	v19 =	vor.u32 $0x2C, v11  }
0x210: {  	v21 =	vor.u32 $0x2D, v11;
	[tilespmem:v25+s13+$0x0] =	vst.idx.msk $0xffff, v16;
	v16 =	vmul.f32 v8, v27  }
0x211: {  	v22 =	vmul.f32 v8, v12;
	v24 =	vor.u32 $0x2E, v11;
	[tilespmem:v28+s13+$0x0] =	vst.idx.msk $0xffff, v10  }
0x212: {  	[tilespmem:v18+s13+$0x0] =	vst.idx.msk $0xffff, v15;
	v15 =	vor.u32 $0x2F, v11  }
0x213: {  	v10 =	vmul.f32 v8, v23;
	v18 =	vor.u32 $0x30, v11;
	[tilespmem:v20+s13+$0x0] =	vst.idx.msk $0xffff, v16  }
0x214: {  	v20 =	vor.u32 $0x31, v11;
	[tilespmem:v17+s13+$0x0] =	vst.idx.msk $0xffff, v22;
	v17 =	vmul.f32 v8, v26  }
0x215: {  	v12 =	vor.u32 $0x32, v11;
	[tilespmem:v19+s13+$0x0] =	vst.idx.msk $0xffff, v16  }
.Ltmp1:
0x216: {  	[tilespmem:v21+s13+$0x0] =	vst.idx.msk $0xffff, v10;
	v10 =	vor.u32 $0x33, v11;
	(pc) =	sbr.rel @p0 .LBB2_5-.Ltmp1, $4  }
0x217: {  	v11 =	vmul.f32 v8, v13;
	[tilespmem:v24+s13+$0x0] =	vst.idx.msk $0xffff, v17  }
0x218: {  	[tilespmem:v15+s13+$0x0] =	vst.idx.msk $0xffff, v22  }
0x219: {  	v8 =	vmul.f32 v9, v27;
	[tilespmem:v18+s13+$0x0] =	vst.idx.msk $0xffff, v17  }
0x21a: {  	[tilespmem:v20+s13+$0x0] =	vst.idx.msk $0xffff, v11  }
0x21b: {  	_ =	sdelay $0x3  }
0x21c: {  	[tilespmem:v12+s13+$0x0] =	vst.idx.msk $0xffff, v14  }
0x21d: {  	[tilespmem:v10+s13+$0x0] =	vst.idx.msk $0xffff, v8  }
0x21e: {  	[spmem:s2] =	stream.indirect.scatter.add.f32 [tilespmem:s13], [sflag:$0x1], $0x40, s16, s15, $0xb8;
	[tilespmem:$0x1CD40] =	vst v63  }
0x21f: {  	s21 =	sadd.s32 $0x1, s21;
	_ =	swait.ge [sflag:s12], $0x2000  }
0x220: {  	p0 =	sne.s32 s21, $0xC4;
	[sflag:s12] =	ssyncset.done $0x0  }
.Ltmp2:
0x221: {  	[sflag:s12] =	ssyncadd.s32 $0xFFFFE000;
	(pc) =	sbr.rel @p0 .LBB2_2-.Ltmp2, $4  }
0x222: {  	[spmem:s2] =	stream.indirect.scatter.add.f32 [tilespmem:s18], [sflag:$0x1], $0x40, s17, s15, $0xb8;
	[tilespmem:$0x1CD40] =	vst v63  }
0x223: {  	_ =	swait.ge [sflag:s12], $0x2000  }
0x224: {  	[sflag:s12] =	ssyncset.done $0x0  }
0x225: {  	[sflag:s12] =	ssyncadd.s32 $0xFFFFE000  }
0x226: {  	s20 =	sadd.s32 $0x1, s20  }
0x227: {  	p0 =	sne.s32 s20, s10  }
.Ltmp3:
0x228: {  	[bflag:$0x0] =	sbarrier.arrive $0xFFFF;
	(pc) =	sbr.rel @p0 .LBB2_1-.Ltmp3, $4  }
0x229: {  	[hbm:s9], [sflag:s7] =	dma.local [spmem:s19], $0x3100  }
0x22a: {  	_ =	swait.ge [sflag:s12], $0x3100  }
0x22b: {  	[sflag:s12] =	ssyncset.done $0x0  }
0x22c: {  	[sflag:s12] =	ssyncadd.s32 $0xFFFFCF00  }
0x22d: {  	_ =	sfence.sel $0x180000  }
0x22e: {  	[bflag:$0x0] =	sbarrier.arrive $0xFFFF  }
0x22f: {  	p0 =	sne.s32 s3, $0x0;
	_ =	strace $0x9000004A  }
0x230: {  	s0 =	sadd.s32 @!p0 $0x100000, s0;
	[bflag:$0x2] =	sbarrier.arrive $0xFFFF  }
0x231: {  	[sflag:s0] =	ssyncadd.tile.s32 @!p0 $0x1;
	_ =	shalt  }
.Lfunc_end2:
_tile_overlayer_lowered:
.L_overlay_start_2:
0x232: {  	(tag) =	ssettag $0x2  }
0x233: {  	s0 =	rddreg [dreg:$0x0];
	s2 =	stileid.u32  }
0x234: {  	s1 =	rddreg [dreg:$0x1];
	p0 =	sne.s32 s2, $0x0  }
0x235: {  	s3 =	rddreg [dreg:$0x2];
	[bflag:$0x3] =	sbarrier.arrive $0xFFFF;
	s2 =	simm.s32 @!p0 $0x1C01  }
0x236: {  	[timem:s3], [sflag:s2] =	dma.local @!p0 [hbm:s0], s1  }
0x237: {  	s0 =	simm.s32 @!p0 $0x1  }
0x238: {  	_ =	swait.ge @!p0 [sflag:s0], s1  }
0x239: {  	s1 =	ssub.s32 @!p0 $0x0, s1;
	[sflag:s0] =	ssyncset.done @!p0 $0x0  }
0x23a: {  	[sflag:s0] =	ssyncadd.s32 @!p0 s1  }
0x23b: {  	[bflag:$0x3] =	sbarrier.arrive $0xFFFF  }
0x23c: {  	_ =	shalt  }

// kernel: kernel.8.cloned.1.call-start
scs
__scs_entry_jumppad:
0x0: {  	(pc) =	sbr.rel $0x88, $3  }
0x1: {  	(tag) =	ssettag $0x0;
	lr =	simm.s32 $0x1  }
0x2: {  	[smem:$0x3F9C] =	sst lr;
	_ =	strace $0xD0000000  }
0x3: {  	_ = 	snop  }
0x4: {  	_ = 	snop  }
0x5: {  	_ = 	snop  }
0x6: {  	_ = 	snop  }
0x7: {  	_ = 	snop  }
__scs_overlays_trampoline_lowered:
0x8: {  	[smem:$0x3FAB] =	sst s0  }
0x9: {  	[smem:$0x3FAC] =	sst s1  }
0xa: {  	[smem:$0x3FAD] =	sst s2  }
0xb: {  	[smem:$0x3FAE] =	sst s3  }
0xc: {  	[smem:$0x3FAF] =	sst s4  }
0xd: {  	[smem:$0x3FB0] =	sst s5  }
0xe: {  	[smem:$0x3FB1] =	sst s6  }
0xf: {  	[smem:$0x3FB2] =	sst s7  }
0x10: {  	[smem:$0x3FB3] =	sst s8  }
0x11: {  	[smem:$0x3FB4] =	sst s9;
	s0 =	simm.s32 @!p0 $0x0  }
0x12: {  	s1 =	sld [smem:$0x3F9A];
	s0 =	simm.s32 @p0 $0x1  }
0x13: {  	[smem:$0x3FB5] =	sst s0;
	s0 =	simm.s32 @!p1 $0x0  }
0x14: {  	s2 =	sld [smem:$0x3F99];
	s0 =	simm.s32 @p1 $0x1  }
0x15: {  	[smem:$0x3FB6] =	sst s0;
	s0 =	simm.s32 @!p2 $0x0  }
0x16: {  	s3 =	sld [smem:$0x3FDB];
	s0 =	simm.s32 @p2 $0x1  }
0x17: {  	s4 =	simm.s32 $0x1BF5;
	[smem:$0x3FB8] =	sst s0  }
0x18: {  	s0 =	sld [smem:$0x3F9B];
	_ =	swait.ge [sflag:s4], $0x0  }
0x19: {  	s7 =	sld [smem:$0x3F9C]  }
0x1a: {  	s8 =	sadd.s32 $0xFFFFE003, lr  }
0x1b: {  	s9 =	sadd.s32 $0xFFFFFEF7, lr;
	s5 =	simm.s32 $0xFFFFFFFF;
	p2 =	slt.u32 s8, $0xFFFFF086  }
0x1c: {  	p1 =	slt.u32 s9, $0xF7A;
	s5 =	simm.s32 @!p2 $0x0  }
0x1d: {  	s5 =	simm.s32 @p1 $0x1;
	p0 =	seq.s32 s7, s2  }
0x1e: {  	s7 =	smul.u32 @!p0 $0xF7A, s2;
	p2 =	seq.s32 @!p0 s5, $0x0  }
0x1f: {  	s9 =	smul.u32 $0xF7A, s1;
	s8 =	simm.s32 @!p0 $0x1BF5;
	p2 =	por !p2, p0  }
0x20: {  	[sflag:s8] =	ssyncset.s32 @!p0 $0xFFFFF086;
	s6 =	sadd.s32 @!p0 s3, s7;
	s7 =	simm.s32 @!p0 $0x108  }
0x21: {  	s3 =	sadd.s32 s3, s9;
	s6 =	sadd.s32 @!p0 $0x88, s6;
	s7 =	simm.s32 @p2 $0x1082  }
0x22: {  	[simem:s7], [sflag:s8] =	dma.local @!p0 [hbm:s6], $0xF7A  }
0x23: {  	s9 =	sor.u32 $0xD0000000, s2;
	s6 =	simm.s32 $0x108;
	_ =	swait.ge @!p0 [sflag:s8], $0x0  }
0x24: {  	s3 =	sadd.s32 $0x88, s3;
	s6 =	simm.s32 @!p1 $0x1082;
	[sflag:s4] =	ssyncset.s32 $0xFFFFF086  }
0x25: {  	[simem:s6], [sflag:s4] =	dma.local [hbm:s3], $0xF7A  }
0x26: {  	[smem:$0x3F9C] =	sst s1;
	(tag) =	ssettag s2;
	_ =	strace s9  }
0x27: {  	s1 =	sld [smem:$0x3FAC]  }
0x28: {  	s2 =	sld [smem:$0x3FAD]  }
0x29: {  	s4 =	sld [smem:$0x3FAF]  }
0x2a: {  	p0 =	seq.s32 s5, $0x0;
	s5 =	sld [smem:$0x3FB0]  }
0x2b: {  	s6 =	sld [smem:$0x3FB1]  }
0x2c: {  	s7 =	sld [smem:$0x3FB2]  }
0x2d: {  	s3 =	simm.s32 $0x108;
	s8 =	sld [smem:$0x3FB3]  }
0x2e: {  	s3 =	simm.s32 @!p0 $0x1082;
	s9 =	sld [smem:$0x3FB4]  }
0x2f: {  	lr =	sadd.s32 s0, s3;
	s0 =	sld [smem:$0x3FAB]  }
0x30: {  	s3 =	sld [smem:$0x3FAE]  }
0x31: {  	[smem:$0x3FB7] =	sst s10  }
0x32: {  	s10 =	sld [smem:$0x3FB5];
	_ =	sdelay $0x3  }
0x33: {  	p0 =	seq.s32 s10, $0x1;
	s10 =	sld [smem:$0x3FB7];
	_ =	sdelay $0x3  }
0x34: {  	[smem:$0x3FB7] =	sst s10  }
0x35: {  	s10 =	sld [smem:$0x3FB6];
	_ =	sdelay $0x3  }
0x36: {  	p1 =	seq.s32 s10, $0x1;
	s10 =	sld [smem:$0x3FB7];
	_ =	sdelay $0x3  }
0x37: {  	[smem:$0x3FB7] =	sst s10  }
0x38: {  	s10 =	sld [smem:$0x3FB8]  }
0x39: {  	_ = 	snop;
	(pc) =	sbr.ind lr, $3  }
0x3a: {  	_ = 	snop  }
0x3b: {  	_ = 	snop  }
0x3c: {  	p2 =	seq.s32 s10, $0x1;
	s10 =	sld [smem:$0x3FB7]  }
0x3d: {  	_ =	shalt  }
0x3e: {  	_ =	shalt  }
0x3f: {  	_ =	shalt  }
0x40: {  	_ =	shalt  }
0x41: {  	_ =	shalt  }
0x42: {  	_ =	shalt  }
0x43: {  	_ =	shalt  }
0x44: {  	_ =	shalt  }
0x45: {  	_ =	shalt  }
0x46: {  	_ =	shalt  }
0x47: {  	_ =	shalt  }
0x48: {  	_ =	shalt  }
0x49: {  	_ =	shalt  }
0x4a: {  	_ =	shalt  }
0x4b: {  	_ =	shalt  }
0x4c: {  	_ =	shalt  }
0x4d: {  	_ =	shalt  }
0x4e: {  	_ =	shalt  }
0x4f: {  	_ =	shalt  }
0x50: {  	_ =	shalt  }
0x51: {  	_ =	shalt  }
0x52: {  	_ =	shalt  }
0x53: {  	_ =	shalt  }
0x54: {  	_ =	shalt  }
0x55: {  	_ =	shalt  }
0x56: {  	_ =	shalt  }
0x57: {  	_ =	shalt  }
0x58: {  	_ =	shalt  }
0x59: {  	_ =	shalt  }
0x5a: {  	_ =	shalt  }
0x5b: {  	_ =	shalt  }
0x5c: {  	_ =	shalt  }
0x5d: {  	_ =	shalt  }
0x5e: {  	_ =	shalt  }
0x5f: {  	_ =	shalt  }
0x60: {  	_ =	shalt  }
0x61: {  	_ =	shalt  }
0x62: {  	_ =	shalt  }
0x63: {  	_ =	shalt  }
0x64: {  	_ =	shalt  }
0x65: {  	_ =	shalt  }
0x66: {  	_ =	shalt  }
0x67: {  	_ =	shalt  }
0x68: {  	_ =	shalt  }
0x69: {  	_ =	shalt  }
0x6a: {  	_ =	shalt  }
0x6b: {  	_ =	shalt  }
0x6c: {  	_ =	shalt  }
0x6d: {  	_ =	shalt  }
0x6e: {  	_ =	shalt  }
0x6f: {  	_ =	shalt  }
0x70: {  	_ =	shalt  }
0x71: {  	_ =	shalt  }
0x72: {  	_ =	shalt  }
0x73: {  	_ =	shalt  }
0x74: {  	_ =	shalt  }
0x75: {  	_ =	shalt  }
0x76: {  	_ =	shalt  }
0x77: {  	_ =	shalt  }
0x78: {  	_ =	shalt  }
0x79: {  	_ =	shalt  }
0x7a: {  	_ =	shalt  }
0x7b: {  	_ =	shalt  }
0x7c: {  	_ =	shalt  }
0x7d: {  	_ =	shalt  }
0x7e: {  	_ =	shalt  }
0x7f: {  	_ =	shalt  }
0x80: {  	_ =	shalt  }
0x81: {  	_ =	shalt  }
0x82: {  	_ =	shalt  }
0x83: {  	_ =	shalt  }
0x84: {  	_ =	shalt  }
0x85: {  	_ =	shalt  }
0x86: {  	_ =	shalt  }
0x87: {  	_ =	shalt  }
.Lfunc_end0:
.L_simem_size_0:
called_computation.1_lowered:
.L_overlay_start_0:
0x88: {  	s2 =	sld [smem:$0x3FD9]  }
0x89: {  	s3 =	sld [smem:$0x3FFE];
	_ =	sdelay $0x1  }
0x8a: {  	s1 =	srdreg.scid  }
0x8b: {  	s0 =	sand.u32 $0x1, s1  }
0x8c: {  	s14 =	sshll.u32 s0, $0xA;
	s2 =	sadd.s32 s3, s2  }
0x8d: {  	s2 =	sadd.s32 s2, s14  }
0x8e: {  	[smem:$0x3FC3] =	sst s2  }
0x8f: {  	_ = 	snop  }
0x90: {  	s2 =	sld [smem:$0x3FD0];
	_ =	sdelay $0x2  }
0x91: {  	s15 =	simm.s32 $0xB;
	s4 =	simm.s32 $0x10  }
0x92: {  	[smem:s4], [sflag:s15] =	dma.local [hbm:s2], $0x1  }
0x93: {  	_ =	swait.eq [sflag:s15], $0x1  }
0x94: {  	[sflag:s15] =	ssyncset.done $0x0  }
0x95: {  	s16 =	sld [smem:$0x10];
	[sflag:s15] =	ssyncadd.s32 $0xFFFFFFFF  }
0x96: {  	s17 =	sld [smem:$0x12];
	(tm) =	ssettm $0x1  }
0x97: {  	s18 =	sld [smem:$0x3FFB];
	_ =	sdelay $0x3  }
0x98: {  	_ =	strace s18  }
0x99: {  	s4 =	sld [smem:$0x3FFC];
	_ =	sdelay $0x3  }
0x9a: {  	_ =	strace s4  }
0x9b: {  	s4 =	sld [smem:$0x3FFD];
	_ =	sdelay $0x3  }
0x9c: {  	_ =	strace s4  }
0x9d: {  	_ =	strace $0x8FFFFFFF  }
0x9e: {  	s19 =	sld [smem:$0x3FDB];
	_ =	sdelay $0x1  }
0x9f: {  	s5 =	simm.s32 $_scs_section_size  }
0xa0: {  	s6 =	simm.s32 $_size__tile_overlayer_lowered;
	s7 =	simm.s32 $_tile_overlayer_lowered  }
0xa1: {  	s22 =	simm.s32 $0x1BFF;
	s21 =	sshll.u32 s7, $0x1;
	s4 =	sadd.s32 s5, s19  }
0xa2: {  	s8 =	simm.s32 $0x0;
	s20 =	sshll.u32 s6, $0x1;
	s6 =	sadd.s32 s21, s4  }
0xa3: {  	[timem:s8], [sflag:s22] =	dma.local [hbm:s6], s20  }
0xa4: {  	_ =	swait.ge [sflag:s22], s20  }
0xa5: {  	s5 =	ssub.s32 $0x0, s20;
	[sflag:s22] =	ssyncset.done $0x0  }
0xa6: {  	[sflag:s22] =	ssyncadd.s32 s5;
	_ =	sdelay $0x1  }
0xa7: {  	s23 =	simm.s32 $0x1B8B  }
0xa8: {  	_ =	swait.ge [sflag:s23], $0x1  }
0xa9: {  	[sflag:s23] =	ssyncset.done $0x0  }
0xaa: {  	s25 =	simm.s32 $0x1B8E;
	s24 =	sld [smem:$0x3FFE];
	[sflag:s23] =	ssyncadd.s32 $0xFFFFFFFF  }
0xab: {  	s26 =	simm.s32 $execute0_lowered;
	[smem:$0x3FD2] =	sst s25  }
0xac: {  	s6 =	sshll.u32 s26, $0x1;
	_ =	strace $0x80000046;
	[dreg:$0x1] =	wrdreg $0xFFFFFFFF  }
0xad: {  	s28 =	simm.s32 $_size_execute0_lowered;
	s4 =	sadd.s32 s4, s6;
	[dreg:$0x0] =	wrdreg $0x0  }
0xae: {  	s6 =	sshll.u32 s28, $0x1;
	[dreg:$0x2] =	wrdreg s4  }
0xaf: {  	[dreg:$0x3] =	wrdreg s6  }
0xb0: {  	[dreg:$0x4] =	wrdreg $0xC0  }
0xb1: {  	_ =	task [dreg:s8], $0x5FFFF  }
0xb2: {  	[dreg:$0x1] =	wrdreg $0xFFFFFFFF  }
0xb3: {  	[dreg:$0x0] =	wrdreg $0x60  }
0xb4: {  	[dreg:$0x2] =	wrdreg s24  }
0xb5: {  	[dreg:$0x3] =	wrdreg s16  }
0xb6: {  	[dreg:$0x4] =	wrdreg s17  }
0xb7: {  	[dreg:$0x5] =	wrdreg $0x45000  }
0xb8: {  	[dreg:$0x6] =	wrdreg $0xA  }
0xb9: {  	_ =	task.clear_ibuf [dreg:s8], $0x7FFFF;
	_ =	strace $0x90000046  }
0xba: {  	s29 =	simm.s32 $0xA;
	_ =	strace $0x80000048  }
0xbb: {  	_ =	swait.ge [sflag:s29], $0x1  }
0xbc: {  	[sflag:s29] =	ssyncadd.s32 $0xFFFFFFFF  }
0xbd: {  	_ =	strace $0x90000048  }
0xbe: {  	_ =	sfence  }
0xbf: {  	s30 =	sld [smem:$0x0];
	_ =	sdelay $0x2  }
0xc0: {  	s31 =	sshll.u32 s1, $0xD;
	s1 =	sshrl.u32 s1, $0x2  }
0xc1: {  	s3 =	sand.u32 $0x4000, s31;
	s1 =	sadd.s32 s1, s30  }
0xc2: {  	s0 =	sor.u32 s3, s0;
	s1 =	sshll.u32 s1, $0x11  }
0xc3: {  	s0 =	sor.u32 s1, s0  }
0xc4: {  	s0 =	sadd.s32 $0x8F2B, s0  }
0xc5: {  	[sflag:s0] =	ssyncadd.remote.s32 $0x1  }
0xc6: {  	_ =	sfence.sel $0xFFFF  }
0xc7: {  	[dreg:$0x0] =	wrdreg $0xFFFFFFFF;
	(pc) =	sbr.abs _section_cstart, $3  }
0xc8: {  	[dreg:$0x1] =	wrdreg $0xFFFFFFFF  }
0xc9: {  	_ =	task.clear_ibuf [dreg:s8], $0x2FFFF;
	_ =	strace $0x9FFFFFFF  }
0xca: {  	(tm) =	ssettm $0x7FFFFFFF  }
0xcb: {  	_ =	shalt  }
tec
execute0_lowered:
.L_overlay_start_1:
0x0: {  	(tag) =	ssettag $0x1  }
0x1: {  	s6 =	rddreg [dreg:$0x0]  }
0x2: {  	s1 =	rddreg [dreg:$0x1]  }
0x3: {  	s9 =	rddreg [dreg:$0x2]  }
0x4: {  	s2 =	rddreg [dreg:$0x3]  }
0x5: {  	s0 =	rddreg [dreg:$0x4]  }
0x6: {  	s4 =	simm.s32 $0x0;
	s3 =	srdreg.scid;
	s15 =	simm.s32 $0x80  }
0x7: {  	s16 =	simm.s32 $0x400;
	s17 =	simm.s32 $0x480;
	s18 =	simm.s32 $0x2500  }
0x8: {  	s20 =	simm.s32 $0x0;
	[smem:$0x7FF] =	sst s4;
	s5 =	sand.u32 $0x1, s3  }
0x9: {  	s3 =	stileid.u32;
	s12 =	smul.u32 $0x6200, s5;
	_ =	strace $0x80000047  }
0xa: {  	s7 =	ssub.s32 $0x2, s5;
	s8 =	smul.u32 $0x62100, s3;
	s5 =	sadd.s32 $0x1200, s6  }
0xb: {  	s11 =	smul.u32 $0x620, s3;
	s6 =	sadd.s32 $0x19A00, s6;
	s10 =	sshrl.u32 s7, $0x1  }
0xc: {  	v7 =	vlaneseq.u32;
	v1 =	vimm.s32 $0x52741630;
	s30 =	sshll.u32 s3, $0x6;
	s13 =	smul.u32 $0x62000, s3;
	s10 =	ssub.s32 s7, s10  }
0xd: {  	v2 =	vimm.s32 $0x63052741;
	v0 =	vmul.u32 $0x3, v7;
	v3 =	vunpack.c.l.s4.s8 v1;
	s29 =	sshrl.u32 s8, $0x2;
	s11 =	sadd.s32 s11, s12;
	s7 =	sor.u32 $0x1C01, s30  }
0xe: {  	v4 =	vunpack.c.l.s4.s8 v2;
	v2 =	vimm.s32 $0x74163052;
	s8 =	smul.u32 $0xC4, s3;
	s31 =	sshrl.u32 s13, $0x2;
	v1 =	vmov s12;
	s12 =	simm.s32 $0x1  }
0xf: {  	v6 =	vunpack.c.l.s4.s8 v2;
	s13 =	simm.s32 $0x500;
	s14 =	sadd.s32 s29, s2;
	s11 =	sshll.u32 s11, $0x3  }
0x10: {  	v7 =	vmul.u32 $0x40, v7;
	v2 =	vunpack.c.0.s8.s32 v3;
	v3 =	vadd.s32 $0x1, v0;
	s19 =	sadd.s32 s31, s2;
	s10 =	smax.u32 s10, $0x1;
	s9 =	sadd.s32 s9, s11  }
0x11: {  	v4 =	vunpack.c.0.s8.s32 v4;
	v5 =	vadd.s32 $0x2, v0;
	v6 =	vunpack.c.0.s8.s32 v6;
	s11 =	sshrl.u32 s14, $0x3;
	s14 =	simm.s32 $0x100;
	s19 =	sshrl.u32 s19, $0x3  }
.LBB2_1:
0x12: {  	[spmem:s11], [sflag:s7] =	dma.local [hbm:s6], $0x3108  }
0x13: {  	_ =	swait.ge [sflag:s12], $0x3108  }
0x14: {  	[sflag:s12] =	ssyncset.done $0x0  }
0x15: {  	[sflag:s12] =	ssyncadd.s32 $0xFFFFCEF8  }
0x16: {  	[tilespmem:s13], [sflag:$0x1] =	stream.linear.gather [hbm4b:s6+s4], $0x4000, $0x38;
	[tilespmem:$0x1CD40] =	vst v63  }
0x17: {  	_ =	swait.ge [sflag:s12], $0x4000  }
0x18: {  	[sflag:s12] =	ssyncset.done $0x0  }
0x19: {  	[sflag:s12] =	ssyncadd.s32 $0xFFFFC000  }
0x1a: {  	s21 =	simm.s32 $0x0;
	[bflag:$0x0] =	sbarrier.arrive $0xFFFF  }
.LBB2_2:
0x1b: {  	s23 =	sadd.s32 s8, s21  }
0x1c: {  	s22 =	sshll.u32 s23, $0x5  }
0x1d: {  	s24 =	sadd.s32 s5, s22;
	s22 =	simm.s32 $0x0  }
0x1e: {  	[tilespmem:s22], [sflag:$0x1] =	stream.linear.gather [hbm4b:s24+s22], $0x100, $0x38;
	[tilespmem:$0x1CD40] =	vst v63  }
0x1f: {  	s23 =	smul.u32 $0x60, s23;
	_ =	swait.ge [sflag:s12], $0x100  }
0x20: {  	[sflag:s12] =	ssyncset.done $0x0  }
0x21: {  	s23 =	sadd.s32 s1, s23;
	[sflag:s12] =	ssyncadd.s32 $0xFFFFFF00  }
0x22: {  	[tilespmem:s14], [sflag:$0x1] =	stream.linear.gather [hbm4b:s23+s22], $0x300, $0x38;
	[tilespmem:$0x1CD40] =	vst v63  }
0x23: {  	_ =	swait.ge [sflag:s12], $0x300  }
0x24: {  	[sflag:s12] =	ssyncset.done $0x0  }
0x25: {  	[sflag:s12] =	ssyncadd.s32 $0xFFFFFD00  }
0x26: {  	v8 =	vld [tilespmem:s22+$0x0]  }
0x27: {  	v9 =	vadd.s32 s22, v0  }
0x28: {  	v10 =	vadd.s32 s22, v3;
	v9 =	vand.u32 $0x3F8, v9  }
0x29: {  	v10 =	vand.u32 $0x3F8, v10;
	v9 =	vor.u32 v2, v9  }
0x2a: {  	v11 =	vadd.s32 s22, v5;
	v10 =	vor.u32 v4, v10  }
0x2b: {  	v11 =	vand.u32 $0x3F8, v11;
	v8 =	vsub.s32 v8, v1  }
0x2c: {  	v11 =	vor.u32 v6, v11;
	s23 =	simm.s32 $0x400;
	v8 =	vmin.u32 v8, $0x6200  }
0x2d: {  	[tilespmem:s23+$0x0] =	vst v8  }
0x2e: {  	v8 =	vld.idx.msk [tilespmem:v9+s14+$0x0], $0xffff  }
0x2f: {  	v9 =	vld.idx.msk [tilespmem:v10+s14+$0x0], $0xffff;
	_ =	sdelay $0x1  }
0x30: {  	v10 =	vld.idx.msk [tilespmem:v11+s14+$0x0], $0xffff;
	_ =	sdelay $0x2  }
0x31: {  	v11 =	vmul.f32 v8, v8;
	v12 =	vmul.f32 v9, v9;
	_ =	sdelay $0x1  }
0x32: {  	v13 =	vmul.f32 v10, v10;
	v11 =	vadd.f32 v12, v11;
	_ =	sdelay $0x1  }
0x33: {  	v11 =	vadd.f32 v13, v11;
	_ =	sdelay $0x1  }
0x34: {  	v44 =	vmul.f32 $2.000000030e-01, v11;
	_ =	sdelay $0x1  }
0x35: {  	v45 =	vmin.f32 v44, $1.000000000e+00  }
0x36: {  	v13 =	vmax.f32 v45, $9.999999960e-13  }
0x37: {  	v14 =	vshrl.u32 v13, $0x1;
	v15 =	vmul.f32 $5.000000000e-01, v13  }
0x38: {  	v14 =	vsub.s32 $0x5F3759DF, v14  }
0x39: {  	v16 =	vmul.f32 v14, v15;
	_ =	sdelay $0x1  }
0x3a: {  	v16 =	vmul.f32 v14, v16;
	_ =	sdelay $0x1  }
0x3b: {  	v16 =	vsub.f32 $1.500000000e+00, v16;
	_ =	sdelay $0x1  }
0x3c: {  	v14 =	vmul.f32 v14, v16;
	_ =	sdelay $0x1  }
0x3d: {  	v16 =	vmul.f32 v14, v15;
	_ =	sdelay $0x1  }
0x3e: {  	v16 =	vmul.f32 v16, v14;
	_ =	sdelay $0x1  }
0x3f: {  	v16 =	vsub.f32 $1.500000000e+00, v16;
	_ =	sdelay $0x1  }
0x40: {  	v14 =	vmul.f32 v16, v14;
	_ =	sdelay $0x1  }
0x41: {  	v15 =	vmul.f32 v14, v15;
	_ =	sdelay $0x1  }
0x42: {  	v15 =	vmul.f32 v15, v14;
	_ =	sdelay $0x1  }
0x43: {  	v15 =	vsub.f32 $1.500000000e+00, v15;
	_ =	sdelay $0x1  }
0x44: {  	v14 =	vmul.f32 v15, v14  }
0x45: {  	v11 =	vmul.f32 $1.156000040e+01, v11  }
0x46: {  	v13 =	vmul.f32 v14, v13  }
0x47: {  	v11 =	vadd.f32 $1.000000000e+00, v11  }
0x48: {  	v13 =	vadd.f32 $-5.000000000e-01, v13  }
0x49: {  	v46 =	vshrl.u32 v11, $0x1;
	v11 =	vmul.f32 $5.000000000e-01, v11  }
0x4a: {  	v14 =	vsub.s32 $0x5F3759DF, v46;
	v13 =	vmul.f32 $3.141592740e+00, v13  }
0x4b: {  	v47 =	vmul.f32 v14, v11  }
0x4c: {  	v48 =	vmul.f32 v13, v13  }
0x4d: {  	v15 =	vmul.f32 v14, v47  }
0x4e: {  	v17 =	vmul.f32 $2.755731880e-06, v48  }
0x4f: {  	v15 =	vsub.f32 $1.500000000e+00, v15  }
0x50: {  	v17 =	vadd.f32 $-1.984127010e-04, v17  }
0x51: {  	v14 =	vmul.f32 v14, v15  }
0x52: {  	v49 =	vmul.f32 v17, v48  }
0x53: {  	v50 =	vmul.f32 v14, v11  }
0x54: {  	v15 =	vadd.f32 $8.333333770e-03, v49  }
0x55: {  	v17 =	vmul.f32 v50, v14  }
0x56: {  	v15 =	vmul.f32 v15, v48  }
0x57: {  	v17 =	vsub.f32 $1.500000000e+00, v17  }
0x58: {  	v15 =	vadd.f32 $-1.666666720e-01, v15  }
0x59: {  	v14 =	vmul.f32 v17, v14  }
0x5a: {  	v15 =	vmul.f32 v15, v48  }
0x5b: {  	v11 =	vmul.f32 v14, v11  }
0x5c: {  	v15 =	vadd.f32 $1.000000000e+00, v15  }
0x5d: {  	v11 =	vmul.f32 v11, v14  }
0x5e: {  	v13 =	vmul.f32 v15, v13  }
0x5f: {  	v11 =	vsub.f32 $1.500000000e+00, v11  }
0x60: {  	v51 =	vsub.f32 $0.0e+00, v13  }
0x61: {  	v11 =	vmul.f32 v11, v14  }
0x62: {  	v15 =	vadd.f32 v51, v51  }
0x63: {  	v11 =	vmul.f32 $3.400000100e+00, v11  }
0x64: {  	v13 =	vmul.f32 v15, v51  }
0x65: {  	v12 =	vsub.f32 $1.000000000e+00, v44;
	v52 =	vmul.f32 v11, v8;
	v8 =	vmov s22  }
0x66: {  	v18 =	vmul.f32 v11, v10;
	v8 =	vshll.u32 v8, $0x6;
	v19 =	vadd.f32 $-1.000000000e+00, v13  }
0x67: {  	v14 =	vmax.f32 v12, $0.0e+00;
	v11 =	vmul.f32 v11, v9;
	v8 =	vor.u32 v7, v8  }
0x68: {  	v9 =	vmul.f32 v18, v52;
	v53 =	vor.u32 $0x1, v8;
	v20 =	vmul.f32 v19, v14  }
0x69: {  	v10 =	vmul.f32 v11, v11;
	v22 =	vor.u32 $0x2, v8;
	v13 =	vmul.f32 v11, v52  }
0x6a: {  	v23 =	vor.u32 $0x3, v8;
	v11 =	vmul.f32 v18, v11;
	v24 =	vmul.f32 v20, v9  }
0x6b: {  	v26 =	vor.u32 $0x4, v8;
	v21 =	vmul.f32 v19, v15;
	v25 =	vmul.f32 v20, v13  }
0x6c: {  	v28 =	vor.u32 $0x5, v8;
	v27 =	vmul.f32 v20, v10;
	[tilespmem:v8+s13+$0x0] =	vst.idx.msk $0xffff, v24  }
0x6d: {  	v29 =	vor.u32 $0x6, v8;
	v16 =	vsub.f32 v21, v51;
	v54 =	vmul.f32 v20, v11;
	[tilespmem:v53+s13+$0x0] =	vst.idx.msk $0xffff, v25  }
0x6e: {  	v12 =	vmul.f32 v18, v18;
	v55 =	vor.u32 $0x7, v8;
	[tilespmem:v22+s13+$0x0] =	vst.idx.msk $0xffff, v27  }
0x6f: {  	v17 =	vmul.f32 v52, v52;
	v57 =	vor.u32 $0x8, v8;
	v56 =	vmul.f32 v16, v14;
	[tilespmem:v23+s13+$0x0] =	vst.idx.msk $0xffff, v54  }
0x70: {  	v58 =	vor.u32 $0x9, v8;
	v20 =	vmul.f32 v20, v12;
	[tilespmem:v26+s13+$0x0] =	vst.idx.msk $0xffff, v24  }
0x71: {  	v60 =	vor.u32 $0xA, v8;
	v59 =	vmul.f32 v56, v17;
	[tilespmem:v28+s13+$0x0] =	vst.idx.msk $0xffff, v54  }
0x72: {  	v62 =	vor.u32 $0xB, v8;
	v61 =	vmul.f32 v56, v13;
	[tilespmem:v29+s13+$0x0] =	vst.idx.msk $0xffff, v20  }
0x73: {  	v32 =	vor.u32 $0xC, v8;
	v63 =	vmul.f32 v56, v9;
	[tilespmem:v55+s13+$0x0] =	vst.idx.msk $0xffff, v59  }
0x74: {  	v34 =	vor.u32 $0xD, v8;
	v33 =	vmul.f32 v16, v15;
	[tilespmem:v57+s13+$0x0] =	vst.idx.msk $0xffff, v61  }
0x75: {  	v36 =	vor.u32 $0xE, v8;
	v35 =	vmul.f32 v56, v10;
	[tilespmem:v58+s13+$0x0] =	vst.idx.msk $0xffff, v63  }
0x76: {  	v38 =	vor.u32 $0xF, v8;
	v18 =	vsub.f32 v33, v19;
	v37 =	vmul.f32 v56, v11;
	[tilespmem:v60+s13+$0x0] =	vst.idx.msk $0xffff, v61  }
0x77: {  	v39 =	vor.u32 $0x10, v8;
	[tilespmem:v62+s13+$0x0] =	vst.idx.msk $0xffff, v35  }
0x78: {  	v41 =	vor.u32 $0x11, v8;
	v40 =	vmul.f32 v18, v14;
	[tilespmem:v32+s13+$0x0] =	vst.idx.msk $0xffff, v37  }
0x79: {  	v42 =	vor.u32 $0x12, v8;
	v22 =	vmul.f32 v56, v12;
	[tilespmem:v34+s13+$0x0] =	vst.idx.msk $0xffff, v63  }
0x7a: {  	v44 =	vor.u32 $0x13, v8;
	v43 =	vmul.f32 v40, v17;
	[tilespmem:v36+s13+$0x0] =	vst.idx.msk $0xffff, v37  }
0x7b: {  	v46 =	vor.u32 $0x14, v8;
	v45 =	vmul.f32 v40, v13;
	[tilespmem:v38+s13+$0x0] =	vst.idx.msk $0xffff, v22  }
0x7c: {  	v48 =	vor.u32 $0x15, v8;
	v47 =	vmul.f32 v40, v9;
	[tilespmem:v39+s13+$0x0] =	vst.idx.msk $0xffff, v43  }
0x7d: {  	v50 =	vor.u32 $0x16, v8;
	v49 =	vmul.f32 v18, v15;
	[tilespmem:v41+s13+$0x0] =	vst.idx.msk $0xffff, v45  }
0x7e: {  	v52 =	vor.u32 $0x17, v8;
	v51 =	vmul.f32 v40, v10;
	[tilespmem:v42+s13+$0x0] =	vst.idx.msk $0xffff, v47  }
0x7f: {  	v54 =	vor.u32 $0x18, v8;
	v16 =	vsub.f32 v49, v16;
	v53 =	vmul.f32 v40, v11;
	[tilespmem:v44+s13+$0x0] =	vst.idx.msk $0xffff, v45  }
0x80: {  	v55 =	vor.u32 $0x19, v8;
	[tilespmem:v46+s13+$0x0] =	vst.idx.msk $0xffff, v51  }
0x81: {  	v56 =	vmul.f32 v16, v14;
	v57 =	vor.u32 $0x1A, v8;
	[tilespmem:v48+s13+$0x0] =	vst.idx.msk $0xffff, v53  }
0x82: {  	v59 =	vor.u32 $0x1B, v8;
	v58 =	vmul.f32 v40, v12;
	[tilespmem:v50+s13+$0x0] =	vst.idx.msk $0xffff, v47  }
0x83: {  	v60 =	vmul.f32 v56, v17;
	v61 =	vor.u32 $0x1C, v8;
	[tilespmem:v52+s13+$0x0] =	vst.idx.msk $0xffff, v53  }
0x84: {  	v62 =	vmul.f32 v56, v13;
	v63 =	vor.u32 $0x1D, v8;
	[tilespmem:v54+s13+$0x0] =	vst.idx.msk $0xffff, v58  }
0x85: {  	v33 =	vor.u32 $0x1E, v8;
	v32 =	vmul.f32 v56, v9;
	[tilespmem:v55+s13+$0x0] =	vst.idx.msk $0xffff, v60  }
0x86: {  	v35 =	vor.u32 $0x1F, v8;
	v34 =	vmul.f32 v16, v15;
	[tilespmem:v57+s13+$0x0] =	vst.idx.msk $0xffff, v62  }
0x87: {  	v36 =	vmul.f32 v56, v10;
	v37 =	vor.u32 $0x20, v8;
	[tilespmem:v59+s13+$0x0] =	vst.idx.msk $0xffff, v32  }
0x88: {  	v18 =	vsub.f32 v34, v18;
	v38 =	vmul.f32 v56, v11;
	v39 =	vor.u32 $0x21, v8;
	[tilespmem:v61+s13+$0x0] =	vst.idx.msk $0xffff, v62  }
0x89: {  	v40 =	vor.u32 $0x22, v8;
	[tilespmem:v63+s13+$0x0] =	vst.idx.msk $0xffff, v36  }
0x8a: {  	v41 =	vmul.f32 v18, v14;
	v42 =	vor.u32 $0x23, v8;
	[tilespmem:v33+s13+$0x0] =	vst.idx.msk $0xffff, v38  }
0x8b: {  	v24 =	vmul.f32 v56, v12;
	v43 =	vor.u32 $0x24, v8;
	[tilespmem:v35+s13+$0x0] =	vst.idx.msk $0xffff, v32  }
0x8c: {  	v44 =	vmul.f32 v41, v17;
	v45 =	vor.u32 $0x25, v8;
	[tilespmem:v37+s13+$0x0] =	vst.idx.msk $0xffff, v38  }
0x8d: {  	v46 =	vmul.f32 v41, v13;
	v47 =	vor.u32 $0x26, v8;
	[tilespmem:v39+s13+$0x0] =	vst.idx.msk $0xffff, v24  }
0x8e: {  	v49 =	vor.u32 $0x27, v8;
	v48 =	vmul.f32 v41, v9;
	[tilespmem:v40+s13+$0x0] =	vst.idx.msk $0xffff, v44  }
0x8f: {  	v15 =	vmul.f32 v18, v15;
	v50 =	vor.u32 $0x28, v8;
	[tilespmem:v42+s13+$0x0] =	vst.idx.msk $0xffff, v46  }
0x90: {  	v51 =	vmul.f32 v41, v10;
	v52 =	vor.u32 $0x29, v8;
	[tilespmem:v43+s13+$0x0] =	vst.idx.msk $0xffff, v48  }
0x91: {  	v15 =	vsub.f32 v15, v16;
	v53 =	vmul.f32 v41, v11;
	v54 =	vor.u32 $0x2A, v8;
	[tilespmem:v45+s13+$0x0] =	vst.idx.msk $0xffff, v46  }
0x92: {  	v55 =	vor.u32 $0x2B, v8;
	[tilespmem:v47+s13+$0x0] =	vst.idx.msk $0xffff, v51  }
0x93: {  	v56 =	vor.u32 $0x2C, v8;
	v14 =	vmul.f32 v15, v14;
	[tilespmem:v49+s13+$0x0] =	vst.idx.msk $0xffff, v53  }
0x94: {  	v58 =	vor.u32 $0x2D, v8;
	v57 =	vmul.f32 v41, v12;
	[tilespmem:v50+s13+$0x0] =	vst.idx.msk $0xffff, v48  }
0x95: {  	v17 =	vmul.f32 v14, v17;
	v59 =	vor.u32 $0x2E, v8;
	[tilespmem:v52+s13+$0x0] =	vst.idx.msk $0xffff, v53  }
0x96: {  	v13 =	vmul.f32 v14, v13;
	v60 =	vor.u32 $0x2F, v8;
	[tilespmem:v54+s13+$0x0] =	vst.idx.msk $0xffff, v57  }
0x97: {  	v61 =	vmul.f32 v14, v9;
	[tilespmem:v55+s13+$0x0] =	vst.idx.msk $0xffff, v17  }
0x98: {  	[tilespmem:v56+s13+$0x0] =	vst.idx.msk $0xffff, v13  }
0x99: {  	v10 =	vmul.f32 v14, v10;
	v62 =	vor.u32 $0x30, v8;
	[tilespmem:v58+s13+$0x0] =	vst.idx.msk $0xffff, v61  }
0x9a: {  	v63 =	vor.u32 $0x31, v8;
	[tilespmem:v59+s13+$0x0] =	vst.idx.msk $0xffff, v13  }
0x9b: {  	[tilespmem:v60+s13+$0x0] =	vst.idx.msk $0xffff, v10;
	v10 =	vor.u32 $0x32, v8  }
0x9c: {  	v9 =	vmul.f32 v14, v11;
	v8 =	vor.u32 $0x33, v8;
	_ =	sdelay $0x1  }
0x9d: {  	[tilespmem:v62+s13+$0x0] =	vst.idx.msk $0xffff, v9  }
0x9e: {  	s25 =	simm.s32 $0x0;
	s24 =	simm.s32 $0x10;
	v11 =	vmul.f32 v14, v12;
	[tilespmem:v63+s13+$0x0] =	vst.idx.msk $0xffff, v61  }
.LBB2_3:
0x9f: {  	[tilespmem:v10+s13+$0x0] =	vst.idx.msk $0xffff, v9;
	s22 =	sadd.s32 $0x30, s22;
	s25 =	sadd.s32 $0x10, s25;
	s23 =	sadd.s32 $0x10, s23  }
0xa0: {  	p0 =	sne.s32 s24, $0x70;
	s26 =	smov.u32 s24;
	s24 =	sadd.s32 $0x10, s24;
	[tilespmem:v8+s13+$0x0] =	vst.idx.msk $0xffff, v11  }
0xa1: {  	v8 =	vld [tilespmem:s25+$0x0]  }
0xa2: {  	v9 =	vadd.s32 s22, v0;
	v10 =	vadd.s32 s22, v3  }
0xa3: {  	v9 =	vand.u32 $0x3F8, v9;
	v10 =	vand.u32 $0x3F8, v10  }
0xa4: {  	v11 =	vadd.s32 s22, v5;
	v9 =	vor.u32 v2, v9;
	v10 =	vor.u32 v4, v10  }
0xa5: {  	v11 =	vand.u32 $0x3F8, v11  }
0xa6: {  	v11 =	vor.u32 v6, v11;
	v8 =	vsub.s32 v8, v1  }
0xa7: {  	v8 =	vmin.u32 v8, $0x6200  }
0xa8: {  	[tilespmem:s23+$0x0] =	vst v8  }
0xa9: {  	v8 =	vld.idx.msk [tilespmem:v9+s14+$0x0], $0xffff  }
0xaa: {  	v9 =	vld.idx.msk [tilespmem:v10+s14+$0x0], $0xffff  }
0xab: {  	v10 =	vld.idx.msk [tilespmem:v11+s14+$0x0], $0xffff;
	_ =	sdelay $0x3  }
0xac: {  	v11 =	vmul.f32 v8, v8  }
0xad: {  	v12 =	vmul.f32 v9, v9  }
0xae: {  	v13 =	vmul.f32 v10, v10  }
0xaf: {  	v11 =	vadd.f32 v12, v11;
	_ =	sdelay $0x1  }
0xb0: {  	v11 =	vadd.f32 v13, v11;
	_ =	sdelay $0x1  }
0xb1: {  	v12 =	vmul.f32 $2.000000030e-01, v11;
	v11 =	vmul.f32 $1.156000040e+01, v11;
	_ =	sdelay $0x1  }
0xb2: {  	v13 =	vsub.f32 $1.000000000e+00, v12;
	v12 =	vmin.f32 v12, $1.000000000e+00;
	v11 =	vadd.f32 $1.000000000e+00, v11  }
0xb3: {  	v12 =	vmax.f32 v12, $9.999999960e-13  }
0xb4: {  	v14 =	vshrl.u32 v12, $0x1;
	v15 =	vmul.f32 $5.000000000e-01, v12;
	v16 =	vshrl.u32 v11, $0x1  }
0xb5: {  	v11 =	vmul.f32 $5.000000000e-01, v11;
	v14 =	vsub.s32 $0x5F3759DF, v14;
	v16 =	vsub.s32 $0x5F3759DF, v16  }
0xb6: {  	v17 =	vmul.f32 v14, v15  }
0xb7: {  	v18 =	vmul.f32 v16, v11  }
0xb8: {  	v17 =	vmul.f32 v14, v17  }
0xb9: {  	v18 =	vmul.f32 v16, v18  }
0xba: {  	v17 =	vsub.f32 $1.500000000e+00, v17  }
0xbb: {  	v18 =	vsub.f32 $1.500000000e+00, v18  }
0xbc: {  	v14 =	vmul.f32 v14, v17  }
0xbd: {  	v16 =	vmul.f32 v16, v18  }
0xbe: {  	v17 =	vmul.f32 v14, v15  }
0xbf: {  	v18 =	vmul.f32 v16, v11  }
0xc0: {  	v17 =	vmul.f32 v17, v14  }
0xc1: {  	v18 =	vmul.f32 v18, v16  }
0xc2: {  	v17 =	vsub.f32 $1.500000000e+00, v17  }
0xc3: {  	v18 =	vsub.f32 $1.500000000e+00, v18  }
0xc4: {  	v14 =	vmul.f32 v17, v14  }
0xc5: {  	v16 =	vmul.f32 v18, v16  }
0xc6: {  	v15 =	vmul.f32 v14, v15  }
0xc7: {  	v11 =	vmul.f32 v16, v11  }
0xc8: {  	v15 =	vmul.f32 v15, v14  }
0xc9: {  	v11 =	vmul.f32 v11, v16  }
0xca: {  	v15 =	vsub.f32 $1.500000000e+00, v15  }
0xcb: {  	v11 =	vsub.f32 $1.500000000e+00, v11  }
0xcc: {  	v14 =	vmul.f32 v15, v14  }
0xcd: {  	v11 =	vmul.f32 v11, v16  }
0xce: {  	v12 =	vmul.f32 v14, v12  }
0xcf: {  	v11 =	vmul.f32 $3.400000100e+00, v11  }
0xd0: {  	v12 =	vadd.f32 $-5.000000000e-01, v12  }
0xd1: {  	v14 =	vmul.f32 v11, v8;
	v15 =	vmul.f32 v11, v10  }
0xd2: {  	v9 =	vmul.f32 v11, v9;
	v8 =	vmul.f32 $3.141592740e+00, v12;
	_ =	sdelay $0x1  }
0xd3: {  	v10 =	vmul.f32 v8, v8;
	_ =	sdelay $0x1  }
0xd4: {  	v11 =	vmul.f32 $2.755731880e-06, v10;
	_ =	sdelay $0x1  }
0xd5: {  	v11 =	vadd.f32 $-1.984127010e-04, v11;
	_ =	sdelay $0x1  }
0xd6: {  	v11 =	vmul.f32 v11, v10;
	_ =	sdelay $0x1  }
0xd7: {  	v11 =	vadd.f32 $8.333333770e-03, v11;
	_ =	sdelay $0x1  }
0xd8: {  	v11 =	vmul.f32 v11, v10;
	_ =	sdelay $0x1  }
0xd9: {  	v11 =	vadd.f32 $-1.666666720e-01, v11;
	_ =	sdelay $0x1  }
0xda: {  	v10 =	vmul.f32 v11, v10;
	_ =	sdelay $0x1  }
0xdb: {  	v10 =	vadd.f32 $1.000000000e+00, v10;
	_ =	sdelay $0x1  }
0xdc: {  	v8 =	vmul.f32 v10, v8;
	_ =	sdelay $0x1  }
0xdd: {  	v16 =	vsub.f32 $0.0e+00, v8;
	_ =	sdelay $0x1  }
0xde: {  	v17 =	vadd.f32 v16, v16;
	_ =	sdelay $0x1  }
0xdf: {  	v10 =	vmov s26;
	v8 =	vmul.f32 v17, v16  }
0xe0: {  	v10 =	vshll.u32 v10, $0x6  }
0xe1: {  	v18 =	vmax.f32 v13, $0.0e+00;
	v19 =	vadd.f32 $-1.000000000e+00, v8;
	v8 =	vor.u32 v7, v10  }
0xe2: {  	v12 =	vmul.f32 v9, v14;
	v10 =	vmul.f32 v15, v14;
	v20 =	vor.u32 $0x1, v8  }
0xe3: {  	v22 =	vor.u32 $0x2, v8;
	v13 =	vmul.f32 v19, v17;
	v21 =	vmul.f32 v19, v18  }
0xe4: {  	v11 =	vmul.f32 v9, v9;
	v9 =	vmul.f32 v15, v9;
	v23 =	vor.u32 $0x3, v8  }
0xe5: {  	v16 =	vsub.f32 v13, v16;
	v24 =	vmul.f32 v21, v10;
	v25 =	vmul.f32 v21, v12  }
0xe6: {  	v27 =	vor.u32 $0x4, v8;
	v28 =	vor.u32 $0x5, v8;
	v26 =	vmul.f32 v21, v11  }
0xe7: {  	v31 =	vor.u32 $0x6, v8;
	v30 =	vmul.f32 v21, v9;
	v29 =	vmul.f32 v16, v18;
	[tilespmem:v8+s13+$0x0] =	vst.idx.msk $0xffff, v24  }
0xe8: {  	v13 =	vmul.f32 v15, v15;
	v15 =	vor.u32 $0x7, v8;
	v32 =	vmul.f32 v16, v17;
	[tilespmem:v20+s13+$0x0] =	vst.idx.msk $0xffff, v25  }
0xe9: {  	v14 =	vmul.f32 v14, v14;
	v20 =	vor.u32 $0x8, v8;
	[tilespmem:v22+s13+$0x0] =	vst.idx.msk $0xffff, v26  }
0xea: {  	v21 =	vmul.f32 v21, v13;
	v19 =	vsub.f32 v32, v19;
	v22 =	vor.u32 $0x9, v8;
	[tilespmem:v23+s13+$0x0] =	vst.idx.msk $0xffff, v30  }
0xeb: {  	v23 =	vmul.f32 v29, v14;
	[tilespmem:v27+s13+$0x0] =	vst.idx.msk $0xffff, v24;
	v24 =	vor.u32 $0xA, v8  }
0xec: {  	v26 =	vmul.f32 v29, v12;
	v25 =	vmul.f32 v19, v18;
	v27 =	vor.u32 $0xB, v8;
	[tilespmem:v28+s13+$0x0] =	vst.idx.msk $0xffff, v30  }
0xed: {  	v28 =	vmul.f32 v19, v17;
	v30 =	vor.u32 $0xC, v8;
	[tilespmem:v31+s13+$0x0] =	vst.idx.msk $0xffff, v21;
	v21 =	vmul.f32 v29, v10  }
0xee: {  	[tilespmem:v15+s13+$0x0] =	vst.idx.msk $0xffff, v23;
	v15 =	vor.u32 $0xD, v8  }
0xef: {  	v16 =	vsub.f32 v28, v16;
	v23 =	vor.u32 $0xE, v8;
	[tilespmem:v20+s13+$0x0] =	vst.idx.msk $0xffff, v26;
	v20 =	vmul.f32 v29, v11  }
0xf0: {  	v28 =	vor.u32 $0xF, v8;
	[tilespmem:v22+s13+$0x0] =	vst.idx.msk $0xffff, v21;
	v22 =	vmul.f32 v29, v9  }
0xf1: {  	v31 =	vmul.f32 v16, v17;
	v32 =	vmul.f32 v16, v18;
	[tilespmem:v24+s13+$0x0] =	vst.idx.msk $0xffff, v26;
	v24 =	vor.u32 $0x10, v8  }
0xf2: {  	[tilespmem:v27+s13+$0x0] =	vst.idx.msk $0xffff, v20;
	v20 =	vor.u32 $0x11, v8  }
0xf3: {  	v26 =	vmul.f32 v29, v13;
	v19 =	vsub.f32 v31, v19;
	v27 =	vor.u32 $0x12, v8;
	[tilespmem:v30+s13+$0x0] =	vst.idx.msk $0xffff, v22  }
0xf4: {  	[tilespmem:v15+s13+$0x0] =	vst.idx.msk $0xffff, v21;
	v15 =	vmul.f32 v25, v14;
	v21 =	vor.u32 $0x13, v8  }
0xf5: {  	v29 =	vmul.f32 v19, v18;
	[tilespmem:v23+s13+$0x0] =	vst.idx.msk $0xffff, v22;
	v22 =	vmul.f32 v25, v12;
	v23 =	vor.u32 $0x14, v8  }
0xf6: {  	v17 =	vmul.f32 v19, v17;
	v19 =	vmul.f32 v25, v10;
	[tilespmem:v28+s13+$0x0] =	vst.idx.msk $0xffff, v26;
	v26 =	vor.u32 $0x15, v8  }
0xf7: {  	[tilespmem:v24+s13+$0x0] =	vst.idx.msk $0xffff, v15;
	v15 =	vor.u32 $0x16, v8  }
0xf8: {  	v16 =	vsub.f32 v17, v16;
	v17 =	vmul.f32 v25, v11;
	[tilespmem:v20+s13+$0x0] =	vst.idx.msk $0xffff, v22;
	v20 =	vor.u32 $0x17, v8  }
0xf9: {  	v24 =	vmul.f32 v25, v9;
	[tilespmem:v27+s13+$0x0] =	vst.idx.msk $0xffff, v19;
	v27 =	vor.u32 $0x18, v8  }
0xfa: {  	v16 =	vmul.f32 v16, v18;
	v18 =	vor.u32 $0x19, v8;
	[tilespmem:v21+s13+$0x0] =	vst.idx.msk $0xffff, v22  }
0xfb: {  	[tilespmem:v23+s13+$0x0] =	vst.idx.msk $0xffff, v17;
	v17 =	vor.u32 $0x1A, v8  }
0xfc: {  	v21 =	vmul.f32 v25, v13;
	v22 =	vor.u32 $0x1B, v8;
	[tilespmem:v26+s13+$0x0] =	vst.idx.msk $0xffff, v24  }
0xfd: {  	[tilespmem:v15+s13+$0x0] =	vst.idx.msk $0xffff, v19;
	v15 =	vmul.f32 v32, v14;
	v19 =	vor.u32 $0x1C, v8  }
0xfe: {  	v23 =	vor.u32 $0x1D, v8;
	[tilespmem:v20+s13+$0x0] =	vst.idx.msk $0xffff, v24;
	v20 =	vmul.f32 v32, v12  }
0xff: {  	v24 =	vor.u32 $0x1E, v8;
	[tilespmem:v27+s13+$0x0] =	vst.idx.msk $0xffff, v21;
	v21 =	vmul.f32 v32, v10  }
0x100: {  	[tilespmem:v18+s13+$0x0] =	vst.idx.msk $0xffff, v15;
	v15 =	vor.u32 $0x1F, v8  }
0x101: {  	v18 =	vor.u32 $0x20, v8;
	[tilespmem:v17+s13+$0x0] =	vst.idx.msk $0xffff, v20;
	v17 =	vmul.f32 v32, v11  }
0x102: {  	v25 =	vor.u32 $0x21, v8;
	[tilespmem:v22+s13+$0x0] =	vst.idx.msk $0xffff, v21;
	v22 =	vmul.f32 v32, v9  }
0x103: {  	[tilespmem:v19+s13+$0x0] =	vst.idx.msk $0xffff, v20;
	v19 =	vor.u32 $0x22, v8  }
0x104: {  	[tilespmem:v23+s13+$0x0] =	vst.idx.msk $0xffff, v17;
	v17 =	vor.u32 $0x23, v8  }
0x105: {  	v20 =	vmul.f32 v32, v13;
	v23 =	vor.u32 $0x24, v8;
	[tilespmem:v24+s13+$0x0] =	vst.idx.msk $0xffff, v22  }
0x106: {  	[tilespmem:v15+s13+$0x0] =	vst.idx.msk $0xffff, v21;
	v15 =	vmul.f32 v29, v14;
	v21 =	vor.u32 $0x25, v8  }
0x107: {  	[tilespmem:v18+s13+$0x0] =	vst.idx.msk $0xffff, v22;
	v18 =	vmul.f32 v29, v12;
	v22 =	vor.u32 $0x26, v8  }
0x108: {  	v24 =	vor.u32 $0x27, v8;
	[tilespmem:v25+s13+$0x0] =	vst.idx.msk $0xffff, v20;
	v20 =	vmul.f32 v29, v10  }
0x109: {  	[tilespmem:v19+s13+$0x0] =	vst.idx.msk $0xffff, v15;
	v15 =	vor.u32 $0x28, v8  }
0x10a: {  	v19 =	vor.u32 $0x29, v8;
	[tilespmem:v17+s13+$0x0] =	vst.idx.msk $0xffff, v18;
	v17 =	vmul.f32 v29, v11  }
0x10b: {  	v25 =	vor.u32 $0x2A, v8;
	[tilespmem:v23+s13+$0x0] =	vst.idx.msk $0xffff, v20;
	v23 =	vmul.f32 v29, v9  }
0x10c: {  	[tilespmem:v21+s13+$0x0] =	vst.idx.msk $0xffff, v18;
	v18 =	vor.u32 $0x2B, v8  }
0x10d: {  	[tilespmem:v22+s13+$0x0] =	vst.idx.msk $0xffff, v17;
	v17 =	vor.u32 $0x2C, v8  }
0x10e: {  	v21 =	vmul.f32 v29, v13;
	v22 =	vor.u32 $0x2D, v8;
	[tilespmem:v24+s13+$0x0] =	vst.idx.msk $0xffff, v23  }
0x10f: {  	v14 =	vmul.f32 v16, v14;
	[tilespmem:v15+s13+$0x0] =	vst.idx.msk $0xffff, v20;
	v15 =	vor.u32 $0x2E, v8  }
0x110: {  	v12 =	vmul.f32 v16, v12;
	[tilespmem:v19+s13+$0x0] =	vst.idx.msk $0xffff, v23;
	v19 =	vor.u32 $0x2F, v8  }
0x111: {  	v20 =	vmul.f32 v16, v10;
	[tilespmem:v25+s13+$0x0] =	vst.idx.msk $0xffff, v21;
	v21 =	vor.u32 $0x30, v8  }
0x112: {  	[tilespmem:v18+s13+$0x0] =	vst.idx.msk $0xffff, v14;
	v14 =	vor.u32 $0x31, v8  }
0x113: {  	v11 =	vmul.f32 v16, v11;
	v10 =	vor.u32 $0x32, v8;
	[tilespmem:v17+s13+$0x0] =	vst.idx.msk $0xffff, v12  }
.Ltmp0:
0x114: {  	v9 =	vmul.f32 v16, v9;
	v8 =	vor.u32 $0x33, v8;
	[tilespmem:v22+s13+$0x0] =	vst.idx.msk $0xffff, v20;
	(pc) =	sbr.rel @p0 .LBB2_3-.Ltmp0, $4  }
0x115: {  	[tilespmem:v15+s13+$0x0] =	vst.idx.msk $0xffff, v12  }
0x116: {  	[tilespmem:v19+s13+$0x0] =	vst.idx.msk $0xffff, v11  }
0x117: {  	v11 =	vmul.f32 v16, v13;
	[tilespmem:v21+s13+$0x0] =	vst.idx.msk $0xffff, v9  }
0x118: {  	[tilespmem:v14+s13+$0x0] =	vst.idx.msk $0xffff, v20  }
0x119: {  	_ =	sdelay $0x3  }
0x11a: {  	[tilespmem:v10+s13+$0x0] =	vst.idx.msk $0xffff, v9  }
0x11b: {  	s22 =	simm.s32 $0x80;
	[tilespmem:v8+s13+$0x0] =	vst.idx.msk $0xffff, v11  }
0x11c: {  	s23 =	simm.s32 $0x180;
	v8 =	vld [tilespmem:s22+$0x0]  }
0x11d: {  	v9 =	vadd.s32 s23, v0  }
0x11e: {  	v10 =	vadd.s32 s23, v3;
	v9 =	vand.u32 $0x7FFFFFF8, v9  }
0x11f: {  	v10 =	vand.u32 $0x7FFFFFF8, v10;
	v9 =	vor.u32 v2, v9  }
0x120: {  	v11 =	vadd.s32 s23, v5;
	v10 =	vor.u32 v4, v10  }
0x121: {  	v11 =	vand.u32 $0x7FFFFFF8, v11;
	v8 =	vsub.s32 v8, v1  }
0x122: {  	s24 =	simm.s32 $0x480;
	v11 =	vor.u32 v6, v11;
	v8 =	vmin.u32 v8, $0x6200  }
0x123: {  	[tilespmem:s24+$0x0] =	vst v8  }
0x124: {  	v8 =	vld.idx.msk [tilespmem:v9+s14+$0x0], $0xffff  }
0x125: {  	v9 =	vld.idx.msk [tilespmem:v10+s14+$0x0], $0xffff;
	_ =	sdelay $0x1  }
0x126: {  	v10 =	vld.idx.msk [tilespmem:v11+s14+$0x0], $0xffff;
	_ =	sdelay $0x2  }
0x127: {  	v11 =	vmul.f32 v8, v8;
	v12 =	vmul.f32 v9, v9;
	_ =	sdelay $0x1  }
0x128: {  	v13 =	vmul.f32 v10, v10;
	v11 =	vadd.f32 v12, v11;
	_ =	sdelay $0x1  }
0x129: {  	v11 =	vadd.f32 v13, v11;
	_ =	sdelay $0x1  }
0x12a: {  	v44 =	vmul.f32 $2.000000030e-01, v11;
	_ =	sdelay $0x1  }
0x12b: {  	v45 =	vmin.f32 v44, $1.000000000e+00  }
0x12c: {  	v13 =	vmax.f32 v45, $9.999999960e-13  }
0x12d: {  	v14 =	vshrl.u32 v13, $0x1;
	v15 =	vmul.f32 $5.000000000e-01, v13  }
0x12e: {  	v14 =	vsub.s32 $0x5F3759DF, v14  }
0x12f: {  	v16 =	vmul.f32 v14, v15;
	_ =	sdelay $0x1  }
0x130: {  	v16 =	vmul.f32 v14, v16;
	_ =	sdelay $0x1  }
0x131: {  	v16 =	vsub.f32 $1.500000000e+00, v16;
	_ =	sdelay $0x1  }
0x132: {  	v14 =	vmul.f32 v14, v16;
	_ =	sdelay $0x1  }
0x133: {  	v16 =	vmul.f32 v14, v15;
	_ =	sdelay $0x1  }
0x134: {  	v16 =	vmul.f32 v16, v14;
	_ =	sdelay $0x1  }
0x135: {  	v16 =	vsub.f32 $1.500000000e+00, v16;
	_ =	sdelay $0x1  }
0x136: {  	v14 =	vmul.f32 v16, v14;
	_ =	sdelay $0x1  }
0x137: {  	v15 =	vmul.f32 v14, v15;
	_ =	sdelay $0x1  }
0x138: {  	v15 =	vmul.f32 v15, v14;
	_ =	sdelay $0x1  }
0x139: {  	v15 =	vsub.f32 $1.500000000e+00, v15;
	_ =	sdelay $0x1  }
0x13a: {  	v14 =	vmul.f32 v15, v14  }
0x13b: {  	v11 =	vmul.f32 $1.156000040e+01, v11  }
0x13c: {  	v13 =	vmul.f32 v14, v13  }
0x13d: {  	v11 =	vadd.f32 $1.000000000e+00, v11  }
0x13e: {  	v13 =	vadd.f32 $-5.000000000e-01, v13  }
0x13f: {  	v46 =	vshrl.u32 v11, $0x1;
	v11 =	vmul.f32 $5.000000000e-01, v11  }
0x140: {  	v14 =	vsub.s32 $0x5F3759DF, v46;
	v13 =	vmul.f32 $3.141592740e+00, v13  }
0x141: {  	v47 =	vmul.f32 v14, v11  }
0x142: {  	v48 =	vmul.f32 v13, v13  }
0x143: {  	v15 =	vmul.f32 v14, v47  }
0x144: {  	v17 =	vmul.f32 $2.755731880e-06, v48  }
0x145: {  	v15 =	vsub.f32 $1.500000000e+00, v15  }
0x146: {  	v17 =	vadd.f32 $-1.984127010e-04, v17  }
0x147: {  	v14 =	vmul.f32 v14, v15  }
0x148: {  	v49 =	vmul.f32 v17, v48  }
0x149: {  	v50 =	vmul.f32 v14, v11  }
0x14a: {  	v15 =	vadd.f32 $8.333333770e-03, v49  }
0x14b: {  	v17 =	vmul.f32 v50, v14  }
0x14c: {  	v15 =	vmul.f32 v15, v48  }
0x14d: {  	v17 =	vsub.f32 $1.500000000e+00, v17  }
0x14e: {  	v15 =	vadd.f32 $-1.666666720e-01, v15  }
0x14f: {  	v14 =	vmul.f32 v17, v14  }
0x150: {  	v15 =	vmul.f32 v15, v48  }
0x151: {  	v11 =	vmul.f32 v14, v11  }
0x152: {  	v15 =	vadd.f32 $1.000000000e+00, v15  }
0x153: {  	v11 =	vmul.f32 v11, v14  }
0x154: {  	v13 =	vmul.f32 v15, v13  }
0x155: {  	v11 =	vsub.f32 $1.500000000e+00, v11  }
0x156: {  	v51 =	vsub.f32 $0.0e+00, v13  }
0x157: {  	v11 =	vmul.f32 v11, v14  }
0x158: {  	v15 =	vadd.f32 v51, v51  }
0x159: {  	v11 =	vmul.f32 $3.400000100e+00, v11  }
0x15a: {  	v13 =	vmul.f32 v15, v51  }
0x15b: {  	v12 =	vsub.f32 $1.000000000e+00, v44;
	v52 =	vmul.f32 v11, v8;
	v8 =	vmov s22  }
0x15c: {  	v18 =	vmul.f32 v11, v10;
	v8 =	vshll.u32 v8, $0x6;
	v19 =	vadd.f32 $-1.000000000e+00, v13  }
0x15d: {  	v14 =	vmax.f32 v12, $0.0e+00;
	v11 =	vmul.f32 v11, v9;
	v8 =	vor.u32 v7, v8  }
0x15e: {  	v9 =	vmul.f32 v18, v52;
	v53 =	vor.u32 $0x1, v8;
	v20 =	vmul.f32 v19, v14  }
0x15f: {  	v10 =	vmul.f32 v11, v11;
	v22 =	vor.u32 $0x2, v8;
	v13 =	vmul.f32 v11, v52  }
0x160: {  	v23 =	vor.u32 $0x3, v8;
	v11 =	vmul.f32 v18, v11;
	v24 =	vmul.f32 v20, v9  }
0x161: {  	v26 =	vor.u32 $0x4, v8;
	v21 =	vmul.f32 v19, v15;
	v25 =	vmul.f32 v20, v13  }
0x162: {  	v28 =	vor.u32 $0x5, v8;
	v27 =	vmul.f32 v20, v10;
	[tilespmem:v8+s13+$0x0] =	vst.idx.msk $0xffff, v24  }
0x163: {  	v29 =	vor.u32 $0x6, v8;
	v16 =	vsub.f32 v21, v51;
	v54 =	vmul.f32 v20, v11;
	[tilespmem:v53+s13+$0x0] =	vst.idx.msk $0xffff, v25  }
0x164: {  	v12 =	vmul.f32 v18, v18;
	v55 =	vor.u32 $0x7, v8;
	[tilespmem:v22+s13+$0x0] =	vst.idx.msk $0xffff, v27  }
0x165: {  	v17 =	vmul.f32 v52, v52;
	v57 =	vor.u32 $0x8, v8;
	v56 =	vmul.f32 v16, v14;
	[tilespmem:v23+s13+$0x0] =	vst.idx.msk $0xffff, v54  }
0x166: {  	v58 =	vor.u32 $0x9, v8;
	v20 =	vmul.f32 v20, v12;
	[tilespmem:v26+s13+$0x0] =	vst.idx.msk $0xffff, v24  }
0x167: {  	v60 =	vor.u32 $0xA, v8;
	v59 =	vmul.f32 v56, v17;
	[tilespmem:v28+s13+$0x0] =	vst.idx.msk $0xffff, v54  }
0x168: {  	v62 =	vor.u32 $0xB, v8;
	v61 =	vmul.f32 v56, v13;
	[tilespmem:v29+s13+$0x0] =	vst.idx.msk $0xffff, v20  }
0x169: {  	v32 =	vor.u32 $0xC, v8;
	v63 =	vmul.f32 v56, v9;
	[tilespmem:v55+s13+$0x0] =	vst.idx.msk $0xffff, v59  }
0x16a: {  	v34 =	vor.u32 $0xD, v8;
	v33 =	vmul.f32 v16, v15;
	[tilespmem:v57+s13+$0x0] =	vst.idx.msk $0xffff, v61  }
0x16b: {  	v36 =	vor.u32 $0xE, v8;
	v35 =	vmul.f32 v56, v10;
	[tilespmem:v58+s13+$0x0] =	vst.idx.msk $0xffff, v63  }
0x16c: {  	v38 =	vor.u32 $0xF, v8;
	v18 =	vsub.f32 v33, v19;
	v37 =	vmul.f32 v56, v11;
	[tilespmem:v60+s13+$0x0] =	vst.idx.msk $0xffff, v61  }
0x16d: {  	v39 =	vor.u32 $0x10, v8;
	[tilespmem:v62+s13+$0x0] =	vst.idx.msk $0xffff, v35  }
0x16e: {  	v41 =	vor.u32 $0x11, v8;
	v40 =	vmul.f32 v18, v14;
	[tilespmem:v32+s13+$0x0] =	vst.idx.msk $0xffff, v37  }
0x16f: {  	v42 =	vor.u32 $0x12, v8;
	v22 =	vmul.f32 v56, v12;
	[tilespmem:v34+s13+$0x0] =	vst.idx.msk $0xffff, v63  }
0x170: {  	v44 =	vor.u32 $0x13, v8;
	v43 =	vmul.f32 v40, v17;
	[tilespmem:v36+s13+$0x0] =	vst.idx.msk $0xffff, v37  }
0x171: {  	v46 =	vor.u32 $0x14, v8;
	v45 =	vmul.f32 v40, v13;
	[tilespmem:v38+s13+$0x0] =	vst.idx.msk $0xffff, v22  }
0x172: {  	v48 =	vor.u32 $0x15, v8;
	v47 =	vmul.f32 v40, v9;
	[tilespmem:v39+s13+$0x0] =	vst.idx.msk $0xffff, v43  }
0x173: {  	v50 =	vor.u32 $0x16, v8;
	v49 =	vmul.f32 v18, v15;
	[tilespmem:v41+s13+$0x0] =	vst.idx.msk $0xffff, v45  }
0x174: {  	v52 =	vor.u32 $0x17, v8;
	v51 =	vmul.f32 v40, v10;
	[tilespmem:v42+s13+$0x0] =	vst.idx.msk $0xffff, v47  }
0x175: {  	v54 =	vor.u32 $0x18, v8;
	v16 =	vsub.f32 v49, v16;
	v53 =	vmul.f32 v40, v11;
	[tilespmem:v44+s13+$0x0] =	vst.idx.msk $0xffff, v45  }
0x176: {  	v55 =	vor.u32 $0x19, v8;
	[tilespmem:v46+s13+$0x0] =	vst.idx.msk $0xffff, v51  }
0x177: {  	v56 =	vmul.f32 v16, v14;
	v57 =	vor.u32 $0x1A, v8;
	[tilespmem:v48+s13+$0x0] =	vst.idx.msk $0xffff, v53  }
0x178: {  	v59 =	vor.u32 $0x1B, v8;
	v58 =	vmul.f32 v40, v12;
	[tilespmem:v50+s13+$0x0] =	vst.idx.msk $0xffff, v47  }
0x179: {  	v60 =	vmul.f32 v56, v17;
	v61 =	vor.u32 $0x1C, v8;
	[tilespmem:v52+s13+$0x0] =	vst.idx.msk $0xffff, v53  }
0x17a: {  	v62 =	vmul.f32 v56, v13;
	v63 =	vor.u32 $0x1D, v8;
	[tilespmem:v54+s13+$0x0] =	vst.idx.msk $0xffff, v58  }
0x17b: {  	v33 =	vor.u32 $0x1E, v8;
	v32 =	vmul.f32 v56, v9;
	[tilespmem:v55+s13+$0x0] =	vst.idx.msk $0xffff, v60  }
0x17c: {  	v35 =	vor.u32 $0x1F, v8;
	v34 =	vmul.f32 v16, v15;
	[tilespmem:v57+s13+$0x0] =	vst.idx.msk $0xffff, v62  }
0x17d: {  	v36 =	vmul.f32 v56, v10;
	v37 =	vor.u32 $0x20, v8;
	[tilespmem:v59+s13+$0x0] =	vst.idx.msk $0xffff, v32  }
0x17e: {  	v18 =	vsub.f32 v34, v18;
	v38 =	vmul.f32 v56, v11;
	v39 =	vor.u32 $0x21, v8;
	[tilespmem:v61+s13+$0x0] =	vst.idx.msk $0xffff, v62  }
0x17f: {  	v40 =	vor.u32 $0x22, v8;
	[tilespmem:v63+s13+$0x0] =	vst.idx.msk $0xffff, v36  }
0x180: {  	v41 =	vmul.f32 v18, v14;
	v42 =	vor.u32 $0x23, v8;
	[tilespmem:v33+s13+$0x0] =	vst.idx.msk $0xffff, v38  }
0x181: {  	v24 =	vmul.f32 v56, v12;
	v43 =	vor.u32 $0x24, v8;
	[tilespmem:v35+s13+$0x0] =	vst.idx.msk $0xffff, v32  }
0x182: {  	v44 =	vmul.f32 v41, v17;
	v45 =	vor.u32 $0x25, v8;
	[tilespmem:v37+s13+$0x0] =	vst.idx.msk $0xffff, v38  }
0x183: {  	v46 =	vmul.f32 v41, v13;
	v47 =	vor.u32 $0x26, v8;
	[tilespmem:v39+s13+$0x0] =	vst.idx.msk $0xffff, v24  }
0x184: {  	v49 =	vor.u32 $0x27, v8;
	v48 =	vmul.f32 v41, v9;
	[tilespmem:v40+s13+$0x0] =	vst.idx.msk $0xffff, v44  }
0x185: {  	v15 =	vmul.f32 v18, v15;
	v50 =	vor.u32 $0x28, v8;
	[tilespmem:v42+s13+$0x0] =	vst.idx.msk $0xffff, v46  }
0x186: {  	v51 =	vmul.f32 v41, v10;
	v52 =	vor.u32 $0x29, v8;
	[tilespmem:v43+s13+$0x0] =	vst.idx.msk $0xffff, v48  }
0x187: {  	v15 =	vsub.f32 v15, v16;
	v53 =	vmul.f32 v41, v11;
	v54 =	vor.u32 $0x2A, v8;
	[tilespmem:v45+s13+$0x0] =	vst.idx.msk $0xffff, v46  }
0x188: {  	v55 =	vor.u32 $0x2B, v8;
	[tilespmem:v47+s13+$0x0] =	vst.idx.msk $0xffff, v51  }
0x189: {  	v56 =	vor.u32 $0x2C, v8;
	v14 =	vmul.f32 v15, v14;
	[tilespmem:v49+s13+$0x0] =	vst.idx.msk $0xffff, v53  }
0x18a: {  	v58 =	vor.u32 $0x2D, v8;
	v57 =	vmul.f32 v41, v12;
	[tilespmem:v50+s13+$0x0] =	vst.idx.msk $0xffff, v48  }
0x18b: {  	v17 =	vmul.f32 v14, v17;
	v59 =	vor.u32 $0x2E, v8;
	[tilespmem:v52+s13+$0x0] =	vst.idx.msk $0xffff, v53  }
0x18c: {  	v13 =	vmul.f32 v14, v13;
	v60 =	vor.u32 $0x2F, v8;
	[tilespmem:v54+s13+$0x0] =	vst.idx.msk $0xffff, v57  }
0x18d: {  	v61 =	vmul.f32 v14, v9;
	[tilespmem:v55+s13+$0x0] =	vst.idx.msk $0xffff, v17  }
0x18e: {  	[tilespmem:v56+s13+$0x0] =	vst.idx.msk $0xffff, v13  }
0x18f: {  	v10 =	vmul.f32 v14, v10;
	v62 =	vor.u32 $0x30, v8;
	[tilespmem:v58+s13+$0x0] =	vst.idx.msk $0xffff, v61  }
0x190: {  	v63 =	vor.u32 $0x31, v8;
	[tilespmem:v59+s13+$0x0] =	vst.idx.msk $0xffff, v13  }
0x191: {  	[tilespmem:v60+s13+$0x0] =	vst.idx.msk $0xffff, v10;
	v10 =	vor.u32 $0x32, v8  }
0x192: {  	v9 =	vmul.f32 v14, v11;
	v8 =	vor.u32 $0x33, v8;
	_ =	sdelay $0x1  }
0x193: {  	[tilespmem:v62+s13+$0x0] =	vst.idx.msk $0xffff, v9  }
0x194: {  	s25 =	simm.s32 $0x90;
	v11 =	vmul.f32 v14, v12;
	[tilespmem:v63+s13+$0x0] =	vst.idx.msk $0xffff, v61  }
.LBB2_5:
0x195: {  	[tilespmem:v10+s13+$0x0] =	vst.idx.msk $0xffff, v9;
	s23 =	sadd.s32 $0x30, s23;
	s22 =	sadd.s32 $0x10, s22;
	s24 =	sadd.s32 $0x10, s24  }
0x196: {  	p0 =	sne.s32 s25, $0xF0;
	s26 =	smov.u32 s25;
	s25 =	sadd.s32 $0x10, s25;
	[tilespmem:v8+s13+$0x0] =	vst.idx.msk $0xffff, v11  }
0x197: {  	v8 =	vld [tilespmem:s22+$0x0]  }
0x198: {  	v9 =	vadd.s32 s23, v0;
	v10 =	vadd.s32 s23, v3  }
0x199: {  	v9 =	vand.u32 $0x7FFFFFF8, v9;
	v10 =	vand.u32 $0x7FFFFFF8, v10  }
0x19a: {  	v11 =	vadd.s32 s23, v5;
	v9 =	vor.u32 v2, v9;
	v10 =	vor.u32 v4, v10  }
0x19b: {  	v11 =	vand.u32 $0x7FFFFFF8, v11  }
0x19c: {  	v11 =	vor.u32 v6, v11;
	v8 =	vsub.s32 v8, v1  }
0x19d: {  	v8 =	vmin.u32 v8, $0x6200  }
0x19e: {  	[tilespmem:s24+$0x0] =	vst v8  }
0x19f: {  	v8 =	vld.idx.msk [tilespmem:v9+s14+$0x0], $0xffff  }
0x1a0: {  	v9 =	vld.idx.msk [tilespmem:v10+s14+$0x0], $0xffff  }
0x1a1: {  	v10 =	vld.idx.msk [tilespmem:v11+s14+$0x0], $0xffff;
	_ =	sdelay $0x3  }
0x1a2: {  	v11 =	vmul.f32 v8, v8  }
0x1a3: {  	v12 =	vmul.f32 v9, v9  }
0x1a4: {  	v13 =	vmul.f32 v10, v10  }
0x1a5: {  	v11 =	vadd.f32 v12, v11;
	_ =	sdelay $0x1  }
0x1a6: {  	v11 =	vadd.f32 v13, v11;
	_ =	sdelay $0x1  }
0x1a7: {  	v12 =	vmul.f32 $2.000000030e-01, v11;
	v11 =	vmul.f32 $1.156000040e+01, v11;
	_ =	sdelay $0x1  }
0x1a8: {  	v13 =	vsub.f32 $1.000000000e+00, v12;
	v12 =	vmin.f32 v12, $1.000000000e+00;
	v11 =	vadd.f32 $1.000000000e+00, v11  }
0x1a9: {  	v12 =	vmax.f32 v12, $9.999999960e-13  }
0x1aa: {  	v14 =	vshrl.u32 v12, $0x1;
	v15 =	vmul.f32 $5.000000000e-01, v12;
	v16 =	vshrl.u32 v11, $0x1  }
0x1ab: {  	v11 =	vmul.f32 $5.000000000e-01, v11;
	v14 =	vsub.s32 $0x5F3759DF, v14;
	v16 =	vsub.s32 $0x5F3759DF, v16  }
0x1ac: {  	v17 =	vmul.f32 v14, v15  }
0x1ad: {  	v18 =	vmul.f32 v16, v11  }
0x1ae: {  	v17 =	vmul.f32 v14, v17  }
0x1af: {  	v18 =	vmul.f32 v16, v18  }
0x1b0: {  	v17 =	vsub.f32 $1.500000000e+00, v17  }
0x1b1: {  	v18 =	vsub.f32 $1.500000000e+00, v18  }
0x1b2: {  	v14 =	vmul.f32 v14, v17  }
0x1b3: {  	v16 =	vmul.f32 v16, v18  }
0x1b4: {  	v17 =	vmul.f32 v14, v15  }
0x1b5: {  	v18 =	vmul.f32 v16, v11  }
0x1b6: {  	v17 =	vmul.f32 v17, v14  }
0x1b7: {  	v18 =	vmul.f32 v18, v16  }
0x1b8: {  	v17 =	vsub.f32 $1.500000000e+00, v17  }
0x1b9: {  	v18 =	vsub.f32 $1.500000000e+00, v18  }
0x1ba: {  	v14 =	vmul.f32 v17, v14  }
0x1bb: {  	v16 =	vmul.f32 v18, v16  }
0x1bc: {  	v15 =	vmul.f32 v14, v15  }
0x1bd: {  	v11 =	vmul.f32 v16, v11  }
0x1be: {  	v15 =	vmul.f32 v15, v14  }
0x1bf: {  	v11 =	vmul.f32 v11, v16  }
0x1c0: {  	v15 =	vsub.f32 $1.500000000e+00, v15  }
0x1c1: {  	v11 =	vsub.f32 $1.500000000e+00, v11  }
0x1c2: {  	v14 =	vmul.f32 v15, v14  }
0x1c3: {  	v11 =	vmul.f32 v11, v16  }
0x1c4: {  	v12 =	vmul.f32 v14, v12  }
0x1c5: {  	v11 =	vmul.f32 $3.400000100e+00, v11  }
0x1c6: {  	v12 =	vadd.f32 $-5.000000000e-01, v12  }
0x1c7: {  	v14 =	vmul.f32 v11, v8;
	v15 =	vmul.f32 v11, v10  }
0x1c8: {  	v9 =	vmul.f32 v11, v9;
	v8 =	vmul.f32 $3.141592740e+00, v12;
	_ =	sdelay $0x1  }
0x1c9: {  	v10 =	vmul.f32 v8, v8;
	_ =	sdelay $0x1  }
0x1ca: {  	v11 =	vmul.f32 $2.755731880e-06, v10;
	_ =	sdelay $0x1  }
0x1cb: {  	v11 =	vadd.f32 $-1.984127010e-04, v11;
	_ =	sdelay $0x1  }
0x1cc: {  	v11 =	vmul.f32 v11, v10;
	_ =	sdelay $0x1  }
0x1cd: {  	v11 =	vadd.f32 $8.333333770e-03, v11;
	_ =	sdelay $0x1  }
0x1ce: {  	v11 =	vmul.f32 v11, v10;
	_ =	sdelay $0x1  }
0x1cf: {  	v11 =	vadd.f32 $-1.666666720e-01, v11;
	_ =	sdelay $0x1  }
0x1d0: {  	v10 =	vmul.f32 v11, v10;
	_ =	sdelay $0x1  }
0x1d1: {  	v10 =	vadd.f32 $1.000000000e+00, v10;
	_ =	sdelay $0x1  }
0x1d2: {  	v8 =	vmul.f32 v10, v8;
	_ =	sdelay $0x1  }
0x1d3: {  	v16 =	vsub.f32 $0.0e+00, v8;
	_ =	sdelay $0x1  }
0x1d4: {  	v17 =	vadd.f32 v16, v16;
	_ =	sdelay $0x1  }
0x1d5: {  	v10 =	vmov s26;
	v8 =	vmul.f32 v17, v16  }
0x1d6: {  	v10 =	vshll.u32 v10, $0x6  }
0x1d7: {  	v18 =	vmax.f32 v13, $0.0e+00;
	v19 =	vadd.f32 $-1.000000000e+00, v8;
	v8 =	vor.u32 v7, v10  }
0x1d8: {  	v12 =	vmul.f32 v9, v14;
	v10 =	vmul.f32 v15, v14;
	v20 =	vor.u32 $0x1, v8  }
0x1d9: {  	v22 =	vor.u32 $0x2, v8;
	v13 =	vmul.f32 v19, v17;
	v21 =	vmul.f32 v19, v18  }
0x1da: {  	v11 =	vmul.f32 v9, v9;
	v9 =	vmul.f32 v15, v9;
	v23 =	vor.u32 $0x3, v8  }
0x1db: {  	v16 =	vsub.f32 v13, v16;
	v24 =	vmul.f32 v21, v10;
	v25 =	vmul.f32 v21, v12  }
0x1dc: {  	v27 =	vor.u32 $0x4, v8;
	v28 =	vor.u32 $0x5, v8;
	v26 =	vmul.f32 v21, v11  }
0x1dd: {  	v31 =	vor.u32 $0x6, v8;
	v30 =	vmul.f32 v21, v9;
	v29 =	vmul.f32 v16, v18;
	[tilespmem:v8+s13+$0x0] =	vst.idx.msk $0xffff, v24  }
0x1de: {  	v13 =	vmul.f32 v15, v15;
	v15 =	vor.u32 $0x7, v8;
	v32 =	vmul.f32 v16, v17;
	[tilespmem:v20+s13+$0x0] =	vst.idx.msk $0xffff, v25  }
0x1df: {  	v14 =	vmul.f32 v14, v14;
	v20 =	vor.u32 $0x8, v8;
	[tilespmem:v22+s13+$0x0] =	vst.idx.msk $0xffff, v26  }
0x1e0: {  	v21 =	vmul.f32 v21, v13;
	v19 =	vsub.f32 v32, v19;
	v22 =	vor.u32 $0x9, v8;
	[tilespmem:v23+s13+$0x0] =	vst.idx.msk $0xffff, v30  }
0x1e1: {  	v23 =	vmul.f32 v29, v14;
	[tilespmem:v27+s13+$0x0] =	vst.idx.msk $0xffff, v24;
	v24 =	vor.u32 $0xA, v8  }
0x1e2: {  	v26 =	vmul.f32 v29, v12;
	v25 =	vmul.f32 v19, v18;
	v27 =	vor.u32 $0xB, v8;
	[tilespmem:v28+s13+$0x0] =	vst.idx.msk $0xffff, v30  }
0x1e3: {  	v28 =	vmul.f32 v19, v17;
	v30 =	vor.u32 $0xC, v8;
	[tilespmem:v31+s13+$0x0] =	vst.idx.msk $0xffff, v21;
	v21 =	vmul.f32 v29, v10  }
0x1e4: {  	[tilespmem:v15+s13+$0x0] =	vst.idx.msk $0xffff, v23;
	v15 =	vor.u32 $0xD, v8  }
0x1e5: {  	v16 =	vsub.f32 v28, v16;
	v23 =	vor.u32 $0xE, v8;
	[tilespmem:v20+s13+$0x0] =	vst.idx.msk $0xffff, v26;
	v20 =	vmul.f32 v29, v11  }
0x1e6: {  	v28 =	vor.u32 $0xF, v8;
	[tilespmem:v22+s13+$0x0] =	vst.idx.msk $0xffff, v21;
	v22 =	vmul.f32 v29, v9  }
0x1e7: {  	v31 =	vmul.f32 v16, v17;
	v32 =	vmul.f32 v16, v18;
	[tilespmem:v24+s13+$0x0] =	vst.idx.msk $0xffff, v26;
	v24 =	vor.u32 $0x10, v8  }
0x1e8: {  	[tilespmem:v27+s13+$0x0] =	vst.idx.msk $0xffff, v20;
	v20 =	vor.u32 $0x11, v8  }
0x1e9: {  	v26 =	vmul.f32 v29, v13;
	v19 =	vsub.f32 v31, v19;
	v27 =	vor.u32 $0x12, v8;
	[tilespmem:v30+s13+$0x0] =	vst.idx.msk $0xffff, v22  }
0x1ea: {  	[tilespmem:v15+s13+$0x0] =	vst.idx.msk $0xffff, v21;
	v15 =	vmul.f32 v25, v14;
	v21 =	vor.u32 $0x13, v8  }
0x1eb: {  	v29 =	vmul.f32 v19, v18;
	[tilespmem:v23+s13+$0x0] =	vst.idx.msk $0xffff, v22;
	v22 =	vmul.f32 v25, v12;
	v23 =	vor.u32 $0x14, v8  }
0x1ec: {  	v17 =	vmul.f32 v19, v17;
	v19 =	vmul.f32 v25, v10;
	[tilespmem:v28+s13+$0x0] =	vst.idx.msk $0xffff, v26;
	v26 =	vor.u32 $0x15, v8  }
0x1ed: {  	[tilespmem:v24+s13+$0x0] =	vst.idx.msk $0xffff, v15;
	v15 =	vor.u32 $0x16, v8  }
0x1ee: {  	v16 =	vsub.f32 v17, v16;
	v17 =	vmul.f32 v25, v11;
	[tilespmem:v20+s13+$0x0] =	vst.idx.msk $0xffff, v22;
	v20 =	vor.u32 $0x17, v8  }
0x1ef: {  	v24 =	vmul.f32 v25, v9;
	[tilespmem:v27+s13+$0x0] =	vst.idx.msk $0xffff, v19;
	v27 =	vor.u32 $0x18, v8  }
0x1f0: {  	v16 =	vmul.f32 v16, v18;
	v18 =	vor.u32 $0x19, v8;
	[tilespmem:v21+s13+$0x0] =	vst.idx.msk $0xffff, v22  }
0x1f1: {  	[tilespmem:v23+s13+$0x0] =	vst.idx.msk $0xffff, v17;
	v17 =	vor.u32 $0x1A, v8  }
0x1f2: {  	v21 =	vmul.f32 v25, v13;
	v22 =	vor.u32 $0x1B, v8;
	[tilespmem:v26+s13+$0x0] =	vst.idx.msk $0xffff, v24  }
0x1f3: {  	[tilespmem:v15+s13+$0x0] =	vst.idx.msk $0xffff, v19;
	v15 =	vmul.f32 v32, v14;
	v19 =	vor.u32 $0x1C, v8  }
0x1f4: {  	v23 =	vor.u32 $0x1D, v8;
	[tilespmem:v20+s13+$0x0] =	vst.idx.msk $0xffff, v24;
	v20 =	vmul.f32 v32, v12  }
0x1f5: {  	v24 =	vor.u32 $0x1E, v8;
	[tilespmem:v27+s13+$0x0] =	vst.idx.msk $0xffff, v21;
	v21 =	vmul.f32 v32, v10  }
0x1f6: {  	[tilespmem:v18+s13+$0x0] =	vst.idx.msk $0xffff, v15;
	v15 =	vor.u32 $0x1F, v8  }
0x1f7: {  	v18 =	vor.u32 $0x20, v8;
	[tilespmem:v17+s13+$0x0] =	vst.idx.msk $0xffff, v20;
	v17 =	vmul.f32 v32, v11  }
0x1f8: {  	v25 =	vor.u32 $0x21, v8;
	[tilespmem:v22+s13+$0x0] =	vst.idx.msk $0xffff, v21;
	v22 =	vmul.f32 v32, v9  }
0x1f9: {  	[tilespmem:v19+s13+$0x0] =	vst.idx.msk $0xffff, v20;
	v19 =	vor.u32 $0x22, v8  }
0x1fa: {  	[tilespmem:v23+s13+$0x0] =	vst.idx.msk $0xffff, v17;
	v17 =	vor.u32 $0x23, v8  }
0x1fb: {  	v20 =	vmul.f32 v32, v13;
	v23 =	vor.u32 $0x24, v8;
	[tilespmem:v24+s13+$0x0] =	vst.idx.msk $0xffff, v22  }
0x1fc: {  	[tilespmem:v15+s13+$0x0] =	vst.idx.msk $0xffff, v21;
	v15 =	vmul.f32 v29, v14;
	v21 =	vor.u32 $0x25, v8  }
0x1fd: {  	[tilespmem:v18+s13+$0x0] =	vst.idx.msk $0xffff, v22;
	v18 =	vmul.f32 v29, v12;
	v22 =	vor.u32 $0x26, v8  }
0x1fe: {  	v24 =	vor.u32 $0x27, v8;
	[tilespmem:v25+s13+$0x0] =	vst.idx.msk $0xffff, v20;
	v20 =	vmul.f32 v29, v10  }
0x1ff: {  	[tilespmem:v19+s13+$0x0] =	vst.idx.msk $0xffff, v15;
	v15 =	vor.u32 $0x28, v8  }
0x200: {  	v19 =	vor.u32 $0x29, v8;
	[tilespmem:v17+s13+$0x0] =	vst.idx.msk $0xffff, v18;
	v17 =	vmul.f32 v29, v11  }
0x201: {  	v25 =	vor.u32 $0x2A, v8;
	[tilespmem:v23+s13+$0x0] =	vst.idx.msk $0xffff, v20;
	v23 =	vmul.f32 v29, v9  }
0x202: {  	[tilespmem:v21+s13+$0x0] =	vst.idx.msk $0xffff, v18;
	v18 =	vor.u32 $0x2B, v8  }
0x203: {  	[tilespmem:v22+s13+$0x0] =	vst.idx.msk $0xffff, v17;
	v17 =	vor.u32 $0x2C, v8  }
0x204: {  	v21 =	vmul.f32 v29, v13;
	v22 =	vor.u32 $0x2D, v8;
	[tilespmem:v24+s13+$0x0] =	vst.idx.msk $0xffff, v23  }
0x205: {  	v14 =	vmul.f32 v16, v14;
	[tilespmem:v15+s13+$0x0] =	vst.idx.msk $0xffff, v20;
	v15 =	vor.u32 $0x2E, v8  }
0x206: {  	v12 =	vmul.f32 v16, v12;
	[tilespmem:v19+s13+$0x0] =	vst.idx.msk $0xffff, v23;
	v19 =	vor.u32 $0x2F, v8  }
0x207: {  	v20 =	vmul.f32 v16, v10;
	[tilespmem:v25+s13+$0x0] =	vst.idx.msk $0xffff, v21;
	v21 =	vor.u32 $0x30, v8  }
0x208: {  	[tilespmem:v18+s13+$0x0] =	vst.idx.msk $0xffff, v14;
	v14 =	vor.u32 $0x31, v8  }
0x209: {  	v11 =	vmul.f32 v16, v11;
	v10 =	vor.u32 $0x32, v8;
	[tilespmem:v17+s13+$0x0] =	vst.idx.msk $0xffff, v12  }
.Ltmp1:
0x20a: {  	v9 =	vmul.f32 v16, v9;
	v8 =	vor.u32 $0x33, v8;
	[tilespmem:v22+s13+$0x0] =	vst.idx.msk $0xffff, v20;
	(pc) =	sbr.rel @p0 .LBB2_5-.Ltmp1, $4  }
0x20b: {  	[tilespmem:v15+s13+$0x0] =	vst.idx.msk $0xffff, v12  }
0x20c: {  	[tilespmem:v19+s13+$0x0] =	vst.idx.msk $0xffff, v11  }
0x20d: {  	v11 =	vmul.f32 v16, v13;
	[tilespmem:v21+s13+$0x0] =	vst.idx.msk $0xffff, v9  }
0x20e: {  	[tilespmem:v14+s13+$0x0] =	vst.idx.msk $0xffff, v20  }
0x20f: {  	_ =	sdelay $0x3  }
0x210: {  	[tilespmem:v10+s13+$0x0] =	vst.idx.msk $0xffff, v9  }
0x211: {  	[tilespmem:v8+s13+$0x0] =	vst.idx.msk $0xffff, v11  }
0x212: {  	[spmem:s2] =	stream.indirect.scatter.add.f32 [tilespmem:s13], [sflag:$0x1], $0x40, s16, s15, $0xb8;
	[tilespmem:$0x1CD40] =	vst v63  }
0x213: {  	s21 =	sadd.s32 $0x1, s21;
	_ =	swait.ge [sflag:s12], $0x2000  }
0x214: {  	p0 =	sne.s32 s21, $0xC4;
	[sflag:s12] =	ssyncset.done $0x0  }
.Ltmp2:
0x215: {  	[sflag:s12] =	ssyncadd.s32 $0xFFFFE000;
	(pc) =	sbr.rel @p0 .LBB2_2-.Ltmp2, $4  }
0x216: {  	[spmem:s2] =	stream.indirect.scatter.add.f32 [tilespmem:s18], [sflag:$0x1], $0x40, s17, s15, $0xb8;
	[tilespmem:$0x1CD40] =	vst v63  }
0x217: {  	_ =	swait.ge [sflag:s12], $0x2000  }
0x218: {  	[sflag:s12] =	ssyncset.done $0x0  }
0x219: {  	[sflag:s12] =	ssyncadd.s32 $0xFFFFE000  }
0x21a: {  	s20 =	sadd.s32 $0x1, s20  }
0x21b: {  	p0 =	sne.s32 s20, s10  }
.Ltmp3:
0x21c: {  	[bflag:$0x0] =	sbarrier.arrive $0xFFFF;
	(pc) =	sbr.rel @p0 .LBB2_1-.Ltmp3, $4  }
0x21d: {  	[hbm:s9], [sflag:s7] =	dma.local [spmem:s19], $0x3100  }
0x21e: {  	_ =	swait.ge [sflag:s12], $0x3100  }
0x21f: {  	[sflag:s12] =	ssyncset.done $0x0  }
0x220: {  	[sflag:s12] =	ssyncadd.s32 $0xFFFFCF00  }
0x221: {  	_ =	sfence.sel $0x180000  }
0x222: {  	[bflag:$0x0] =	sbarrier.arrive $0xFFFF  }
0x223: {  	p0 =	sne.s32 s3, $0x0;
	_ =	strace $0x90000047  }
0x224: {  	s0 =	sadd.s32 @!p0 $0x100000, s0;
	[bflag:$0x2] =	sbarrier.arrive $0xFFFF  }
0x225: {  	[sflag:s0] =	ssyncadd.tile.s32 @!p0 $0x1;
	_ =	shalt  }
.Lfunc_end2:
_tile_overlayer_lowered:
.L_overlay_start_2:
0x226: {  	(tag) =	ssettag $0x2  }
0x227: {  	s0 =	rddreg [dreg:$0x0];
	s2 =	stileid.u32  }
0x228: {  	s1 =	rddreg [dreg:$0x1];
	p0 =	sne.s32 s2, $0x0  }
0x229: {  	s3 =	rddreg [dreg:$0x2];
	[bflag:$0x3] =	sbarrier.arrive $0xFFFF;
	s2 =	simm.s32 @!p0 $0x1C01  }
0x22a: {  	[timem:s3], [sflag:s2] =	dma.local @!p0 [hbm:s0], s1  }
0x22b: {  	s0 =	simm.s32 @!p0 $0x1  }
0x22c: {  	_ =	swait.ge @!p0 [sflag:s0], s1  }
0x22d: {  	s1 =	ssub.s32 @!p0 $0x0, s1;
	[sflag:s0] =	ssyncset.done @!p0 $0x0  }
0x22e: {  	[sflag:s0] =	ssyncadd.s32 @!p0 s1  }
0x22f: {  	[bflag:$0x3] =	sbarrier.arrive $0xFFFF  }
0x230: {  	_ =	shalt  }

</sc_bundles>
